<compile_context>
chip_gen: v7x
topology: tpu7x:2x2x1
jax: 0.10.2.dev20260603
libtpu: 0.0.44.dev20260713+nightly
codegen_flags: <defaults>
</compile_context>

<pallas_src>
import jax
import jax.numpy as jnp
from jax import lax
from jax.experimental import pallas as pl
from jax.experimental.pallas import tpu as pltpu
from jax.experimental.pallas import tpu_sc as plsc

B = 4096
T = 150
TP = 160
SEQ = 200
D = 300
DM = 256
DT = D - DM
NC, NS = 2, 16
NW = NC * NS
BPW = B // NW
RA = 80
RB = 72
RBZ = SEQ - RA
ZR = SEQ - (RA + RB)
CB = 16
NCHUNK = BPW // CB


def _zero_rows(buf, r0):
    z = jnp.zeros((16,), jnp.float32)
    for r in (r0, r0 + 1):
        for c in range(0, D - 15, 16):
            buf[r, pl.ds(c, 16)] = z
        buf[r, pl.ds(D - 16, 16)] = z


def _merge_tail(buf, tbuf, nrows):
    lane = jnp.arange(16, dtype=jnp.int32)

    def row(r, carry):
        rv = jnp.full((16,), r, jnp.int32)
        for cs, cd in ((84, DM), (100, DM + 16), (112, D - 16)):
            v = plsc.load_gather(tbuf, [rv, lane + cs])
            plsc.store_scatter(buf, [rv, lane + cd], v)
        return carry

    lax.fori_loop(0, nrows, row, 0)


def _sc_lookup(idx_hbm, zeros_hbm, tail_hbm, table_hbm, out_hbm,
               idx_v0, idx_v1, buf_a, tbuf_a, buf_b, tbuf_b,
               sem_i, sem_a, sem_b, sem_wa, sem_wb):
    wid = lax.axis_index("s") * NC + lax.axis_index("c")
    wbase = wid * BPW
    pltpu.sync_copy(zeros_hbm, buf_b.at[pl.ds(RB, ZR)])
    idx_bufs = (idx_v0, idx_v1)
    pltpu.sync_copy(idx_hbm.at[pl.ds(wbase * TP, CB * TP)], idx_v0)
    pltpu.async_copy(idx_hbm.at[pl.ds((wbase + CB) * TP, CB * TP)],
                     idx_v1, sem_i)

    def make_step(pv, cbase, guard_first):
        def step(j, carry):
            b = wbase + cbase + j
            off = j * TP
            ia = pv.at[pl.ds(off, RA)]
            ib = pv.at[pl.ds(off + RA, RB)]

            def wait_prev():
                pltpu.make_async_copy(buf_a, out_hbm.at[b, pl.ds(0, RA)],
                                      sem_wa).wait()

            if guard_first:
                pl.when(j > 0)(wait_prev)
            else:
                wait_prev()

            pltpu.async_copy(table_hbm.at[ia, pl.ds(0, DM)],
                             buf_a.at[:, pl.ds(0, DM)], sem_a)
            pltpu.async_copy(tail_hbm.at[ia], tbuf_a, sem_a)

            def wait_prev_b():
                pltpu.make_async_copy(buf_b, out_hbm.at[b, pl.ds(RA, RBZ)],
                                      sem_wb).wait()

            if guard_first:
                pl.when(j > 0)(wait_prev_b)
            else:
                wait_prev_b()

            pltpu.async_copy(table_hbm.at[ib, pl.ds(0, DM)],
                             buf_b.at[pl.ds(0, RB), pl.ds(0, DM)], sem_b)
            pltpu.async_copy(tail_hbm.at[ib], tbuf_b, sem_b)

            pltpu.make_async_copy(table_hbm.at[ia, pl.ds(0, DM)],
                                  buf_a.at[:, pl.ds(0, DM)], sem_a).wait()
            pltpu.make_async_copy(tail_hbm.at[ia], tbuf_a, sem_a).wait()
            _merge_tail(buf_a, tbuf_a, RA)
            pltpu.async_copy(buf_a, out_hbm.at[b, pl.ds(0, RA)], sem_wa)

            pltpu.make_async_copy(table_hbm.at[ib, pl.ds(0, DM)],
                                  buf_b.at[pl.ds(0, RB), pl.ds(0, DM)],
                                  sem_b).wait()
            pltpu.make_async_copy(tail_hbm.at[ib], tbuf_b, sem_b).wait()
            _merge_tail(buf_b, tbuf_b, RB - 2)
            _zero_rows(buf_b, RB - 2)
            pltpu.async_copy(buf_b, out_hbm.at[b, pl.ds(RA, RBZ)], sem_wb)
            return carry

        return step

    for c in range(NCHUNK):
        pv = idx_bufs[c % 2]
        if c > 0:
            pltpu.make_async_copy(
                idx_hbm.at[pl.ds((wbase + c * CB) * TP, CB * TP)],
                pv, sem_i).wait()
            if c < NCHUNK - 1:
                pltpu.async_copy(
                    idx_hbm.at[pl.ds((wbase + (c + 1) * CB) * TP, CB * TP)],
                    idx_bufs[(c + 1) % 2], sem_i)
        lax.fori_loop(0, CB, make_step(pv, c * CB, c == 0), 0)

    bl = wbase + BPW - 1
    pltpu.make_async_copy(buf_a, out_hbm.at[bl, pl.ds(0, RA)], sem_wa).wait()
    pltpu.make_async_copy(buf_b, out_hbm.at[bl, pl.ds(RA, RBZ)],
                          sem_wb).wait()


def kernel(indices, table):
    idx32 = jnp.pad(indices.astype(jnp.int32), ((0, 0), (0, TP - T)))
    idx_flat = idx32.reshape(B * TP)
    zeros = jnp.zeros((ZR, D), jnp.float32)
    tail_tbl = table[:, D - 128:]
    mesh = plsc.VectorSubcoreMesh(
        core_axis_name="c", subcore_axis_name="s", num_cores=NC,
        num_subcores=NS)
    k = pl.kernel(
        _sc_lookup,
        out_type=jax.ShapeDtypeStruct((B, SEQ, D), jnp.float32),
        mesh=mesh,
        scratch_types=[
            pltpu.VMEM((CB * TP,), jnp.int32),
            pltpu.VMEM((CB * TP,), jnp.int32),
            pltpu.VMEM((RA, D), jnp.float32),
            pltpu.VMEM((RA, 128), jnp.float32),
            pltpu.VMEM((RBZ, D), jnp.float32),
            pltpu.VMEM((RB, 128), jnp.float32),
            pltpu.SemaphoreType.DMA,
            pltpu.SemaphoreType.DMA,
            pltpu.SemaphoreType.DMA,
            pltpu.SemaphoreType.DMA,
            pltpu.SemaphoreType.DMA,
        ],
        compiler_params=pltpu.CompilerParams(needs_layout_passes=False),
    )
    return k(idx_flat, zeros, tail_tbl, table)

# --- scband reference (transcript-rebuilt; emitter-appended) ---
"""Pipeline reference for scband-word2-vec-embedding-4913442586874 (READ-ONLY COPY).

The authoritative reference and input builder live on the scoring server;
editing this copy changes nothing except your own understanding.
"""

import jax, jax.numpy as jnp
import numpy as np

SEQ_SIZE = 200

def setup_inputs(seed: int = 0) -> dict:
    key = jax.random.key(seed)
    k1, k2 = jax.random.split(key)
    indices = jax.random.randint(k1, (4096, 150), 0, 1000000, dtype=jnp.int64)
    table = jax.random.normal(k2, (1000000, 300), dtype=jnp.float32) * 0.02
    return {"indices": indices, "table": table}

def reference(indices, table):
    # Embedding lookup: token indices -> word2vec vectors
    emb = jnp.take(table, indices, axis=0)  # [B, T, 300]
    pad = SEQ_SIZE - emb.shape[1]
    if pad > 0:
        out = jnp.pad(emb, ((0, 0), (0, pad), (0, 0)), mode='constant', constant_values=0.0)
    else:
        out = emb[:, :SEQ_SIZE, :]
    return out

if __name__ == "__main__":
    import jax
    _d = setup_inputs()
    print(jax.jit(kernel)(*tuple(_d.values())))

</pallas_src>

<mosaic_0001>
#map = affine_map<(d0, d1) -> (0)>
#map1 = affine_map<(d0, d1) -> (0, 0)>
#map2 = affine_map<(d0, d1) -> (0, 0, 0)>
module attributes {stable_mosaic.version = 14 : i64} {
  func.func @_sc_lookup(%arg0: i32, %arg1: i32, %arg2: memref<655360xi32, #tpu.memory_space<hbm>>, %arg3: memref<48x300xf32, #tpu.memory_space<hbm>>, %arg4: memref<1000000x128xf32, #tpu.memory_space<hbm>>, %arg5: memref<1000000x300xf32, #tpu.memory_space<hbm>>, %arg6: memref<4096x200x300xf32, #tpu.memory_space<hbm>>, %arg7: memref<2560xi32, #tpu.memory_space<vmem>>, %arg8: memref<2560xi32, #tpu.memory_space<vmem>>, %arg9: memref<80x300xf32, #tpu.memory_space<vmem>>, %arg10: memref<80x128xf32, #tpu.memory_space<vmem>>, %arg11: memref<120x300xf32, #tpu.memory_space<vmem>>, %arg12: memref<72x128xf32, #tpu.memory_space<vmem>>, %arg13: memref<!tpu.dma_semaphore, #tpu.memory_space<semaphore_mem>>, %arg14: memref<!tpu.dma_semaphore, #tpu.memory_space<semaphore_mem>>, %arg15: memref<!tpu.dma_semaphore, #tpu.memory_space<semaphore_mem>>, %arg16: memref<!tpu.dma_semaphore, #tpu.memory_space<semaphore_mem>>, %arg17: memref<!tpu.dma_semaphore, #tpu.memory_space<semaphore_mem>>) attributes {dimension_semantics = [#tpu.dimension_semantics<core_parallel>, #tpu.dimension_semantics<subcore_parallel>], iteration_bounds = array<i64: 2, 16>, scalar_prefetch = 0 : i64, scratch_operands = 11 : i64, tpu.core_type = #tpu.core_type<sc_vector_subcore>, window_params = [{transform_indices = #map}, {transform_indices = #map1}, {transform_indices = #map1}, {transform_indices = #map1}, {transform_indices = #map2}]} {
    %mul3A = arith.constant 2 : i32
    %mul3A_0 = arith.muli %arg1, %mul3A : i32
    %add3A = arith.addi %mul3A_0, %arg0 : i32
    %mul3A_1 = arith.constant 128 : i32
    %mul3A_2 = arith.muli %add3A, %mul3A_1 : i32
    "tpu.region"() ({
      %run_scoped3A = tpu.sem_alloc : memref<!tpu.dma_semaphore, #tpu.memory_space<semaphore_mem>>
      %dma_start3A_153 = arith.constant 72 : i32
      %dma_start3A_154 = arith.constant 0 : i32
      %dma_start3A_155 = tpu.memref_slice %arg11[%dma_start3A_153, %dma_start3A_154] : memref<120x300xf32, #tpu.memory_space<vmem>> -> memref<48x300xf32, #tpu.memory_space<vmem>>
      %dma_start3A_156 = arith.constant 72 : i32
      %dma_start3A_157 = arith.constant 0 : i32
      %dma_start3A_158 = tpu.memref_slice %arg11[%dma_start3A_156, %dma_start3A_157] : memref<120x300xf32, #tpu.memory_space<vmem>> -> memref<48x300xf32, #tpu.memory_space<vmem>>
      tpu.enqueue_dma source(%arg3 : memref<48x300xf32, #tpu.memory_space<hbm>>) target(%dma_start3A_158 : memref<48x300xf32, #tpu.memory_space<vmem>>) target_semaphore(%run_scoped3A : memref<!tpu.dma_semaphore, #tpu.memory_space<semaphore_mem>>)
      %dma_wait3A_159 = arith.constant 72 : i32
      %dma_wait3A_160 = arith.constant 0 : i32
      %dma_wait3A_161 = tpu.memref_slice %arg11[%dma_wait3A_159, %dma_wait3A_160] : memref<120x300xf32, #tpu.memory_space<vmem>> -> memref<48x300xf32, #tpu.memory_space<vmem>>
      %dma_wait3A_162 = arith.constant 72 : i32
      %dma_wait3A_163 = arith.constant 0 : i32
      %dma_wait3A_164 = tpu.memref_slice %arg11[%dma_wait3A_162, %dma_wait3A_163] : memref<120x300xf32, #tpu.memory_space<vmem>> -> memref<48x300xf32, #tpu.memory_space<vmem>>
      tpu.wait_dma2 semaphore(%run_scoped3A : memref<!tpu.dma_semaphore, #tpu.memory_space<semaphore_mem>>) src(%arg3 : memref<48x300xf32, #tpu.memory_space<hbm>>) dst(%dma_wait3A_164 : memref<48x300xf32, #tpu.memory_space<vmem>>)
      tpu.yield
    }) : () -> ()
    %mul3A_3 = arith.constant 160 : i32
    %mul3A_4 = arith.muli %mul3A_2, %mul3A_3 : i32
    "tpu.region"() ({
      %run_scoped3A = tpu.sem_alloc : memref<!tpu.dma_semaphore, #tpu.memory_space<semaphore_mem>>
      %dma_start3A_153 = tpu.memref_slice %arg2[%mul3A_4] : memref<655360xi32, #tpu.memory_space<hbm>> -> memref<2560xi32, #tpu.memory_space<hbm>>
      %dma_start3A_154 = tpu.memref_slice %arg2[%mul3A_4] : memref<655360xi32, #tpu.memory_space<hbm>> -> memref<2560xi32, #tpu.memory_space<hbm>>
      tpu.enqueue_dma source(%dma_start3A_154 : memref<2560xi32, #tpu.memory_space<hbm>>) target(%arg7 : memref<2560xi32, #tpu.memory_space<vmem>>) target_semaphore(%run_scoped3A : memref<!tpu.dma_semaphore, #tpu.memory_space<semaphore_mem>>)
      %dma_wait3A_155 = tpu.memref_slice %arg2[%mul3A_4] : memref<655360xi32, #tpu.memory_space<hbm>> -> memref<2560xi32, #tpu.memory_space<hbm>>
      %dma_wait3A_156 = tpu.memref_slice %arg2[%mul3A_4] : memref<655360xi32, #tpu.memory_space<hbm>> -> memref<2560xi32, #tpu.memory_space<hbm>>
      tpu.wait_dma2 semaphore(%run_scoped3A : memref<!tpu.dma_semaphore, #tpu.memory_space<semaphore_mem>>) src(%dma_wait3A_156 : memref<2560xi32, #tpu.memory_space<hbm>>) dst(%arg7 : memref<2560xi32, #tpu.memory_space<vmem>>)
      tpu.yield
    }) : () -> ()
    %add3A_5 = arith.constant 16 : i32
    %add3A_6 = arith.addi %mul3A_2, %add3A_5 : i32
    %mul3A_7 = arith.constant 160 : i32
    %mul3A_8 = arith.muli %add3A_6, %mul3A_7 : i32
    %dma_start3A = tpu.memref_slice %arg2[%mul3A_8] : memref<655360xi32, #tpu.memory_space<hbm>> -> memref<2560xi32, #tpu.memory_space<hbm>>
    %dma_start3A_9 = tpu.memref_slice %arg2[%mul3A_8] : memref<655360xi32, #tpu.memory_space<hbm>> -> memref<2560xi32, #tpu.memory_space<hbm>>
    tpu.enqueue_dma source(%dma_start3A_9 : memref<2560xi32, #tpu.memory_space<hbm>>) target(%arg8 : memref<2560xi32, #tpu.memory_space<vmem>>) target_semaphore(%arg13 : memref<!tpu.dma_semaphore, #tpu.memory_space<semaphore_mem>>)
    %scan3A = arith.constant 0 : i32
    %scan3A_10 = arith.constant 0 : i32
    %scan3A_11 = arith.constant 16 : i32
    %scan3A_12 = arith.addi %scan3A_10, %scan3A_11 : i32
    %scan3A_13 = arith.constant 1 : i32
    scf.for %scan3A_153 = %scan3A_10 to %scan3A_12 step %scan3A_13  : i32 {
      %add3A_154 = arith.constant 0 : i32
      %add3A_155 = arith.addi %mul3A_2, %add3A_154 : i32
      %add3A_156 = arith.addi %add3A_155, %scan3A_153 : i32
      %mul3A_157 = arith.constant 160 : i32
      %mul3A_158 = arith.muli %scan3A_153, %mul3A_157 : i32
      %add3A_159 = arith.constant 80 : i32
      %add3A_160 = arith.addi %mul3A_158, %add3A_159 : i32
      %gt3A = arith.constant 0 : i32
      %gt3A_161 = arith.cmpi sgt, %scan3A_153, %gt3A : i32
      %convert_element_type3A = arith.extui %gt3A_161 : i1 to i32
      %cond3A = arith.constant 0 : i32
      %cond3A_162 = arith.cmpi ne, %convert_element_type3A, %cond3A : i32
      scf.if %cond3A_162 {
        %dma_wait3A_393 = arith.constant 0 : i32
        %dma_wait3A_394 = arith.constant 0 : i32
        %dma_wait3A_395 = tpu.memref_slice %arg6[%add3A_156, %dma_wait3A_393, %dma_wait3A_394] : memref<4096x200x300xf32, #tpu.memory_space<hbm>> -> memref<1x80x300xf32, #tpu.memory_space<hbm>>
        %dma_wait3A_396 = tpu.memref_squeeze %dma_wait3A_395 : memref<1x80x300xf32, #tpu.memory_space<hbm>> -> memref<80x300xf32, #tpu.memory_space<hbm>>
        %dma_wait3A_397 = arith.constant 0 : i32
        %dma_wait3A_398 = arith.constant 0 : i32
        %dma_wait3A_399 = tpu.memref_slice %arg6[%add3A_156, %dma_wait3A_397, %dma_wait3A_398] : memref<4096x200x300xf32, #tpu.memory_space<hbm>> -> memref<1x80x300xf32, #tpu.memory_space<hbm>>
        %dma_wait3A_400 = tpu.memref_squeeze %dma_wait3A_399 : memref<1x80x300xf32, #tpu.memory_space<hbm>> -> memref<80x300xf32, #tpu.memory_space<hbm>>
        tpu.wait_dma2 semaphore(%arg16 : memref<!tpu.dma_semaphore, #tpu.memory_space<semaphore_mem>>) src(%arg9 : memref<80x300xf32, #tpu.memory_space<vmem>>) dst(%dma_wait3A_400 : memref<80x300xf32, #tpu.memory_space<hbm>>)
      } else {
      }
      %dma_start3A_163 = arith.constant 0 : i32
      %dma_start3A_164 = arith.constant 0 : i32
      %dma_start3A_165 = tpu.memref_slice %arg9[%dma_start3A_163, %dma_start3A_164] : memref<80x300xf32, #tpu.memory_space<vmem>> -> memref<80x256xf32, #tpu.memory_space<vmem>>
      %dma_start3A_166 = tpu.memref_slice %arg7[%mul3A_158] : memref<2560xi32, #tpu.memory_space<vmem>> -> memref<80xi32, #tpu.memory_space<vmem>>
      %dma_start3A_167 = arith.constant 0 : i32
      %dma_start3A_168 = arith.constant 0 : i32
      %dma_start3A_169 = tpu.memref_slice %arg5[%dma_start3A_167, %dma_start3A_168] : memref<1000000x300xf32, #tpu.memory_space<hbm>> -> memref<1000000x256xf32, #tpu.memory_space<hbm>>
      tpu.enqueue_indirect_dma source(%dma_start3A_169 : memref<1000000x256xf32, #tpu.memory_space<hbm>>) target(%dma_start3A_165 : memref<80x256xf32, #tpu.memory_space<vmem>>) offsets(%dma_start3A_166 : memref<80xi32, #tpu.memory_space<vmem>>) semaphore(%arg14 : memref<!tpu.dma_semaphore, #tpu.memory_space<semaphore_mem>>)
      %dma_start3A_170 = tpu.memref_slice %arg7[%mul3A_158] : memref<2560xi32, #tpu.memory_space<vmem>> -> memref<80xi32, #tpu.memory_space<vmem>>
      %dma_start3A_171 = arith.constant 0 : i32
      %dma_start3A_172 = arith.constant 0 : i32
      %dma_start3A_173 = tpu.memref_slice %arg4[%dma_start3A_171, %dma_start3A_172] : memref<1000000x128xf32, #tpu.memory_space<hbm>> -> memref<1000000x128xf32, #tpu.memory_space<hbm>>
      tpu.enqueue_indirect_dma source(%dma_start3A_173 : memref<1000000x128xf32, #tpu.memory_space<hbm>>) target(%arg10 : memref<80x128xf32, #tpu.memory_space<vmem>>) offsets(%dma_start3A_170 : memref<80xi32, #tpu.memory_space<vmem>>) semaphore(%arg14 : memref<!tpu.dma_semaphore, #tpu.memory_space<semaphore_mem>>)
      %gt3A_174 = arith.constant 0 : i32
      %gt3A_175 = arith.cmpi sgt, %scan3A_153, %gt3A_174 : i32
      %convert_element_type3A_176 = arith.extui %gt3A_175 : i1 to i32
      %cond3A_177 = arith.constant 0 : i32
      %cond3A_178 = arith.cmpi ne, %convert_element_type3A_176, %cond3A_177 : i32
      scf.if %cond3A_178 {
        %dma_wait3A_393 = arith.constant 80 : i32
        %dma_wait3A_394 = arith.constant 0 : i32
        %dma_wait3A_395 = tpu.memref_slice %arg6[%add3A_156, %dma_wait3A_393, %dma_wait3A_394] : memref<4096x200x300xf32, #tpu.memory_space<hbm>> -> memref<1x120x300xf32, #tpu.memory_space<hbm>>
        %dma_wait3A_396 = tpu.memref_squeeze %dma_wait3A_395 : memref<1x120x300xf32, #tpu.memory_space<hbm>> -> memref<120x300xf32, #tpu.memory_space<hbm>>
        %dma_wait3A_397 = arith.constant 80 : i32
        %dma_wait3A_398 = arith.constant 0 : i32
        %dma_wait3A_399 = tpu.memref_slice %arg6[%add3A_156, %dma_wait3A_397, %dma_wait3A_398] : memref<4096x200x300xf32, #tpu.memory_space<hbm>> -> memref<1x120x300xf32, #tpu.memory_space<hbm>>
        %dma_wait3A_400 = tpu.memref_squeeze %dma_wait3A_399 : memref<1x120x300xf32, #tpu.memory_space<hbm>> -> memref<120x300xf32, #tpu.memory_space<hbm>>
        tpu.wait_dma2 semaphore(%arg17 : memref<!tpu.dma_semaphore, #tpu.memory_space<semaphore_mem>>) src(%arg11 : memref<120x300xf32, #tpu.memory_space<vmem>>) dst(%dma_wait3A_400 : memref<120x300xf32, #tpu.memory_space<hbm>>)
      } else {
      }
      %dma_start3A_179 = arith.constant 0 : i32
      %dma_start3A_180 = arith.constant 0 : i32
      %dma_start3A_181 = tpu.memref_slice %arg11[%dma_start3A_179, %dma_start3A_180] : memref<120x300xf32, #tpu.memory_space<vmem>> -> memref<72x256xf32, #tpu.memory_space<vmem>>
      %dma_start3A_182 = tpu.memref_slice %arg7[%add3A_160] : memref<2560xi32, #tpu.memory_space<vmem>> -> memref<72xi32, #tpu.memory_space<vmem>>
      %dma_start3A_183 = arith.constant 0 : i32
      %dma_start3A_184 = arith.constant 0 : i32
      %dma_start3A_185 = tpu.memref_slice %arg5[%dma_start3A_183, %dma_start3A_184] : memref<1000000x300xf32, #tpu.memory_space<hbm>> -> memref<1000000x256xf32, #tpu.memory_space<hbm>>
      tpu.enqueue_indirect_dma source(%dma_start3A_185 : memref<1000000x256xf32, #tpu.memory_space<hbm>>) target(%dma_start3A_181 : memref<72x256xf32, #tpu.memory_space<vmem>>) offsets(%dma_start3A_182 : memref<72xi32, #tpu.memory_space<vmem>>) semaphore(%arg15 : memref<!tpu.dma_semaphore, #tpu.memory_space<semaphore_mem>>)
      %dma_start3A_186 = tpu.memref_slice %arg7[%add3A_160] : memref<2560xi32, #tpu.memory_space<vmem>> -> memref<72xi32, #tpu.memory_space<vmem>>
      %dma_start3A_187 = arith.constant 0 : i32
      %dma_start3A_188 = arith.constant 0 : i32
      %dma_start3A_189 = tpu.memref_slice %arg4[%dma_start3A_187, %dma_start3A_188] : memref<1000000x128xf32, #tpu.memory_space<hbm>> -> memref<1000000x128xf32, #tpu.memory_space<hbm>>
      tpu.enqueue_indirect_dma source(%dma_start3A_189 : memref<1000000x128xf32, #tpu.memory_space<hbm>>) target(%arg12 : memref<72x128xf32, #tpu.memory_space<vmem>>) offsets(%dma_start3A_186 : memref<72xi32, #tpu.memory_space<vmem>>) semaphore(%arg15 : memref<!tpu.dma_semaphore, #tpu.memory_space<semaphore_mem>>)
      %dma_wait3A_190 = arith.constant 0 : i32
      %dma_wait3A_191 = arith.constant 0 : i32
      %dma_wait3A_192 = tpu.memref_slice %arg9[%dma_wait3A_190, %dma_wait3A_191] : memref<80x300xf32, #tpu.memory_space<vmem>> -> memref<80x256xf32, #tpu.memory_space<vmem>>
      %dma_wait3A_193 = tpu.memref_slice %arg7[%mul3A_158] : memref<2560xi32, #tpu.memory_space<vmem>> -> memref<80xi32, #tpu.memory_space<vmem>>
      %dma_wait3A_194 = arith.constant 0 : i32
      %dma_wait3A_195 = arith.constant 0 : i32
      %dma_wait3A_196 = tpu.memref_slice %arg5[%dma_wait3A_194, %dma_wait3A_195] : memref<1000000x300xf32, #tpu.memory_space<hbm>> -> memref<1000000x256xf32, #tpu.memory_space<hbm>>
      tpu.wait_indirect_dma semaphore(%arg14 : memref<!tpu.dma_semaphore, #tpu.memory_space<semaphore_mem>>) src(%dma_wait3A_196 : memref<1000000x256xf32, #tpu.memory_space<hbm>>) dst(%dma_wait3A_192 : memref<80x256xf32, #tpu.memory_space<vmem>>)
      %dma_wait3A_197 = tpu.memref_slice %arg7[%mul3A_158] : memref<2560xi32, #tpu.memory_space<vmem>> -> memref<80xi32, #tpu.memory_space<vmem>>
      %dma_wait3A_198 = arith.constant 0 : i32
      %dma_wait3A_199 = arith.constant 0 : i32
      %dma_wait3A_200 = tpu.memref_slice %arg4[%dma_wait3A_198, %dma_wait3A_199] : memref<1000000x128xf32, #tpu.memory_space<hbm>> -> memref<1000000x128xf32, #tpu.memory_space<hbm>>
      tpu.wait_indirect_dma semaphore(%arg14 : memref<!tpu.dma_semaphore, #tpu.memory_space<semaphore_mem>>) src(%dma_wait3A_200 : memref<1000000x128xf32, #tpu.memory_space<hbm>>) dst(%arg10 : memref<80x128xf32, #tpu.memory_space<vmem>>)
      %iota3A = tpu.iota {dimensions = array<i32: 0>} : vector<16xi32>
      %scan3A_201 = arith.constant 0 : i32
      %scan3A_202 = arith.constant 0 : i32
      %scan3A_203 = arith.constant 80 : i32
      %scan3A_204 = arith.addi %scan3A_202, %scan3A_203 : i32
      %scan3A_205 = arith.constant 1 : i32
      scf.for %scan3A_393 = %scan3A_202 to %scan3A_204 step %scan3A_205  : i32 {
        %broadcast_in_dim3A_394 = vector.broadcast %scan3A_393 : i32 to vector<16xi32>
        %add3A_395 = arith.constant 84 : i32
        %add3A_396 = vector.broadcast %add3A_395 : i32 to vector<16xi32>
        %add3A_397 = arith.addi %iota3A, %add3A_396 : vector<16xi32>
        %gather3A = tpu.vector_load_idx %arg10[%broadcast_in_dim3A_394, %add3A_397] : memref<80x128xf32, #tpu.memory_space<vmem>>[vector<16xi32>, vector<16xi32>], vector<16xf32>,
        %add3A_398 = arith.constant 256 : i32
        %add3A_399 = vector.broadcast %add3A_398 : i32 to vector<16xi32>
        %add3A_400 = arith.addi %iota3A, %add3A_399 : vector<16xi32>
        tpu.vector_store_idx %arg9[%broadcast_in_dim3A_394, %add3A_400], %gather3A : memref<80x300xf32, #tpu.memory_space<vmem>>[vector<16xi32>, vector<16xi32>], vector<16xf32>,
        %add3A_401 = arith.constant 100 : i32
        %add3A_402 = vector.broadcast %add3A_401 : i32 to vector<16xi32>
        %add3A_403 = arith.addi %iota3A, %add3A_402 : vector<16xi32>
        %gather3A_404 = tpu.vector_load_idx %arg10[%broadcast_in_dim3A_394, %add3A_403] : memref<80x128xf32, #tpu.memory_space<vmem>>[vector<16xi32>, vector<16xi32>], vector<16xf32>,
        %add3A_405 = arith.constant 272 : i32
        %add3A_406 = vector.broadcast %add3A_405 : i32 to vector<16xi32>
        %add3A_407 = arith.addi %iota3A, %add3A_406 : vector<16xi32>
        tpu.vector_store_idx %arg9[%broadcast_in_dim3A_394, %add3A_407], %gather3A_404 : memref<80x300xf32, #tpu.memory_space<vmem>>[vector<16xi32>, vector<16xi32>], vector<16xf32>,
        %add3A_408 = arith.constant 112 : i32
        %add3A_409 = vector.broadcast %add3A_408 : i32 to vector<16xi32>
        %add3A_410 = arith.addi %iota3A, %add3A_409 : vector<16xi32>
        %gather3A_411 = tpu.vector_load_idx %arg10[%broadcast_in_dim3A_394, %add3A_410] : memref<80x128xf32, #tpu.memory_space<vmem>>[vector<16xi32>, vector<16xi32>], vector<16xf32>,
        %add3A_412 = arith.constant 284 : i32
        %add3A_413 = vector.broadcast %add3A_412 : i32 to vector<16xi32>
        %add3A_414 = arith.addi %iota3A, %add3A_413 : vector<16xi32>
        tpu.vector_store_idx %arg9[%broadcast_in_dim3A_394, %add3A_414], %gather3A_411 : memref<80x300xf32, #tpu.memory_space<vmem>>[vector<16xi32>, vector<16xi32>], vector<16xf32>,
      }
      %scan3A_206 = arith.constant 80 : i32
      %dma_start3A_207 = arith.constant 0 : i32
      %dma_start3A_208 = arith.constant 0 : i32
      %dma_start3A_209 = tpu.memref_slice %arg6[%add3A_156, %dma_start3A_207, %dma_start3A_208] : memref<4096x200x300xf32, #tpu.memory_space<hbm>> -> memref<1x80x300xf32, #tpu.memory_space<hbm>>
      %dma_start3A_210 = tpu.memref_squeeze %dma_start3A_209 : memref<1x80x300xf32, #tpu.memory_space<hbm>> -> memref<80x300xf32, #tpu.memory_space<hbm>>
      %dma_start3A_211 = arith.constant 0 : i32
      %dma_start3A_212 = arith.constant 0 : i32
      %dma_start3A_213 = tpu.memref_slice %arg6[%add3A_156, %dma_start3A_211, %dma_start3A_212] : memref<4096x200x300xf32, #tpu.memory_space<hbm>> -> memref<1x80x300xf32, #tpu.memory_space<hbm>>
      %dma_start3A_214 = tpu.memref_squeeze %dma_start3A_213 : memref<1x80x300xf32, #tpu.memory_space<hbm>> -> memref<80x300xf32, #tpu.memory_space<hbm>>
      tpu.enqueue_dma source(%arg9 : memref<80x300xf32, #tpu.memory_space<vmem>>) target(%dma_start3A_214 : memref<80x300xf32, #tpu.memory_space<hbm>>) target_semaphore(%arg16 : memref<!tpu.dma_semaphore, #tpu.memory_space<semaphore_mem>>)
      %dma_wait3A_215 = arith.constant 0 : i32
      %dma_wait3A_216 = arith.constant 0 : i32
      %dma_wait3A_217 = tpu.memref_slice %arg11[%dma_wait3A_215, %dma_wait3A_216] : memref<120x300xf32, #tpu.memory_space<vmem>> -> memref<72x256xf32, #tpu.memory_space<vmem>>
      %dma_wait3A_218 = tpu.memref_slice %arg7[%add3A_160] : memref<2560xi32, #tpu.memory_space<vmem>> -> memref<72xi32, #tpu.memory_space<vmem>>
      %dma_wait3A_219 = arith.constant 0 : i32
      %dma_wait3A_220 = arith.constant 0 : i32
      %dma_wait3A_221 = tpu.memref_slice %arg5[%dma_wait3A_219, %dma_wait3A_220] : memref<1000000x300xf32, #tpu.memory_space<hbm>> -> memref<1000000x256xf32, #tpu.memory_space<hbm>>
      tpu.wait_indirect_dma semaphore(%arg15 : memref<!tpu.dma_semaphore, #tpu.memory_space<semaphore_mem>>) src(%dma_wait3A_221 : memref<1000000x256xf32, #tpu.memory_space<hbm>>) dst(%dma_wait3A_217 : memref<72x256xf32, #tpu.memory_space<vmem>>)
      %dma_wait3A_222 = tpu.memref_slice %arg7[%add3A_160] : memref<2560xi32, #tpu.memory_space<vmem>> -> memref<72xi32, #tpu.memory_space<vmem>>
      %dma_wait3A_223 = arith.constant 0 : i32
      %dma_wait3A_224 = arith.constant 0 : i32
      %dma_wait3A_225 = tpu.memref_slice %arg4[%dma_wait3A_223, %dma_wait3A_224] : memref<1000000x128xf32, #tpu.memory_space<hbm>> -> memref<1000000x128xf32, #tpu.memory_space<hbm>>
      tpu.wait_indirect_dma semaphore(%arg15 : memref<!tpu.dma_semaphore, #tpu.memory_space<semaphore_mem>>) src(%dma_wait3A_225 : memref<1000000x128xf32, #tpu.memory_space<hbm>>) dst(%arg12 : memref<72x128xf32, #tpu.memory_space<vmem>>)
      %iota3A_226 = tpu.iota {dimensions = array<i32: 0>} : vector<16xi32>
      %scan3A_227 = arith.constant 0 : i32
      %scan3A_228 = arith.constant 0 : i32
      %scan3A_229 = arith.constant 70 : i32
      %scan3A_230 = arith.addi %scan3A_228, %scan3A_229 : i32
      %scan3A_231 = arith.constant 1 : i32
      scf.for %scan3A_393 = %scan3A_228 to %scan3A_230 step %scan3A_231  : i32 {
        %broadcast_in_dim3A_394 = vector.broadcast %scan3A_393 : i32 to vector<16xi32>
        %add3A_395 = arith.constant 84 : i32
        %add3A_396 = vector.broadcast %add3A_395 : i32 to vector<16xi32>
        %add3A_397 = arith.addi %iota3A_226, %add3A_396 : vector<16xi32>
        %gather3A = tpu.vector_load_idx %arg12[%broadcast_in_dim3A_394, %add3A_397] : memref<72x128xf32, #tpu.memory_space<vmem>>[vector<16xi32>, vector<16xi32>], vector<16xf32>,
        %add3A_398 = arith.constant 256 : i32
        %add3A_399 = vector.broadcast %add3A_398 : i32 to vector<16xi32>
        %add3A_400 = arith.addi %iota3A_226, %add3A_399 : vector<16xi32>
        tpu.vector_store_idx %arg11[%broadcast_in_dim3A_394, %add3A_400], %gather3A : memref<120x300xf32, #tpu.memory_space<vmem>>[vector<16xi32>, vector<16xi32>], vector<16xf32>,
        %add3A_401 = arith.constant 100 : i32
        %add3A_402 = vector.broadcast %add3A_401 : i32 to vector<16xi32>
        %add3A_403 = arith.addi %iota3A_226, %add3A_402 : vector<16xi32>
        %gather3A_404 = tpu.vector_load_idx %arg12[%broadcast_in_dim3A_394, %add3A_403] : memref<72x128xf32, #tpu.memory_space<vmem>>[vector<16xi32>, vector<16xi32>], vector<16xf32>,
        %add3A_405 = arith.constant 272 : i32
        %add3A_406 = vector.broadcast %add3A_405 : i32 to vector<16xi32>
        %add3A_407 = arith.addi %iota3A_226, %add3A_406 : vector<16xi32>
        tpu.vector_store_idx %arg11[%broadcast_in_dim3A_394, %add3A_407], %gather3A_404 : memref<120x300xf32, #tpu.memory_space<vmem>>[vector<16xi32>, vector<16xi32>], vector<16xf32>,
        %add3A_408 = arith.constant 112 : i32
        %add3A_409 = vector.broadcast %add3A_408 : i32 to vector<16xi32>
        %add3A_410 = arith.addi %iota3A_226, %add3A_409 : vector<16xi32>
        %gather3A_411 = tpu.vector_load_idx %arg12[%broadcast_in_dim3A_394, %add3A_410] : memref<72x128xf32, #tpu.memory_space<vmem>>[vector<16xi32>, vector<16xi32>], vector<16xf32>,
        %add3A_412 = arith.constant 284 : i32
        %add3A_413 = vector.broadcast %add3A_412 : i32 to vector<16xi32>
        %add3A_414 = arith.addi %iota3A_226, %add3A_413 : vector<16xi32>
        tpu.vector_store_idx %arg11[%broadcast_in_dim3A_394, %add3A_414], %gather3A_411 : memref<120x300xf32, #tpu.memory_space<vmem>>[vector<16xi32>, vector<16xi32>], vector<16xf32>,
      }
      %scan3A_232 = arith.constant 70 : i32
      %broadcast_in_dim3A = arith.constant 0.000000e+00 : f32
      %broadcast_in_dim3A_233 = vector.broadcast %broadcast_in_dim3A : f32 to vector<16xf32>
      %swap3A = arith.constant 70 : i32
      %swap3A_234 = arith.index_cast %swap3A : i32 to index
      %swap3A_235 = arith.constant 0 : index
      %swap3A_236 = tpu.vector_load %arg11[%swap3A_234, %swap3A_235] {strides = array<i32>} : memref<120x300xf32, #tpu.memory_space<vmem>>, vector<16xf32>,
      tpu.vector_store %arg11[%swap3A_234, %swap3A_235], %broadcast_in_dim3A_233 {strides = array<i32>} : memref<120x300xf32, #tpu.memory_space<vmem>>, vector<16xf32>,
      %swap3A_237 = arith.constant 70 : i32
      %swap3A_238 = arith.index_cast %swap3A_237 : i32 to index
      %swap3A_239 = arith.constant 16 : index
      %swap3A_240 = tpu.vector_load %arg11[%swap3A_238, %swap3A_239] {strides = array<i32>} : memref<120x300xf32, #tpu.memory_space<vmem>>, vector<16xf32>,
      tpu.vector_store %arg11[%swap3A_238, %swap3A_239], %broadcast_in_dim3A_233 {strides = array<i32>} : memref<120x300xf32, #tpu.memory_space<vmem>>, vector<16xf32>,
      %swap3A_241 = arith.constant 70 : i32
      %swap3A_242 = arith.index_cast %swap3A_241 : i32 to index
      %swap3A_243 = arith.constant 32 : index
      %swap3A_244 = tpu.vector_load %arg11[%swap3A_242, %swap3A_243] {strides = array<i32>} : memref<120x300xf32, #tpu.memory_space<vmem>>, vector<16xf32>,
      tpu.vector_store %arg11[%swap3A_242, %swap3A_243], %broadcast_in_dim3A_233 {strides = array<i32>} : memref<120x300xf32, #tpu.memory_space<vmem>>, vector<16xf32>,
      %swap3A_245 = arith.constant 70 : i32
      %swap3A_246 = arith.index_cast %swap3A_245 : i32 to index
      %swap3A_247 = arith.constant 48 : index
      %swap3A_248 = tpu.vector_load %arg11[%swap3A_246, %swap3A_247] {strides = array<i32>} : memref<120x300xf32, #tpu.memory_space<vmem>>, vector<16xf32>,
      tpu.vector_store %arg11[%swap3A_246, %swap3A_247], %broadcast_in_dim3A_233 {strides = array<i32>} : memref<120x300xf32, #tpu.memory_space<vmem>>, vector<16xf32>,
      %swap3A_249 = arith.constant 70 : i32
      %swap3A_250 = arith.index_cast %swap3A_249 : i32 to index
      %swap3A_251 = arith.constant 64 : index
      %swap3A_252 = tpu.vector_load %arg11[%swap3A_250, %swap3A_251] {strides = array<i32>} : memref<120x300xf32, #tpu.memory_space<vmem>>, vector<16xf32>,
      tpu.vector_store %arg11[%swap3A_250, %swap3A_251], %broadcast_in_dim3A_233 {strides = array<i32>} : memref<120x300xf32, #tpu.memory_space<vmem>>, vector<16xf32>,
      %swap3A_253 = arith.constant 70 : i32
      %swap3A_254 = arith.index_cast %swap3A_253 : i32 to index
      %swap3A_255 = arith.constant 80 : index
      %swap3A_256 = tpu.vector_load %arg11[%swap3A_254, %swap3A_255] {strides = array<i32>} : memref<120x300xf32, #tpu.memory_space<vmem>>, vector<16xf32>,
      tpu.vector_store %arg11[%swap3A_254, %swap3A_255], %broadcast_in_dim3A_233 {strides = array<i32>} : memref<120x300xf32, #tpu.memory_space<vmem>>, vector<16xf32>,
      %swap3A_257 = arith.constant 70 : i32
      %swap3A_258 = arith.index_cast %swap3A_257 : i32 to index
      %swap3A_259 = arith.constant 96 : index
      %swap3A_260 = tpu.vector_load %arg11[%swap3A_258, %swap3A_259] {strides = array<i32>} : memref<120x300xf32, #tpu.memory_space<vmem>>, vector<16xf32>,
      tpu.vector_store %arg11[%swap3A_258, %swap3A_259], %broadcast_in_dim3A_233 {strides = array<i32>} : memref<120x300xf32, #tpu.memory_space<vmem>>, vector<16xf32>,
      %swap3A_261 = arith.constant 70 : i32
      %swap3A_262 = arith.index_cast %swap3A_261 : i32 to index
      %swap3A_263 = arith.constant 112 : index
      %swap3A_264 = tpu.vector_load %arg11[%swap3A_262, %swap3A_263] {strides = array<i32>} : memref<120x300xf32, #tpu.memory_space<vmem>>, vector<16xf32>,
      tpu.vector_store %arg11[%swap3A_262, %swap3A_263], %broadcast_in_dim3A_233 {strides = array<i32>} : memref<120x300xf32, #tpu.memory_space<vmem>>, vector<16xf32>,
      %swap3A_265 = arith.constant 70 : i32
      %swap3A_266 = arith.index_cast %swap3A_265 : i32 to index
      %swap3A_267 = arith.constant 128 : index
      %swap3A_268 = tpu.vector_load %arg11[%swap3A_266, %swap3A_267] {strides = array<i32>} : memref<120x300xf32, #tpu.memory_space<vmem>>, vector<16xf32>,
      tpu.vector_store %arg11[%swap3A_266, %swap3A_267], %broadcast_in_dim3A_233 {strides = array<i32>} : memref<120x300xf32, #tpu.memory_space<vmem>>, vector<16xf32>,
      %swap3A_269 = arith.constant 70 : i32
      %swap3A_270 = arith.index_cast %swap3A_269 : i32 to index
      %swap3A_271 = arith.constant 144 : index
      %swap3A_272 = tpu.vector_load %arg11[%swap3A_270, %swap3A_271] {strides = array<i32>} : memref<120x300xf32, #tpu.memory_space<vmem>>, vector<16xf32>,
      tpu.vector_store %arg11[%swap3A_270, %swap3A_271], %broadcast_in_dim3A_233 {strides = array<i32>} : memref<120x300xf32, #tpu.memory_space<vmem>>, vector<16xf32>,
      %swap3A_273 = arith.constant 70 : i32
      %swap3A_274 = arith.index_cast %swap3A_273 : i32 to index
      %swap3A_275 = arith.constant 160 : index
      %swap3A_276 = tpu.vector_load %arg11[%swap3A_274, %swap3A_275] {strides = array<i32>} : memref<120x300xf32, #tpu.memory_space<vmem>>, vector<16xf32>,
      tpu.vector_store %arg11[%swap3A_274, %swap3A_275], %broadcast_in_dim3A_233 {strides = array<i32>} : memref<120x300xf32, #tpu.memory_space<vmem>>, vector<16xf32>,
      %swap3A_277 = arith.constant 70 : i32
      %swap3A_278 = arith.index_cast %swap3A_277 : i32 to index
      %swap3A_279 = arith.constant 176 : index
      %swap3A_280 = tpu.vector_load %arg11[%swap3A_278, %swap3A_279] {strides = array<i32>} : memref<120x300xf32, #tpu.memory_space<vmem>>, vector<16xf32>,
      tpu.vector_store %arg11[%swap3A_278, %swap3A_279], %broadcast_in_dim3A_233 {strides = array<i32>} : memref<120x300xf32, #tpu.memory_space<vmem>>, vector<16xf32>,
      %swap3A_281 = arith.constant 70 : i32
      %swap3A_282 = arith.index_cast %swap3A_281 : i32 to index
      %swap3A_283 = arith.constant 192 : index
      %swap3A_284 = tpu.vector_load %arg11[%swap3A_282, %swap3A_283] {strides = array<i32>} : memref<120x300xf32, #tpu.memory_space<vmem>>, vector<16xf32>,
      tpu.vector_store %arg11[%swap3A_282, %swap3A_283], %broadcast_in_dim3A_233 {strides = array<i32>} : memref<120x300xf32, #tpu.memory_space<vmem>>, vector<16xf32>,
      %swap3A_285 = arith.constant 70 : i32
      %swap3A_286 = arith.index_cast %swap3A_285 : i32 to index
      %swap3A_287 = arith.constant 208 : index
      %swap3A_288 = tpu.vector_load %arg11[%swap3A_286, %swap3A_287] {strides = array<i32>} : memref<120x300xf32, #tpu.memory_space<vmem>>, vector<16xf32>,
      tpu.vector_store %arg11[%swap3A_286, %swap3A_287], %broadcast_in_dim3A_233 {strides = array<i32>} : memref<120x300xf32, #tpu.memory_space<vmem>>, vector<16xf32>,
      %swap3A_289 = arith.constant 70 : i32
      %swap3A_290 = arith.index_cast %swap3A_289 : i32 to index
      %swap3A_291 = arith.constant 224 : index
      %swap3A_292 = tpu.vector_load %arg11[%swap3A_290, %swap3A_291] {strides = array<i32>} : memref<120x300xf32, #tpu.memory_space<vmem>>, vector<16xf32>,
      tpu.vector_store %arg11[%swap3A_290, %swap3A_291], %broadcast_in_dim3A_233 {strides = array<i32>} : memref<120x300xf32, #tpu.memory_space<vmem>>, vector<16xf32>,
      %swap3A_293 = arith.constant 70 : i32
      %swap3A_294 = arith.index_cast %swap3A_293 : i32 to index
      %swap3A_295 = arith.constant 240 : index
      %swap3A_296 = tpu.vector_load %arg11[%swap3A_294, %swap3A_295] {strides = array<i32>} : memref<120x300xf32, #tpu.memory_space<vmem>>, vector<16xf32>,
      tpu.vector_store %arg11[%swap3A_294, %swap3A_295], %broadcast_in_dim3A_233 {strides = array<i32>} : memref<120x300xf32, #tpu.memory_space<vmem>>, vector<16xf32>,
      %swap3A_297 = arith.constant 70 : i32
      %swap3A_298 = arith.index_cast %swap3A_297 : i32 to index
      %swap3A_299 = arith.constant 256 : index
      %swap3A_300 = tpu.vector_load %arg11[%swap3A_298, %swap3A_299] {strides = array<i32>} : memref<120x300xf32, #tpu.memory_space<vmem>>, vector<16xf32>,
      tpu.vector_store %arg11[%swap3A_298, %swap3A_299], %broadcast_in_dim3A_233 {strides = array<i32>} : memref<120x300xf32, #tpu.memory_space<vmem>>, vector<16xf32>,
      %swap3A_301 = arith.constant 70 : i32
      %swap3A_302 = arith.index_cast %swap3A_301 : i32 to index
      %swap3A_303 = arith.constant 272 : index
      %swap3A_304 = tpu.vector_load %arg11[%swap3A_302, %swap3A_303] {strides = array<i32>} : memref<120x300xf32, #tpu.memory_space<vmem>>, vector<16xf32>,
      tpu.vector_store %arg11[%swap3A_302, %swap3A_303], %broadcast_in_dim3A_233 {strides = array<i32>} : memref<120x300xf32, #tpu.memory_space<vmem>>, vector<16xf32>,
      %swap3A_305 = arith.constant 70 : i32
      %swap3A_306 = arith.index_cast %swap3A_305 : i32 to index
      %swap3A_307 = arith.constant 284 : index
      %swap3A_308 = tpu.vector_load %arg11[%swap3A_306, %swap3A_307] {strides = array<i32>} : memref<120x300xf32, #tpu.memory_space<vmem>>, vector<16xf32>,
      tpu.vector_store %arg11[%swap3A_306, %swap3A_307], %broadcast_in_dim3A_233 {strides = array<i32>} : memref<120x300xf32, #tpu.memory_space<vmem>>, vector<16xf32>,
      %swap3A_309 = arith.constant 71 : i32
      %swap3A_310 = arith.index_cast %swap3A_309 : i32 to index
      %swap3A_311 = arith.constant 0 : index
      %swap3A_312 = tpu.vector_load %arg11[%swap3A_310, %swap3A_311] {strides = array<i32>} : memref<120x300xf32, #tpu.memory_space<vmem>>, vector<16xf32>,
      tpu.vector_store %arg11[%swap3A_310, %swap3A_311], %broadcast_in_dim3A_233 {strides = array<i32>} : memref<120x300xf32, #tpu.memory_space<vmem>>, vector<16xf32>,
      %swap3A_313 = arith.constant 71 : i32
      %swap3A_314 = arith.index_cast %swap3A_313 : i32 to index
      %swap3A_315 = arith.constant 16 : index
      %swap3A_316 = tpu.vector_load %arg11[%swap3A_314, %swap3A_315] {strides = array<i32>} : memref<120x300xf32, #tpu.memory_space<vmem>>, vector<16xf32>,
      tpu.vector_store %arg11[%swap3A_314, %swap3A_315], %broadcast_in_dim3A_233 {strides = array<i32>} : memref<120x300xf32, #tpu.memory_space<vmem>>, vector<16xf32>,
      %swap3A_317 = arith.constant 71 : i32
      %swap3A_318 = arith.index_cast %swap3A_317 : i32 to index
      %swap3A_319 = arith.constant 32 : index
      %swap3A_320 = tpu.vector_load %arg11[%swap3A_318, %swap3A_319] {strides = array<i32>} : memref<120x300xf32, #tpu.memory_space<vmem>>, vector<16xf32>,
      tpu.vector_store %arg11[%swap3A_318, %swap3A_319], %broadcast_in_dim3A_233 {strides = array<i32>} : memref<120x300xf32, #tpu.memory_space<vmem>>, vector<16xf32>,
      %swap3A_321 = arith.constant 71 : i32
      %swap3A_322 = arith.index_cast %swap3A_321 : i32 to index
      %swap3A_323 = arith.constant 48 : index
      %swap3A_324 = tpu.vector_load %arg11[%swap3A_322, %swap3A_323] {strides = array<i32>} : memref<120x300xf32, #tpu.memory_space<vmem>>, vector<16xf32>,
      tpu.vector_store %arg11[%swap3A_322, %swap3A_323], %broadcast_in_dim3A_233 {strides = array<i32>} : memref<120x300xf32, #tpu.memory_space<vmem>>, vector<16xf32>,
      %swap3A_325 = arith.constant 71 : i32
      %swap3A_326 = arith.index_cast %swap3A_325 : i32 to index
      %swap3A_327 = arith.constant 64 : index
      %swap3A_328 = tpu.vector_load %arg11[%swap3A_326, %swap3A_327] {strides = array<i32>} : memref<120x300xf32, #tpu.memory_space<vmem>>, vector<16xf32>,
      tpu.vector_store %arg11[%swap3A_326, %swap3A_327], %broadcast_in_dim3A_233 {strides = array<i32>} : memref<120x300xf32, #tpu.memory_space<vmem>>, vector<16xf32>,
      %swap3A_329 = arith.constant 71 : i32
      %swap3A_330 = arith.index_cast %swap3A_329 : i32 to index
      %swap3A_331 = arith.constant 80 : index
      %swap3A_332 = tpu.vector_load %arg11[%swap3A_330, %swap3A_331] {strides = array<i32>} : memref<120x300xf32, #tpu.memory_space<vmem>>, vector<16xf32>,
      tpu.vector_store %arg11[%swap3A_330, %swap3A_331], %broadcast_in_dim3A_233 {strides = array<i32>} : memref<120x300xf32, #tpu.memory_space<vmem>>, vector<16xf32>,
      %swap3A_333 = arith.constant 71 : i32
      %swap3A_334 = arith.index_cast %swap3A_333 : i32 to index
      %swap3A_335 = arith.constant 96 : index
      %swap3A_336 = tpu.vector_load %arg11[%swap3A_334, %swap3A_335] {strides = array<i32>} : memref<120x300xf32, #tpu.memory_space<vmem>>, vector<16xf32>,
      tpu.vector_store %arg11[%swap3A_334, %swap3A_335], %broadcast_in_dim3A_233 {strides = array<i32>} : memref<120x300xf32, #tpu.memory_space<vmem>>, vector<16xf32>,
      %swap3A_337 = arith.constant 71 : i32
      %swap3A_338 = arith.index_cast %swap3A_337 : i32 to index
      %swap3A_339 = arith.constant 112 : index
      %swap3A_340 = tpu.vector_load %arg11[%swap3A_338, %swap3A_339] {strides = array<i32>} : memref<120x300xf32, #tpu.memory_space<vmem>>, vector<16xf32>,
      tpu.vector_store %arg11[%swap3A_338, %swap3A_339], %broadcast_in_dim3A_233 {strides = array<i32>} : memref<120x300xf32, #tpu.memory_space<vmem>>, vector<16xf32>,
      %swap3A_341 = arith.constant 71 : i32
      %swap3A_342 = arith.index_cast %swap3A_341 : i32 to index
      %swap3A_343 = arith.constant 128 : index
      %swap3A_344 = tpu.vector_load %arg11[%swap3A_342, %swap3A_343] {strides = array<i32>} : memref<120x300xf32, #tpu.memory_space<vmem>>, vector<16xf32>,
      tpu.vector_store %arg11[%swap3A_342, %swap3A_343], %broadcast_in_dim3A_233 {strides = array<i32>} : memref<120x300xf32, #tpu.memory_space<vmem>>, vector<16xf32>,
      %swap3A_345 = arith.constant 71 : i32
      %swap3A_346 = arith.index_cast %swap3A_345 : i32 to index
      %swap3A_347 = arith.constant 144 : index
      %swap3A_348 = tpu.vector_load %arg11[%swap3A_346, %swap3A_347] {strides = array<i32>} : memref<120x300xf32, #tpu.memory_space<vmem>>, vector<16xf32>,
      tpu.vector_store %arg11[%swap3A_346, %swap3A_347], %broadcast_in_dim3A_233 {strides = array<i32>} : memref<120x300xf32, #tpu.memory_space<vmem>>, vector<16xf32>,
      %swap3A_349 = arith.constant 71 : i32
      %swap3A_350 = arith.index_cast %swap3A_349 : i32 to index
      %swap3A_351 = arith.constant 160 : index
      %swap3A_352 = tpu.vector_load %arg11[%swap3A_350, %swap3A_351] {strides = array<i32>} : memref<120x300xf32, #tpu.memory_space<vmem>>, vector<16xf32>,
      tpu.vector_store %arg11[%swap3A_350, %swap3A_351], %broadcast_in_dim3A_233 {strides = array<i32>} : memref<120x300xf32, #tpu.memory_space<vmem>>, vector<16xf32>,
      %swap3A_353 = arith.constant 71 : i32
      %swap3A_354 = arith.index_cast %swap3A_353 : i32 to index
      %swap3A_355 = arith.constant 176 : index
      %swap3A_356 = tpu.vector_load %arg11[%swap3A_354, %swap3A_355] {strides = array<i32>} : memref<120x300xf32, #tpu.memory_space<vmem>>, vector<16xf32>,
      tpu.vector_store %arg11[%swap3A_354, %swap3A_355], %broadcast_in_dim3A_233 {strides = array<i32>} : memref<120x300xf32, #tpu.memory_space<vmem>>, vector<16xf32>,
      %swap3A_357 = arith.constant 71 : i32
      %swap3A_358 = arith.index_cast %swap3A_357 : i32 to index
      %swap3A_359 = arith.constant 192 : index
      %swap3A_360 = tpu.vector_load %arg11[%swap3A_358, %swap3A_359] {strides = array<i32>} : memref<120x300xf32, #tpu.memory_space<vmem>>, vector<16xf32>,
      tpu.vector_store %arg11[%swap3A_358, %swap3A_359], %broadcast_in_dim3A_233 {strides = array<i32>} : memref<120x300xf32, #tpu.memory_space<vmem>>, vector<16xf32>,
      %swap3A_361 = arith.constant 71 : i32
      %swap3A_362 = arith.index_cast %swap3A_361 : i32 to index
      %swap3A_363 = arith.constant 208 : index
      %swap3A_364 = tpu.vector_load %arg11[%swap3A_362, %swap3A_363] {strides = array<i32>} : memref<120x300xf32, #tpu.memory_space<vmem>>, vector<16xf32>,
      tpu.vector_store %arg11[%swap3A_362, %swap3A_363], %broadcast_in_dim3A_233 {strides = array<i32>} : memref<120x300xf32, #tpu.memory_space<vmem>>, vector<16xf32>,
      %swap3A_365 = arith.constant 71 : i32
      %swap3A_366 = arith.index_cast %swap3A_365 : i32 to index
      %swap3A_367 = arith.constant 224 : index
      %swap3A_368 = tpu.vector_load %arg11[%swap3A_366, %swap3A_367] {strides = array<i32>} : memref<120x300xf32, #tpu.memory_space<vmem>>, vector<16xf32>,
      tpu.vector_store %arg11[%swap3A_366, %swap3A_367], %broadcast_in_dim3A_233 {strides = array<i32>} : memref<120x300xf32, #tpu.memory_space<vmem>>, vector<16xf32>,
      %swap3A_369 = arith.constant 71 : i32
      %swap3A_370 = arith.index_cast %swap3A_369 : i32 to index
      %swap3A_371 = arith.constant 240 : index
      %swap3A_372 = tpu.vector_load %arg11[%swap3A_370, %swap3A_371] {strides = array<i32>} : memref<120x300xf32, #tpu.memory_space<vmem>>, vector<16xf32>,
      tpu.vector_store %arg11[%swap3A_370, %swap3A_371], %broadcast_in_dim3A_233 {strides = array<i32>} : memref<120x300xf32, #tpu.memory_space<vmem>>, vector<16xf32>,
      %swap3A_373 = arith.constant 71 : i32
      %swap3A_374 = arith.index_cast %swap3A_373 : i32 to index
      %swap3A_375 = arith.constant 256 : index
      %swap3A_376 = tpu.vector_load %arg11[%swap3A_374, %swap3A_375] {strides = array<i32>} : memref<120x300xf32, #tpu.memory_space<vmem>>, vector<16xf32>,
      tpu.vector_store %arg11[%swap3A_374, %swap3A_375], %broadcast_in_dim3A_233 {strides = array<i32>} : memref<120x300xf32, #tpu.memory_space<vmem>>, vector<16xf32>,
      %swap3A_377 = arith.constant 71 : i32
      %swap3A_378 = arith.index_cast %swap3A_377 : i32 to index
      %swap3A_379 = arith.constant 272 : index
      %swap3A_380 = tpu.vector_load %arg11[%swap3A_378, %swap3A_379] {strides = array<i32>} : memref<120x300xf32, #tpu.memory_space<vmem>>, vector<16xf32>,
      tpu.vector_store %arg11[%swap3A_378, %swap3A_379], %broadcast_in_dim3A_233 {strides = array<i32>} : memref<120x300xf32, #tpu.memory_space<vmem>>, vector<16xf32>,
      %swap3A_381 = arith.constant 71 : i32
      %swap3A_382 = arith.index_cast %swap3A_381 : i32 to index
      %swap3A_383 = arith.constant 284 : index
      %swap3A_384 = tpu.vector_load %arg11[%swap3A_382, %swap3A_383] {strides = array<i32>} : memref<120x300xf32, #tpu.memory_space<vmem>>, vector<16xf32>,
      tpu.vector_store %arg11[%swap3A_382, %swap3A_383], %broadcast_in_dim3A_233 {strides = array<i32>} : memref<120x300xf32, #tpu.memory_space<vmem>>, vector<16xf32>,
      %dma_start3A_385 = arith.constant 80 : i32
      %dma_start3A_386 = arith.constant 0 : i32
      %dma_start3A_387 = tpu.memref_slice %arg6[%add3A_156, %dma_start3A_385, %dma_start3A_386] : memref<4096x200x300xf32, #tpu.memory_space<hbm>> -> memref<1x120x300xf32, #tpu.memory_space<hbm>>
      %dma_start3A_388 = tpu.memref_squeeze %dma_start3A_387 : memref<1x120x300xf32, #tpu.memory_space<hbm>> -> memref<120x300xf32, #tpu.memory_space<hbm>>
      %dma_start3A_389 = arith.constant 80 : i32
      %dma_start3A_390 = arith.constant 0 : i32
      %dma_start3A_391 = tpu.memref_slice %arg6[%add3A_156, %dma_start3A_389, %dma_start3A_390] : memref<4096x200x300xf32, #tpu.memory_space<hbm>> -> memref<1x120x300xf32, #tpu.memory_space<hbm>>
      %dma_start3A_392 = tpu.memref_squeeze %dma_start3A_391 : memref<1x120x300xf32, #tpu.memory_space<hbm>> -> memref<120x300xf32, #tpu.memory_space<hbm>>
      tpu.enqueue_dma source(%arg11 : memref<120x300xf32, #tpu.memory_space<vmem>>) target(%dma_start3A_392 : memref<120x300xf32, #tpu.memory_space<hbm>>) target_semaphore(%arg17 : memref<!tpu.dma_semaphore, #tpu.memory_space<semaphore_mem>>)
    }
    %scan3A_14 = arith.constant 16 : i32
    %add3A_15 = arith.constant 16 : i32
    %add3A_16 = arith.addi %mul3A_2, %add3A_15 : i32
    %mul3A_17 = arith.constant 160 : i32
    %mul3A_18 = arith.muli %add3A_16, %mul3A_17 : i32
    %dma_wait3A = tpu.memref_slice %arg2[%mul3A_18] : memref<655360xi32, #tpu.memory_space<hbm>> -> memref<2560xi32, #tpu.memory_space<hbm>>
    %dma_wait3A_19 = tpu.memref_slice %arg2[%mul3A_18] : memref<655360xi32, #tpu.memory_space<hbm>> -> memref<2560xi32, #tpu.memory_space<hbm>>
    tpu.wait_dma2 semaphore(%arg13 : memref<!tpu.dma_semaphore, #tpu.memory_space<semaphore_mem>>) src(%dma_wait3A_19 : memref<2560xi32, #tpu.memory_space<hbm>>) dst(%arg8 : memref<2560xi32, #tpu.memory_space<vmem>>)
    %add3A_20 = arith.constant 32 : i32
    %add3A_21 = arith.addi %mul3A_2, %add3A_20 : i32
    %mul3A_22 = arith.constant 160 : i32
    %mul3A_23 = arith.muli %add3A_21, %mul3A_22 : i32
    %dma_start3A_24 = tpu.memref_slice %arg2[%mul3A_23] : memref<655360xi32, #tpu.memory_space<hbm>> -> memref<2560xi32, #tpu.memory_space<hbm>>
    %dma_start3A_25 = tpu.memref_slice %arg2[%mul3A_23] : memref<655360xi32, #tpu.memory_space<hbm>> -> memref<2560xi32, #tpu.memory_space<hbm>>
    tpu.enqueue_dma source(%dma_start3A_25 : memref<2560xi32, #tpu.memory_space<hbm>>) target(%arg7 : memref<2560xi32, #tpu.memory_space<vmem>>) target_semaphore(%arg13 : memref<!tpu.dma_semaphore, #tpu.memory_space<semaphore_mem>>)
    %scan3A_26 = arith.constant 0 : i32
    %scan3A_27 = arith.constant 0 : i32
    %scan3A_28 = arith.constant 16 : i32
    %scan3A_29 = arith.addi %scan3A_27, %scan3A_28 : i32
    %scan3A_30 = arith.constant 1 : i32
    scf.for %scan3A_153 = %scan3A_27 to %scan3A_29 step %scan3A_30  : i32 {
      %add3A_154 = arith.constant 16 : i32
      %add3A_155 = arith.addi %mul3A_2, %add3A_154 : i32
      %add3A_156 = arith.addi %add3A_155, %scan3A_153 : i32
      %mul3A_157 = arith.constant 160 : i32
      %mul3A_158 = arith.muli %scan3A_153, %mul3A_157 : i32
      %add3A_159 = arith.constant 80 : i32
      %add3A_160 = arith.addi %mul3A_158, %add3A_159 : i32
      %dma_wait3A_161 = arith.constant 0 : i32
      %dma_wait3A_162 = arith.constant 0 : i32
      %dma_wait3A_163 = tpu.memref_slice %arg6[%add3A_156, %dma_wait3A_161, %dma_wait3A_162] : memref<4096x200x300xf32, #tpu.memory_space<hbm>> -> memref<1x80x300xf32, #tpu.memory_space<hbm>>
      %dma_wait3A_164 = tpu.memref_squeeze %dma_wait3A_163 : memref<1x80x300xf32, #tpu.memory_space<hbm>> -> memref<80x300xf32, #tpu.memory_space<hbm>>
      %dma_wait3A_165 = arith.constant 0 : i32
      %dma_wait3A_166 = arith.constant 0 : i32
      %dma_wait3A_167 = tpu.memref_slice %arg6[%add3A_156, %dma_wait3A_165, %dma_wait3A_166] : memref<4096x200x300xf32, #tpu.memory_space<hbm>> -> memref<1x80x300xf32, #tpu.memory_space<hbm>>
      %dma_wait3A_168 = tpu.memref_squeeze %dma_wait3A_167 : memref<1x80x300xf32, #tpu.memory_space<hbm>> -> memref<80x300xf32, #tpu.memory_space<hbm>>
      tpu.wait_dma2 semaphore(%arg16 : memref<!tpu.dma_semaphore, #tpu.memory_space<semaphore_mem>>) src(%arg9 : memref<80x300xf32, #tpu.memory_space<vmem>>) dst(%dma_wait3A_168 : memref<80x300xf32, #tpu.memory_space<hbm>>)
      %dma_start3A_169 = arith.constant 0 : i32
      %dma_start3A_170 = arith.constant 0 : i32
      %dma_start3A_171 = tpu.memref_slice %arg9[%dma_start3A_169, %dma_start3A_170] : memref<80x300xf32, #tpu.memory_space<vmem>> -> memref<80x256xf32, #tpu.memory_space<vmem>>
      %dma_start3A_172 = tpu.memref_slice %arg8[%mul3A_158] : memref<2560xi32, #tpu.memory_space<vmem>> -> memref<80xi32, #tpu.memory_space<vmem>>
      %dma_start3A_173 = arith.constant 0 : i32
      %dma_start3A_174 = arith.constant 0 : i32
      %dma_start3A_175 = tpu.memref_slice %arg5[%dma_start3A_173, %dma_start3A_174] : memref<1000000x300xf32, #tpu.memory_space<hbm>> -> memref<1000000x256xf32, #tpu.memory_space<hbm>>
      tpu.enqueue_indirect_dma source(%dma_start3A_175 : memref<1000000x256xf32, #tpu.memory_space<hbm>>) target(%dma_start3A_171 : memref<80x256xf32, #tpu.memory_space<vmem>>) offsets(%dma_start3A_172 : memref<80xi32, #tpu.memory_space<vmem>>) semaphore(%arg14 : memref<!tpu.dma_semaphore, #tpu.memory_space<semaphore_mem>>)
      %dma_start3A_176 = tpu.memref_slice %arg8[%mul3A_158] : memref<2560xi32, #tpu.memory_space<vmem>> -> memref<80xi32, #tpu.memory_space<vmem>>
      %dma_start3A_177 = arith.constant 0 : i32
      %dma_start3A_178 = arith.constant 0 : i32
      %dma_start3A_179 = tpu.memref_slice %arg4[%dma_start3A_177, %dma_start3A_178] : memref<1000000x128xf32, #tpu.memory_space<hbm>> -> memref<1000000x128xf32, #tpu.memory_space<hbm>>
      tpu.enqueue_indirect_dma source(%dma_start3A_179 : memref<1000000x128xf32, #tpu.memory_space<hbm>>) target(%arg10 : memref<80x128xf32, #tpu.memory_space<vmem>>) offsets(%dma_start3A_176 : memref<80xi32, #tpu.memory_space<vmem>>) semaphore(%arg14 : memref<!tpu.dma_semaphore, #tpu.memory_space<semaphore_mem>>)
      %dma_wait3A_180 = arith.constant 80 : i32
      %dma_wait3A_181 = arith.constant 0 : i32
      %dma_wait3A_182 = tpu.memref_slice %arg6[%add3A_156, %dma_wait3A_180, %dma_wait3A_181] : memref<4096x200x300xf32, #tpu.memory_space<hbm>> -> memref<1x120x300xf32, #tpu.memory_space<hbm>>
      %dma_wait3A_183 = tpu.memref_squeeze %dma_wait3A_182 : memref<1x120x300xf32, #tpu.memory_space<hbm>> -> memref<120x300xf32, #tpu.memory_space<hbm>>
      %dma_wait3A_184 = arith.constant 80 : i32
      %dma_wait3A_185 = arith.constant 0 : i32
      %dma_wait3A_186 = tpu.memref_slice %arg6[%add3A_156, %dma_wait3A_184, %dma_wait3A_185] : memref<4096x200x300xf32, #tpu.memory_space<hbm>> -> memref<1x120x300xf32, #tpu.memory_space<hbm>>
      %dma_wait3A_187 = tpu.memref_squeeze %dma_wait3A_186 : memref<1x120x300xf32, #tpu.memory_space<hbm>> -> memref<120x300xf32, #tpu.memory_space<hbm>>
      tpu.wait_dma2 semaphore(%arg17 : memref<!tpu.dma_semaphore, #tpu.memory_space<semaphore_mem>>) src(%arg11 : memref<120x300xf32, #tpu.memory_space<vmem>>) dst(%dma_wait3A_187 : memref<120x300xf32, #tpu.memory_space<hbm>>)
      %dma_start3A_188 = arith.constant 0 : i32
      %dma_start3A_189 = arith.constant 0 : i32
      %dma_start3A_190 = tpu.memref_slice %arg11[%dma_start3A_188, %dma_start3A_189] : memref<120x300xf32, #tpu.memory_space<vmem>> -> memref<72x256xf32, #tpu.memory_space<vmem>>
      %dma_start3A_191 = tpu.memref_slice %arg8[%add3A_160] : memref<2560xi32, #tpu.memory_space<vmem>> -> memref<72xi32, #tpu.memory_space<vmem>>
      %dma_start3A_192 = arith.constant 0 : i32
      %dma_start3A_193 = arith.constant 0 : i32
      %dma_start3A_194 = tpu.memref_slice %arg5[%dma_start3A_192, %dma_start3A_193] : memref<1000000x300xf32, #tpu.memory_space<hbm>> -> memref<1000000x256xf32, #tpu.memory_space<hbm>>
      tpu.enqueue_indirect_dma source(%dma_start3A_194 : memref<1000000x256xf32, #tpu.memory_space<hbm>>) target(%dma_start3A_190 : memref<72x256xf32, #tpu.memory_space<vmem>>) offsets(%dma_start3A_191 : memref<72xi32, #tpu.memory_space<vmem>>) semaphore(%arg15 : memref<!tpu.dma_semaphore, #tpu.memory_space<semaphore_mem>>)
      %dma_start3A_195 = tpu.memref_slice %arg8[%add3A_160] : memref<2560xi32, #tpu.memory_space<vmem>> -> memref<72xi32, #tpu.memory_space<vmem>>
      %dma_start3A_196 = arith.constant 0 : i32
      %dma_start3A_197 = arith.constant 0 : i32
      %dma_start3A_198 = tpu.memref_slice %arg4[%dma_start3A_196, %dma_start3A_197] : memref<1000000x128xf32, #tpu.memory_space<hbm>> -> memref<1000000x128xf32, #tpu.memory_space<hbm>>
      tpu.enqueue_indirect_dma source(%dma_start3A_198 : memref<1000000x128xf32, #tpu.memory_space<hbm>>) target(%arg12 : memref<72x128xf32, #tpu.memory_space<vmem>>) offsets(%dma_start3A_195 : memref<72xi32, #tpu.memory_space<vmem>>) semaphore(%arg15 : memref<!tpu.dma_semaphore, #tpu.memory_space<semaphore_mem>>)
      %dma_wait3A_199 = arith.constant 0 : i32
      %dma_wait3A_200 = arith.constant 0 : i32
      %dma_wait3A_201 = tpu.memref_slice %arg9[%dma_wait3A_199, %dma_wait3A_200] : memref<80x300xf32, #tpu.memory_space<vmem>> -> memref<80x256xf32, #tpu.memory_space<vmem>>
      %dma_wait3A_202 = tpu.memref_slice %arg8[%mul3A_158] : memref<2560xi32, #tpu.memory_space<vmem>> -> memref<80xi32, #tpu.memory_space<vmem>>
      %dma_wait3A_203 = arith.constant 0 : i32
      %dma_wait3A_204 = arith.constant 0 : i32
      %dma_wait3A_205 = tpu.memref_slice %arg5[%dma_wait3A_203, %dma_wait3A_204] : memref<1000000x300xf32, #tpu.memory_space<hbm>> -> memref<1000000x256xf32, #tpu.memory_space<hbm>>
      tpu.wait_indirect_dma semaphore(%arg14 : memref<!tpu.dma_semaphore, #tpu.memory_space<semaphore_mem>>) src(%dma_wait3A_205 : memref<1000000x256xf32, #tpu.memory_space<hbm>>) dst(%dma_wait3A_201 : memref<80x256xf32, #tpu.memory_space<vmem>>)
      %dma_wait3A_206 = tpu.memref_slice %arg8[%mul3A_158] : memref<2560xi32, #tpu.memory_space<vmem>> -> memref<80xi32, #tpu.memory_space<vmem>>
      %dma_wait3A_207 = arith.constant 0 : i32
      %dma_wait3A_208 = arith.constant 0 : i32
      %dma_wait3A_209 = tpu.memref_slice %arg4[%dma_wait3A_207, %dma_wait3A_208] : memref<1000000x128xf32, #tpu.memory_space<hbm>> -> memref<1000000x128xf32, #tpu.memory_space<hbm>>
      tpu.wait_indirect_dma semaphore(%arg14 : memref<!tpu.dma_semaphore, #tpu.memory_space<semaphore_mem>>) src(%dma_wait3A_209 : memref<1000000x128xf32, #tpu.memory_space<hbm>>) dst(%arg10 : memref<80x128xf32, #tpu.memory_space<vmem>>)
      %iota3A = tpu.iota {dimensions = array<i32: 0>} : vector<16xi32>
      %scan3A_210 = arith.constant 0 : i32
      %scan3A_211 = arith.constant 0 : i32
      %scan3A_212 = arith.constant 80 : i32
      %scan3A_213 = arith.addi %scan3A_211, %scan3A_212 : i32
      %scan3A_214 = arith.constant 1 : i32
      scf.for %scan3A_402 = %scan3A_211 to %scan3A_213 step %scan3A_214  : i32 {
        %broadcast_in_dim3A_403 = vector.broadcast %scan3A_402 : i32 to vector<16xi32>
        %add3A_404 = arith.constant 84 : i32
        %add3A_405 = vector.broadcast %add3A_404 : i32 to vector<16xi32>
        %add3A_406 = arith.addi %iota3A, %add3A_405 : vector<16xi32>
        %gather3A = tpu.vector_load_idx %arg10[%broadcast_in_dim3A_403, %add3A_406] : memref<80x128xf32, #tpu.memory_space<vmem>>[vector<16xi32>, vector<16xi32>], vector<16xf32>,
        %add3A_407 = arith.constant 256 : i32
        %add3A_408 = vector.broadcast %add3A_407 : i32 to vector<16xi32>
        %add3A_409 = arith.addi %iota3A, %add3A_408 : vector<16xi32>
        tpu.vector_store_idx %arg9[%broadcast_in_dim3A_403, %add3A_409], %gather3A : memref<80x300xf32, #tpu.memory_space<vmem>>[vector<16xi32>, vector<16xi32>], vector<16xf32>,
        %add3A_410 = arith.constant 100 : i32
        %add3A_411 = vector.broadcast %add3A_410 : i32 to vector<16xi32>
        %add3A_412 = arith.addi %iota3A, %add3A_411 : vector<16xi32>
        %gather3A_413 = tpu.vector_load_idx %arg10[%broadcast_in_dim3A_403, %add3A_412] : memref<80x128xf32, #tpu.memory_space<vmem>>[vector<16xi32>, vector<16xi32>], vector<16xf32>,
        %add3A_414 = arith.constant 272 : i32
        %add3A_415 = vector.broadcast %add3A_414 : i32 to vector<16xi32>
        %add3A_416 = arith.addi %iota3A, %add3A_415 : vector<16xi32>
        tpu.vector_store_idx %arg9[%broadcast_in_dim3A_403, %add3A_416], %gather3A_413 : memref<80x300xf32, #tpu.memory_space<vmem>>[vector<16xi32>, vector<16xi32>], vector<16xf32>,
        %add3A_417 = arith.constant 112 : i32
        %add3A_418 = vector.broadcast %add3A_417 : i32 to vector<16xi32>
        %add3A_419 = arith.addi %iota3A, %add3A_418 : vector<16xi32>
        %gather3A_420 = tpu.vector_load_idx %arg10[%broadcast_in_dim3A_403, %add3A_419] : memref<80x128xf32, #tpu.memory_space<vmem>>[vector<16xi32>, vector<16xi32>], vector<16xf32>,
        %add3A_421 = arith.constant 284 : i32
        %add3A_422 = vector.broadcast %add3A_421 : i32 to vector<16xi32>
        %add3A_423 = arith.addi %iota3A, %add3A_422 : vector<16xi32>
        tpu.vector_store_idx %arg9[%broadcast_in_dim3A_403, %add3A_423], %gather3A_420 : memref<80x300xf32, #tpu.memory_space<vmem>>[vector<16xi32>, vector<16xi32>], vector<16xf32>,
      }
      %scan3A_215 = arith.constant 80 : i32
      %dma_start3A_216 = arith.constant 0 : i32
      %dma_start3A_217 = arith.constant 0 : i32
      %dma_start3A_218 = tpu.memref_slice %arg6[%add3A_156, %dma_start3A_216, %dma_start3A_217] : memref<4096x200x300xf32, #tpu.memory_space<hbm>> -> memref<1x80x300xf32, #tpu.memory_space<hbm>>
      %dma_start3A_219 = tpu.memref_squeeze %dma_start3A_218 : memref<1x80x300xf32, #tpu.memory_space<hbm>> -> memref<80x300xf32, #tpu.memory_space<hbm>>
      %dma_start3A_220 = arith.constant 0 : i32
      %dma_start3A_221 = arith.constant 0 : i32
      %dma_start3A_222 = tpu.memref_slice %arg6[%add3A_156, %dma_start3A_220, %dma_start3A_221] : memref<4096x200x300xf32, #tpu.memory_space<hbm>> -> memref<1x80x300xf32, #tpu.memory_space<hbm>>
      %dma_start3A_223 = tpu.memref_squeeze %dma_start3A_222 : memref<1x80x300xf32, #tpu.memory_space<hbm>> -> memref<80x300xf32, #tpu.memory_space<hbm>>
      tpu.enqueue_dma source(%arg9 : memref<80x300xf32, #tpu.memory_space<vmem>>) target(%dma_start3A_223 : memref<80x300xf32, #tpu.memory_space<hbm>>) target_semaphore(%arg16 : memref<!tpu.dma_semaphore, #tpu.memory_space<semaphore_mem>>)
      %dma_wait3A_224 = arith.constant 0 : i32
      %dma_wait3A_225 = arith.constant 0 : i32
      %dma_wait3A_226 = tpu.memref_slice %arg11[%dma_wait3A_224, %dma_wait3A_225] : memref<120x300xf32, #tpu.memory_space<vmem>> -> memref<72x256xf32, #tpu.memory_space<vmem>>
      %dma_wait3A_227 = tpu.memref_slice %arg8[%add3A_160] : memref<2560xi32, #tpu.memory_space<vmem>> -> memref<72xi32, #tpu.memory_space<vmem>>
      %dma_wait3A_228 = arith.constant 0 : i32
      %dma_wait3A_229 = arith.constant 0 : i32
      %dma_wait3A_230 = tpu.memref_slice %arg5[%dma_wait3A_228, %dma_wait3A_229] : memref<1000000x300xf32, #tpu.memory_space<hbm>> -> memref<1000000x256xf32, #tpu.memory_space<hbm>>
      tpu.wait_indirect_dma semaphore(%arg15 : memref<!tpu.dma_semaphore, #tpu.memory_space<semaphore_mem>>) src(%dma_wait3A_230 : memref<1000000x256xf32, #tpu.memory_space<hbm>>) dst(%dma_wait3A_226 : memref<72x256xf32, #tpu.memory_space<vmem>>)
      %dma_wait3A_231 = tpu.memref_slice %arg8[%add3A_160] : memref<2560xi32, #tpu.memory_space<vmem>> -> memref<72xi32, #tpu.memory_space<vmem>>
      %dma_wait3A_232 = arith.constant 0 : i32
      %dma_wait3A_233 = arith.constant 0 : i32
      %dma_wait3A_234 = tpu.memref_slice %arg4[%dma_wait3A_232, %dma_wait3A_233] : memref<1000000x128xf32, #tpu.memory_space<hbm>> -> memref<1000000x128xf32, #tpu.memory_space<hbm>>
      tpu.wait_indirect_dma semaphore(%arg15 : memref<!tpu.dma_semaphore, #tpu.memory_space<semaphore_mem>>) src(%dma_wait3A_234 : memref<1000000x128xf32, #tpu.memory_space<hbm>>) dst(%arg12 : memref<72x128xf32, #tpu.memory_space<vmem>>)
      %iota3A_235 = tpu.iota {dimensions = array<i32: 0>} : vector<16xi32>
      %scan3A_236 = arith.constant 0 : i32
      %scan3A_237 = arith.constant 0 : i32
      %scan3A_238 = arith.constant 70 : i32
      %scan3A_239 = arith.addi %scan3A_237, %scan3A_238 : i32
      %scan3A_240 = arith.constant 1 : i32
      scf.for %scan3A_402 = %scan3A_237 to %scan3A_239 step %scan3A_240  : i32 {
        %broadcast_in_dim3A_403 = vector.broadcast %scan3A_402 : i32 to vector<16xi32>
        %add3A_404 = arith.constant 84 : i32
        %add3A_405 = vector.broadcast %add3A_404 : i32 to vector<16xi32>
        %add3A_406 = arith.addi %iota3A_235, %add3A_405 : vector<16xi32>
        %gather3A = tpu.vector_load_idx %arg12[%broadcast_in_dim3A_403, %add3A_406] : memref<72x128xf32, #tpu.memory_space<vmem>>[vector<16xi32>, vector<16xi32>], vector<16xf32>,
        %add3A_407 = arith.constant 256 : i32
        %add3A_408 = vector.broadcast %add3A_407 : i32 to vector<16xi32>
        %add3A_409 = arith.addi %iota3A_235, %add3A_408 : vector<16xi32>
        tpu.vector_store_idx %arg11[%broadcast_in_dim3A_403, %add3A_409], %gather3A : memref<120x300xf32, #tpu.memory_space<vmem>>[vector<16xi32>, vector<16xi32>], vector<16xf32>,
        %add3A_410 = arith.constant 100 : i32
        %add3A_411 = vector.broadcast %add3A_410 : i32 to vector<16xi32>
        %add3A_412 = arith.addi %iota3A_235, %add3A_411 : vector<16xi32>
        %gather3A_413 = tpu.vector_load_idx %arg12[%broadcast_in_dim3A_403, %add3A_412] : memref<72x128xf32, #tpu.memory_space<vmem>>[vector<16xi32>, vector<16xi32>], vector<16xf32>,
        %add3A_414 = arith.constant 272 : i32
        %add3A_415 = vector.broadcast %add3A_414 : i32 to vector<16xi32>
        %add3A_416 = arith.addi %iota3A_235, %add3A_415 : vector<16xi32>
        tpu.vector_store_idx %arg11[%broadcast_in_dim3A_403, %add3A_416], %gather3A_413 : memref<120x300xf32, #tpu.memory_space<vmem>>[vector<16xi32>, vector<16xi32>], vector<16xf32>,
        %add3A_417 = arith.constant 112 : i32
        %add3A_418 = vector.broadcast %add3A_417 : i32 to vector<16xi32>
        %add3A_419 = arith.addi %iota3A_235, %add3A_418 : vector<16xi32>
        %gather3A_420 = tpu.vector_load_idx %arg12[%broadcast_in_dim3A_403, %add3A_419] : memref<72x128xf32, #tpu.memory_space<vmem>>[vector<16xi32>, vector<16xi32>], vector<16xf32>,
        %add3A_421 = arith.constant 284 : i32
        %add3A_422 = vector.broadcast %add3A_421 : i32 to vector<16xi32>
        %add3A_423 = arith.addi %iota3A_235, %add3A_422 : vector<16xi32>
        tpu.vector_store_idx %arg11[%broadcast_in_dim3A_403, %add3A_423], %gather3A_420 : memref<120x300xf32, #tpu.memory_space<vmem>>[vector<16xi32>, vector<16xi32>], vector<16xf32>,
      }
      %scan3A_241 = arith.constant 70 : i32
      %broadcast_in_dim3A = arith.constant 0.000000e+00 : f32
      %broadcast_in_dim3A_242 = vector.broadcast %broadcast_in_dim3A : f32 to vector<16xf32>
      %swap3A = arith.constant 70 : i32
      %swap3A_243 = arith.index_cast %swap3A : i32 to index
      %swap3A_244 = arith.constant 0 : index
      %swap3A_245 = tpu.vector_load %arg11[%swap3A_243, %swap3A_244] {strides = array<i32>} : memref<120x300xf32, #tpu.memory_space<vmem>>, vector<16xf32>,
      tpu.vector_store %arg11[%swap3A_243, %swap3A_244], %broadcast_in_dim3A_242 {strides = array<i32>} : memref<120x300xf32, #tpu.memory_space<vmem>>, vector<16xf32>,
      %swap3A_246 = arith.constant 70 : i32
      %swap3A_247 = arith.index_cast %swap3A_246 : i32 to index
      %swap3A_248 = arith.constant 16 : index
      %swap3A_249 = tpu.vector_load %arg11[%swap3A_247, %swap3A_248] {strides = array<i32>} : memref<120x300xf32, #tpu.memory_space<vmem>>, vector<16xf32>,
      tpu.vector_store %arg11[%swap3A_247, %swap3A_248], %broadcast_in_dim3A_242 {strides = array<i32>} : memref<120x300xf32, #tpu.memory_space<vmem>>, vector<16xf32>,
      %swap3A_250 = arith.constant 70 : i32
      %swap3A_251 = arith.index_cast %swap3A_250 : i32 to index
      %swap3A_252 = arith.constant 32 : index
      %swap3A_253 = tpu.vector_load %arg11[%swap3A_251, %swap3A_252] {strides = array<i32>} : memref<120x300xf32, #tpu.memory_space<vmem>>, vector<16xf32>,
      tpu.vector_store %arg11[%swap3A_251, %swap3A_252], %broadcast_in_dim3A_242 {strides = array<i32>} : memref<120x300xf32, #tpu.memory_space<vmem>>, vector<16xf32>,
      %swap3A_254 = arith.constant 70 : i32
      %swap3A_255 = arith.index_cast %swap3A_254 : i32 to index
      %swap3A_256 = arith.constant 48 : index
      %swap3A_257 = tpu.vector_load %arg11[%swap3A_255, %swap3A_256] {strides = array<i32>} : memref<120x300xf32, #tpu.memory_space<vmem>>, vector<16xf32>,
      tpu.vector_store %arg11[%swap3A_255, %swap3A_256], %broadcast_in_dim3A_242 {strides = array<i32>} : memref<120x300xf32, #tpu.memory_space<vmem>>, vector<16xf32>,
      %swap3A_258 = arith.constant 70 : i32
      %swap3A_259 = arith.index_cast %swap3A_258 : i32 to index
      %swap3A_260 = arith.constant 64 : index
      %swap3A_261 = tpu.vector_load %arg11[%swap3A_259, %swap3A_260] {strides = array<i32>} : memref<120x300xf32, #tpu.memory_space<vmem>>, vector<16xf32>,
      tpu.vector_store %arg11[%swap3A_259, %swap3A_260], %broadcast_in_dim3A_242 {strides = array<i32>} : memref<120x300xf32, #tpu.memory_space<vmem>>, vector<16xf32>,
      %swap3A_262 = arith.constant 70 : i32
      %swap3A_263 = arith.index_cast %swap3A_262 : i32 to index
      %swap3A_264 = arith.constant 80 : index
      %swap3A_265 = tpu.vector_load %arg11[%swap3A_263, %swap3A_264] {strides = array<i32>} : memref<120x300xf32, #tpu.memory_space<vmem>>, vector<16xf32>,
      tpu.vector_store %arg11[%swap3A_263, %swap3A_264], %broadcast_in_dim3A_242 {strides = array<i32>} : memref<120x300xf32, #tpu.memory_space<vmem>>, vector<16xf32>,
      %swap3A_266 = arith.constant 70 : i32
      %swap3A_267 = arith.index_cast %swap3A_266 : i32 to index
      %swap3A_268 = arith.constant 96 : index
      %swap3A_269 = tpu.vector_load %arg11[%swap3A_267, %swap3A_268] {strides = array<i32>} : memref<120x300xf32, #tpu.memory_space<vmem>>, vector<16xf32>,
      tpu.vector_store %arg11[%swap3A_267, %swap3A_268], %broadcast_in_dim3A_242 {strides = array<i32>} : memref<120x300xf32, #tpu.memory_space<vmem>>, vector<16xf32>,
      %swap3A_270 = arith.constant 70 : i32
      %swap3A_271 = arith.index_cast %swap3A_270 : i32 to index
      %swap3A_272 = arith.constant 112 : index
      %swap3A_273 = tpu.vector_load %arg11[%swap3A_271, %swap3A_272] {strides = array<i32>} : memref<120x300xf32, #tpu.memory_space<vmem>>, vector<16xf32>,
      tpu.vector_store %arg11[%swap3A_271, %swap3A_272], %broadcast_in_dim3A_242 {strides = array<i32>} : memref<120x300xf32, #tpu.memory_space<vmem>>, vector<16xf32>,
      %swap3A_274 = arith.constant 70 : i32
      %swap3A_275 = arith.index_cast %swap3A_274 : i32 to index
      %swap3A_276 = arith.constant 128 : index
      %swap3A_277 = tpu.vector_load %arg11[%swap3A_275, %swap3A_276] {strides = array<i32>} : memref<120x300xf32, #tpu.memory_space<vmem>>, vector<16xf32>,
      tpu.vector_store %arg11[%swap3A_275, %swap3A_276], %broadcast_in_dim3A_242 {strides = array<i32>} : memref<120x300xf32, #tpu.memory_space<vmem>>, vector<16xf32>,
      %swap3A_278 = arith.constant 70 : i32
      %swap3A_279 = arith.index_cast %swap3A_278 : i32 to index
      %swap3A_280 = arith.constant 144 : index
      %swap3A_281 = tpu.vector_load %arg11[%swap3A_279, %swap3A_280] {strides = array<i32>} : memref<120x300xf32, #tpu.memory_space<vmem>>, vector<16xf32>,
      tpu.vector_store %arg11[%swap3A_279, %swap3A_280], %broadcast_in_dim3A_242 {strides = array<i32>} : memref<120x300xf32, #tpu.memory_space<vmem>>, vector<16xf32>,
      %swap3A_282 = arith.constant 70 : i32
      %swap3A_283 = arith.index_cast %swap3A_282 : i32 to index
      %swap3A_284 = arith.constant 160 : index
      %swap3A_285 = tpu.vector_load %arg11[%swap3A_283, %swap3A_284] {strides = array<i32>} : memref<120x300xf32, #tpu.memory_space<vmem>>, vector<16xf32>,
      tpu.vector_store %arg11[%swap3A_283, %swap3A_284], %broadcast_in_dim3A_242 {strides = array<i32>} : memref<120x300xf32, #tpu.memory_space<vmem>>, vector<16xf32>,
      %swap3A_286 = arith.constant 70 : i32
      %swap3A_287 = arith.index_cast %swap3A_286 : i32 to index
      %swap3A_288 = arith.constant 176 : index
      %swap3A_289 = tpu.vector_load %arg11[%swap3A_287, %swap3A_288] {strides = array<i32>} : memref<120x300xf32, #tpu.memory_space<vmem>>, vector<16xf32>,
      tpu.vector_store %arg11[%swap3A_287, %swap3A_288], %broadcast_in_dim3A_242 {strides = array<i32>} : memref<120x300xf32, #tpu.memory_space<vmem>>, vector<16xf32>,
      %swap3A_290 = arith.constant 70 : i32
      %swap3A_291 = arith.index_cast %swap3A_290 : i32 to index
      %swap3A_292 = arith.constant 192 : index
      %swap3A_293 = tpu.vector_load %arg11[%swap3A_291, %swap3A_292] {strides = array<i32>} : memref<120x300xf32, #tpu.memory_space<vmem>>, vector<16xf32>,
      tpu.vector_store %arg11[%swap3A_291, %swap3A_292], %broadcast_in_dim3A_242 {strides = array<i32>} : memref<120x300xf32, #tpu.memory_space<vmem>>, vector<16xf32>,
      %swap3A_294 = arith.constant 70 : i32
      %swap3A_295 = arith.index_cast %swap3A_294 : i32 to index
      %swap3A_296 = arith.constant 208 : index
      %swap3A_297 = tpu.vector_load %arg11[%swap3A_295, %swap3A_296] {strides = array<i32>} : memref<120x300xf32, #tpu.memory_space<vmem>>, vector<16xf32>,
      tpu.vector_store %arg11[%swap3A_295, %swap3A_296], %broadcast_in_dim3A_242 {strides = array<i32>} : memref<120x300xf32, #tpu.memory_space<vmem>>, vector<16xf32>,
      %swap3A_298 = arith.constant 70 : i32
      %swap3A_299 = arith.index_cast %swap3A_298 : i32 to index
      %swap3A_300 = arith.constant 224 : index
      %swap3A_301 = tpu.vector_load %arg11[%swap3A_299, %swap3A_300] {strides = array<i32>} : memref<120x300xf32, #tpu.memory_space<vmem>>, vector<16xf32>,
      tpu.vector_store %arg11[%swap3A_299, %swap3A_300], %broadcast_in_dim3A_242 {strides = array<i32>} : memref<120x300xf32, #tpu.memory_space<vmem>>, vector<16xf32>,
      %swap3A_302 = arith.constant 70 : i32
      %swap3A_303 = arith.index_cast %swap3A_302 : i32 to index
      %swap3A_304 = arith.constant 240 : index
      %swap3A_305 = tpu.vector_load %arg11[%swap3A_303, %swap3A_304] {strides = array<i32>} : memref<120x300xf32, #tpu.memory_space<vmem>>, vector<16xf32>,
      tpu.vector_store %arg11[%swap3A_303, %swap3A_304], %broadcast_in_dim3A_242 {strides = array<i32>} : memref<120x300xf32, #tpu.memory_space<vmem>>, vector<16xf32>,
      %swap3A_306 = arith.constant 70 : i32
      %swap3A_307 = arith.index_cast %swap3A_306 : i32 to index
      %swap3A_308 = arith.constant 256 : index
      %swap3A_309 = tpu.vector_load %arg11[%swap3A_307, %swap3A_308] {strides = array<i32>} : memref<120x300xf32, #tpu.memory_space<vmem>>, vector<16xf32>,
      tpu.vector_store %arg11[%swap3A_307, %swap3A_308], %broadcast_in_dim3A_242 {strides = array<i32>} : memref<120x300xf32, #tpu.memory_space<vmem>>, vector<16xf32>,
      %swap3A_310 = arith.constant 70 : i32
      %swap3A_311 = arith.index_cast %swap3A_310 : i32 to index
      %swap3A_312 = arith.constant 272 : index
      %swap3A_313 = tpu.vector_load %arg11[%swap3A_311, %swap3A_312] {strides = array<i32>} : memref<120x300xf32, #tpu.memory_space<vmem>>, vector<16xf32>,
      tpu.vector_store %arg11[%swap3A_311, %swap3A_312], %broadcast_in_dim3A_242 {strides = array<i32>} : memref<120x300xf32, #tpu.memory_space<vmem>>, vector<16xf32>,
      %swap3A_314 = arith.constant 70 : i32
      %swap3A_315 = arith.index_cast %swap3A_314 : i32 to index
      %swap3A_316 = arith.constant 284 : index
      %swap3A_317 = tpu.vector_load %arg11[%swap3A_315, %swap3A_316] {strides = array<i32>} : memref<120x300xf32, #tpu.memory_space<vmem>>, vector<16xf32>,
      tpu.vector_store %arg11[%swap3A_315, %swap3A_316], %broadcast_in_dim3A_242 {strides = array<i32>} : memref<120x300xf32, #tpu.memory_space<vmem>>, vector<16xf32>,
      %swap3A_318 = arith.constant 71 : i32
      %swap3A_319 = arith.index_cast %swap3A_318 : i32 to index
      %swap3A_320 = arith.constant 0 : index
      %swap3A_321 = tpu.vector_load %arg11[%swap3A_319, %swap3A_320] {strides = array<i32>} : memref<120x300xf32, #tpu.memory_space<vmem>>, vector<16xf32>,
      tpu.vector_store %arg11[%swap3A_319, %swap3A_320], %broadcast_in_dim3A_242 {strides = array<i32>} : memref<120x300xf32, #tpu.memory_space<vmem>>, vector<16xf32>,
      %swap3A_322 = arith.constant 71 : i32
      %swap3A_323 = arith.index_cast %swap3A_322 : i32 to index
      %swap3A_324 = arith.constant 16 : index
      %swap3A_325 = tpu.vector_load %arg11[%swap3A_323, %swap3A_324] {strides = array<i32>} : memref<120x300xf32, #tpu.memory_space<vmem>>, vector<16xf32>,
      tpu.vector_store %arg11[%swap3A_323, %swap3A_324], %broadcast_in_dim3A_242 {strides = array<i32>} : memref<120x300xf32, #tpu.memory_space<vmem>>, vector<16xf32>,
      %swap3A_326 = arith.constant 71 : i32
      %swap3A_327 = arith.index_cast %swap3A_326 : i32 to index
      %swap3A_328 = arith.constant 32 : index
      %swap3A_329 = tpu.vector_load %arg11[%swap3A_327, %swap3A_328] {strides = array<i32>} : memref<120x300xf32, #tpu.memory_space<vmem>>, vector<16xf32>,
      tpu.vector_store %arg11[%swap3A_327, %swap3A_328], %broadcast_in_dim3A_242 {strides = array<i32>} : memref<120x300xf32, #tpu.memory_space<vmem>>, vector<16xf32>,
      %swap3A_330 = arith.constant 71 : i32
      %swap3A_331 = arith.index_cast %swap3A_330 : i32 to index
      %swap3A_332 = arith.constant 48 : index
      %swap3A_333 = tpu.vector_load %arg11[%swap3A_331, %swap3A_332] {strides = array<i32>} : memref<120x300xf32, #tpu.memory_space<vmem>>, vector<16xf32>,
      tpu.vector_store %arg11[%swap3A_331, %swap3A_332], %broadcast_in_dim3A_242 {strides = array<i32>} : memref<120x300xf32, #tpu.memory_space<vmem>>, vector<16xf32>,
      %swap3A_334 = arith.constant 71 : i32
      %swap3A_335 = arith.index_cast %swap3A_334 : i32 to index
      %swap3A_336 = arith.constant 64 : index
      %swap3A_337 = tpu.vector_load %arg11[%swap3A_335, %swap3A_336] {strides = array<i32>} : memref<120x300xf32, #tpu.memory_space<vmem>>, vector<16xf32>,
      tpu.vector_store %arg11[%swap3A_335, %swap3A_336], %broadcast_in_dim3A_242 {strides = array<i32>} : memref<120x300xf32, #tpu.memory_space<vmem>>, vector<16xf32>,
      %swap3A_338 = arith.constant 71 : i32
      %swap3A_339 = arith.index_cast %swap3A_338 : i32 to index
      %swap3A_340 = arith.constant 80 : index
      %swap3A_341 = tpu.vector_load %arg11[%swap3A_339, %swap3A_340] {strides = array<i32>} : memref<120x300xf32, #tpu.memory_space<vmem>>, vector<16xf32>,
      tpu.vector_store %arg11[%swap3A_339, %swap3A_340], %broadcast_in_dim3A_242 {strides = array<i32>} : memref<120x300xf32, #tpu.memory_space<vmem>>, vector<16xf32>,
      %swap3A_342 = arith.constant 71 : i32
      %swap3A_343 = arith.index_cast %swap3A_342 : i32 to index
      %swap3A_344 = arith.constant 96 : index
      %swap3A_345 = tpu.vector_load %arg11[%swap3A_343, %swap3A_344] {strides = array<i32>} : memref<120x300xf32, #tpu.memory_space<vmem>>, vector<16xf32>,
      tpu.vector_store %arg11[%swap3A_343, %swap3A_344], %broadcast_in_dim3A_242 {strides = array<i32>} : memref<120x300xf32, #tpu.memory_space<vmem>>, vector<16xf32>,
      %swap3A_346 = arith.constant 71 : i32
      %swap3A_347 = arith.index_cast %swap3A_346 : i32 to index
      %swap3A_348 = arith.constant 112 : index
      %swap3A_349 = tpu.vector_load %arg11[%swap3A_347, %swap3A_348] {strides = array<i32>} : memref<120x300xf32, #tpu.memory_space<vmem>>, vector<16xf32>,
      tpu.vector_store %arg11[%swap3A_347, %swap3A_348], %broadcast_in_dim3A_242 {strides = array<i32>} : memref<120x300xf32, #tpu.memory_space<vmem>>, vector<16xf32>,
      %swap3A_350 = arith.constant 71 : i32
      %swap3A_351 = arith.index_cast %swap3A_350 : i32 to index
      %swap3A_352 = arith.constant 128 : index
      %swap3A_353 = tpu.vector_load %arg11[%swap3A_351, %swap3A_352] {strides = array<i32>} : memref<120x300xf32, #tpu.memory_space<vmem>>, vector<16xf32>,
      tpu.vector_store %arg11[%swap3A_351, %swap3A_352], %broadcast_in_dim3A_242 {strides = array<i32>} : memref<120x300xf32, #tpu.memory_space<vmem>>, vector<16xf32>,
      %swap3A_354 = arith.constant 71 : i32
      %swap3A_355 = arith.index_cast %swap3A_354 : i32 to index
      %swap3A_356 = arith.constant 144 : index
      %swap3A_357 = tpu.vector_load %arg11[%swap3A_355, %swap3A_356] {strides = array<i32>} : memref<120x300xf32, #tpu.memory_space<vmem>>, vector<16xf32>,
      tpu.vector_store %arg11[%swap3A_355, %swap3A_356], %broadcast_in_dim3A_242 {strides = array<i32>} : memref<120x300xf32, #tpu.memory_space<vmem>>, vector<16xf32>,
      %swap3A_358 = arith.constant 71 : i32
      %swap3A_359 = arith.index_cast %swap3A_358 : i32 to index
      %swap3A_360 = arith.constant 160 : index
      %swap3A_361 = tpu.vector_load %arg11[%swap3A_359, %swap3A_360] {strides = array<i32>} : memref<120x300xf32, #tpu.memory_space<vmem>>, vector<16xf32>,
      tpu.vector_store %arg11[%swap3A_359, %swap3A_360], %broadcast_in_dim3A_242 {strides = array<i32>} : memref<120x300xf32, #tpu.memory_space<vmem>>, vector<16xf32>,
      %swap3A_362 = arith.constant 71 : i32
      %swap3A_363 = arith.index_cast %swap3A_362 : i32 to index
      %swap3A_364 = arith.constant 176 : index
      %swap3A_365 = tpu.vector_load %arg11[%swap3A_363, %swap3A_364] {strides = array<i32>} : memref<120x300xf32, #tpu.memory_space<vmem>>, vector<16xf32>,
      tpu.vector_store %arg11[%swap3A_363, %swap3A_364], %broadcast_in_dim3A_242 {strides = array<i32>} : memref<120x300xf32, #tpu.memory_space<vmem>>, vector<16xf32>,
      %swap3A_366 = arith.constant 71 : i32
      %swap3A_367 = arith.index_cast %swap3A_366 : i32 to index
      %swap3A_368 = arith.constant 192 : index
      %swap3A_369 = tpu.vector_load %arg11[%swap3A_367, %swap3A_368] {strides = array<i32>} : memref<120x300xf32, #tpu.memory_space<vmem>>, vector<16xf32>,
      tpu.vector_store %arg11[%swap3A_367, %swap3A_368], %broadcast_in_dim3A_242 {strides = array<i32>} : memref<120x300xf32, #tpu.memory_space<vmem>>, vector<16xf32>,
      %swap3A_370 = arith.constant 71 : i32
      %swap3A_371 = arith.index_cast %swap3A_370 : i32 to index
      %swap3A_372 = arith.constant 208 : index
      %swap3A_373 = tpu.vector_load %arg11[%swap3A_371, %swap3A_372] {strides = array<i32>} : memref<120x300xf32, #tpu.memory_space<vmem>>, vector<16xf32>,
      tpu.vector_store %arg11[%swap3A_371, %swap3A_372], %broadcast_in_dim3A_242 {strides = array<i32>} : memref<120x300xf32, #tpu.memory_space<vmem>>, vector<16xf32>,
      %swap3A_374 = arith.constant 71 : i32
      %swap3A_375 = arith.index_cast %swap3A_374 : i32 to index
      %swap3A_376 = arith.constant 224 : index
      %swap3A_377 = tpu.vector_load %arg11[%swap3A_375, %swap3A_376] {strides = array<i32>} : memref<120x300xf32, #tpu.memory_space<vmem>>, vector<16xf32>,
      tpu.vector_store %arg11[%swap3A_375, %swap3A_376], %broadcast_in_dim3A_242 {strides = array<i32>} : memref<120x300xf32, #tpu.memory_space<vmem>>, vector<16xf32>,
      %swap3A_378 = arith.constant 71 : i32
      %swap3A_379 = arith.index_cast %swap3A_378 : i32 to index
      %swap3A_380 = arith.constant 240 : index
      %swap3A_381 = tpu.vector_load %arg11[%swap3A_379, %swap3A_380] {strides = array<i32>} : memref<120x300xf32, #tpu.memory_space<vmem>>, vector<16xf32>,
      tpu.vector_store %arg11[%swap3A_379, %swap3A_380], %broadcast_in_dim3A_242 {strides = array<i32>} : memref<120x300xf32, #tpu.memory_space<vmem>>, vector<16xf32>,
      %swap3A_382 = arith.constant 71 : i32
      %swap3A_383 = arith.index_cast %swap3A_382 : i32 to index
      %swap3A_384 = arith.constant 256 : index
      %swap3A_385 = tpu.vector_load %arg11[%swap3A_383, %swap3A_384] {strides = array<i32>} : memref<120x300xf32, #tpu.memory_space<vmem>>, vector<16xf32>,
      tpu.vector_store %arg11[%swap3A_383, %swap3A_384], %broadcast_in_dim3A_242 {strides = array<i32>} : memref<120x300xf32, #tpu.memory_space<vmem>>, vector<16xf32>,
      %swap3A_386 = arith.constant 71 : i32
      %swap3A_387 = arith.index_cast %swap3A_386 : i32 to index
      %swap3A_388 = arith.constant 272 : index
      %swap3A_389 = tpu.vector_load %arg11[%swap3A_387, %swap3A_388] {strides = array<i32>} : memref<120x300xf32, #tpu.memory_space<vmem>>, vector<16xf32>,
      tpu.vector_store %arg11[%swap3A_387, %swap3A_388], %broadcast_in_dim3A_242 {strides = array<i32>} : memref<120x300xf32, #tpu.memory_space<vmem>>, vector<16xf32>,
      %swap3A_390 = arith.constant 71 : i32
      %swap3A_391 = arith.index_cast %swap3A_390 : i32 to index
      %swap3A_392 = arith.constant 284 : index
      %swap3A_393 = tpu.vector_load %arg11[%swap3A_391, %swap3A_392] {strides = array<i32>} : memref<120x300xf32, #tpu.memory_space<vmem>>, vector<16xf32>,
      tpu.vector_store %arg11[%swap3A_391, %swap3A_392], %broadcast_in_dim3A_242 {strides = array<i32>} : memref<120x300xf32, #tpu.memory_space<vmem>>, vector<16xf32>,
      %dma_start3A_394 = arith.constant 80 : i32
      %dma_start3A_395 = arith.constant 0 : i32
      %dma_start3A_396 = tpu.memref_slice %arg6[%add3A_156, %dma_start3A_394, %dma_start3A_395] : memref<4096x200x300xf32, #tpu.memory_space<hbm>> -> memref<1x120x300xf32, #tpu.memory_space<hbm>>
      %dma_start3A_397 = tpu.memref_squeeze %dma_start3A_396 : memref<1x120x300xf32, #tpu.memory_space<hbm>> -> memref<120x300xf32, #tpu.memory_space<hbm>>
      %dma_start3A_398 = arith.constant 80 : i32
      %dma_start3A_399 = arith.constant 0 : i32
      %dma_start3A_400 = tpu.memref_slice %arg6[%add3A_156, %dma_start3A_398, %dma_start3A_399] : memref<4096x200x300xf32, #tpu.memory_space<hbm>> -> memref<1x120x300xf32, #tpu.memory_space<hbm>>
      %dma_start3A_401 = tpu.memref_squeeze %dma_start3A_400 : memref<1x120x300xf32, #tpu.memory_space<hbm>> -> memref<120x300xf32, #tpu.memory_space<hbm>>
      tpu.enqueue_dma source(%arg11 : memref<120x300xf32, #tpu.memory_space<vmem>>) target(%dma_start3A_401 : memref<120x300xf32, #tpu.memory_space<hbm>>) target_semaphore(%arg17 : memref<!tpu.dma_semaphore, #tpu.memory_space<semaphore_mem>>)
    }
    %scan3A_31 = arith.constant 16 : i32
    %add3A_32 = arith.constant 32 : i32
    %add3A_33 = arith.addi %mul3A_2, %add3A_32 : i32
    %mul3A_34 = arith.constant 160 : i32
    %mul3A_35 = arith.muli %add3A_33, %mul3A_34 : i32
    %dma_wait3A_36 = tpu.memref_slice %arg2[%mul3A_35] : memref<655360xi32, #tpu.memory_space<hbm>> -> memref<2560xi32, #tpu.memory_space<hbm>>
    %dma_wait3A_37 = tpu.memref_slice %arg2[%mul3A_35] : memref<655360xi32, #tpu.memory_space<hbm>> -> memref<2560xi32, #tpu.memory_space<hbm>>
    tpu.wait_dma2 semaphore(%arg13 : memref<!tpu.dma_semaphore, #tpu.memory_space<semaphore_mem>>) src(%dma_wait3A_37 : memref<2560xi32, #tpu.memory_space<hbm>>) dst(%arg7 : memref<2560xi32, #tpu.memory_space<vmem>>)
    %add3A_38 = arith.constant 48 : i32
    %add3A_39 = arith.addi %mul3A_2, %add3A_38 : i32
    %mul3A_40 = arith.constant 160 : i32
    %mul3A_41 = arith.muli %add3A_39, %mul3A_40 : i32
    %dma_start3A_42 = tpu.memref_slice %arg2[%mul3A_41] : memref<655360xi32, #tpu.memory_space<hbm>> -> memref<2560xi32, #tpu.memory_space<hbm>>
    %dma_start3A_43 = tpu.memref_slice %arg2[%mul3A_41] : memref<655360xi32, #tpu.memory_space<hbm>> -> memref<2560xi32, #tpu.memory_space<hbm>>
    tpu.enqueue_dma source(%dma_start3A_43 : memref<2560xi32, #tpu.memory_space<hbm>>) target(%arg8 : memref<2560xi32, #tpu.memory_space<vmem>>) target_semaphore(%arg13 : memref<!tpu.dma_semaphore, #tpu.memory_space<semaphore_mem>>)
    %scan3A_44 = arith.constant 0 : i32
    %scan3A_45 = arith.constant 0 : i32
    %scan3A_46 = arith.constant 16 : i32
    %scan3A_47 = arith.addi %scan3A_45, %scan3A_46 : i32
    %scan3A_48 = arith.constant 1 : i32
    scf.for %scan3A_153 = %scan3A_45 to %scan3A_47 step %scan3A_48  : i32 {
      %add3A_154 = arith.constant 32 : i32
      %add3A_155 = arith.addi %mul3A_2, %add3A_154 : i32
      %add3A_156 = arith.addi %add3A_155, %scan3A_153 : i32
      %mul3A_157 = arith.constant 160 : i32
      %mul3A_158 = arith.muli %scan3A_153, %mul3A_157 : i32
      %add3A_159 = arith.constant 80 : i32
      %add3A_160 = arith.addi %mul3A_158, %add3A_159 : i32
      %dma_wait3A_161 = arith.constant 0 : i32
      %dma_wait3A_162 = arith.constant 0 : i32
      %dma_wait3A_163 = tpu.memref_slice %arg6[%add3A_156, %dma_wait3A_161, %dma_wait3A_162] : memref<4096x200x300xf32, #tpu.memory_space<hbm>> -> memref<1x80x300xf32, #tpu.memory_space<hbm>>
      %dma_wait3A_164 = tpu.memref_squeeze %dma_wait3A_163 : memref<1x80x300xf32, #tpu.memory_space<hbm>> -> memref<80x300xf32, #tpu.memory_space<hbm>>
      %dma_wait3A_165 = arith.constant 0 : i32
      %dma_wait3A_166 = arith.constant 0 : i32
      %dma_wait3A_167 = tpu.memref_slice %arg6[%add3A_156, %dma_wait3A_165, %dma_wait3A_166] : memref<4096x200x300xf32, #tpu.memory_space<hbm>> -> memref<1x80x300xf32, #tpu.memory_space<hbm>>
      %dma_wait3A_168 = tpu.memref_squeeze %dma_wait3A_167 : memref<1x80x300xf32, #tpu.memory_space<hbm>> -> memref<80x300xf32, #tpu.memory_space<hbm>>
      tpu.wait_dma2 semaphore(%arg16 : memref<!tpu.dma_semaphore, #tpu.memory_space<semaphore_mem>>) src(%arg9 : memref<80x300xf32, #tpu.memory_space<vmem>>) dst(%dma_wait3A_168 : memref<80x300xf32, #tpu.memory_space<hbm>>)
      %dma_start3A_169 = arith.constant 0 : i32
      %dma_start3A_170 = arith.constant 0 : i32
      %dma_start3A_171 = tpu.memref_slice %arg9[%dma_start3A_169, %dma_start3A_170] : memref<80x300xf32, #tpu.memory_space<vmem>> -> memref<80x256xf32, #tpu.memory_space<vmem>>
      %dma_start3A_172 = tpu.memref_slice %arg7[%mul3A_158] : memref<2560xi32, #tpu.memory_space<vmem>> -> memref<80xi32, #tpu.memory_space<vmem>>
      %dma_start3A_173 = arith.constant 0 : i32
      %dma_start3A_174 = arith.constant 0 : i32
      %dma_start3A_175 = tpu.memref_slice %arg5[%dma_start3A_173, %dma_start3A_174] : memref<1000000x300xf32, #tpu.memory_space<hbm>> -> memref<1000000x256xf32, #tpu.memory_space<hbm>>
      tpu.enqueue_indirect_dma source(%dma_start3A_175 : memref<1000000x256xf32, #tpu.memory_space<hbm>>) target(%dma_start3A_171 : memref<80x256xf32, #tpu.memory_space<vmem>>) offsets(%dma_start3A_172 : memref<80xi32, #tpu.memory_space<vmem>>) semaphore(%arg14 : memref<!tpu.dma_semaphore, #tpu.memory_space<semaphore_mem>>)
      %dma_start3A_176 = tpu.memref_slice %arg7[%mul3A_158] : memref<2560xi32, #tpu.memory_space<vmem>> -> memref<80xi32, #tpu.memory_space<vmem>>
      %dma_start3A_177 = arith.constant 0 : i32
      %dma_start3A_178 = arith.constant 0 : i32
      %dma_start3A_179 = tpu.memref_slice %arg4[%dma_start3A_177, %dma_start3A_178] : memref<1000000x128xf32, #tpu.memory_space<hbm>> -> memref<1000000x128xf32, #tpu.memory_space<hbm>>
      tpu.enqueue_indirect_dma source(%dma_start3A_179 : memref<1000000x128xf32, #tpu.memory_space<hbm>>) target(%arg10 : memref<80x128xf32, #tpu.memory_space<vmem>>) offsets(%dma_start3A_176 : memref<80xi32, #tpu.memory_space<vmem>>) semaphore(%arg14 : memref<!tpu.dma_semaphore, #tpu.memory_space<semaphore_mem>>)
      %dma_wait3A_180 = arith.constant 80 : i32
      %dma_wait3A_181 = arith.constant 0 : i32
      %dma_wait3A_182 = tpu.memref_slice %arg6[%add3A_156, %dma_wait3A_180, %dma_wait3A_181] : memref<4096x200x300xf32, #tpu.memory_space<hbm>> -> memref<1x120x300xf32, #tpu.memory_space<hbm>>
      %dma_wait3A_183 = tpu.memref_squeeze %dma_wait3A_182 : memref<1x120x300xf32, #tpu.memory_space<hbm>> -> memref<120x300xf32, #tpu.memory_space<hbm>>
      %dma_wait3A_184 = arith.constant 80 : i32
      %dma_wait3A_185 = arith.constant 0 : i32
      %dma_wait3A_186 = tpu.memref_slice %arg6[%add3A_156, %dma_wait3A_184, %dma_wait3A_185] : memref<4096x200x300xf32, #tpu.memory_space<hbm>> -> memref<1x120x300xf32, #tpu.memory_space<hbm>>
      %dma_wait3A_187 = tpu.memref_squeeze %dma_wait3A_186 : memref<1x120x300xf32, #tpu.memory_space<hbm>> -> memref<120x300xf32, #tpu.memory_space<hbm>>
      tpu.wait_dma2 semaphore(%arg17 : memref<!tpu.dma_semaphore, #tpu.memory_space<semaphore_mem>>) src(%arg11 : memref<120x300xf32, #tpu.memory_space<vmem>>) dst(%dma_wait3A_187 : memref<120x300xf32, #tpu.memory_space<hbm>>)
      %dma_start3A_188 = arith.constant 0 : i32
      %dma_start3A_189 = arith.constant 0 : i32
      %dma_start3A_190 = tpu.memref_slice %arg11[%dma_start3A_188, %dma_start3A_189] : memref<120x300xf32, #tpu.memory_space<vmem>> -> memref<72x256xf32, #tpu.memory_space<vmem>>
      %dma_start3A_191 = tpu.memref_slice %arg7[%add3A_160] : memref<2560xi32, #tpu.memory_space<vmem>> -> memref<72xi32, #tpu.memory_space<vmem>>
      %dma_start3A_192 = arith.constant 0 : i32
      %dma_start3A_193 = arith.constant 0 : i32
      %dma_start3A_194 = tpu.memref_slice %arg5[%dma_start3A_192, %dma_start3A_193] : memref<1000000x300xf32, #tpu.memory_space<hbm>> -> memref<1000000x256xf32, #tpu.memory_space<hbm>>
      tpu.enqueue_indirect_dma source(%dma_start3A_194 : memref<1000000x256xf32, #tpu.memory_space<hbm>>) target(%dma_start3A_190 : memref<72x256xf32, #tpu.memory_space<vmem>>) offsets(%dma_start3A_191 : memref<72xi32, #tpu.memory_space<vmem>>) semaphore(%arg15 : memref<!tpu.dma_semaphore, #tpu.memory_space<semaphore_mem>>)
      %dma_start3A_195 = tpu.memref_slice %arg7[%add3A_160] : memref<2560xi32, #tpu.memory_space<vmem>> -> memref<72xi32, #tpu.memory_space<vmem>>
      %dma_start3A_196 = arith.constant 0 : i32
      %dma_start3A_197 = arith.constant 0 : i32
      %dma_start3A_198 = tpu.memref_slice %arg4[%dma_start3A_196, %dma_start3A_197] : memref<1000000x128xf32, #tpu.memory_space<hbm>> -> memref<1000000x128xf32, #tpu.memory_space<hbm>>
      tpu.enqueue_indirect_dma source(%dma_start3A_198 : memref<1000000x128xf32, #tpu.memory_space<hbm>>) target(%arg12 : memref<72x128xf32, #tpu.memory_space<vmem>>) offsets(%dma_start3A_195 : memref<72xi32, #tpu.memory_space<vmem>>) semaphore(%arg15 : memref<!tpu.dma_semaphore, #tpu.memory_space<semaphore_mem>>)
      %dma_wait3A_199 = arith.constant 0 : i32
      %dma_wait3A_200 = arith.constant 0 : i32
      %dma_wait3A_201 = tpu.memref_slice %arg9[%dma_wait3A_199, %dma_wait3A_200] : memref<80x300xf32, #tpu.memory_space<vmem>> -> memref<80x256xf32, #tpu.memory_space<vmem>>
      %dma_wait3A_202 = tpu.memref_slice %arg7[%mul3A_158] : memref<2560xi32, #tpu.memory_space<vmem>> -> memref<80xi32, #tpu.memory_space<vmem>>
      %dma_wait3A_203 = arith.constant 0 : i32
      %dma_wait3A_204 = arith.constant 0 : i32
      %dma_wait3A_205 = tpu.memref_slice %arg5[%dma_wait3A_203, %dma_wait3A_204] : memref<1000000x300xf32, #tpu.memory_space<hbm>> -> memref<1000000x256xf32, #tpu.memory_space<hbm>>
      tpu.wait_indirect_dma semaphore(%arg14 : memref<!tpu.dma_semaphore, #tpu.memory_space<semaphore_mem>>) src(%dma_wait3A_205 : memref<1000000x256xf32, #tpu.memory_space<hbm>>) dst(%dma_wait3A_201 : memref<80x256xf32, #tpu.memory_space<vmem>>)
      %dma_wait3A_206 = tpu.memref_slice %arg7[%mul3A_158] : memref<2560xi32, #tpu.memory_space<vmem>> -> memref<80xi32, #tpu.memory_space<vmem>>
      %dma_wait3A_207 = arith.constant 0 : i32
      %dma_wait3A_208 = arith.constant 0 : i32
      %dma_wait3A_209 = tpu.memref_slice %arg4[%dma_wait3A_207, %dma_wait3A_208] : memref<1000000x128xf32, #tpu.memory_space<hbm>> -> memref<1000000x128xf32, #tpu.memory_space<hbm>>
      tpu.wait_indirect_dma semaphore(%arg14 : memref<!tpu.dma_semaphore, #tpu.memory_space<semaphore_mem>>) src(%dma_wait3A_209 : memref<1000000x128xf32, #tpu.memory_space<hbm>>) dst(%arg10 : memref<80x128xf32, #tpu.memory_space<vmem>>)
      %iota3A = tpu.iota {dimensions = array<i32: 0>} : vector<16xi32>
      %scan3A_210 = arith.constant 0 : i32
      %scan3A_211 = arith.constant 0 : i32
      %scan3A_212 = arith.constant 80 : i32
      %scan3A_213 = arith.addi %scan3A_211, %scan3A_212 : i32
      %scan3A_214 = arith.constant 1 : i32
      scf.for %scan3A_402 = %scan3A_211 to %scan3A_213 step %scan3A_214  : i32 {
        %broadcast_in_dim3A_403 = vector.broadcast %scan3A_402 : i32 to vector<16xi32>
        %add3A_404 = arith.constant 84 : i32
        %add3A_405 = vector.broadcast %add3A_404 : i32 to vector<16xi32>
        %add3A_406 = arith.addi %iota3A, %add3A_405 : vector<16xi32>
        %gather3A = tpu.vector_load_idx %arg10[%broadcast_in_dim3A_403, %add3A_406] : memref<80x128xf32, #tpu.memory_space<vmem>>[vector<16xi32>, vector<16xi32>], vector<16xf32>,
        %add3A_407 = arith.constant 256 : i32
        %add3A_408 = vector.broadcast %add3A_407 : i32 to vector<16xi32>
        %add3A_409 = arith.addi %iota3A, %add3A_408 : vector<16xi32>
        tpu.vector_store_idx %arg9[%broadcast_in_dim3A_403, %add3A_409], %gather3A : memref<80x300xf32, #tpu.memory_space<vmem>>[vector<16xi32>, vector<16xi32>], vector<16xf32>,
        %add3A_410 = arith.constant 100 : i32
        %add3A_411 = vector.broadcast %add3A_410 : i32 to vector<16xi32>
        %add3A_412 = arith.addi %iota3A, %add3A_411 : vector<16xi32>
        %gather3A_413 = tpu.vector_load_idx %arg10[%broadcast_in_dim3A_403, %add3A_412] : memref<80x128xf32, #tpu.memory_space<vmem>>[vector<16xi32>, vector<16xi32>], vector<16xf32>,
        %add3A_414 = arith.constant 272 : i32
        %add3A_415 = vector.broadcast %add3A_414 : i32 to vector<16xi32>
        %add3A_416 = arith.addi %iota3A, %add3A_415 : vector<16xi32>
        tpu.vector_store_idx %arg9[%broadcast_in_dim3A_403, %add3A_416], %gather3A_413 : memref<80x300xf32, #tpu.memory_space<vmem>>[vector<16xi32>, vector<16xi32>], vector<16xf32>,
        %add3A_417 = arith.constant 112 : i32
        %add3A_418 = vector.broadcast %add3A_417 : i32 to vector<16xi32>
        %add3A_419 = arith.addi %iota3A, %add3A_418 : vector<16xi32>
        %gather3A_420 = tpu.vector_load_idx %arg10[%broadcast_in_dim3A_403, %add3A_419] : memref<80x128xf32, #tpu.memory_space<vmem>>[vector<16xi32>, vector<16xi32>], vector<16xf32>,
        %add3A_421 = arith.constant 284 : i32
        %add3A_422 = vector.broadcast %add3A_421 : i32 to vector<16xi32>
        %add3A_423 = arith.addi %iota3A, %add3A_422 : vector<16xi32>
        tpu.vector_store_idx %arg9[%broadcast_in_dim3A_403, %add3A_423], %gather3A_420 : memref<80x300xf32, #tpu.memory_space<vmem>>[vector<16xi32>, vector<16xi32>], vector<16xf32>,
      }
      %scan3A_215 = arith.constant 80 : i32
      %dma_start3A_216 = arith.constant 0 : i32
      %dma_start3A_217 = arith.constant 0 : i32
      %dma_start3A_218 = tpu.memref_slice %arg6[%add3A_156, %dma_start3A_216, %dma_start3A_217] : memref<4096x200x300xf32, #tpu.memory_space<hbm>> -> memref<1x80x300xf32, #tpu.memory_space<hbm>>
      %dma_start3A_219 = tpu.memref_squeeze %dma_start3A_218 : memref<1x80x300xf32, #tpu.memory_space<hbm>> -> memref<80x300xf32, #tpu.memory_space<hbm>>
      %dma_start3A_220 = arith.constant 0 : i32
      %dma_start3A_221 = arith.constant 0 : i32
      %dma_start3A_222 = tpu.memref_slice %arg6[%add3A_156, %dma_start3A_220, %dma_start3A_221] : memref<4096x200x300xf32, #tpu.memory_space<hbm>> -> memref<1x80x300xf32, #tpu.memory_space<hbm>>
      %dma_start3A_223 = tpu.memref_squeeze %dma_start3A_222 : memref<1x80x300xf32, #tpu.memory_space<hbm>> -> memref<80x300xf32, #tpu.memory_space<hbm>>
      tpu.enqueue_dma source(%arg9 : memref<80x300xf32, #tpu.memory_space<vmem>>) target(%dma_start3A_223 : memref<80x300xf32, #tpu.memory_space<hbm>>) target_semaphore(%arg16 : memref<!tpu.dma_semaphore, #tpu.memory_space<semaphore_mem>>)
      %dma_wait3A_224 = arith.constant 0 : i32
      %dma_wait3A_225 = arith.constant 0 : i32
      %dma_wait3A_226 = tpu.memref_slice %arg11[%dma_wait3A_224, %dma_wait3A_225] : memref<120x300xf32, #tpu.memory_space<vmem>> -> memref<72x256xf32, #tpu.memory_space<vmem>>
      %dma_wait3A_227 = tpu.memref_slice %arg7[%add3A_160] : memref<2560xi32, #tpu.memory_space<vmem>> -> memref<72xi32, #tpu.memory_space<vmem>>
      %dma_wait3A_228 = arith.constant 0 : i32
      %dma_wait3A_229 = arith.constant 0 : i32
      %dma_wait3A_230 = tpu.memref_slice %arg5[%dma_wait3A_228, %dma_wait3A_229] : memref<1000000x300xf32, #tpu.memory_space<hbm>> -> memref<1000000x256xf32, #tpu.memory_space<hbm>>
      tpu.wait_indirect_dma semaphore(%arg15 : memref<!tpu.dma_semaphore, #tpu.memory_space<semaphore_mem>>) src(%dma_wait3A_230 : memref<1000000x256xf32, #tpu.memory_space<hbm>>) dst(%dma_wait3A_226 : memref<72x256xf32, #tpu.memory_space<vmem>>)
      %dma_wait3A_231 = tpu.memref_slice %arg7[%add3A_160] : memref<2560xi32, #tpu.memory_space<vmem>> -> memref<72xi32, #tpu.memory_space<vmem>>
      %dma_wait3A_232 = arith.constant 0 : i32
      %dma_wait3A_233 = arith.constant 0 : i32
      %dma_wait3A_234 = tpu.memref_slice %arg4[%dma_wait3A_232, %dma_wait3A_233] : memref<1000000x128xf32, #tpu.memory_space<hbm>> -> memref<1000000x128xf32, #tpu.memory_space<hbm>>
      tpu.wait_indirect_dma semaphore(%arg15 : memref<!tpu.dma_semaphore, #tpu.memory_space<semaphore_mem>>) src(%dma_wait3A_234 : memref<1000000x128xf32, #tpu.memory_space<hbm>>) dst(%arg12 : memref<72x128xf32, #tpu.memory_space<vmem>>)
      %iota3A_235 = tpu.iota {dimensions = array<i32: 0>} : vector<16xi32>
      %scan3A_236 = arith.constant 0 : i32
      %scan3A_237 = arith.constant 0 : i32
      %scan3A_238 = arith.constant 70 : i32
      %scan3A_239 = arith.addi %scan3A_237, %scan3A_238 : i32
      %scan3A_240 = arith.constant 1 : i32
      scf.for %scan3A_402 = %scan3A_237 to %scan3A_239 step %scan3A_240  : i32 {
        %broadcast_in_dim3A_403 = vector.broadcast %scan3A_402 : i32 to vector<16xi32>
        %add3A_404 = arith.constant 84 : i32
        %add3A_405 = vector.broadcast %add3A_404 : i32 to vector<16xi32>
        %add3A_406 = arith.addi %iota3A_235, %add3A_405 : vector<16xi32>
        %gather3A = tpu.vector_load_idx %arg12[%broadcast_in_dim3A_403, %add3A_406] : memref<72x128xf32, #tpu.memory_space<vmem>>[vector<16xi32>, vector<16xi32>], vector<16xf32>,
        %add3A_407 = arith.constant 256 : i32
        %add3A_408 = vector.broadcast %add3A_407 : i32 to vector<16xi32>
        %add3A_409 = arith.addi %iota3A_235, %add3A_408 : vector<16xi32>
        tpu.vector_store_idx %arg11[%broadcast_in_dim3A_403, %add3A_409], %gather3A : memref<120x300xf32, #tpu.memory_space<vmem>>[vector<16xi32>, vector<16xi32>], vector<16xf32>,
        %add3A_410 = arith.constant 100 : i32
        %add3A_411 = vector.broadcast %add3A_410 : i32 to vector<16xi32>
        %add3A_412 = arith.addi %iota3A_235, %add3A_411 : vector<16xi32>
        %gather3A_413 = tpu.vector_load_idx %arg12[%broadcast_in_dim3A_403, %add3A_412] : memref<72x128xf32, #tpu.memory_space<vmem>>[vector<16xi32>, vector<16xi32>], vector<16xf32>,
        %add3A_414 = arith.constant 272 : i32
        %add3A_415 = vector.broadcast %add3A_414 : i32 to vector<16xi32>
        %add3A_416 = arith.addi %iota3A_235, %add3A_415 : vector<16xi32>
        tpu.vector_store_idx %arg11[%broadcast_in_dim3A_403, %add3A_416], %gather3A_413 : memref<120x300xf32, #tpu.memory_space<vmem>>[vector<16xi32>, vector<16xi32>], vector<16xf32>,
        %add3A_417 = arith.constant 112 : i32
        %add3A_418 = vector.broadcast %add3A_417 : i32 to vector<16xi32>
        %add3A_419 = arith.addi %iota3A_235, %add3A_418 : vector<16xi32>
        %gather3A_420 = tpu.vector_load_idx %arg12[%broadcast_in_dim3A_403, %add3A_419] : memref<72x128xf32, #tpu.memory_space<vmem>>[vector<16xi32>, vector<16xi32>], vector<16xf32>,
        %add3A_421 = arith.constant 284 : i32
        %add3A_422 = vector.broadcast %add3A_421 : i32 to vector<16xi32>
        %add3A_423 = arith.addi %iota3A_235, %add3A_422 : vector<16xi32>
        tpu.vector_store_idx %arg11[%broadcast_in_dim3A_403, %add3A_423], %gather3A_420 : memref<120x300xf32, #tpu.memory_space<vmem>>[vector<16xi32>, vector<16xi32>], vector<16xf32>,
      }
      %scan3A_241 = arith.constant 70 : i32
      %broadcast_in_dim3A = arith.constant 0.000000e+00 : f32
      %broadcast_in_dim3A_242 = vector.broadcast %broadcast_in_dim3A : f32 to vector<16xf32>
      %swap3A = arith.constant 70 : i32
      %swap3A_243 = arith.index_cast %swap3A : i32 to index
      %swap3A_244 = arith.constant 0 : index
      %swap3A_245 = tpu.vector_load %arg11[%swap3A_243, %swap3A_244] {strides = array<i32>} : memref<120x300xf32, #tpu.memory_space<vmem>>, vector<16xf32>,
      tpu.vector_store %arg11[%swap3A_243, %swap3A_244], %broadcast_in_dim3A_242 {strides = array<i32>} : memref<120x300xf32, #tpu.memory_space<vmem>>, vector<16xf32>,
      %swap3A_246 = arith.constant 70 : i32
      %swap3A_247 = arith.index_cast %swap3A_246 : i32 to index
      %swap3A_248 = arith.constant 16 : index
      %swap3A_249 = tpu.vector_load %arg11[%swap3A_247, %swap3A_248] {strides = array<i32>} : memref<120x300xf32, #tpu.memory_space<vmem>>, vector<16xf32>,
      tpu.vector_store %arg11[%swap3A_247, %swap3A_248], %broadcast_in_dim3A_242 {strides = array<i32>} : memref<120x300xf32, #tpu.memory_space<vmem>>, vector<16xf32>,
      %swap3A_250 = arith.constant 70 : i32
      %swap3A_251 = arith.index_cast %swap3A_250 : i32 to index
      %swap3A_252 = arith.constant 32 : index
      %swap3A_253 = tpu.vector_load %arg11[%swap3A_251, %swap3A_252] {strides = array<i32>} : memref<120x300xf32, #tpu.memory_space<vmem>>, vector<16xf32>,
      tpu.vector_store %arg11[%swap3A_251, %swap3A_252], %broadcast_in_dim3A_242 {strides = array<i32>} : memref<120x300xf32, #tpu.memory_space<vmem>>, vector<16xf32>,
      %swap3A_254 = arith.constant 70 : i32
      %swap3A_255 = arith.index_cast %swap3A_254 : i32 to index
      %swap3A_256 = arith.constant 48 : index
      %swap3A_257 = tpu.vector_load %arg11[%swap3A_255, %swap3A_256] {strides = array<i32>} : memref<120x300xf32, #tpu.memory_space<vmem>>, vector<16xf32>,
      tpu.vector_store %arg11[%swap3A_255, %swap3A_256], %broadcast_in_dim3A_242 {strides = array<i32>} : memref<120x300xf32, #tpu.memory_space<vmem>>, vector<16xf32>,
      %swap3A_258 = arith.constant 70 : i32
      %swap3A_259 = arith.index_cast %swap3A_258 : i32 to index
      %swap3A_260 = arith.constant 64 : index
      %swap3A_261 = tpu.vector_load %arg11[%swap3A_259, %swap3A_260] {strides = array<i32>} : memref<120x300xf32, #tpu.memory_space<vmem>>, vector<16xf32>,
      tpu.vector_store %arg11[%swap3A_259, %swap3A_260], %broadcast_in_dim3A_242 {strides = array<i32>} : memref<120x300xf32, #tpu.memory_space<vmem>>, vector<16xf32>,
      %swap3A_262 = arith.constant 70 : i32
      %swap3A_263 = arith.index_cast %swap3A_262 : i32 to index
      %swap3A_264 = arith.constant 80 : index
      %swap3A_265 = tpu.vector_load %arg11[%swap3A_263, %swap3A_264] {strides = array<i32>} : memref<120x300xf32, #tpu.memory_space<vmem>>, vector<16xf32>,
      tpu.vector_store %arg11[%swap3A_263, %swap3A_264], %broadcast_in_dim3A_242 {strides = array<i32>} : memref<120x300xf32, #tpu.memory_space<vmem>>, vector<16xf32>,
      %swap3A_266 = arith.constant 70 : i32
      %swap3A_267 = arith.index_cast %swap3A_266 : i32 to index
      %swap3A_268 = arith.constant 96 : index
      %swap3A_269 = tpu.vector_load %arg11[%swap3A_267, %swap3A_268] {strides = array<i32>} : memref<120x300xf32, #tpu.memory_space<vmem>>, vector<16xf32>,
      tpu.vector_store %arg11[%swap3A_267, %swap3A_268], %broadcast_in_dim3A_242 {strides = array<i32>} : memref<120x300xf32, #tpu.memory_space<vmem>>, vector<16xf32>,
      %swap3A_270 = arith.constant 70 : i32
      %swap3A_271 = arith.index_cast %swap3A_270 : i32 to index
      %swap3A_272 = arith.constant 112 : index
      %swap3A_273 = tpu.vector_load %arg11[%swap3A_271, %swap3A_272] {strides = array<i32>} : memref<120x300xf32, #tpu.memory_space<vmem>>, vector<16xf32>,
      tpu.vector_store %arg11[%swap3A_271, %swap3A_272], %broadcast_in_dim3A_242 {strides = array<i32>} : memref<120x300xf32, #tpu.memory_space<vmem>>, vector<16xf32>,
      %swap3A_274 = arith.constant 70 : i32
      %swap3A_275 = arith.index_cast %swap3A_274 : i32 to index
      %swap3A_276 = arith.constant 128 : index
      %swap3A_277 = tpu.vector_load %arg11[%swap3A_275, %swap3A_276] {strides = array<i32>} : memref<120x300xf32, #tpu.memory_space<vmem>>, vector<16xf32>,
      tpu.vector_store %arg11[%swap3A_275, %swap3A_276], %broadcast_in_dim3A_242 {strides = array<i32>} : memref<120x300xf32, #tpu.memory_space<vmem>>, vector<16xf32>,
      %swap3A_278 = arith.constant 70 : i32
      %swap3A_279 = arith.index_cast %swap3A_278 : i32 to index
      %swap3A_280 = arith.constant 144 : index
      %swap3A_281 = tpu.vector_load %arg11[%swap3A_279, %swap3A_280] {strides = array<i32>} : memref<120x300xf32, #tpu.memory_space<vmem>>, vector<16xf32>,
      tpu.vector_store %arg11[%swap3A_279, %swap3A_280], %broadcast_in_dim3A_242 {strides = array<i32>} : memref<120x300xf32, #tpu.memory_space<vmem>>, vector<16xf32>,
      %swap3A_282 = arith.constant 70 : i32
      %swap3A_283 = arith.index_cast %swap3A_282 : i32 to index
      %swap3A_284 = arith.constant 160 : index
      %swap3A_285 = tpu.vector_load %arg11[%swap3A_283, %swap3A_284] {strides = array<i32>} : memref<120x300xf32, #tpu.memory_space<vmem>>, vector<16xf32>,
      tpu.vector_store %arg11[%swap3A_283, %swap3A_284], %broadcast_in_dim3A_242 {strides = array<i32>} : memref<120x300xf32, #tpu.memory_space<vmem>>, vector<16xf32>,
      %swap3A_286 = arith.constant 70 : i32
      %swap3A_287 = arith.index_cast %swap3A_286 : i32 to index
      %swap3A_288 = arith.constant 176 : index
      %swap3A_289 = tpu.vector_load %arg11[%swap3A_287, %swap3A_288] {strides = array<i32>} : memref<120x300xf32, #tpu.memory_space<vmem>>, vector<16xf32>,
      tpu.vector_store %arg11[%swap3A_287, %swap3A_288], %broadcast_in_dim3A_242 {strides = array<i32>} : memref<120x300xf32, #tpu.memory_space<vmem>>, vector<16xf32>,
      %swap3A_290 = arith.constant 70 : i32
      %swap3A_291 = arith.index_cast %swap3A_290 : i32 to index
      %swap3A_292 = arith.constant 192 : index
      %swap3A_293 = tpu.vector_load %arg11[%swap3A_291, %swap3A_292] {strides = array<i32>} : memref<120x300xf32, #tpu.memory_space<vmem>>, vector<16xf32>,
      tpu.vector_store %arg11[%swap3A_291, %swap3A_292], %broadcast_in_dim3A_242 {strides = array<i32>} : memref<120x300xf32, #tpu.memory_space<vmem>>, vector<16xf32>,
      %swap3A_294 = arith.constant 70 : i32
      %swap3A_295 = arith.index_cast %swap3A_294 : i32 to index
      %swap3A_296 = arith.constant 208 : index
      %swap3A_297 = tpu.vector_load %arg11[%swap3A_295, %swap3A_296] {strides = array<i32>} : memref<120x300xf32, #tpu.memory_space<vmem>>, vector<16xf32>,
      tpu.vector_store %arg11[%swap3A_295, %swap3A_296], %broadcast_in_dim3A_242 {strides = array<i32>} : memref<120x300xf32, #tpu.memory_space<vmem>>, vector<16xf32>,
      %swap3A_298 = arith.constant 70 : i32
      %swap3A_299 = arith.index_cast %swap3A_298 : i32 to index
      %swap3A_300 = arith.constant 224 : index
      %swap3A_301 = tpu.vector_load %arg11[%swap3A_299, %swap3A_300] {strides = array<i32>} : memref<120x300xf32, #tpu.memory_space<vmem>>, vector<16xf32>,
      tpu.vector_store %arg11[%swap3A_299, %swap3A_300], %broadcast_in_dim3A_242 {strides = array<i32>} : memref<120x300xf32, #tpu.memory_space<vmem>>, vector<16xf32>,
      %swap3A_302 = arith.constant 70 : i32
      %swap3A_303 = arith.index_cast %swap3A_302 : i32 to index
      %swap3A_304 = arith.constant 240 : index
      %swap3A_305 = tpu.vector_load %arg11[%swap3A_303, %swap3A_304] {strides = array<i32>} : memref<120x300xf32, #tpu.memory_space<vmem>>, vector<16xf32>,
      tpu.vector_store %arg11[%swap3A_303, %swap3A_304], %broadcast_in_dim3A_242 {strides = array<i32>} : memref<120x300xf32, #tpu.memory_space<vmem>>, vector<16xf32>,
      %swap3A_306 = arith.constant 70 : i32
      %swap3A_307 = arith.index_cast %swap3A_306 : i32 to index
      %swap3A_308 = arith.constant 256 : index
      %swap3A_309 = tpu.vector_load %arg11[%swap3A_307, %swap3A_308] {strides = array<i32>} : memref<120x300xf32, #tpu.memory_space<vmem>>, vector<16xf32>,
      tpu.vector_store %arg11[%swap3A_307, %swap3A_308], %broadcast_in_dim3A_242 {strides = array<i32>} : memref<120x300xf32, #tpu.memory_space<vmem>>, vector<16xf32>,
      %swap3A_310 = arith.constant 70 : i32
      %swap3A_311 = arith.index_cast %swap3A_310 : i32 to index
      %swap3A_312 = arith.constant 272 : index
      %swap3A_313 = tpu.vector_load %arg11[%swap3A_311, %swap3A_312] {strides = array<i32>} : memref<120x300xf32, #tpu.memory_space<vmem>>, vector<16xf32>,
      tpu.vector_store %arg11[%swap3A_311, %swap3A_312], %broadcast_in_dim3A_242 {strides = array<i32>} : memref<120x300xf32, #tpu.memory_space<vmem>>, vector<16xf32>,
      %swap3A_314 = arith.constant 70 : i32
      %swap3A_315 = arith.index_cast %swap3A_314 : i32 to index
      %swap3A_316 = arith.constant 284 : index
      %swap3A_317 = tpu.vector_load %arg11[%swap3A_315, %swap3A_316] {strides = array<i32>} : memref<120x300xf32, #tpu.memory_space<vmem>>, vector<16xf32>,
      tpu.vector_store %arg11[%swap3A_315, %swap3A_316], %broadcast_in_dim3A_242 {strides = array<i32>} : memref<120x300xf32, #tpu.memory_space<vmem>>, vector<16xf32>,
      %swap3A_318 = arith.constant 71 : i32
      %swap3A_319 = arith.index_cast %swap3A_318 : i32 to index
      %swap3A_320 = arith.constant 0 : index
      %swap3A_321 = tpu.vector_load %arg11[%swap3A_319, %swap3A_320] {strides = array<i32>} : memref<120x300xf32, #tpu.memory_space<vmem>>, vector<16xf32>,
      tpu.vector_store %arg11[%swap3A_319, %swap3A_320], %broadcast_in_dim3A_242 {strides = array<i32>} : memref<120x300xf32, #tpu.memory_space<vmem>>, vector<16xf32>,
      %swap3A_322 = arith.constant 71 : i32
      %swap3A_323 = arith.index_cast %swap3A_322 : i32 to index
      %swap3A_324 = arith.constant 16 : index
      %swap3A_325 = tpu.vector_load %arg11[%swap3A_323, %swap3A_324] {strides = array<i32>} : memref<120x300xf32, #tpu.memory_space<vmem>>, vector<16xf32>,
      tpu.vector_store %arg11[%swap3A_323, %swap3A_324], %broadcast_in_dim3A_242 {strides = array<i32>} : memref<120x300xf32, #tpu.memory_space<vmem>>, vector<16xf32>,
      %swap3A_326 = arith.constant 71 : i32
      %swap3A_327 = arith.index_cast %swap3A_326 : i32 to index
      %swap3A_328 = arith.constant 32 : index
      %swap3A_329 = tpu.vector_load %arg11[%swap3A_327, %swap3A_328] {strides = array<i32>} : memref<120x300xf32, #tpu.memory_space<vmem>>, vector<16xf32>,
      tpu.vector_store %arg11[%swap3A_327, %swap3A_328], %broadcast_in_dim3A_242 {strides = array<i32>} : memref<120x300xf32, #tpu.memory_space<vmem>>, vector<16xf32>,
      %swap3A_330 = arith.constant 71 : i32
      %swap3A_331 = arith.index_cast %swap3A_330 : i32 to index
      %swap3A_332 = arith.constant 48 : index
      %swap3A_333 = tpu.vector_load %arg11[%swap3A_331, %swap3A_332] {strides = array<i32>} : memref<120x300xf32, #tpu.memory_space<vmem>>, vector<16xf32>,
      tpu.vector_store %arg11[%swap3A_331, %swap3A_332], %broadcast_in_dim3A_242 {strides = array<i32>} : memref<120x300xf32, #tpu.memory_space<vmem>>, vector<16xf32>,
      %swap3A_334 = arith.constant 71 : i32
      %swap3A_335 = arith.index_cast %swap3A_334 : i32 to index
      %swap3A_336 = arith.constant 64 : index
      %swap3A_337 = tpu.vector_load %arg11[%swap3A_335, %swap3A_336] {strides = array<i32>} : memref<120x300xf32, #tpu.memory_space<vmem>>, vector<16xf32>,
      tpu.vector_store %arg11[%swap3A_335, %swap3A_336], %broadcast_in_dim3A_242 {strides = array<i32>} : memref<120x300xf32, #tpu.memory_space<vmem>>, vector<16xf32>,
      %swap3A_338 = arith.constant 71 : i32
      %swap3A_339 = arith.index_cast %swap3A_338 : i32 to index
      %swap3A_340 = arith.constant 80 : index
      %swap3A_341 = tpu.vector_load %arg11[%swap3A_339, %swap3A_340] {strides = array<i32>} : memref<120x300xf32, #tpu.memory_space<vmem>>, vector<16xf32>,
      tpu.vector_store %arg11[%swap3A_339, %swap3A_340], %broadcast_in_dim3A_242 {strides = array<i32>} : memref<120x300xf32, #tpu.memory_space<vmem>>, vector<16xf32>,
      %swap3A_342 = arith.constant 71 : i32
      %swap3A_343 = arith.index_cast %swap3A_342 : i32 to index
      %swap3A_344 = arith.constant 96 : index
      %swap3A_345 = tpu.vector_load %arg11[%swap3A_343, %swap3A_344] {strides = array<i32>} : memref<120x300xf32, #tpu.memory_space<vmem>>, vector<16xf32>,
      tpu.vector_store %arg11[%swap3A_343, %swap3A_344], %broadcast_in_dim3A_242 {strides = array<i32>} : memref<120x300xf32, #tpu.memory_space<vmem>>, vector<16xf32>,
      %swap3A_346 = arith.constant 71 : i32
      %swap3A_347 = arith.index_cast %swap3A_346 : i32 to index
      %swap3A_348 = arith.constant 112 : index
      %swap3A_349 = tpu.vector_load %arg11[%swap3A_347, %swap3A_348] {strides = array<i32>} : memref<120x300xf32, #tpu.memory_space<vmem>>, vector<16xf32>,
      tpu.vector_store %arg11[%swap3A_347, %swap3A_348], %broadcast_in_dim3A_242 {strides = array<i32>} : memref<120x300xf32, #tpu.memory_space<vmem>>, vector<16xf32>,
      %swap3A_350 = arith.constant 71 : i32
      %swap3A_351 = arith.index_cast %swap3A_350 : i32 to index
      %swap3A_352 = arith.constant 128 : index
      %swap3A_353 = tpu.vector_load %arg11[%swap3A_351, %swap3A_352] {strides = array<i32>} : memref<120x300xf32, #tpu.memory_space<vmem>>, vector<16xf32>,
      tpu.vector_store %arg11[%swap3A_351, %swap3A_352], %broadcast_in_dim3A_242 {strides = array<i32>} : memref<120x300xf32, #tpu.memory_space<vmem>>, vector<16xf32>,
      %swap3A_354 = arith.constant 71 : i32
      %swap3A_355 = arith.index_cast %swap3A_354 : i32 to index
      %swap3A_356 = arith.constant 144 : index
      %swap3A_357 = tpu.vector_load %arg11[%swap3A_355, %swap3A_356] {strides = array<i32>} : memref<120x300xf32, #tpu.memory_space<vmem>>, vector<16xf32>,
      tpu.vector_store %arg11[%swap3A_355, %swap3A_356], %broadcast_in_dim3A_242 {strides = array<i32>} : memref<120x300xf32, #tpu.memory_space<vmem>>, vector<16xf32>,
      %swap3A_358 = arith.constant 71 : i32
      %swap3A_359 = arith.index_cast %swap3A_358 : i32 to index
      %swap3A_360 = arith.constant 160 : index
      %swap3A_361 = tpu.vector_load %arg11[%swap3A_359, %swap3A_360] {strides = array<i32>} : memref<120x300xf32, #tpu.memory_space<vmem>>, vector<16xf32>,
      tpu.vector_store %arg11[%swap3A_359, %swap3A_360], %broadcast_in_dim3A_242 {strides = array<i32>} : memref<120x300xf32, #tpu.memory_space<vmem>>, vector<16xf32>,
      %swap3A_362 = arith.constant 71 : i32
      %swap3A_363 = arith.index_cast %swap3A_362 : i32 to index
      %swap3A_364 = arith.constant 176 : index
      %swap3A_365 = tpu.vector_load %arg11[%swap3A_363, %swap3A_364] {strides = array<i32>} : memref<120x300xf32, #tpu.memory_space<vmem>>, vector<16xf32>,
      tpu.vector_store %arg11[%swap3A_363, %swap3A_364], %broadcast_in_dim3A_242 {strides = array<i32>} : memref<120x300xf32, #tpu.memory_space<vmem>>, vector<16xf32>,
      %swap3A_366 = arith.constant 71 : i32
      %swap3A_367 = arith.index_cast %swap3A_366 : i32 to index
      %swap3A_368 = arith.constant 192 : index
      %swap3A_369 = tpu.vector_load %arg11[%swap3A_367, %swap3A_368] {strides = array<i32>} : memref<120x300xf32, #tpu.memory_space<vmem>>, vector<16xf32>,
      tpu.vector_store %arg11[%swap3A_367, %swap3A_368], %broadcast_in_dim3A_242 {strides = array<i32>} : memref<120x300xf32, #tpu.memory_space<vmem>>, vector<16xf32>,
      %swap3A_370 = arith.constant 71 : i32
      %swap3A_371 = arith.index_cast %swap3A_370 : i32 to index
      %swap3A_372 = arith.constant 208 : index
      %swap3A_373 = tpu.vector_load %arg11[%swap3A_371, %swap3A_372] {strides = array<i32>} : memref<120x300xf32, #tpu.memory_space<vmem>>, vector<16xf32>,
      tpu.vector_store %arg11[%swap3A_371, %swap3A_372], %broadcast_in_dim3A_242 {strides = array<i32>} : memref<120x300xf32, #tpu.memory_space<vmem>>, vector<16xf32>,
      %swap3A_374 = arith.constant 71 : i32
      %swap3A_375 = arith.index_cast %swap3A_374 : i32 to index
      %swap3A_376 = arith.constant 224 : index
      %swap3A_377 = tpu.vector_load %arg11[%swap3A_375, %swap3A_376] {strides = array<i32>} : memref<120x300xf32, #tpu.memory_space<vmem>>, vector<16xf32>,
      tpu.vector_store %arg11[%swap3A_375, %swap3A_376], %broadcast_in_dim3A_242 {strides = array<i32>} : memref<120x300xf32, #tpu.memory_space<vmem>>, vector<16xf32>,
      %swap3A_378 = arith.constant 71 : i32
      %swap3A_379 = arith.index_cast %swap3A_378 : i32 to index
      %swap3A_380 = arith.constant 240 : index
      %swap3A_381 = tpu.vector_load %arg11[%swap3A_379, %swap3A_380] {strides = array<i32>} : memref<120x300xf32, #tpu.memory_space<vmem>>, vector<16xf32>,
      tpu.vector_store %arg11[%swap3A_379, %swap3A_380], %broadcast_in_dim3A_242 {strides = array<i32>} : memref<120x300xf32, #tpu.memory_space<vmem>>, vector<16xf32>,
      %swap3A_382 = arith.constant 71 : i32
      %swap3A_383 = arith.index_cast %swap3A_382 : i32 to index
      %swap3A_384 = arith.constant 256 : index
      %swap3A_385 = tpu.vector_load %arg11[%swap3A_383, %swap3A_384] {strides = array<i32>} : memref<120x300xf32, #tpu.memory_space<vmem>>, vector<16xf32>,
      tpu.vector_store %arg11[%swap3A_383, %swap3A_384], %broadcast_in_dim3A_242 {strides = array<i32>} : memref<120x300xf32, #tpu.memory_space<vmem>>, vector<16xf32>,
      %swap3A_386 = arith.constant 71 : i32
      %swap3A_387 = arith.index_cast %swap3A_386 : i32 to index
      %swap3A_388 = arith.constant 272 : index
      %swap3A_389 = tpu.vector_load %arg11[%swap3A_387, %swap3A_388] {strides = array<i32>} : memref<120x300xf32, #tpu.memory_space<vmem>>, vector<16xf32>,
      tpu.vector_store %arg11[%swap3A_387, %swap3A_388], %broadcast_in_dim3A_242 {strides = array<i32>} : memref<120x300xf32, #tpu.memory_space<vmem>>, vector<16xf32>,
      %swap3A_390 = arith.constant 71 : i32
      %swap3A_391 = arith.index_cast %swap3A_390 : i32 to index
      %swap3A_392 = arith.constant 284 : index
      %swap3A_393 = tpu.vector_load %arg11[%swap3A_391, %swap3A_392] {strides = array<i32>} : memref<120x300xf32, #tpu.memory_space<vmem>>, vector<16xf32>,
      tpu.vector_store %arg11[%swap3A_391, %swap3A_392], %broadcast_in_dim3A_242 {strides = array<i32>} : memref<120x300xf32, #tpu.memory_space<vmem>>, vector<16xf32>,
      %dma_start3A_394 = arith.constant 80 : i32
      %dma_start3A_395 = arith.constant 0 : i32
      %dma_start3A_396 = tpu.memref_slice %arg6[%add3A_156, %dma_start3A_394, %dma_start3A_395] : memref<4096x200x300xf32, #tpu.memory_space<hbm>> -> memref<1x120x300xf32, #tpu.memory_space<hbm>>
      %dma_start3A_397 = tpu.memref_squeeze %dma_start3A_396 : memref<1x120x300xf32, #tpu.memory_space<hbm>> -> memref<120x300xf32, #tpu.memory_space<hbm>>
      %dma_start3A_398 = arith.constant 80 : i32
      %dma_start3A_399 = arith.constant 0 : i32
      %dma_start3A_400 = tpu.memref_slice %arg6[%add3A_156, %dma_start3A_398, %dma_start3A_399] : memref<4096x200x300xf32, #tpu.memory_space<hbm>> -> memref<1x120x300xf32, #tpu.memory_space<hbm>>
      %dma_start3A_401 = tpu.memref_squeeze %dma_start3A_400 : memref<1x120x300xf32, #tpu.memory_space<hbm>> -> memref<120x300xf32, #tpu.memory_space<hbm>>
      tpu.enqueue_dma source(%arg11 : memref<120x300xf32, #tpu.memory_space<vmem>>) target(%dma_start3A_401 : memref<120x300xf32, #tpu.memory_space<hbm>>) target_semaphore(%arg17 : memref<!tpu.dma_semaphore, #tpu.memory_space<semaphore_mem>>)
    }
    %scan3A_49 = arith.constant 16 : i32
    %add3A_50 = arith.constant 48 : i32
    %add3A_51 = arith.addi %mul3A_2, %add3A_50 : i32
    %mul3A_52 = arith.constant 160 : i32
    %mul3A_53 = arith.muli %add3A_51, %mul3A_52 : i32
    %dma_wait3A_54 = tpu.memref_slice %arg2[%mul3A_53] : memref<655360xi32, #tpu.memory_space<hbm>> -> memref<2560xi32, #tpu.memory_space<hbm>>
    %dma_wait3A_55 = tpu.memref_slice %arg2[%mul3A_53] : memref<655360xi32, #tpu.memory_space<hbm>> -> memref<2560xi32, #tpu.memory_space<hbm>>
    tpu.wait_dma2 semaphore(%arg13 : memref<!tpu.dma_semaphore, #tpu.memory_space<semaphore_mem>>) src(%dma_wait3A_55 : memref<2560xi32, #tpu.memory_space<hbm>>) dst(%arg8 : memref<2560xi32, #tpu.memory_space<vmem>>)
    %add3A_56 = arith.constant 64 : i32
    %add3A_57 = arith.addi %mul3A_2, %add3A_56 : i32
    %mul3A_58 = arith.constant 160 : i32
    %mul3A_59 = arith.muli %add3A_57, %mul3A_58 : i32
    %dma_start3A_60 = tpu.memref_slice %arg2[%mul3A_59] : memref<655360xi32, #tpu.memory_space<hbm>> -> memref<2560xi32, #tpu.memory_space<hbm>>
    %dma_start3A_61 = tpu.memref_slice %arg2[%mul3A_59] : memref<655360xi32, #tpu.memory_space<hbm>> -> memref<2560xi32, #tpu.memory_space<hbm>>
    tpu.enqueue_dma source(%dma_start3A_61 : memref<2560xi32, #tpu.memory_space<hbm>>) target(%arg7 : memref<2560xi32, #tpu.memory_space<vmem>>) target_semaphore(%arg13 : memref<!tpu.dma_semaphore, #tpu.memory_space<semaphore_mem>>)
    %scan3A_62 = arith.constant 0 : i32
    %scan3A_63 = arith.constant 0 : i32
    %scan3A_64 = arith.constant 16 : i32
    %scan3A_65 = arith.addi %scan3A_63, %scan3A_64 : i32
    %scan3A_66 = arith.constant 1 : i32
    scf.for %scan3A_153 = %scan3A_63 to %scan3A_65 step %scan3A_66  : i32 {
      %add3A_154 = arith.constant 48 : i32
      %add3A_155 = arith.addi %mul3A_2, %add3A_154 : i32
      %add3A_156 = arith.addi %add3A_155, %scan3A_153 : i32
      %mul3A_157 = arith.constant 160 : i32
      %mul3A_158 = arith.muli %scan3A_153, %mul3A_157 : i32
      %add3A_159 = arith.constant 80 : i32
      %add3A_160 = arith.addi %mul3A_158, %add3A_159 : i32
      %dma_wait3A_161 = arith.constant 0 : i32
      %dma_wait3A_162 = arith.constant 0 : i32
      %dma_wait3A_163 = tpu.memref_slice %arg6[%add3A_156, %dma_wait3A_161, %dma_wait3A_162] : memref<4096x200x300xf32, #tpu.memory_space<hbm>> -> memref<1x80x300xf32, #tpu.memory_space<hbm>>
      %dma_wait3A_164 = tpu.memref_squeeze %dma_wait3A_163 : memref<1x80x300xf32, #tpu.memory_space<hbm>> -> memref<80x300xf32, #tpu.memory_space<hbm>>
      %dma_wait3A_165 = arith.constant 0 : i32
      %dma_wait3A_166 = arith.constant 0 : i32
      %dma_wait3A_167 = tpu.memref_slice %arg6[%add3A_156, %dma_wait3A_165, %dma_wait3A_166] : memref<4096x200x300xf32, #tpu.memory_space<hbm>> -> memref<1x80x300xf32, #tpu.memory_space<hbm>>
      %dma_wait3A_168 = tpu.memref_squeeze %dma_wait3A_167 : memref<1x80x300xf32, #tpu.memory_space<hbm>> -> memref<80x300xf32, #tpu.memory_space<hbm>>
      tpu.wait_dma2 semaphore(%arg16 : memref<!tpu.dma_semaphore, #tpu.memory_space<semaphore_mem>>) src(%arg9 : memref<80x300xf32, #tpu.memory_space<vmem>>) dst(%dma_wait3A_168 : memref<80x300xf32, #tpu.memory_space<hbm>>)
      %dma_start3A_169 = arith.constant 0 : i32
      %dma_start3A_170 = arith.constant 0 : i32
      %dma_start3A_171 = tpu.memref_slice %arg9[%dma_start3A_169, %dma_start3A_170] : memref<80x300xf32, #tpu.memory_space<vmem>> -> memref<80x256xf32, #tpu.memory_space<vmem>>
      %dma_start3A_172 = tpu.memref_slice %arg8[%mul3A_158] : memref<2560xi32, #tpu.memory_space<vmem>> -> memref<80xi32, #tpu.memory_space<vmem>>
      %dma_start3A_173 = arith.constant 0 : i32
      %dma_start3A_174 = arith.constant 0 : i32
      %dma_start3A_175 = tpu.memref_slice %arg5[%dma_start3A_173, %dma_start3A_174] : memref<1000000x300xf32, #tpu.memory_space<hbm>> -> memref<1000000x256xf32, #tpu.memory_space<hbm>>
      tpu.enqueue_indirect_dma source(%dma_start3A_175 : memref<1000000x256xf32, #tpu.memory_space<hbm>>) target(%dma_start3A_171 : memref<80x256xf32, #tpu.memory_space<vmem>>) offsets(%dma_start3A_172 : memref<80xi32, #tpu.memory_space<vmem>>) semaphore(%arg14 : memref<!tpu.dma_semaphore, #tpu.memory_space<semaphore_mem>>)
      %dma_start3A_176 = tpu.memref_slice %arg8[%mul3A_158] : memref<2560xi32, #tpu.memory_space<vmem>> -> memref<80xi32, #tpu.memory_space<vmem>>
      %dma_start3A_177 = arith.constant 0 : i32
      %dma_start3A_178 = arith.constant 0 : i32
      %dma_start3A_179 = tpu.memref_slice %arg4[%dma_start3A_177, %dma_start3A_178] : memref<1000000x128xf32, #tpu.memory_space<hbm>> -> memref<1000000x128xf32, #tpu.memory_space<hbm>>
      tpu.enqueue_indirect_dma source(%dma_start3A_179 : memref<1000000x128xf32, #tpu.memory_space<hbm>>) target(%arg10 : memref<80x128xf32, #tpu.memory_space<vmem>>) offsets(%dma_start3A_176 : memref<80xi32, #tpu.memory_space<vmem>>) semaphore(%arg14 : memref<!tpu.dma_semaphore, #tpu.memory_space<semaphore_mem>>)
      %dma_wait3A_180 = arith.constant 80 : i32
      %dma_wait3A_181 = arith.constant 0 : i32
      %dma_wait3A_182 = tpu.memref_slice %arg6[%add3A_156, %dma_wait3A_180, %dma_wait3A_181] : memref<4096x200x300xf32, #tpu.memory_space<hbm>> -> memref<1x120x300xf32, #tpu.memory_space<hbm>>
      %dma_wait3A_183 = tpu.memref_squeeze %dma_wait3A_182 : memref<1x120x300xf32, #tpu.memory_space<hbm>> -> memref<120x300xf32, #tpu.memory_space<hbm>>
      %dma_wait3A_184 = arith.constant 80 : i32
      %dma_wait3A_185 = arith.constant 0 : i32
      %dma_wait3A_186 = tpu.memref_slice %arg6[%add3A_156, %dma_wait3A_184, %dma_wait3A_185] : memref<4096x200x300xf32, #tpu.memory_space<hbm>> -> memref<1x120x300xf32, #tpu.memory_space<hbm>>
      %dma_wait3A_187 = tpu.memref_squeeze %dma_wait3A_186 : memref<1x120x300xf32, #tpu.memory_space<hbm>> -> memref<120x300xf32, #tpu.memory_space<hbm>>
      tpu.wait_dma2 semaphore(%arg17 : memref<!tpu.dma_semaphore, #tpu.memory_space<semaphore_mem>>) src(%arg11 : memref<120x300xf32, #tpu.memory_space<vmem>>) dst(%dma_wait3A_187 : memref<120x300xf32, #tpu.memory_space<hbm>>)
      %dma_start3A_188 = arith.constant 0 : i32
      %dma_start3A_189 = arith.constant 0 : i32
      %dma_start3A_190 = tpu.memref_slice %arg11[%dma_start3A_188, %dma_start3A_189] : memref<120x300xf32, #tpu.memory_space<vmem>> -> memref<72x256xf32, #tpu.memory_space<vmem>>
      %dma_start3A_191 = tpu.memref_slice %arg8[%add3A_160] : memref<2560xi32, #tpu.memory_space<vmem>> -> memref<72xi32, #tpu.memory_space<vmem>>
      %dma_start3A_192 = arith.constant 0 : i32
      %dma_start3A_193 = arith.constant 0 : i32
      %dma_start3A_194 = tpu.memref_slice %arg5[%dma_start3A_192, %dma_start3A_193] : memref<1000000x300xf32, #tpu.memory_space<hbm>> -> memref<1000000x256xf32, #tpu.memory_space<hbm>>
      tpu.enqueue_indirect_dma source(%dma_start3A_194 : memref<1000000x256xf32, #tpu.memory_space<hbm>>) target(%dma_start3A_190 : memref<72x256xf32, #tpu.memory_space<vmem>>) offsets(%dma_start3A_191 : memref<72xi32, #tpu.memory_space<vmem>>) semaphore(%arg15 : memref<!tpu.dma_semaphore, #tpu.memory_space<semaphore_mem>>)
      %dma_start3A_195 = tpu.memref_slice %arg8[%add3A_160] : memref<2560xi32, #tpu.memory_space<vmem>> -> memref<72xi32, #tpu.memory_space<vmem>>
      %dma_start3A_196 = arith.constant 0 : i32
      %dma_start3A_197 = arith.constant 0 : i32
      %dma_start3A_198 = tpu.memref_slice %arg4[%dma_start3A_196, %dma_start3A_197] : memref<1000000x128xf32, #tpu.memory_space<hbm>> -> memref<1000000x128xf32, #tpu.memory_space<hbm>>
      tpu.enqueue_indirect_dma source(%dma_start3A_198 : memref<1000000x128xf32, #tpu.memory_space<hbm>>) target(%arg12 : memref<72x128xf32, #tpu.memory_space<vmem>>) offsets(%dma_start3A_195 : memref<72xi32, #tpu.memory_space<vmem>>) semaphore(%arg15 : memref<!tpu.dma_semaphore, #tpu.memory_space<semaphore_mem>>)
      %dma_wait3A_199 = arith.constant 0 : i32
      %dma_wait3A_200 = arith.constant 0 : i32
      %dma_wait3A_201 = tpu.memref_slice %arg9[%dma_wait3A_199, %dma_wait3A_200] : memref<80x300xf32, #tpu.memory_space<vmem>> -> memref<80x256xf32, #tpu.memory_space<vmem>>
      %dma_wait3A_202 = tpu.memref_slice %arg8[%mul3A_158] : memref<2560xi32, #tpu.memory_space<vmem>> -> memref<80xi32, #tpu.memory_space<vmem>>
      %dma_wait3A_203 = arith.constant 0 : i32
      %dma_wait3A_204 = arith.constant 0 : i32
      %dma_wait3A_205 = tpu.memref_slice %arg5[%dma_wait3A_203, %dma_wait3A_204] : memref<1000000x300xf32, #tpu.memory_space<hbm>> -> memref<1000000x256xf32, #tpu.memory_space<hbm>>
      tpu.wait_indirect_dma semaphore(%arg14 : memref<!tpu.dma_semaphore, #tpu.memory_space<semaphore_mem>>) src(%dma_wait3A_205 : memref<1000000x256xf32, #tpu.memory_space<hbm>>) dst(%dma_wait3A_201 : memref<80x256xf32, #tpu.memory_space<vmem>>)
      %dma_wait3A_206 = tpu.memref_slice %arg8[%mul3A_158] : memref<2560xi32, #tpu.memory_space<vmem>> -> memref<80xi32, #tpu.memory_space<vmem>>
      %dma_wait3A_207 = arith.constant 0 : i32
      %dma_wait3A_208 = arith.constant 0 : i32
      %dma_wait3A_209 = tpu.memref_slice %arg4[%dma_wait3A_207, %dma_wait3A_208] : memref<1000000x128xf32, #tpu.memory_space<hbm>> -> memref<1000000x128xf32, #tpu.memory_space<hbm>>
      tpu.wait_indirect_dma semaphore(%arg14 : memref<!tpu.dma_semaphore, #tpu.memory_space<semaphore_mem>>) src(%dma_wait3A_209 : memref<1000000x128xf32, #tpu.memory_space<hbm>>) dst(%arg10 : memref<80x128xf32, #tpu.memory_space<vmem>>)
      %iota3A = tpu.iota {dimensions = array<i32: 0>} : vector<16xi32>
      %scan3A_210 = arith.constant 0 : i32
      %scan3A_211 = arith.constant 0 : i32
      %scan3A_212 = arith.constant 80 : i32
      %scan3A_213 = arith.addi %scan3A_211, %scan3A_212 : i32
      %scan3A_214 = arith.constant 1 : i32
      scf.for %scan3A_402 = %scan3A_211 to %scan3A_213 step %scan3A_214  : i32 {
        %broadcast_in_dim3A_403 = vector.broadcast %scan3A_402 : i32 to vector<16xi32>
        %add3A_404 = arith.constant 84 : i32
        %add3A_405 = vector.broadcast %add3A_404 : i32 to vector<16xi32>
        %add3A_406 = arith.addi %iota3A, %add3A_405 : vector<16xi32>
        %gather3A = tpu.vector_load_idx %arg10[%broadcast_in_dim3A_403, %add3A_406] : memref<80x128xf32, #tpu.memory_space<vmem>>[vector<16xi32>, vector<16xi32>], vector<16xf32>,
        %add3A_407 = arith.constant 256 : i32
        %add3A_408 = vector.broadcast %add3A_407 : i32 to vector<16xi32>
        %add3A_409 = arith.addi %iota3A, %add3A_408 : vector<16xi32>
        tpu.vector_store_idx %arg9[%broadcast_in_dim3A_403, %add3A_409], %gather3A : memref<80x300xf32, #tpu.memory_space<vmem>>[vector<16xi32>, vector<16xi32>], vector<16xf32>,
        %add3A_410 = arith.constant 100 : i32
        %add3A_411 = vector.broadcast %add3A_410 : i32 to vector<16xi32>
        %add3A_412 = arith.addi %iota3A, %add3A_411 : vector<16xi32>
        %gather3A_413 = tpu.vector_load_idx %arg10[%broadcast_in_dim3A_403, %add3A_412] : memref<80x128xf32, #tpu.memory_space<vmem>>[vector<16xi32>, vector<16xi32>], vector<16xf32>,
        %add3A_414 = arith.constant 272 : i32
        %add3A_415 = vector.broadcast %add3A_414 : i32 to vector<16xi32>
        %add3A_416 = arith.addi %iota3A, %add3A_415 : vector<16xi32>
        tpu.vector_store_idx %arg9[%broadcast_in_dim3A_403, %add3A_416], %gather3A_413 : memref<80x300xf32, #tpu.memory_space<vmem>>[vector<16xi32>, vector<16xi32>], vector<16xf32>,
        %add3A_417 = arith.constant 112 : i32
        %add3A_418 = vector.broadcast %add3A_417 : i32 to vector<16xi32>
        %add3A_419 = arith.addi %iota3A, %add3A_418 : vector<16xi32>
        %gather3A_420 = tpu.vector_load_idx %arg10[%broadcast_in_dim3A_403, %add3A_419] : memref<80x128xf32, #tpu.memory_space<vmem>>[vector<16xi32>, vector<16xi32>], vector<16xf32>,
        %add3A_421 = arith.constant 284 : i32
        %add3A_422 = vector.broadcast %add3A_421 : i32 to vector<16xi32>
        %add3A_423 = arith.addi %iota3A, %add3A_422 : vector<16xi32>
        tpu.vector_store_idx %arg9[%broadcast_in_dim3A_403, %add3A_423], %gather3A_420 : memref<80x300xf32, #tpu.memory_space<vmem>>[vector<16xi32>, vector<16xi32>], vector<16xf32>,
      }
      %scan3A_215 = arith.constant 80 : i32
      %dma_start3A_216 = arith.constant 0 : i32
      %dma_start3A_217 = arith.constant 0 : i32
      %dma_start3A_218 = tpu.memref_slice %arg6[%add3A_156, %dma_start3A_216, %dma_start3A_217] : memref<4096x200x300xf32, #tpu.memory_space<hbm>> -> memref<1x80x300xf32, #tpu.memory_space<hbm>>
      %dma_start3A_219 = tpu.memref_squeeze %dma_start3A_218 : memref<1x80x300xf32, #tpu.memory_space<hbm>> -> memref<80x300xf32, #tpu.memory_space<hbm>>
      %dma_start3A_220 = arith.constant 0 : i32
      %dma_start3A_221 = arith.constant 0 : i32
      %dma_start3A_222 = tpu.memref_slice %arg6[%add3A_156, %dma_start3A_220, %dma_start3A_221] : memref<4096x200x300xf32, #tpu.memory_space<hbm>> -> memref<1x80x300xf32, #tpu.memory_space<hbm>>
      %dma_start3A_223 = tpu.memref_squeeze %dma_start3A_222 : memref<1x80x300xf32, #tpu.memory_space<hbm>> -> memref<80x300xf32, #tpu.memory_space<hbm>>
      tpu.enqueue_dma source(%arg9 : memref<80x300xf32, #tpu.memory_space<vmem>>) target(%dma_start3A_223 : memref<80x300xf32, #tpu.memory_space<hbm>>) target_semaphore(%arg16 : memref<!tpu.dma_semaphore, #tpu.memory_space<semaphore_mem>>)
      %dma_wait3A_224 = arith.constant 0 : i32
      %dma_wait3A_225 = arith.constant 0 : i32
      %dma_wait3A_226 = tpu.memref_slice %arg11[%dma_wait3A_224, %dma_wait3A_225] : memref<120x300xf32, #tpu.memory_space<vmem>> -> memref<72x256xf32, #tpu.memory_space<vmem>>
      %dma_wait3A_227 = tpu.memref_slice %arg8[%add3A_160] : memref<2560xi32, #tpu.memory_space<vmem>> -> memref<72xi32, #tpu.memory_space<vmem>>
      %dma_wait3A_228 = arith.constant 0 : i32
      %dma_wait3A_229 = arith.constant 0 : i32
      %dma_wait3A_230 = tpu.memref_slice %arg5[%dma_wait3A_228, %dma_wait3A_229] : memref<1000000x300xf32, #tpu.memory_space<hbm>> -> memref<1000000x256xf32, #tpu.memory_space<hbm>>
      tpu.wait_indirect_dma semaphore(%arg15 : memref<!tpu.dma_semaphore, #tpu.memory_space<semaphore_mem>>) src(%dma_wait3A_230 : memref<1000000x256xf32, #tpu.memory_space<hbm>>) dst(%dma_wait3A_226 : memref<72x256xf32, #tpu.memory_space<vmem>>)
      %dma_wait3A_231 = tpu.memref_slice %arg8[%add3A_160] : memref<2560xi32, #tpu.memory_space<vmem>> -> memref<72xi32, #tpu.memory_space<vmem>>
      %dma_wait3A_232 = arith.constant 0 : i32
      %dma_wait3A_233 = arith.constant 0 : i32
      %dma_wait3A_234 = tpu.memref_slice %arg4[%dma_wait3A_232, %dma_wait3A_233] : memref<1000000x128xf32, #tpu.memory_space<hbm>> -> memref<1000000x128xf32, #tpu.memory_space<hbm>>
      tpu.wait_indirect_dma semaphore(%arg15 : memref<!tpu.dma_semaphore, #tpu.memory_space<semaphore_mem>>) src(%dma_wait3A_234 : memref<1000000x128xf32, #tpu.memory_space<hbm>>) dst(%arg12 : memref<72x128xf32, #tpu.memory_space<vmem>>)
      %iota3A_235 = tpu.iota {dimensions = array<i32: 0>} : vector<16xi32>
      %scan3A_236 = arith.constant 0 : i32
      %scan3A_237 = arith.constant 0 : i32
      %scan3A_238 = arith.constant 70 : i32
      %scan3A_239 = arith.addi %scan3A_237, %scan3A_238 : i32
      %scan3A_240 = arith.constant 1 : i32
      scf.for %scan3A_402 = %scan3A_237 to %scan3A_239 step %scan3A_240  : i32 {
        %broadcast_in_dim3A_403 = vector.broadcast %scan3A_402 : i32 to vector<16xi32>
        %add3A_404 = arith.constant 84 : i32
        %add3A_405 = vector.broadcast %add3A_404 : i32 to vector<16xi32>
        %add3A_406 = arith.addi %iota3A_235, %add3A_405 : vector<16xi32>
        %gather3A = tpu.vector_load_idx %arg12[%broadcast_in_dim3A_403, %add3A_406] : memref<72x128xf32, #tpu.memory_space<vmem>>[vector<16xi32>, vector<16xi32>], vector<16xf32>,
        %add3A_407 = arith.constant 256 : i32
        %add3A_408 = vector.broadcast %add3A_407 : i32 to vector<16xi32>
        %add3A_409 = arith.addi %iota3A_235, %add3A_408 : vector<16xi32>
        tpu.vector_store_idx %arg11[%broadcast_in_dim3A_403, %add3A_409], %gather3A : memref<120x300xf32, #tpu.memory_space<vmem>>[vector<16xi32>, vector<16xi32>], vector<16xf32>,
        %add3A_410 = arith.constant 100 : i32
        %add3A_411 = vector.broadcast %add3A_410 : i32 to vector<16xi32>
        %add3A_412 = arith.addi %iota3A_235, %add3A_411 : vector<16xi32>
        %gather3A_413 = tpu.vector_load_idx %arg12[%broadcast_in_dim3A_403, %add3A_412] : memref<72x128xf32, #tpu.memory_space<vmem>>[vector<16xi32>, vector<16xi32>], vector<16xf32>,
        %add3A_414 = arith.constant 272 : i32
        %add3A_415 = vector.broadcast %add3A_414 : i32 to vector<16xi32>
        %add3A_416 = arith.addi %iota3A_235, %add3A_415 : vector<16xi32>
        tpu.vector_store_idx %arg11[%broadcast_in_dim3A_403, %add3A_416], %gather3A_413 : memref<120x300xf32, #tpu.memory_space<vmem>>[vector<16xi32>, vector<16xi32>], vector<16xf32>,
        %add3A_417 = arith.constant 112 : i32
        %add3A_418 = vector.broadcast %add3A_417 : i32 to vector<16xi32>
        %add3A_419 = arith.addi %iota3A_235, %add3A_418 : vector<16xi32>
        %gather3A_420 = tpu.vector_load_idx %arg12[%broadcast_in_dim3A_403, %add3A_419] : memref<72x128xf32, #tpu.memory_space<vmem>>[vector<16xi32>, vector<16xi32>], vector<16xf32>,
        %add3A_421 = arith.constant 284 : i32
        %add3A_422 = vector.broadcast %add3A_421 : i32 to vector<16xi32>
        %add3A_423 = arith.addi %iota3A_235, %add3A_422 : vector<16xi32>
        tpu.vector_store_idx %arg11[%broadcast_in_dim3A_403, %add3A_423], %gather3A_420 : memref<120x300xf32, #tpu.memory_space<vmem>>[vector<16xi32>, vector<16xi32>], vector<16xf32>,
      }
      %scan3A_241 = arith.constant 70 : i32
      %broadcast_in_dim3A = arith.constant 0.000000e+00 : f32
      %broadcast_in_dim3A_242 = vector.broadcast %broadcast_in_dim3A : f32 to vector<16xf32>
      %swap3A = arith.constant 70 : i32
      %swap3A_243 = arith.index_cast %swap3A : i32 to index
      %swap3A_244 = arith.constant 0 : index
      %swap3A_245 = tpu.vector_load %arg11[%swap3A_243, %swap3A_244] {strides = array<i32>} : memref<120x300xf32, #tpu.memory_space<vmem>>, vector<16xf32>,
      tpu.vector_store %arg11[%swap3A_243, %swap3A_244], %broadcast_in_dim3A_242 {strides = array<i32>} : memref<120x300xf32, #tpu.memory_space<vmem>>, vector<16xf32>,
      %swap3A_246 = arith.constant 70 : i32
      %swap3A_247 = arith.index_cast %swap3A_246 : i32 to index
      %swap3A_248 = arith.constant 16 : index
      %swap3A_249 = tpu.vector_load %arg11[%swap3A_247, %swap3A_248] {strides = array<i32>} : memref<120x300xf32, #tpu.memory_space<vmem>>, vector<16xf32>,
      tpu.vector_store %arg11[%swap3A_247, %swap3A_248], %broadcast_in_dim3A_242 {strides = array<i32>} : memref<120x300xf32, #tpu.memory_space<vmem>>, vector<16xf32>,
      %swap3A_250 = arith.constant 70 : i32
      %swap3A_251 = arith.index_cast %swap3A_250 : i32 to index
      %swap3A_252 = arith.constant 32 : index
      %swap3A_253 = tpu.vector_load %arg11[%swap3A_251, %swap3A_252] {strides = array<i32>} : memref<120x300xf32, #tpu.memory_space<vmem>>, vector<16xf32>,
      tpu.vector_store %arg11[%swap3A_251, %swap3A_252], %broadcast_in_dim3A_242 {strides = array<i32>} : memref<120x300xf32, #tpu.memory_space<vmem>>, vector<16xf32>,
      %swap3A_254 = arith.constant 70 : i32
      %swap3A_255 = arith.index_cast %swap3A_254 : i32 to index
      %swap3A_256 = arith.constant 48 : index
      %swap3A_257 = tpu.vector_load %arg11[%swap3A_255, %swap3A_256] {strides = array<i32>} : memref<120x300xf32, #tpu.memory_space<vmem>>, vector<16xf32>,
      tpu.vector_store %arg11[%swap3A_255, %swap3A_256], %broadcast_in_dim3A_242 {strides = array<i32>} : memref<120x300xf32, #tpu.memory_space<vmem>>, vector<16xf32>,
      %swap3A_258 = arith.constant 70 : i32
      %swap3A_259 = arith.index_cast %swap3A_258 : i32 to index
      %swap3A_260 = arith.constant 64 : index
      %swap3A_261 = tpu.vector_load %arg11[%swap3A_259, %swap3A_260] {strides = array<i32>} : memref<120x300xf32, #tpu.memory_space<vmem>>, vector<16xf32>,
      tpu.vector_store %arg11[%swap3A_259, %swap3A_260], %broadcast_in_dim3A_242 {strides = array<i32>} : memref<120x300xf32, #tpu.memory_space<vmem>>, vector<16xf32>,
      %swap3A_262 = arith.constant 70 : i32
      %swap3A_263 = arith.index_cast %swap3A_262 : i32 to index
      %swap3A_264 = arith.constant 80 : index
      %swap3A_265 = tpu.vector_load %arg11[%swap3A_263, %swap3A_264] {strides = array<i32>} : memref<120x300xf32, #tpu.memory_space<vmem>>, vector<16xf32>,
      tpu.vector_store %arg11[%swap3A_263, %swap3A_264], %broadcast_in_dim3A_242 {strides = array<i32>} : memref<120x300xf32, #tpu.memory_space<vmem>>, vector<16xf32>,
      %swap3A_266 = arith.constant 70 : i32
      %swap3A_267 = arith.index_cast %swap3A_266 : i32 to index
      %swap3A_268 = arith.constant 96 : index
      %swap3A_269 = tpu.vector_load %arg11[%swap3A_267, %swap3A_268] {strides = array<i32>} : memref<120x300xf32, #tpu.memory_space<vmem>>, vector<16xf32>,
      tpu.vector_store %arg11[%swap3A_267, %swap3A_268], %broadcast_in_dim3A_242 {strides = array<i32>} : memref<120x300xf32, #tpu.memory_space<vmem>>, vector<16xf32>,
      %swap3A_270 = arith.constant 70 : i32
      %swap3A_271 = arith.index_cast %swap3A_270 : i32 to index
      %swap3A_272 = arith.constant 112 : index
      %swap3A_273 = tpu.vector_load %arg11[%swap3A_271, %swap3A_272] {strides = array<i32>} : memref<120x300xf32, #tpu.memory_space<vmem>>, vector<16xf32>,
      tpu.vector_store %arg11[%swap3A_271, %swap3A_272], %broadcast_in_dim3A_242 {strides = array<i32>} : memref<120x300xf32, #tpu.memory_space<vmem>>, vector<16xf32>,
      %swap3A_274 = arith.constant 70 : i32
      %swap3A_275 = arith.index_cast %swap3A_274 : i32 to index
      %swap3A_276 = arith.constant 128 : index
      %swap3A_277 = tpu.vector_load %arg11[%swap3A_275, %swap3A_276] {strides = array<i32>} : memref<120x300xf32, #tpu.memory_space<vmem>>, vector<16xf32>,
      tpu.vector_store %arg11[%swap3A_275, %swap3A_276], %broadcast_in_dim3A_242 {strides = array<i32>} : memref<120x300xf32, #tpu.memory_space<vmem>>, vector<16xf32>,
      %swap3A_278 = arith.constant 70 : i32
      %swap3A_279 = arith.index_cast %swap3A_278 : i32 to index
      %swap3A_280 = arith.constant 144 : index
      %swap3A_281 = tpu.vector_load %arg11[%swap3A_279, %swap3A_280] {strides = array<i32>} : memref<120x300xf32, #tpu.memory_space<vmem>>, vector<16xf32>,
      tpu.vector_store %arg11[%swap3A_279, %swap3A_280], %broadcast_in_dim3A_242 {strides = array<i32>} : memref<120x300xf32, #tpu.memory_space<vmem>>, vector<16xf32>,
      %swap3A_282 = arith.constant 70 : i32
      %swap3A_283 = arith.index_cast %swap3A_282 : i32 to index
      %swap3A_284 = arith.constant 160 : index
      %swap3A_285 = tpu.vector_load %arg11[%swap3A_283, %swap3A_284] {strides = array<i32>} : memref<120x300xf32, #tpu.memory_space<vmem>>, vector<16xf32>,
      tpu.vector_store %arg11[%swap3A_283, %swap3A_284], %broadcast_in_dim3A_242 {strides = array<i32>} : memref<120x300xf32, #tpu.memory_space<vmem>>, vector<16xf32>,
      %swap3A_286 = arith.constant 70 : i32
      %swap3A_287 = arith.index_cast %swap3A_286 : i32 to index
      %swap3A_288 = arith.constant 176 : index
      %swap3A_289 = tpu.vector_load %arg11[%swap3A_287, %swap3A_288] {strides = array<i32>} : memref<120x300xf32, #tpu.memory_space<vmem>>, vector<16xf32>,
      tpu.vector_store %arg11[%swap3A_287, %swap3A_288], %broadcast_in_dim3A_242 {strides = array<i32>} : memref<120x300xf32, #tpu.memory_space<vmem>>, vector<16xf32>,
      %swap3A_290 = arith.constant 70 : i32
      %swap3A_291 = arith.index_cast %swap3A_290 : i32 to index
      %swap3A_292 = arith.constant 192 : index
      %swap3A_293 = tpu.vector_load %arg11[%swap3A_291, %swap3A_292] {strides = array<i32>} : memref<120x300xf32, #tpu.memory_space<vmem>>, vector<16xf32>,
      tpu.vector_store %arg11[%swap3A_291, %swap3A_292], %broadcast_in_dim3A_242 {strides = array<i32>} : memref<120x300xf32, #tpu.memory_space<vmem>>, vector<16xf32>,
      %swap3A_294 = arith.constant 70 : i32
      %swap3A_295 = arith.index_cast %swap3A_294 : i32 to index
      %swap3A_296 = arith.constant 208 : index
      %swap3A_297 = tpu.vector_load %arg11[%swap3A_295, %swap3A_296] {strides = array<i32>} : memref<120x300xf32, #tpu.memory_space<vmem>>, vector<16xf32>,
      tpu.vector_store %arg11[%swap3A_295, %swap3A_296], %broadcast_in_dim3A_242 {strides = array<i32>} : memref<120x300xf32, #tpu.memory_space<vmem>>, vector<16xf32>,
      %swap3A_298 = arith.constant 70 : i32
      %swap3A_299 = arith.index_cast %swap3A_298 : i32 to index
      %swap3A_300 = arith.constant 224 : index
      %swap3A_301 = tpu.vector_load %arg11[%swap3A_299, %swap3A_300] {strides = array<i32>} : memref<120x300xf32, #tpu.memory_space<vmem>>, vector<16xf32>,
      tpu.vector_store %arg11[%swap3A_299, %swap3A_300], %broadcast_in_dim3A_242 {strides = array<i32>} : memref<120x300xf32, #tpu.memory_space<vmem>>, vector<16xf32>,
      %swap3A_302 = arith.constant 70 : i32
      %swap3A_303 = arith.index_cast %swap3A_302 : i32 to index
      %swap3A_304 = arith.constant 240 : index
      %swap3A_305 = tpu.vector_load %arg11[%swap3A_303, %swap3A_304] {strides = array<i32>} : memref<120x300xf32, #tpu.memory_space<vmem>>, vector<16xf32>,
      tpu.vector_store %arg11[%swap3A_303, %swap3A_304], %broadcast_in_dim3A_242 {strides = array<i32>} : memref<120x300xf32, #tpu.memory_space<vmem>>, vector<16xf32>,
      %swap3A_306 = arith.constant 70 : i32
      %swap3A_307 = arith.index_cast %swap3A_306 : i32 to index
      %swap3A_308 = arith.constant 256 : index
      %swap3A_309 = tpu.vector_load %arg11[%swap3A_307, %swap3A_308] {strides = array<i32>} : memref<120x300xf32, #tpu.memory_space<vmem>>, vector<16xf32>,
      tpu.vector_store %arg11[%swap3A_307, %swap3A_308], %broadcast_in_dim3A_242 {strides = array<i32>} : memref<120x300xf32, #tpu.memory_space<vmem>>, vector<16xf32>,
      %swap3A_310 = arith.constant 70 : i32
      %swap3A_311 = arith.index_cast %swap3A_310 : i32 to index
      %swap3A_312 = arith.constant 272 : index
      %swap3A_313 = tpu.vector_load %arg11[%swap3A_311, %swap3A_312] {strides = array<i32>} : memref<120x300xf32, #tpu.memory_space<vmem>>, vector<16xf32>,
      tpu.vector_store %arg11[%swap3A_311, %swap3A_312], %broadcast_in_dim3A_242 {strides = array<i32>} : memref<120x300xf32, #tpu.memory_space<vmem>>, vector<16xf32>,
      %swap3A_314 = arith.constant 70 : i32
      %swap3A_315 = arith.index_cast %swap3A_314 : i32 to index
      %swap3A_316 = arith.constant 284 : index
      %swap3A_317 = tpu.vector_load %arg11[%swap3A_315, %swap3A_316] {strides = array<i32>} : memref<120x300xf32, #tpu.memory_space<vmem>>, vector<16xf32>,
      tpu.vector_store %arg11[%swap3A_315, %swap3A_316], %broadcast_in_dim3A_242 {strides = array<i32>} : memref<120x300xf32, #tpu.memory_space<vmem>>, vector<16xf32>,
      %swap3A_318 = arith.constant 71 : i32
      %swap3A_319 = arith.index_cast %swap3A_318 : i32 to index
      %swap3A_320 = arith.constant 0 : index
      %swap3A_321 = tpu.vector_load %arg11[%swap3A_319, %swap3A_320] {strides = array<i32>} : memref<120x300xf32, #tpu.memory_space<vmem>>, vector<16xf32>,
      tpu.vector_store %arg11[%swap3A_319, %swap3A_320], %broadcast_in_dim3A_242 {strides = array<i32>} : memref<120x300xf32, #tpu.memory_space<vmem>>, vector<16xf32>,
      %swap3A_322 = arith.constant 71 : i32
      %swap3A_323 = arith.index_cast %swap3A_322 : i32 to index
      %swap3A_324 = arith.constant 16 : index
      %swap3A_325 = tpu.vector_load %arg11[%swap3A_323, %swap3A_324] {strides = array<i32>} : memref<120x300xf32, #tpu.memory_space<vmem>>, vector<16xf32>,
      tpu.vector_store %arg11[%swap3A_323, %swap3A_324], %broadcast_in_dim3A_242 {strides = array<i32>} : memref<120x300xf32, #tpu.memory_space<vmem>>, vector<16xf32>,
      %swap3A_326 = arith.constant 71 : i32
      %swap3A_327 = arith.index_cast %swap3A_326 : i32 to index
      %swap3A_328 = arith.constant 32 : index
      %swap3A_329 = tpu.vector_load %arg11[%swap3A_327, %swap3A_328] {strides = array<i32>} : memref<120x300xf32, #tpu.memory_space<vmem>>, vector<16xf32>,
      tpu.vector_store %arg11[%swap3A_327, %swap3A_328], %broadcast_in_dim3A_242 {strides = array<i32>} : memref<120x300xf32, #tpu.memory_space<vmem>>, vector<16xf32>,
      %swap3A_330 = arith.constant 71 : i32
      %swap3A_331 = arith.index_cast %swap3A_330 : i32 to index
      %swap3A_332 = arith.constant 48 : index
      %swap3A_333 = tpu.vector_load %arg11[%swap3A_331, %swap3A_332] {strides = array<i32>} : memref<120x300xf32, #tpu.memory_space<vmem>>, vector<16xf32>,
      tpu.vector_store %arg11[%swap3A_331, %swap3A_332], %broadcast_in_dim3A_242 {strides = array<i32>} : memref<120x300xf32, #tpu.memory_space<vmem>>, vector<16xf32>,
      %swap3A_334 = arith.constant 71 : i32
      %swap3A_335 = arith.index_cast %swap3A_334 : i32 to index
      %swap3A_336 = arith.constant 64 : index
      %swap3A_337 = tpu.vector_load %arg11[%swap3A_335, %swap3A_336] {strides = array<i32>} : memref<120x300xf32, #tpu.memory_space<vmem>>, vector<16xf32>,
      tpu.vector_store %arg11[%swap3A_335, %swap3A_336], %broadcast_in_dim3A_242 {strides = array<i32>} : memref<120x300xf32, #tpu.memory_space<vmem>>, vector<16xf32>,
      %swap3A_338 = arith.constant 71 : i32
      %swap3A_339 = arith.index_cast %swap3A_338 : i32 to index
      %swap3A_340 = arith.constant 80 : index
      %swap3A_341 = tpu.vector_load %arg11[%swap3A_339, %swap3A_340] {strides = array<i32>} : memref<120x300xf32, #tpu.memory_space<vmem>>, vector<16xf32>,
      tpu.vector_store %arg11[%swap3A_339, %swap3A_340], %broadcast_in_dim3A_242 {strides = array<i32>} : memref<120x300xf32, #tpu.memory_space<vmem>>, vector<16xf32>,
      %swap3A_342 = arith.constant 71 : i32
      %swap3A_343 = arith.index_cast %swap3A_342 : i32 to index
      %swap3A_344 = arith.constant 96 : index
      %swap3A_345 = tpu.vector_load %arg11[%swap3A_343, %swap3A_344] {strides = array<i32>} : memref<120x300xf32, #tpu.memory_space<vmem>>, vector<16xf32>,
      tpu.vector_store %arg11[%swap3A_343, %swap3A_344], %broadcast_in_dim3A_242 {strides = array<i32>} : memref<120x300xf32, #tpu.memory_space<vmem>>, vector<16xf32>,
      %swap3A_346 = arith.constant 71 : i32
      %swap3A_347 = arith.index_cast %swap3A_346 : i32 to index
      %swap3A_348 = arith.constant 112 : index
      %swap3A_349 = tpu.vector_load %arg11[%swap3A_347, %swap3A_348] {strides = array<i32>} : memref<120x300xf32, #tpu.memory_space<vmem>>, vector<16xf32>,
      tpu.vector_store %arg11[%swap3A_347, %swap3A_348], %broadcast_in_dim3A_242 {strides = array<i32>} : memref<120x300xf32, #tpu.memory_space<vmem>>, vector<16xf32>,
      %swap3A_350 = arith.constant 71 : i32
      %swap3A_351 = arith.index_cast %swap3A_350 : i32 to index
      %swap3A_352 = arith.constant 128 : index
      %swap3A_353 = tpu.vector_load %arg11[%swap3A_351, %swap3A_352] {strides = array<i32>} : memref<120x300xf32, #tpu.memory_space<vmem>>, vector<16xf32>,
      tpu.vector_store %arg11[%swap3A_351, %swap3A_352], %broadcast_in_dim3A_242 {strides = array<i32>} : memref<120x300xf32, #tpu.memory_space<vmem>>, vector<16xf32>,
      %swap3A_354 = arith.constant 71 : i32
      %swap3A_355 = arith.index_cast %swap3A_354 : i32 to index
      %swap3A_356 = arith.constant 144 : index
      %swap3A_357 = tpu.vector_load %arg11[%swap3A_355, %swap3A_356] {strides = array<i32>} : memref<120x300xf32, #tpu.memory_space<vmem>>, vector<16xf32>,
      tpu.vector_store %arg11[%swap3A_355, %swap3A_356], %broadcast_in_dim3A_242 {strides = array<i32>} : memref<120x300xf32, #tpu.memory_space<vmem>>, vector<16xf32>,
      %swap3A_358 = arith.constant 71 : i32
      %swap3A_359 = arith.index_cast %swap3A_358 : i32 to index
      %swap3A_360 = arith.constant 160 : index
      %swap3A_361 = tpu.vector_load %arg11[%swap3A_359, %swap3A_360] {strides = array<i32>} : memref<120x300xf32, #tpu.memory_space<vmem>>, vector<16xf32>,
      tpu.vector_store %arg11[%swap3A_359, %swap3A_360], %broadcast_in_dim3A_242 {strides = array<i32>} : memref<120x300xf32, #tpu.memory_space<vmem>>, vector<16xf32>,
      %swap3A_362 = arith.constant 71 : i32
      %swap3A_363 = arith.index_cast %swap3A_362 : i32 to index
      %swap3A_364 = arith.constant 176 : index
      %swap3A_365 = tpu.vector_load %arg11[%swap3A_363, %swap3A_364] {strides = array<i32>} : memref<120x300xf32, #tpu.memory_space<vmem>>, vector<16xf32>,
      tpu.vector_store %arg11[%swap3A_363, %swap3A_364], %broadcast_in_dim3A_242 {strides = array<i32>} : memref<120x300xf32, #tpu.memory_space<vmem>>, vector<16xf32>,
      %swap3A_366 = arith.constant 71 : i32
      %swap3A_367 = arith.index_cast %swap3A_366 : i32 to index
      %swap3A_368 = arith.constant 192 : index
      %swap3A_369 = tpu.vector_load %arg11[%swap3A_367, %swap3A_368] {strides = array<i32>} : memref<120x300xf32, #tpu.memory_space<vmem>>, vector<16xf32>,
      tpu.vector_store %arg11[%swap3A_367, %swap3A_368], %broadcast_in_dim3A_242 {strides = array<i32>} : memref<120x300xf32, #tpu.memory_space<vmem>>, vector<16xf32>,
      %swap3A_370 = arith.constant 71 : i32
      %swap3A_371 = arith.index_cast %swap3A_370 : i32 to index
      %swap3A_372 = arith.constant 208 : index
      %swap3A_373 = tpu.vector_load %arg11[%swap3A_371, %swap3A_372] {strides = array<i32>} : memref<120x300xf32, #tpu.memory_space<vmem>>, vector<16xf32>,
      tpu.vector_store %arg11[%swap3A_371, %swap3A_372], %broadcast_in_dim3A_242 {strides = array<i32>} : memref<120x300xf32, #tpu.memory_space<vmem>>, vector<16xf32>,
      %swap3A_374 = arith.constant 71 : i32
      %swap3A_375 = arith.index_cast %swap3A_374 : i32 to index
      %swap3A_376 = arith.constant 224 : index
      %swap3A_377 = tpu.vector_load %arg11[%swap3A_375, %swap3A_376] {strides = array<i32>} : memref<120x300xf32, #tpu.memory_space<vmem>>, vector<16xf32>,
      tpu.vector_store %arg11[%swap3A_375, %swap3A_376], %broadcast_in_dim3A_242 {strides = array<i32>} : memref<120x300xf32, #tpu.memory_space<vmem>>, vector<16xf32>,
      %swap3A_378 = arith.constant 71 : i32
      %swap3A_379 = arith.index_cast %swap3A_378 : i32 to index
      %swap3A_380 = arith.constant 240 : index
      %swap3A_381 = tpu.vector_load %arg11[%swap3A_379, %swap3A_380] {strides = array<i32>} : memref<120x300xf32, #tpu.memory_space<vmem>>, vector<16xf32>,
      tpu.vector_store %arg11[%swap3A_379, %swap3A_380], %broadcast_in_dim3A_242 {strides = array<i32>} : memref<120x300xf32, #tpu.memory_space<vmem>>, vector<16xf32>,
      %swap3A_382 = arith.constant 71 : i32
      %swap3A_383 = arith.index_cast %swap3A_382 : i32 to index
      %swap3A_384 = arith.constant 256 : index
      %swap3A_385 = tpu.vector_load %arg11[%swap3A_383, %swap3A_384] {strides = array<i32>} : memref<120x300xf32, #tpu.memory_space<vmem>>, vector<16xf32>,
      tpu.vector_store %arg11[%swap3A_383, %swap3A_384], %broadcast_in_dim3A_242 {strides = array<i32>} : memref<120x300xf32, #tpu.memory_space<vmem>>, vector<16xf32>,
      %swap3A_386 = arith.constant 71 : i32
      %swap3A_387 = arith.index_cast %swap3A_386 : i32 to index
      %swap3A_388 = arith.constant 272 : index
      %swap3A_389 = tpu.vector_load %arg11[%swap3A_387, %swap3A_388] {strides = array<i32>} : memref<120x300xf32, #tpu.memory_space<vmem>>, vector<16xf32>,
      tpu.vector_store %arg11[%swap3A_387, %swap3A_388], %broadcast_in_dim3A_242 {strides = array<i32>} : memref<120x300xf32, #tpu.memory_space<vmem>>, vector<16xf32>,
      %swap3A_390 = arith.constant 71 : i32
      %swap3A_391 = arith.index_cast %swap3A_390 : i32 to index
      %swap3A_392 = arith.constant 284 : index
      %swap3A_393 = tpu.vector_load %arg11[%swap3A_391, %swap3A_392] {strides = array<i32>} : memref<120x300xf32, #tpu.memory_space<vmem>>, vector<16xf32>,
      tpu.vector_store %arg11[%swap3A_391, %swap3A_392], %broadcast_in_dim3A_242 {strides = array<i32>} : memref<120x300xf32, #tpu.memory_space<vmem>>, vector<16xf32>,
      %dma_start3A_394 = arith.constant 80 : i32
      %dma_start3A_395 = arith.constant 0 : i32
      %dma_start3A_396 = tpu.memref_slice %arg6[%add3A_156, %dma_start3A_394, %dma_start3A_395] : memref<4096x200x300xf32, #tpu.memory_space<hbm>> -> memref<1x120x300xf32, #tpu.memory_space<hbm>>
      %dma_start3A_397 = tpu.memref_squeeze %dma_start3A_396 : memref<1x120x300xf32, #tpu.memory_space<hbm>> -> memref<120x300xf32, #tpu.memory_space<hbm>>
      %dma_start3A_398 = arith.constant 80 : i32
      %dma_start3A_399 = arith.constant 0 : i32
      %dma_start3A_400 = tpu.memref_slice %arg6[%add3A_156, %dma_start3A_398, %dma_start3A_399] : memref<4096x200x300xf32, #tpu.memory_space<hbm>> -> memref<1x120x300xf32, #tpu.memory_space<hbm>>
      %dma_start3A_401 = tpu.memref_squeeze %dma_start3A_400 : memref<1x120x300xf32, #tpu.memory_space<hbm>> -> memref<120x300xf32, #tpu.memory_space<hbm>>
      tpu.enqueue_dma source(%arg11 : memref<120x300xf32, #tpu.memory_space<vmem>>) target(%dma_start3A_401 : memref<120x300xf32, #tpu.memory_space<hbm>>) target_semaphore(%arg17 : memref<!tpu.dma_semaphore, #tpu.memory_space<semaphore_mem>>)
    }
    %scan3A_67 = arith.constant 16 : i32
    %add3A_68 = arith.constant 64 : i32
    %add3A_69 = arith.addi %mul3A_2, %add3A_68 : i32
    %mul3A_70 = arith.constant 160 : i32
    %mul3A_71 = arith.muli %add3A_69, %mul3A_70 : i32
    %dma_wait3A_72 = tpu.memref_slice %arg2[%mul3A_71] : memref<655360xi32, #tpu.memory_space<hbm>> -> memref<2560xi32, #tpu.memory_space<hbm>>
    %dma_wait3A_73 = tpu.memref_slice %arg2[%mul3A_71] : memref<655360xi32, #tpu.memory_space<hbm>> -> memref<2560xi32, #tpu.memory_space<hbm>>
    tpu.wait_dma2 semaphore(%arg13 : memref<!tpu.dma_semaphore, #tpu.memory_space<semaphore_mem>>) src(%dma_wait3A_73 : memref<2560xi32, #tpu.memory_space<hbm>>) dst(%arg7 : memref<2560xi32, #tpu.memory_space<vmem>>)
    %add3A_74 = arith.constant 80 : i32
    %add3A_75 = arith.addi %mul3A_2, %add3A_74 : i32
    %mul3A_76 = arith.constant 160 : i32
    %mul3A_77 = arith.muli %add3A_75, %mul3A_76 : i32
    %dma_start3A_78 = tpu.memref_slice %arg2[%mul3A_77] : memref<655360xi32, #tpu.memory_space<hbm>> -> memref<2560xi32, #tpu.memory_space<hbm>>
    %dma_start3A_79 = tpu.memref_slice %arg2[%mul3A_77] : memref<655360xi32, #tpu.memory_space<hbm>> -> memref<2560xi32, #tpu.memory_space<hbm>>
    tpu.enqueue_dma source(%dma_start3A_79 : memref<2560xi32, #tpu.memory_space<hbm>>) target(%arg8 : memref<2560xi32, #tpu.memory_space<vmem>>) target_semaphore(%arg13 : memref<!tpu.dma_semaphore, #tpu.memory_space<semaphore_mem>>)
    %scan3A_80 = arith.constant 0 : i32
    %scan3A_81 = arith.constant 0 : i32
    %scan3A_82 = arith.constant 16 : i32
    %scan3A_83 = arith.addi %scan3A_81, %scan3A_82 : i32
    %scan3A_84 = arith.constant 1 : i32
    scf.for %scan3A_153 = %scan3A_81 to %scan3A_83 step %scan3A_84  : i32 {
      %add3A_154 = arith.constant 64 : i32
      %add3A_155 = arith.addi %mul3A_2, %add3A_154 : i32
      %add3A_156 = arith.addi %add3A_155, %scan3A_153 : i32
      %mul3A_157 = arith.constant 160 : i32
      %mul3A_158 = arith.muli %scan3A_153, %mul3A_157 : i32
      %add3A_159 = arith.constant 80 : i32
      %add3A_160 = arith.addi %mul3A_158, %add3A_159 : i32
      %dma_wait3A_161 = arith.constant 0 : i32
      %dma_wait3A_162 = arith.constant 0 : i32
      %dma_wait3A_163 = tpu.memref_slice %arg6[%add3A_156, %dma_wait3A_161, %dma_wait3A_162] : memref<4096x200x300xf32, #tpu.memory_space<hbm>> -> memref<1x80x300xf32, #tpu.memory_space<hbm>>
      %dma_wait3A_164 = tpu.memref_squeeze %dma_wait3A_163 : memref<1x80x300xf32, #tpu.memory_space<hbm>> -> memref<80x300xf32, #tpu.memory_space<hbm>>
      %dma_wait3A_165 = arith.constant 0 : i32
      %dma_wait3A_166 = arith.constant 0 : i32
      %dma_wait3A_167 = tpu.memref_slice %arg6[%add3A_156, %dma_wait3A_165, %dma_wait3A_166] : memref<4096x200x300xf32, #tpu.memory_space<hbm>> -> memref<1x80x300xf32, #tpu.memory_space<hbm>>
      %dma_wait3A_168 = tpu.memref_squeeze %dma_wait3A_167 : memref<1x80x300xf32, #tpu.memory_space<hbm>> -> memref<80x300xf32, #tpu.memory_space<hbm>>
      tpu.wait_dma2 semaphore(%arg16 : memref<!tpu.dma_semaphore, #tpu.memory_space<semaphore_mem>>) src(%arg9 : memref<80x300xf32, #tpu.memory_space<vmem>>) dst(%dma_wait3A_168 : memref<80x300xf32, #tpu.memory_space<hbm>>)
      %dma_start3A_169 = arith.constant 0 : i32
      %dma_start3A_170 = arith.constant 0 : i32
      %dma_start3A_171 = tpu.memref_slice %arg9[%dma_start3A_169, %dma_start3A_170] : memref<80x300xf32, #tpu.memory_space<vmem>> -> memref<80x256xf32, #tpu.memory_space<vmem>>
      %dma_start3A_172 = tpu.memref_slice %arg7[%mul3A_158] : memref<2560xi32, #tpu.memory_space<vmem>> -> memref<80xi32, #tpu.memory_space<vmem>>
      %dma_start3A_173 = arith.constant 0 : i32
      %dma_start3A_174 = arith.constant 0 : i32
      %dma_start3A_175 = tpu.memref_slice %arg5[%dma_start3A_173, %dma_start3A_174] : memref<1000000x300xf32, #tpu.memory_space<hbm>> -> memref<1000000x256xf32, #tpu.memory_space<hbm>>
      tpu.enqueue_indirect_dma source(%dma_start3A_175 : memref<1000000x256xf32, #tpu.memory_space<hbm>>) target(%dma_start3A_171 : memref<80x256xf32, #tpu.memory_space<vmem>>) offsets(%dma_start3A_172 : memref<80xi32, #tpu.memory_space<vmem>>) semaphore(%arg14 : memref<!tpu.dma_semaphore, #tpu.memory_space<semaphore_mem>>)
      %dma_start3A_176 = tpu.memref_slice %arg7[%mul3A_158] : memref<2560xi32, #tpu.memory_space<vmem>> -> memref<80xi32, #tpu.memory_space<vmem>>
      %dma_start3A_177 = arith.constant 0 : i32
      %dma_start3A_178 = arith.constant 0 : i32
      %dma_start3A_179 = tpu.memref_slice %arg4[%dma_start3A_177, %dma_start3A_178] : memref<1000000x128xf32, #tpu.memory_space<hbm>> -> memref<1000000x128xf32, #tpu.memory_space<hbm>>
      tpu.enqueue_indirect_dma source(%dma_start3A_179 : memref<1000000x128xf32, #tpu.memory_space<hbm>>) target(%arg10 : memref<80x128xf32, #tpu.memory_space<vmem>>) offsets(%dma_start3A_176 : memref<80xi32, #tpu.memory_space<vmem>>) semaphore(%arg14 : memref<!tpu.dma_semaphore, #tpu.memory_space<semaphore_mem>>)
      %dma_wait3A_180 = arith.constant 80 : i32
      %dma_wait3A_181 = arith.constant 0 : i32
      %dma_wait3A_182 = tpu.memref_slice %arg6[%add3A_156, %dma_wait3A_180, %dma_wait3A_181] : memref<4096x200x300xf32, #tpu.memory_space<hbm>> -> memref<1x120x300xf32, #tpu.memory_space<hbm>>
      %dma_wait3A_183 = tpu.memref_squeeze %dma_wait3A_182 : memref<1x120x300xf32, #tpu.memory_space<hbm>> -> memref<120x300xf32, #tpu.memory_space<hbm>>
      %dma_wait3A_184 = arith.constant 80 : i32
      %dma_wait3A_185 = arith.constant 0 : i32
      %dma_wait3A_186 = tpu.memref_slice %arg6[%add3A_156, %dma_wait3A_184, %dma_wait3A_185] : memref<4096x200x300xf32, #tpu.memory_space<hbm>> -> memref<1x120x300xf32, #tpu.memory_space<hbm>>
      %dma_wait3A_187 = tpu.memref_squeeze %dma_wait3A_186 : memref<1x120x300xf32, #tpu.memory_space<hbm>> -> memref<120x300xf32, #tpu.memory_space<hbm>>
      tpu.wait_dma2 semaphore(%arg17 : memref<!tpu.dma_semaphore, #tpu.memory_space<semaphore_mem>>) src(%arg11 : memref<120x300xf32, #tpu.memory_space<vmem>>) dst(%dma_wait3A_187 : memref<120x300xf32, #tpu.memory_space<hbm>>)
      %dma_start3A_188 = arith.constant 0 : i32
      %dma_start3A_189 = arith.constant 0 : i32
      %dma_start3A_190 = tpu.memref_slice %arg11[%dma_start3A_188, %dma_start3A_189] : memref<120x300xf32, #tpu.memory_space<vmem>> -> memref<72x256xf32, #tpu.memory_space<vmem>>
      %dma_start3A_191 = tpu.memref_slice %arg7[%add3A_160] : memref<2560xi32, #tpu.memory_space<vmem>> -> memref<72xi32, #tpu.memory_space<vmem>>
      %dma_start3A_192 = arith.constant 0 : i32
      %dma_start3A_193 = arith.constant 0 : i32
      %dma_start3A_194 = tpu.memref_slice %arg5[%dma_start3A_192, %dma_start3A_193] : memref<1000000x300xf32, #tpu.memory_space<hbm>> -> memref<1000000x256xf32, #tpu.memory_space<hbm>>
      tpu.enqueue_indirect_dma source(%dma_start3A_194 : memref<1000000x256xf32, #tpu.memory_space<hbm>>) target(%dma_start3A_190 : memref<72x256xf32, #tpu.memory_space<vmem>>) offsets(%dma_start3A_191 : memref<72xi32, #tpu.memory_space<vmem>>) semaphore(%arg15 : memref<!tpu.dma_semaphore, #tpu.memory_space<semaphore_mem>>)
      %dma_start3A_195 = tpu.memref_slice %arg7[%add3A_160] : memref<2560xi32, #tpu.memory_space<vmem>> -> memref<72xi32, #tpu.memory_space<vmem>>
      %dma_start3A_196 = arith.constant 0 : i32
      %dma_start3A_197 = arith.constant 0 : i32
      %dma_start3A_198 = tpu.memref_slice %arg4[%dma_start3A_196, %dma_start3A_197] : memref<1000000x128xf32, #tpu.memory_space<hbm>> -> memref<1000000x128xf32, #tpu.memory_space<hbm>>
      tpu.enqueue_indirect_dma source(%dma_start3A_198 : memref<1000000x128xf32, #tpu.memory_space<hbm>>) target(%arg12 : memref<72x128xf32, #tpu.memory_space<vmem>>) offsets(%dma_start3A_195 : memref<72xi32, #tpu.memory_space<vmem>>) semaphore(%arg15 : memref<!tpu.dma_semaphore, #tpu.memory_space<semaphore_mem>>)
      %dma_wait3A_199 = arith.constant 0 : i32
      %dma_wait3A_200 = arith.constant 0 : i32
      %dma_wait3A_201 = tpu.memref_slice %arg9[%dma_wait3A_199, %dma_wait3A_200] : memref<80x300xf32, #tpu.memory_space<vmem>> -> memref<80x256xf32, #tpu.memory_space<vmem>>
      %dma_wait3A_202 = tpu.memref_slice %arg7[%mul3A_158] : memref<2560xi32, #tpu.memory_space<vmem>> -> memref<80xi32, #tpu.memory_space<vmem>>
      %dma_wait3A_203 = arith.constant 0 : i32
      %dma_wait3A_204 = arith.constant 0 : i32
      %dma_wait3A_205 = tpu.memref_slice %arg5[%dma_wait3A_203, %dma_wait3A_204] : memref<1000000x300xf32, #tpu.memory_space<hbm>> -> memref<1000000x256xf32, #tpu.memory_space<hbm>>
      tpu.wait_indirect_dma semaphore(%arg14 : memref<!tpu.dma_semaphore, #tpu.memory_space<semaphore_mem>>) src(%dma_wait3A_205 : memref<1000000x256xf32, #tpu.memory_space<hbm>>) dst(%dma_wait3A_201 : memref<80x256xf32, #tpu.memory_space<vmem>>)
      %dma_wait3A_206 = tpu.memref_slice %arg7[%mul3A_158] : memref<2560xi32, #tpu.memory_space<vmem>> -> memref<80xi32, #tpu.memory_space<vmem>>
      %dma_wait3A_207 = arith.constant 0 : i32
      %dma_wait3A_208 = arith.constant 0 : i32
      %dma_wait3A_209 = tpu.memref_slice %arg4[%dma_wait3A_207, %dma_wait3A_208] : memref<1000000x128xf32, #tpu.memory_space<hbm>> -> memref<1000000x128xf32, #tpu.memory_space<hbm>>
      tpu.wait_indirect_dma semaphore(%arg14 : memref<!tpu.dma_semaphore, #tpu.memory_space<semaphore_mem>>) src(%dma_wait3A_209 : memref<1000000x128xf32, #tpu.memory_space<hbm>>) dst(%arg10 : memref<80x128xf32, #tpu.memory_space<vmem>>)
      %iota3A = tpu.iota {dimensions = array<i32: 0>} : vector<16xi32>
      %scan3A_210 = arith.constant 0 : i32
      %scan3A_211 = arith.constant 0 : i32
      %scan3A_212 = arith.constant 80 : i32
      %scan3A_213 = arith.addi %scan3A_211, %scan3A_212 : i32
      %scan3A_214 = arith.constant 1 : i32
      scf.for %scan3A_402 = %scan3A_211 to %scan3A_213 step %scan3A_214  : i32 {
        %broadcast_in_dim3A_403 = vector.broadcast %scan3A_402 : i32 to vector<16xi32>
        %add3A_404 = arith.constant 84 : i32
        %add3A_405 = vector.broadcast %add3A_404 : i32 to vector<16xi32>
        %add3A_406 = arith.addi %iota3A, %add3A_405 : vector<16xi32>
        %gather3A = tpu.vector_load_idx %arg10[%broadcast_in_dim3A_403, %add3A_406] : memref<80x128xf32, #tpu.memory_space<vmem>>[vector<16xi32>, vector<16xi32>], vector<16xf32>,
        %add3A_407 = arith.constant 256 : i32
        %add3A_408 = vector.broadcast %add3A_407 : i32 to vector<16xi32>
        %add3A_409 = arith.addi %iota3A, %add3A_408 : vector<16xi32>
        tpu.vector_store_idx %arg9[%broadcast_in_dim3A_403, %add3A_409], %gather3A : memref<80x300xf32, #tpu.memory_space<vmem>>[vector<16xi32>, vector<16xi32>], vector<16xf32>,
        %add3A_410 = arith.constant 100 : i32
        %add3A_411 = vector.broadcast %add3A_410 : i32 to vector<16xi32>
        %add3A_412 = arith.addi %iota3A, %add3A_411 : vector<16xi32>
        %gather3A_413 = tpu.vector_load_idx %arg10[%broadcast_in_dim3A_403, %add3A_412] : memref<80x128xf32, #tpu.memory_space<vmem>>[vector<16xi32>, vector<16xi32>], vector<16xf32>,
        %add3A_414 = arith.constant 272 : i32
        %add3A_415 = vector.broadcast %add3A_414 : i32 to vector<16xi32>
        %add3A_416 = arith.addi %iota3A, %add3A_415 : vector<16xi32>
        tpu.vector_store_idx %arg9[%broadcast_in_dim3A_403, %add3A_416], %gather3A_413 : memref<80x300xf32, #tpu.memory_space<vmem>>[vector<16xi32>, vector<16xi32>], vector<16xf32>,
        %add3A_417 = arith.constant 112 : i32
        %add3A_418 = vector.broadcast %add3A_417 : i32 to vector<16xi32>
        %add3A_419 = arith.addi %iota3A, %add3A_418 : vector<16xi32>
        %gather3A_420 = tpu.vector_load_idx %arg10[%broadcast_in_dim3A_403, %add3A_419] : memref<80x128xf32, #tpu.memory_space<vmem>>[vector<16xi32>, vector<16xi32>], vector<16xf32>,
        %add3A_421 = arith.constant 284 : i32
        %add3A_422 = vector.broadcast %add3A_421 : i32 to vector<16xi32>
        %add3A_423 = arith.addi %iota3A, %add3A_422 : vector<16xi32>
        tpu.vector_store_idx %arg9[%broadcast_in_dim3A_403, %add3A_423], %gather3A_420 : memref<80x300xf32, #tpu.memory_space<vmem>>[vector<16xi32>, vector<16xi32>], vector<16xf32>,
      }
      %scan3A_215 = arith.constant 80 : i32
      %dma_start3A_216 = arith.constant 0 : i32
      %dma_start3A_217 = arith.constant 0 : i32
      %dma_start3A_218 = tpu.memref_slice %arg6[%add3A_156, %dma_start3A_216, %dma_start3A_217] : memref<4096x200x300xf32, #tpu.memory_space<hbm>> -> memref<1x80x300xf32, #tpu.memory_space<hbm>>
      %dma_start3A_219 = tpu.memref_squeeze %dma_start3A_218 : memref<1x80x300xf32, #tpu.memory_space<hbm>> -> memref<80x300xf32, #tpu.memory_space<hbm>>
      %dma_start3A_220 = arith.constant 0 : i32
      %dma_start3A_221 = arith.constant 0 : i32
      %dma_start3A_222 = tpu.memref_slice %arg6[%add3A_156, %dma_start3A_220, %dma_start3A_221] : memref<4096x200x300xf32, #tpu.memory_space<hbm>> -> memref<1x80x300xf32, #tpu.memory_space<hbm>>
      %dma_start3A_223 = tpu.memref_squeeze %dma_start3A_222 : memref<1x80x300xf32, #tpu.memory_space<hbm>> -> memref<80x300xf32, #tpu.memory_space<hbm>>
      tpu.enqueue_dma source(%arg9 : memref<80x300xf32, #tpu.memory_space<vmem>>) target(%dma_start3A_223 : memref<80x300xf32, #tpu.memory_space<hbm>>) target_semaphore(%arg16 : memref<!tpu.dma_semaphore, #tpu.memory_space<semaphore_mem>>)
      %dma_wait3A_224 = arith.constant 0 : i32
      %dma_wait3A_225 = arith.constant 0 : i32
      %dma_wait3A_226 = tpu.memref_slice %arg11[%dma_wait3A_224, %dma_wait3A_225] : memref<120x300xf32, #tpu.memory_space<vmem>> -> memref<72x256xf32, #tpu.memory_space<vmem>>
      %dma_wait3A_227 = tpu.memref_slice %arg7[%add3A_160] : memref<2560xi32, #tpu.memory_space<vmem>> -> memref<72xi32, #tpu.memory_space<vmem>>
      %dma_wait3A_228 = arith.constant 0 : i32
      %dma_wait3A_229 = arith.constant 0 : i32
      %dma_wait3A_230 = tpu.memref_slice %arg5[%dma_wait3A_228, %dma_wait3A_229] : memref<1000000x300xf32, #tpu.memory_space<hbm>> -> memref<1000000x256xf32, #tpu.memory_space<hbm>>
      tpu.wait_indirect_dma semaphore(%arg15 : memref<!tpu.dma_semaphore, #tpu.memory_space<semaphore_mem>>) src(%dma_wait3A_230 : memref<1000000x256xf32, #tpu.memory_space<hbm>>) dst(%dma_wait3A_226 : memref<72x256xf32, #tpu.memory_space<vmem>>)
      %dma_wait3A_231 = tpu.memref_slice %arg7[%add3A_160] : memref<2560xi32, #tpu.memory_space<vmem>> -> memref<72xi32, #tpu.memory_space<vmem>>
      %dma_wait3A_232 = arith.constant 0 : i32
      %dma_wait3A_233 = arith.constant 0 : i32
      %dma_wait3A_234 = tpu.memref_slice %arg4[%dma_wait3A_232, %dma_wait3A_233] : memref<1000000x128xf32, #tpu.memory_space<hbm>> -> memref<1000000x128xf32, #tpu.memory_space<hbm>>
      tpu.wait_indirect_dma semaphore(%arg15 : memref<!tpu.dma_semaphore, #tpu.memory_space<semaphore_mem>>) src(%dma_wait3A_234 : memref<1000000x128xf32, #tpu.memory_space<hbm>>) dst(%arg12 : memref<72x128xf32, #tpu.memory_space<vmem>>)
      %iota3A_235 = tpu.iota {dimensions = array<i32: 0>} : vector<16xi32>
      %scan3A_236 = arith.constant 0 : i32
      %scan3A_237 = arith.constant 0 : i32
      %scan3A_238 = arith.constant 70 : i32
      %scan3A_239 = arith.addi %scan3A_237, %scan3A_238 : i32
      %scan3A_240 = arith.constant 1 : i32
      scf.for %scan3A_402 = %scan3A_237 to %scan3A_239 step %scan3A_240  : i32 {
        %broadcast_in_dim3A_403 = vector.broadcast %scan3A_402 : i32 to vector<16xi32>
        %add3A_404 = arith.constant 84 : i32
        %add3A_405 = vector.broadcast %add3A_404 : i32 to vector<16xi32>
        %add3A_406 = arith.addi %iota3A_235, %add3A_405 : vector<16xi32>
        %gather3A = tpu.vector_load_idx %arg12[%broadcast_in_dim3A_403, %add3A_406] : memref<72x128xf32, #tpu.memory_space<vmem>>[vector<16xi32>, vector<16xi32>], vector<16xf32>,
        %add3A_407 = arith.constant 256 : i32
        %add3A_408 = vector.broadcast %add3A_407 : i32 to vector<16xi32>
        %add3A_409 = arith.addi %iota3A_235, %add3A_408 : vector<16xi32>
        tpu.vector_store_idx %arg11[%broadcast_in_dim3A_403, %add3A_409], %gather3A : memref<120x300xf32, #tpu.memory_space<vmem>>[vector<16xi32>, vector<16xi32>], vector<16xf32>,
        %add3A_410 = arith.constant 100 : i32
        %add3A_411 = vector.broadcast %add3A_410 : i32 to vector<16xi32>
        %add3A_412 = arith.addi %iota3A_235, %add3A_411 : vector<16xi32>
        %gather3A_413 = tpu.vector_load_idx %arg12[%broadcast_in_dim3A_403, %add3A_412] : memref<72x128xf32, #tpu.memory_space<vmem>>[vector<16xi32>, vector<16xi32>], vector<16xf32>,
        %add3A_414 = arith.constant 272 : i32
        %add3A_415 = vector.broadcast %add3A_414 : i32 to vector<16xi32>
        %add3A_416 = arith.addi %iota3A_235, %add3A_415 : vector<16xi32>
        tpu.vector_store_idx %arg11[%broadcast_in_dim3A_403, %add3A_416], %gather3A_413 : memref<120x300xf32, #tpu.memory_space<vmem>>[vector<16xi32>, vector<16xi32>], vector<16xf32>,
        %add3A_417 = arith.constant 112 : i32
        %add3A_418 = vector.broadcast %add3A_417 : i32 to vector<16xi32>
        %add3A_419 = arith.addi %iota3A_235, %add3A_418 : vector<16xi32>
        %gather3A_420 = tpu.vector_load_idx %arg12[%broadcast_in_dim3A_403, %add3A_419] : memref<72x128xf32, #tpu.memory_space<vmem>>[vector<16xi32>, vector<16xi32>], vector<16xf32>,
        %add3A_421 = arith.constant 284 : i32
        %add3A_422 = vector.broadcast %add3A_421 : i32 to vector<16xi32>
        %add3A_423 = arith.addi %iota3A_235, %add3A_422 : vector<16xi32>
        tpu.vector_store_idx %arg11[%broadcast_in_dim3A_403, %add3A_423], %gather3A_420 : memref<120x300xf32, #tpu.memory_space<vmem>>[vector<16xi32>, vector<16xi32>], vector<16xf32>,
      }
      %scan3A_241 = arith.constant 70 : i32
      %broadcast_in_dim3A = arith.constant 0.000000e+00 : f32
      %broadcast_in_dim3A_242 = vector.broadcast %broadcast_in_dim3A : f32 to vector<16xf32>
      %swap3A = arith.constant 70 : i32
      %swap3A_243 = arith.index_cast %swap3A : i32 to index
      %swap3A_244 = arith.constant 0 : index
      %swap3A_245 = tpu.vector_load %arg11[%swap3A_243, %swap3A_244] {strides = array<i32>} : memref<120x300xf32, #tpu.memory_space<vmem>>, vector<16xf32>,
      tpu.vector_store %arg11[%swap3A_243, %swap3A_244], %broadcast_in_dim3A_242 {strides = array<i32>} : memref<120x300xf32, #tpu.memory_space<vmem>>, vector<16xf32>,
      %swap3A_246 = arith.constant 70 : i32
      %swap3A_247 = arith.index_cast %swap3A_246 : i32 to index
      %swap3A_248 = arith.constant 16 : index
      %swap3A_249 = tpu.vector_load %arg11[%swap3A_247, %swap3A_248] {strides = array<i32>} : memref<120x300xf32, #tpu.memory_space<vmem>>, vector<16xf32>,
      tpu.vector_store %arg11[%swap3A_247, %swap3A_248], %broadcast_in_dim3A_242 {strides = array<i32>} : memref<120x300xf32, #tpu.memory_space<vmem>>, vector<16xf32>,
      %swap3A_250 = arith.constant 70 : i32
      %swap3A_251 = arith.index_cast %swap3A_250 : i32 to index
      %swap3A_252 = arith.constant 32 : index
      %swap3A_253 = tpu.vector_load %arg11[%swap3A_251, %swap3A_252] {strides = array<i32>} : memref<120x300xf32, #tpu.memory_space<vmem>>, vector<16xf32>,
      tpu.vector_store %arg11[%swap3A_251, %swap3A_252], %broadcast_in_dim3A_242 {strides = array<i32>} : memref<120x300xf32, #tpu.memory_space<vmem>>, vector<16xf32>,
      %swap3A_254 = arith.constant 70 : i32
      %swap3A_255 = arith.index_cast %swap3A_254 : i32 to index
      %swap3A_256 = arith.constant 48 : index
      %swap3A_257 = tpu.vector_load %arg11[%swap3A_255, %swap3A_256] {strides = array<i32>} : memref<120x300xf32, #tpu.memory_space<vmem>>, vector<16xf32>,
      tpu.vector_store %arg11[%swap3A_255, %swap3A_256], %broadcast_in_dim3A_242 {strides = array<i32>} : memref<120x300xf32, #tpu.memory_space<vmem>>, vector<16xf32>,
      %swap3A_258 = arith.constant 70 : i32
      %swap3A_259 = arith.index_cast %swap3A_258 : i32 to index
      %swap3A_260 = arith.constant 64 : index
      %swap3A_261 = tpu.vector_load %arg11[%swap3A_259, %swap3A_260] {strides = array<i32>} : memref<120x300xf32, #tpu.memory_space<vmem>>, vector<16xf32>,
      tpu.vector_store %arg11[%swap3A_259, %swap3A_260], %broadcast_in_dim3A_242 {strides = array<i32>} : memref<120x300xf32, #tpu.memory_space<vmem>>, vector<16xf32>,
      %swap3A_262 = arith.constant 70 : i32
      %swap3A_263 = arith.index_cast %swap3A_262 : i32 to index
      %swap3A_264 = arith.constant 80 : index
      %swap3A_265 = tpu.vector_load %arg11[%swap3A_263, %swap3A_264] {strides = array<i32>} : memref<120x300xf32, #tpu.memory_space<vmem>>, vector<16xf32>,
      tpu.vector_store %arg11[%swap3A_263, %swap3A_264], %broadcast_in_dim3A_242 {strides = array<i32>} : memref<120x300xf32, #tpu.memory_space<vmem>>, vector<16xf32>,
      %swap3A_266 = arith.constant 70 : i32
      %swap3A_267 = arith.index_cast %swap3A_266 : i32 to index
      %swap3A_268 = arith.constant 96 : index
      %swap3A_269 = tpu.vector_load %arg11[%swap3A_267, %swap3A_268] {strides = array<i32>} : memref<120x300xf32, #tpu.memory_space<vmem>>, vector<16xf32>,
      tpu.vector_store %arg11[%swap3A_267, %swap3A_268], %broadcast_in_dim3A_242 {strides = array<i32>} : memref<120x300xf32, #tpu.memory_space<vmem>>, vector<16xf32>,
      %swap3A_270 = arith.constant 70 : i32
      %swap3A_271 = arith.index_cast %swap3A_270 : i32 to index
      %swap3A_272 = arith.constant 112 : index
      %swap3A_273 = tpu.vector_load %arg11[%swap3A_271, %swap3A_272] {strides = array<i32>} : memref<120x300xf32, #tpu.memory_space<vmem>>, vector<16xf32>,
      tpu.vector_store %arg11[%swap3A_271, %swap3A_272], %broadcast_in_dim3A_242 {strides = array<i32>} : memref<120x300xf32, #tpu.memory_space<vmem>>, vector<16xf32>,
      %swap3A_274 = arith.constant 70 : i32
      %swap3A_275 = arith.index_cast %swap3A_274 : i32 to index
      %swap3A_276 = arith.constant 128 : index
      %swap3A_277 = tpu.vector_load %arg11[%swap3A_275, %swap3A_276] {strides = array<i32>} : memref<120x300xf32, #tpu.memory_space<vmem>>, vector<16xf32>,
      tpu.vector_store %arg11[%swap3A_275, %swap3A_276], %broadcast_in_dim3A_242 {strides = array<i32>} : memref<120x300xf32, #tpu.memory_space<vmem>>, vector<16xf32>,
      %swap3A_278 = arith.constant 70 : i32
      %swap3A_279 = arith.index_cast %swap3A_278 : i32 to index
      %swap3A_280 = arith.constant 144 : index
      %swap3A_281 = tpu.vector_load %arg11[%swap3A_279, %swap3A_280] {strides = array<i32>} : memref<120x300xf32, #tpu.memory_space<vmem>>, vector<16xf32>,
      tpu.vector_store %arg11[%swap3A_279, %swap3A_280], %broadcast_in_dim3A_242 {strides = array<i32>} : memref<120x300xf32, #tpu.memory_space<vmem>>, vector<16xf32>,
      %swap3A_282 = arith.constant 70 : i32
      %swap3A_283 = arith.index_cast %swap3A_282 : i32 to index
      %swap3A_284 = arith.constant 160 : index
      %swap3A_285 = tpu.vector_load %arg11[%swap3A_283, %swap3A_284] {strides = array<i32>} : memref<120x300xf32, #tpu.memory_space<vmem>>, vector<16xf32>,
      tpu.vector_store %arg11[%swap3A_283, %swap3A_284], %broadcast_in_dim3A_242 {strides = array<i32>} : memref<120x300xf32, #tpu.memory_space<vmem>>, vector<16xf32>,
      %swap3A_286 = arith.constant 70 : i32
      %swap3A_287 = arith.index_cast %swap3A_286 : i32 to index
      %swap3A_288 = arith.constant 176 : index
      %swap3A_289 = tpu.vector_load %arg11[%swap3A_287, %swap3A_288] {strides = array<i32>} : memref<120x300xf32, #tpu.memory_space<vmem>>, vector<16xf32>,
      tpu.vector_store %arg11[%swap3A_287, %swap3A_288], %broadcast_in_dim3A_242 {strides = array<i32>} : memref<120x300xf32, #tpu.memory_space<vmem>>, vector<16xf32>,
      %swap3A_290 = arith.constant 70 : i32
      %swap3A_291 = arith.index_cast %swap3A_290 : i32 to index
      %swap3A_292 = arith.constant 192 : index
      %swap3A_293 = tpu.vector_load %arg11[%swap3A_291, %swap3A_292] {strides = array<i32>} : memref<120x300xf32, #tpu.memory_space<vmem>>, vector<16xf32>,
      tpu.vector_store %arg11[%swap3A_291, %swap3A_292], %broadcast_in_dim3A_242 {strides = array<i32>} : memref<120x300xf32, #tpu.memory_space<vmem>>, vector<16xf32>,
      %swap3A_294 = arith.constant 70 : i32
      %swap3A_295 = arith.index_cast %swap3A_294 : i32 to index
      %swap3A_296 = arith.constant 208 : index
      %swap3A_297 = tpu.vector_load %arg11[%swap3A_295, %swap3A_296] {strides = array<i32>} : memref<120x300xf32, #tpu.memory_space<vmem>>, vector<16xf32>,
      tpu.vector_store %arg11[%swap3A_295, %swap3A_296], %broadcast_in_dim3A_242 {strides = array<i32>} : memref<120x300xf32, #tpu.memory_space<vmem>>, vector<16xf32>,
      %swap3A_298 = arith.constant 70 : i32
      %swap3A_299 = arith.index_cast %swap3A_298 : i32 to index
      %swap3A_300 = arith.constant 224 : index
      %swap3A_301 = tpu.vector_load %arg11[%swap3A_299, %swap3A_300] {strides = array<i32>} : memref<120x300xf32, #tpu.memory_space<vmem>>, vector<16xf32>,
      tpu.vector_store %arg11[%swap3A_299, %swap3A_300], %broadcast_in_dim3A_242 {strides = array<i32>} : memref<120x300xf32, #tpu.memory_space<vmem>>, vector<16xf32>,
      %swap3A_302 = arith.constant 70 : i32
      %swap3A_303 = arith.index_cast %swap3A_302 : i32 to index
      %swap3A_304 = arith.constant 240 : index
      %swap3A_305 = tpu.vector_load %arg11[%swap3A_303, %swap3A_304] {strides = array<i32>} : memref<120x300xf32, #tpu.memory_space<vmem>>, vector<16xf32>,
      tpu.vector_store %arg11[%swap3A_303, %swap3A_304], %broadcast_in_dim3A_242 {strides = array<i32>} : memref<120x300xf32, #tpu.memory_space<vmem>>, vector<16xf32>,
      %swap3A_306 = arith.constant 70 : i32
      %swap3A_307 = arith.index_cast %swap3A_306 : i32 to index
      %swap3A_308 = arith.constant 256 : index
      %swap3A_309 = tpu.vector_load %arg11[%swap3A_307, %swap3A_308] {strides = array<i32>} : memref<120x300xf32, #tpu.memory_space<vmem>>, vector<16xf32>,
      tpu.vector_store %arg11[%swap3A_307, %swap3A_308], %broadcast_in_dim3A_242 {strides = array<i32>} : memref<120x300xf32, #tpu.memory_space<vmem>>, vector<16xf32>,
      %swap3A_310 = arith.constant 70 : i32
      %swap3A_311 = arith.index_cast %swap3A_310 : i32 to index
      %swap3A_312 = arith.constant 272 : index
      %swap3A_313 = tpu.vector_load %arg11[%swap3A_311, %swap3A_312] {strides = array<i32>} : memref<120x300xf32, #tpu.memory_space<vmem>>, vector<16xf32>,
      tpu.vector_store %arg11[%swap3A_311, %swap3A_312], %broadcast_in_dim3A_242 {strides = array<i32>} : memref<120x300xf32, #tpu.memory_space<vmem>>, vector<16xf32>,
      %swap3A_314 = arith.constant 70 : i32
      %swap3A_315 = arith.index_cast %swap3A_314 : i32 to index
      %swap3A_316 = arith.constant 284 : index
      %swap3A_317 = tpu.vector_load %arg11[%swap3A_315, %swap3A_316] {strides = array<i32>} : memref<120x300xf32, #tpu.memory_space<vmem>>, vector<16xf32>,
      tpu.vector_store %arg11[%swap3A_315, %swap3A_316], %broadcast_in_dim3A_242 {strides = array<i32>} : memref<120x300xf32, #tpu.memory_space<vmem>>, vector<16xf32>,
      %swap3A_318 = arith.constant 71 : i32
      %swap3A_319 = arith.index_cast %swap3A_318 : i32 to index
      %swap3A_320 = arith.constant 0 : index
      %swap3A_321 = tpu.vector_load %arg11[%swap3A_319, %swap3A_320] {strides = array<i32>} : memref<120x300xf32, #tpu.memory_space<vmem>>, vector<16xf32>,
      tpu.vector_store %arg11[%swap3A_319, %swap3A_320], %broadcast_in_dim3A_242 {strides = array<i32>} : memref<120x300xf32, #tpu.memory_space<vmem>>, vector<16xf32>,
      %swap3A_322 = arith.constant 71 : i32
      %swap3A_323 = arith.index_cast %swap3A_322 : i32 to index
      %swap3A_324 = arith.constant 16 : index
      %swap3A_325 = tpu.vector_load %arg11[%swap3A_323, %swap3A_324] {strides = array<i32>} : memref<120x300xf32, #tpu.memory_space<vmem>>, vector<16xf32>,
      tpu.vector_store %arg11[%swap3A_323, %swap3A_324], %broadcast_in_dim3A_242 {strides = array<i32>} : memref<120x300xf32, #tpu.memory_space<vmem>>, vector<16xf32>,
      %swap3A_326 = arith.constant 71 : i32
      %swap3A_327 = arith.index_cast %swap3A_326 : i32 to index
      %swap3A_328 = arith.constant 32 : index
      %swap3A_329 = tpu.vector_load %arg11[%swap3A_327, %swap3A_328] {strides = array<i32>} : memref<120x300xf32, #tpu.memory_space<vmem>>, vector<16xf32>,
      tpu.vector_store %arg11[%swap3A_327, %swap3A_328], %broadcast_in_dim3A_242 {strides = array<i32>} : memref<120x300xf32, #tpu.memory_space<vmem>>, vector<16xf32>,
      %swap3A_330 = arith.constant 71 : i32
      %swap3A_331 = arith.index_cast %swap3A_330 : i32 to index
      %swap3A_332 = arith.constant 48 : index
      %swap3A_333 = tpu.vector_load %arg11[%swap3A_331, %swap3A_332] {strides = array<i32>} : memref<120x300xf32, #tpu.memory_space<vmem>>, vector<16xf32>,
      tpu.vector_store %arg11[%swap3A_331, %swap3A_332], %broadcast_in_dim3A_242 {strides = array<i32>} : memref<120x300xf32, #tpu.memory_space<vmem>>, vector<16xf32>,
      %swap3A_334 = arith.constant 71 : i32
      %swap3A_335 = arith.index_cast %swap3A_334 : i32 to index
      %swap3A_336 = arith.constant 64 : index
      %swap3A_337 = tpu.vector_load %arg11[%swap3A_335, %swap3A_336] {strides = array<i32>} : memref<120x300xf32, #tpu.memory_space<vmem>>, vector<16xf32>,
      tpu.vector_store %arg11[%swap3A_335, %swap3A_336], %broadcast_in_dim3A_242 {strides = array<i32>} : memref<120x300xf32, #tpu.memory_space<vmem>>, vector<16xf32>,
      %swap3A_338 = arith.constant 71 : i32
      %swap3A_339 = arith.index_cast %swap3A_338 : i32 to index
      %swap3A_340 = arith.constant 80 : index
      %swap3A_341 = tpu.vector_load %arg11[%swap3A_339, %swap3A_340] {strides = array<i32>} : memref<120x300xf32, #tpu.memory_space<vmem>>, vector<16xf32>,
      tpu.vector_store %arg11[%swap3A_339, %swap3A_340], %broadcast_in_dim3A_242 {strides = array<i32>} : memref<120x300xf32, #tpu.memory_space<vmem>>, vector<16xf32>,
      %swap3A_342 = arith.constant 71 : i32
      %swap3A_343 = arith.index_cast %swap3A_342 : i32 to index
      %swap3A_344 = arith.constant 96 : index
      %swap3A_345 = tpu.vector_load %arg11[%swap3A_343, %swap3A_344] {strides = array<i32>} : memref<120x300xf32, #tpu.memory_space<vmem>>, vector<16xf32>,
      tpu.vector_store %arg11[%swap3A_343, %swap3A_344], %broadcast_in_dim3A_242 {strides = array<i32>} : memref<120x300xf32, #tpu.memory_space<vmem>>, vector<16xf32>,
      %swap3A_346 = arith.constant 71 : i32
      %swap3A_347 = arith.index_cast %swap3A_346 : i32 to index
      %swap3A_348 = arith.constant 112 : index
      %swap3A_349 = tpu.vector_load %arg11[%swap3A_347, %swap3A_348] {strides = array<i32>} : memref<120x300xf32, #tpu.memory_space<vmem>>, vector<16xf32>,
      tpu.vector_store %arg11[%swap3A_347, %swap3A_348], %broadcast_in_dim3A_242 {strides = array<i32>} : memref<120x300xf32, #tpu.memory_space<vmem>>, vector<16xf32>,
      %swap3A_350 = arith.constant 71 : i32
      %swap3A_351 = arith.index_cast %swap3A_350 : i32 to index
      %swap3A_352 = arith.constant 128 : index
      %swap3A_353 = tpu.vector_load %arg11[%swap3A_351, %swap3A_352] {strides = array<i32>} : memref<120x300xf32, #tpu.memory_space<vmem>>, vector<16xf32>,
      tpu.vector_store %arg11[%swap3A_351, %swap3A_352], %broadcast_in_dim3A_242 {strides = array<i32>} : memref<120x300xf32, #tpu.memory_space<vmem>>, vector<16xf32>,
      %swap3A_354 = arith.constant 71 : i32
      %swap3A_355 = arith.index_cast %swap3A_354 : i32 to index
      %swap3A_356 = arith.constant 144 : index
      %swap3A_357 = tpu.vector_load %arg11[%swap3A_355, %swap3A_356] {strides = array<i32>} : memref<120x300xf32, #tpu.memory_space<vmem>>, vector<16xf32>,
      tpu.vector_store %arg11[%swap3A_355, %swap3A_356], %broadcast_in_dim3A_242 {strides = array<i32>} : memref<120x300xf32, #tpu.memory_space<vmem>>, vector<16xf32>,
      %swap3A_358 = arith.constant 71 : i32
      %swap3A_359 = arith.index_cast %swap3A_358 : i32 to index
      %swap3A_360 = arith.constant 160 : index
      %swap3A_361 = tpu.vector_load %arg11[%swap3A_359, %swap3A_360] {strides = array<i32>} : memref<120x300xf32, #tpu.memory_space<vmem>>, vector<16xf32>,
      tpu.vector_store %arg11[%swap3A_359, %swap3A_360], %broadcast_in_dim3A_242 {strides = array<i32>} : memref<120x300xf32, #tpu.memory_space<vmem>>, vector<16xf32>,
      %swap3A_362 = arith.constant 71 : i32
      %swap3A_363 = arith.index_cast %swap3A_362 : i32 to index
      %swap3A_364 = arith.constant 176 : index
      %swap3A_365 = tpu.vector_load %arg11[%swap3A_363, %swap3A_364] {strides = array<i32>} : memref<120x300xf32, #tpu.memory_space<vmem>>, vector<16xf32>,
      tpu.vector_store %arg11[%swap3A_363, %swap3A_364], %broadcast_in_dim3A_242 {strides = array<i32>} : memref<120x300xf32, #tpu.memory_space<vmem>>, vector<16xf32>,
      %swap3A_366 = arith.constant 71 : i32
      %swap3A_367 = arith.index_cast %swap3A_366 : i32 to index
      %swap3A_368 = arith.constant 192 : index
      %swap3A_369 = tpu.vector_load %arg11[%swap3A_367, %swap3A_368] {strides = array<i32>} : memref<120x300xf32, #tpu.memory_space<vmem>>, vector<16xf32>,
      tpu.vector_store %arg11[%swap3A_367, %swap3A_368], %broadcast_in_dim3A_242 {strides = array<i32>} : memref<120x300xf32, #tpu.memory_space<vmem>>, vector<16xf32>,
      %swap3A_370 = arith.constant 71 : i32
      %swap3A_371 = arith.index_cast %swap3A_370 : i32 to index
      %swap3A_372 = arith.constant 208 : index
      %swap3A_373 = tpu.vector_load %arg11[%swap3A_371, %swap3A_372] {strides = array<i32>} : memref<120x300xf32, #tpu.memory_space<vmem>>, vector<16xf32>,
      tpu.vector_store %arg11[%swap3A_371, %swap3A_372], %broadcast_in_dim3A_242 {strides = array<i32>} : memref<120x300xf32, #tpu.memory_space<vmem>>, vector<16xf32>,
      %swap3A_374 = arith.constant 71 : i32
      %swap3A_375 = arith.index_cast %swap3A_374 : i32 to index
      %swap3A_376 = arith.constant 224 : index
      %swap3A_377 = tpu.vector_load %arg11[%swap3A_375, %swap3A_376] {strides = array<i32>} : memref<120x300xf32, #tpu.memory_space<vmem>>, vector<16xf32>,
      tpu.vector_store %arg11[%swap3A_375, %swap3A_376], %broadcast_in_dim3A_242 {strides = array<i32>} : memref<120x300xf32, #tpu.memory_space<vmem>>, vector<16xf32>,
      %swap3A_378 = arith.constant 71 : i32
      %swap3A_379 = arith.index_cast %swap3A_378 : i32 to index
      %swap3A_380 = arith.constant 240 : index
      %swap3A_381 = tpu.vector_load %arg11[%swap3A_379, %swap3A_380] {strides = array<i32>} : memref<120x300xf32, #tpu.memory_space<vmem>>, vector<16xf32>,
      tpu.vector_store %arg11[%swap3A_379, %swap3A_380], %broadcast_in_dim3A_242 {strides = array<i32>} : memref<120x300xf32, #tpu.memory_space<vmem>>, vector<16xf32>,
      %swap3A_382 = arith.constant 71 : i32
      %swap3A_383 = arith.index_cast %swap3A_382 : i32 to index
      %swap3A_384 = arith.constant 256 : index
      %swap3A_385 = tpu.vector_load %arg11[%swap3A_383, %swap3A_384] {strides = array<i32>} : memref<120x300xf32, #tpu.memory_space<vmem>>, vector<16xf32>,
      tpu.vector_store %arg11[%swap3A_383, %swap3A_384], %broadcast_in_dim3A_242 {strides = array<i32>} : memref<120x300xf32, #tpu.memory_space<vmem>>, vector<16xf32>,
      %swap3A_386 = arith.constant 71 : i32
      %swap3A_387 = arith.index_cast %swap3A_386 : i32 to index
      %swap3A_388 = arith.constant 272 : index
      %swap3A_389 = tpu.vector_load %arg11[%swap3A_387, %swap3A_388] {strides = array<i32>} : memref<120x300xf32, #tpu.memory_space<vmem>>, vector<16xf32>,
      tpu.vector_store %arg11[%swap3A_387, %swap3A_388], %broadcast_in_dim3A_242 {strides = array<i32>} : memref<120x300xf32, #tpu.memory_space<vmem>>, vector<16xf32>,
      %swap3A_390 = arith.constant 71 : i32
      %swap3A_391 = arith.index_cast %swap3A_390 : i32 to index
      %swap3A_392 = arith.constant 284 : index
      %swap3A_393 = tpu.vector_load %arg11[%swap3A_391, %swap3A_392] {strides = array<i32>} : memref<120x300xf32, #tpu.memory_space<vmem>>, vector<16xf32>,
      tpu.vector_store %arg11[%swap3A_391, %swap3A_392], %broadcast_in_dim3A_242 {strides = array<i32>} : memref<120x300xf32, #tpu.memory_space<vmem>>, vector<16xf32>,
      %dma_start3A_394 = arith.constant 80 : i32
      %dma_start3A_395 = arith.constant 0 : i32
      %dma_start3A_396 = tpu.memref_slice %arg6[%add3A_156, %dma_start3A_394, %dma_start3A_395] : memref<4096x200x300xf32, #tpu.memory_space<hbm>> -> memref<1x120x300xf32, #tpu.memory_space<hbm>>
      %dma_start3A_397 = tpu.memref_squeeze %dma_start3A_396 : memref<1x120x300xf32, #tpu.memory_space<hbm>> -> memref<120x300xf32, #tpu.memory_space<hbm>>
      %dma_start3A_398 = arith.constant 80 : i32
      %dma_start3A_399 = arith.constant 0 : i32
      %dma_start3A_400 = tpu.memref_slice %arg6[%add3A_156, %dma_start3A_398, %dma_start3A_399] : memref<4096x200x300xf32, #tpu.memory_space<hbm>> -> memref<1x120x300xf32, #tpu.memory_space<hbm>>
      %dma_start3A_401 = tpu.memref_squeeze %dma_start3A_400 : memref<1x120x300xf32, #tpu.memory_space<hbm>> -> memref<120x300xf32, #tpu.memory_space<hbm>>
      tpu.enqueue_dma source(%arg11 : memref<120x300xf32, #tpu.memory_space<vmem>>) target(%dma_start3A_401 : memref<120x300xf32, #tpu.memory_space<hbm>>) target_semaphore(%arg17 : memref<!tpu.dma_semaphore, #tpu.memory_space<semaphore_mem>>)
    }
    %scan3A_85 = arith.constant 16 : i32
    %add3A_86 = arith.constant 80 : i32
    %add3A_87 = arith.addi %mul3A_2, %add3A_86 : i32
    %mul3A_88 = arith.constant 160 : i32
    %mul3A_89 = arith.muli %add3A_87, %mul3A_88 : i32
    %dma_wait3A_90 = tpu.memref_slice %arg2[%mul3A_89] : memref<655360xi32, #tpu.memory_space<hbm>> -> memref<2560xi32, #tpu.memory_space<hbm>>
    %dma_wait3A_91 = tpu.memref_slice %arg2[%mul3A_89] : memref<655360xi32, #tpu.memory_space<hbm>> -> memref<2560xi32, #tpu.memory_space<hbm>>
    tpu.wait_dma2 semaphore(%arg13 : memref<!tpu.dma_semaphore, #tpu.memory_space<semaphore_mem>>) src(%dma_wait3A_91 : memref<2560xi32, #tpu.memory_space<hbm>>) dst(%arg8 : memref<2560xi32, #tpu.memory_space<vmem>>)
    %add3A_92 = arith.constant 96 : i32
    %add3A_93 = arith.addi %mul3A_2, %add3A_92 : i32
    %mul3A_94 = arith.constant 160 : i32
    %mul3A_95 = arith.muli %add3A_93, %mul3A_94 : i32
    %dma_start3A_96 = tpu.memref_slice %arg2[%mul3A_95] : memref<655360xi32, #tpu.memory_space<hbm>> -> memref<2560xi32, #tpu.memory_space<hbm>>
    %dma_start3A_97 = tpu.memref_slice %arg2[%mul3A_95] : memref<655360xi32, #tpu.memory_space<hbm>> -> memref<2560xi32, #tpu.memory_space<hbm>>
    tpu.enqueue_dma source(%dma_start3A_97 : memref<2560xi32, #tpu.memory_space<hbm>>) target(%arg7 : memref<2560xi32, #tpu.memory_space<vmem>>) target_semaphore(%arg13 : memref<!tpu.dma_semaphore, #tpu.memory_space<semaphore_mem>>)
    %scan3A_98 = arith.constant 0 : i32
    %scan3A_99 = arith.constant 0 : i32
    %scan3A_100 = arith.constant 16 : i32
    %scan3A_101 = arith.addi %scan3A_99, %scan3A_100 : i32
    %scan3A_102 = arith.constant 1 : i32
    scf.for %scan3A_153 = %scan3A_99 to %scan3A_101 step %scan3A_102  : i32 {
      %add3A_154 = arith.constant 80 : i32
      %add3A_155 = arith.addi %mul3A_2, %add3A_154 : i32
      %add3A_156 = arith.addi %add3A_155, %scan3A_153 : i32
      %mul3A_157 = arith.constant 160 : i32
      %mul3A_158 = arith.muli %scan3A_153, %mul3A_157 : i32
      %add3A_159 = arith.constant 80 : i32
      %add3A_160 = arith.addi %mul3A_158, %add3A_159 : i32
      %dma_wait3A_161 = arith.constant 0 : i32
      %dma_wait3A_162 = arith.constant 0 : i32
      %dma_wait3A_163 = tpu.memref_slice %arg6[%add3A_156, %dma_wait3A_161, %dma_wait3A_162] : memref<4096x200x300xf32, #tpu.memory_space<hbm>> -> memref<1x80x300xf32, #tpu.memory_space<hbm>>
      %dma_wait3A_164 = tpu.memref_squeeze %dma_wait3A_163 : memref<1x80x300xf32, #tpu.memory_space<hbm>> -> memref<80x300xf32, #tpu.memory_space<hbm>>
      %dma_wait3A_165 = arith.constant 0 : i32
      %dma_wait3A_166 = arith.constant 0 : i32
      %dma_wait3A_167 = tpu.memref_slice %arg6[%add3A_156, %dma_wait3A_165, %dma_wait3A_166] : memref<4096x200x300xf32, #tpu.memory_space<hbm>> -> memref<1x80x300xf32, #tpu.memory_space<hbm>>
      %dma_wait3A_168 = tpu.memref_squeeze %dma_wait3A_167 : memref<1x80x300xf32, #tpu.memory_space<hbm>> -> memref<80x300xf32, #tpu.memory_space<hbm>>
      tpu.wait_dma2 semaphore(%arg16 : memref<!tpu.dma_semaphore, #tpu.memory_space<semaphore_mem>>) src(%arg9 : memref<80x300xf32, #tpu.memory_space<vmem>>) dst(%dma_wait3A_168 : memref<80x300xf32, #tpu.memory_space<hbm>>)
      %dma_start3A_169 = arith.constant 0 : i32
      %dma_start3A_170 = arith.constant 0 : i32
      %dma_start3A_171 = tpu.memref_slice %arg9[%dma_start3A_169, %dma_start3A_170] : memref<80x300xf32, #tpu.memory_space<vmem>> -> memref<80x256xf32, #tpu.memory_space<vmem>>
      %dma_start3A_172 = tpu.memref_slice %arg8[%mul3A_158] : memref<2560xi32, #tpu.memory_space<vmem>> -> memref<80xi32, #tpu.memory_space<vmem>>
      %dma_start3A_173 = arith.constant 0 : i32
      %dma_start3A_174 = arith.constant 0 : i32
      %dma_start3A_175 = tpu.memref_slice %arg5[%dma_start3A_173, %dma_start3A_174] : memref<1000000x300xf32, #tpu.memory_space<hbm>> -> memref<1000000x256xf32, #tpu.memory_space<hbm>>
      tpu.enqueue_indirect_dma source(%dma_start3A_175 : memref<1000000x256xf32, #tpu.memory_space<hbm>>) target(%dma_start3A_171 : memref<80x256xf32, #tpu.memory_space<vmem>>) offsets(%dma_start3A_172 : memref<80xi32, #tpu.memory_space<vmem>>) semaphore(%arg14 : memref<!tpu.dma_semaphore, #tpu.memory_space<semaphore_mem>>)
      %dma_start3A_176 = tpu.memref_slice %arg8[%mul3A_158] : memref<2560xi32, #tpu.memory_space<vmem>> -> memref<80xi32, #tpu.memory_space<vmem>>
      %dma_start3A_177 = arith.constant 0 : i32
      %dma_start3A_178 = arith.constant 0 : i32
      %dma_start3A_179 = tpu.memref_slice %arg4[%dma_start3A_177, %dma_start3A_178] : memref<1000000x128xf32, #tpu.memory_space<hbm>> -> memref<1000000x128xf32, #tpu.memory_space<hbm>>
      tpu.enqueue_indirect_dma source(%dma_start3A_179 : memref<1000000x128xf32, #tpu.memory_space<hbm>>) target(%arg10 : memref<80x128xf32, #tpu.memory_space<vmem>>) offsets(%dma_start3A_176 : memref<80xi32, #tpu.memory_space<vmem>>) semaphore(%arg14 : memref<!tpu.dma_semaphore, #tpu.memory_space<semaphore_mem>>)
      %dma_wait3A_180 = arith.constant 80 : i32
      %dma_wait3A_181 = arith.constant 0 : i32
      %dma_wait3A_182 = tpu.memref_slice %arg6[%add3A_156, %dma_wait3A_180, %dma_wait3A_181] : memref<4096x200x300xf32, #tpu.memory_space<hbm>> -> memref<1x120x300xf32, #tpu.memory_space<hbm>>
      %dma_wait3A_183 = tpu.memref_squeeze %dma_wait3A_182 : memref<1x120x300xf32, #tpu.memory_space<hbm>> -> memref<120x300xf32, #tpu.memory_space<hbm>>
      %dma_wait3A_184 = arith.constant 80 : i32
      %dma_wait3A_185 = arith.constant 0 : i32
      %dma_wait3A_186 = tpu.memref_slice %arg6[%add3A_156, %dma_wait3A_184, %dma_wait3A_185] : memref<4096x200x300xf32, #tpu.memory_space<hbm>> -> memref<1x120x300xf32, #tpu.memory_space<hbm>>
      %dma_wait3A_187 = tpu.memref_squeeze %dma_wait3A_186 : memref<1x120x300xf32, #tpu.memory_space<hbm>> -> memref<120x300xf32, #tpu.memory_space<hbm>>
      tpu.wait_dma2 semaphore(%arg17 : memref<!tpu.dma_semaphore, #tpu.memory_space<semaphore_mem>>) src(%arg11 : memref<120x300xf32, #tpu.memory_space<vmem>>) dst(%dma_wait3A_187 : memref<120x300xf32, #tpu.memory_space<hbm>>)
      %dma_start3A_188 = arith.constant 0 : i32
      %dma_start3A_189 = arith.constant 0 : i32
      %dma_start3A_190 = tpu.memref_slice %arg11[%dma_start3A_188, %dma_start3A_189] : memref<120x300xf32, #tpu.memory_space<vmem>> -> memref<72x256xf32, #tpu.memory_space<vmem>>
      %dma_start3A_191 = tpu.memref_slice %arg8[%add3A_160] : memref<2560xi32, #tpu.memory_space<vmem>> -> memref<72xi32, #tpu.memory_space<vmem>>
      %dma_start3A_192 = arith.constant 0 : i32
      %dma_start3A_193 = arith.constant 0 : i32
      %dma_start3A_194 = tpu.memref_slice %arg5[%dma_start3A_192, %dma_start3A_193] : memref<1000000x300xf32, #tpu.memory_space<hbm>> -> memref<1000000x256xf32, #tpu.memory_space<hbm>>
      tpu.enqueue_indirect_dma source(%dma_start3A_194 : memref<1000000x256xf32, #tpu.memory_space<hbm>>) target(%dma_start3A_190 : memref<72x256xf32, #tpu.memory_space<vmem>>) offsets(%dma_start3A_191 : memref<72xi32, #tpu.memory_space<vmem>>) semaphore(%arg15 : memref<!tpu.dma_semaphore, #tpu.memory_space<semaphore_mem>>)
      %dma_start3A_195 = tpu.memref_slice %arg8[%add3A_160] : memref<2560xi32, #tpu.memory_space<vmem>> -> memref<72xi32, #tpu.memory_space<vmem>>
      %dma_start3A_196 = arith.constant 0 : i32
      %dma_start3A_197 = arith.constant 0 : i32
      %dma_start3A_198 = tpu.memref_slice %arg4[%dma_start3A_196, %dma_start3A_197] : memref<1000000x128xf32, #tpu.memory_space<hbm>> -> memref<1000000x128xf32, #tpu.memory_space<hbm>>
      tpu.enqueue_indirect_dma source(%dma_start3A_198 : memref<1000000x128xf32, #tpu.memory_space<hbm>>) target(%arg12 : memref<72x128xf32, #tpu.memory_space<vmem>>) offsets(%dma_start3A_195 : memref<72xi32, #tpu.memory_space<vmem>>) semaphore(%arg15 : memref<!tpu.dma_semaphore, #tpu.memory_space<semaphore_mem>>)
      %dma_wait3A_199 = arith.constant 0 : i32
      %dma_wait3A_200 = arith.constant 0 : i32
      %dma_wait3A_201 = tpu.memref_slice %arg9[%dma_wait3A_199, %dma_wait3A_200] : memref<80x300xf32, #tpu.memory_space<vmem>> -> memref<80x256xf32, #tpu.memory_space<vmem>>
      %dma_wait3A_202 = tpu.memref_slice %arg8[%mul3A_158] : memref<2560xi32, #tpu.memory_space<vmem>> -> memref<80xi32, #tpu.memory_space<vmem>>
      %dma_wait3A_203 = arith.constant 0 : i32
      %dma_wait3A_204 = arith.constant 0 : i32
      %dma_wait3A_205 = tpu.memref_slice %arg5[%dma_wait3A_203, %dma_wait3A_204] : memref<1000000x300xf32, #tpu.memory_space<hbm>> -> memref<1000000x256xf32, #tpu.memory_space<hbm>>
      tpu.wait_indirect_dma semaphore(%arg14 : memref<!tpu.dma_semaphore, #tpu.memory_space<semaphore_mem>>) src(%dma_wait3A_205 : memref<1000000x256xf32, #tpu.memory_space<hbm>>) dst(%dma_wait3A_201 : memref<80x256xf32, #tpu.memory_space<vmem>>)
      %dma_wait3A_206 = tpu.memref_slice %arg8[%mul3A_158] : memref<2560xi32, #tpu.memory_space<vmem>> -> memref<80xi32, #tpu.memory_space<vmem>>
      %dma_wait3A_207 = arith.constant 0 : i32
      %dma_wait3A_208 = arith.constant 0 : i32
      %dma_wait3A_209 = tpu.memref_slice %arg4[%dma_wait3A_207, %dma_wait3A_208] : memref<1000000x128xf32, #tpu.memory_space<hbm>> -> memref<1000000x128xf32, #tpu.memory_space<hbm>>
      tpu.wait_indirect_dma semaphore(%arg14 : memref<!tpu.dma_semaphore, #tpu.memory_space<semaphore_mem>>) src(%dma_wait3A_209 : memref<1000000x128xf32, #tpu.memory_space<hbm>>) dst(%arg10 : memref<80x128xf32, #tpu.memory_space<vmem>>)
      %iota3A = tpu.iota {dimensions = array<i32: 0>} : vector<16xi32>
      %scan3A_210 = arith.constant 0 : i32
      %scan3A_211 = arith.constant 0 : i32
      %scan3A_212 = arith.constant 80 : i32
      %scan3A_213 = arith.addi %scan3A_211, %scan3A_212 : i32
      %scan3A_214 = arith.constant 1 : i32
      scf.for %scan3A_402 = %scan3A_211 to %scan3A_213 step %scan3A_214  : i32 {
        %broadcast_in_dim3A_403 = vector.broadcast %scan3A_402 : i32 to vector<16xi32>
        %add3A_404 = arith.constant 84 : i32
        %add3A_405 = vector.broadcast %add3A_404 : i32 to vector<16xi32>
        %add3A_406 = arith.addi %iota3A, %add3A_405 : vector<16xi32>
        %gather3A = tpu.vector_load_idx %arg10[%broadcast_in_dim3A_403, %add3A_406] : memref<80x128xf32, #tpu.memory_space<vmem>>[vector<16xi32>, vector<16xi32>], vector<16xf32>,
        %add3A_407 = arith.constant 256 : i32
        %add3A_408 = vector.broadcast %add3A_407 : i32 to vector<16xi32>
        %add3A_409 = arith.addi %iota3A, %add3A_408 : vector<16xi32>
        tpu.vector_store_idx %arg9[%broadcast_in_dim3A_403, %add3A_409], %gather3A : memref<80x300xf32, #tpu.memory_space<vmem>>[vector<16xi32>, vector<16xi32>], vector<16xf32>,
        %add3A_410 = arith.constant 100 : i32
        %add3A_411 = vector.broadcast %add3A_410 : i32 to vector<16xi32>
        %add3A_412 = arith.addi %iota3A, %add3A_411 : vector<16xi32>
        %gather3A_413 = tpu.vector_load_idx %arg10[%broadcast_in_dim3A_403, %add3A_412] : memref<80x128xf32, #tpu.memory_space<vmem>>[vector<16xi32>, vector<16xi32>], vector<16xf32>,
        %add3A_414 = arith.constant 272 : i32
        %add3A_415 = vector.broadcast %add3A_414 : i32 to vector<16xi32>
        %add3A_416 = arith.addi %iota3A, %add3A_415 : vector<16xi32>
        tpu.vector_store_idx %arg9[%broadcast_in_dim3A_403, %add3A_416], %gather3A_413 : memref<80x300xf32, #tpu.memory_space<vmem>>[vector<16xi32>, vector<16xi32>], vector<16xf32>,
        %add3A_417 = arith.constant 112 : i32
        %add3A_418 = vector.broadcast %add3A_417 : i32 to vector<16xi32>
        %add3A_419 = arith.addi %iota3A, %add3A_418 : vector<16xi32>
        %gather3A_420 = tpu.vector_load_idx %arg10[%broadcast_in_dim3A_403, %add3A_419] : memref<80x128xf32, #tpu.memory_space<vmem>>[vector<16xi32>, vector<16xi32>], vector<16xf32>,
        %add3A_421 = arith.constant 284 : i32
        %add3A_422 = vector.broadcast %add3A_421 : i32 to vector<16xi32>
        %add3A_423 = arith.addi %iota3A, %add3A_422 : vector<16xi32>
        tpu.vector_store_idx %arg9[%broadcast_in_dim3A_403, %add3A_423], %gather3A_420 : memref<80x300xf32, #tpu.memory_space<vmem>>[vector<16xi32>, vector<16xi32>], vector<16xf32>,
      }
      %scan3A_215 = arith.constant 80 : i32
      %dma_start3A_216 = arith.constant 0 : i32
      %dma_start3A_217 = arith.constant 0 : i32
      %dma_start3A_218 = tpu.memref_slice %arg6[%add3A_156, %dma_start3A_216, %dma_start3A_217] : memref<4096x200x300xf32, #tpu.memory_space<hbm>> -> memref<1x80x300xf32, #tpu.memory_space<hbm>>
      %dma_start3A_219 = tpu.memref_squeeze %dma_start3A_218 : memref<1x80x300xf32, #tpu.memory_space<hbm>> -> memref<80x300xf32, #tpu.memory_space<hbm>>
      %dma_start3A_220 = arith.constant 0 : i32
      %dma_start3A_221 = arith.constant 0 : i32
      %dma_start3A_222 = tpu.memref_slice %arg6[%add3A_156, %dma_start3A_220, %dma_start3A_221] : memref<4096x200x300xf32, #tpu.memory_space<hbm>> -> memref<1x80x300xf32, #tpu.memory_space<hbm>>
      %dma_start3A_223 = tpu.memref_squeeze %dma_start3A_222 : memref<1x80x300xf32, #tpu.memory_space<hbm>> -> memref<80x300xf32, #tpu.memory_space<hbm>>
      tpu.enqueue_dma source(%arg9 : memref<80x300xf32, #tpu.memory_space<vmem>>) target(%dma_start3A_223 : memref<80x300xf32, #tpu.memory_space<hbm>>) target_semaphore(%arg16 : memref<!tpu.dma_semaphore, #tpu.memory_space<semaphore_mem>>)
      %dma_wait3A_224 = arith.constant 0 : i32
      %dma_wait3A_225 = arith.constant 0 : i32
      %dma_wait3A_226 = tpu.memref_slice %arg11[%dma_wait3A_224, %dma_wait3A_225] : memref<120x300xf32, #tpu.memory_space<vmem>> -> memref<72x256xf32, #tpu.memory_space<vmem>>
      %dma_wait3A_227 = tpu.memref_slice %arg8[%add3A_160] : memref<2560xi32, #tpu.memory_space<vmem>> -> memref<72xi32, #tpu.memory_space<vmem>>
      %dma_wait3A_228 = arith.constant 0 : i32
      %dma_wait3A_229 = arith.constant 0 : i32
      %dma_wait3A_230 = tpu.memref_slice %arg5[%dma_wait3A_228, %dma_wait3A_229] : memref<1000000x300xf32, #tpu.memory_space<hbm>> -> memref<1000000x256xf32, #tpu.memory_space<hbm>>
      tpu.wait_indirect_dma semaphore(%arg15 : memref<!tpu.dma_semaphore, #tpu.memory_space<semaphore_mem>>) src(%dma_wait3A_230 : memref<1000000x256xf32, #tpu.memory_space<hbm>>) dst(%dma_wait3A_226 : memref<72x256xf32, #tpu.memory_space<vmem>>)
      %dma_wait3A_231 = tpu.memref_slice %arg8[%add3A_160] : memref<2560xi32, #tpu.memory_space<vmem>> -> memref<72xi32, #tpu.memory_space<vmem>>
      %dma_wait3A_232 = arith.constant 0 : i32
      %dma_wait3A_233 = arith.constant 0 : i32
      %dma_wait3A_234 = tpu.memref_slice %arg4[%dma_wait3A_232, %dma_wait3A_233] : memref<1000000x128xf32, #tpu.memory_space<hbm>> -> memref<1000000x128xf32, #tpu.memory_space<hbm>>
      tpu.wait_indirect_dma semaphore(%arg15 : memref<!tpu.dma_semaphore, #tpu.memory_space<semaphore_mem>>) src(%dma_wait3A_234 : memref<1000000x128xf32, #tpu.memory_space<hbm>>) dst(%arg12 : memref<72x128xf32, #tpu.memory_space<vmem>>)
      %iota3A_235 = tpu.iota {dimensions = array<i32: 0>} : vector<16xi32>
      %scan3A_236 = arith.constant 0 : i32
      %scan3A_237 = arith.constant 0 : i32
      %scan3A_238 = arith.constant 70 : i32
      %scan3A_239 = arith.addi %scan3A_237, %scan3A_238 : i32
      %scan3A_240 = arith.constant 1 : i32
      scf.for %scan3A_402 = %scan3A_237 to %scan3A_239 step %scan3A_240  : i32 {
        %broadcast_in_dim3A_403 = vector.broadcast %scan3A_402 : i32 to vector<16xi32>
        %add3A_404 = arith.constant 84 : i32
        %add3A_405 = vector.broadcast %add3A_404 : i32 to vector<16xi32>
        %add3A_406 = arith.addi %iota3A_235, %add3A_405 : vector<16xi32>
        %gather3A = tpu.vector_load_idx %arg12[%broadcast_in_dim3A_403, %add3A_406] : memref<72x128xf32, #tpu.memory_space<vmem>>[vector<16xi32>, vector<16xi32>], vector<16xf32>,
        %add3A_407 = arith.constant 256 : i32
        %add3A_408 = vector.broadcast %add3A_407 : i32 to vector<16xi32>
        %add3A_409 = arith.addi %iota3A_235, %add3A_408 : vector<16xi32>
        tpu.vector_store_idx %arg11[%broadcast_in_dim3A_403, %add3A_409], %gather3A : memref<120x300xf32, #tpu.memory_space<vmem>>[vector<16xi32>, vector<16xi32>], vector<16xf32>,
        %add3A_410 = arith.constant 100 : i32
        %add3A_411 = vector.broadcast %add3A_410 : i32 to vector<16xi32>
        %add3A_412 = arith.addi %iota3A_235, %add3A_411 : vector<16xi32>
        %gather3A_413 = tpu.vector_load_idx %arg12[%broadcast_in_dim3A_403, %add3A_412] : memref<72x128xf32, #tpu.memory_space<vmem>>[vector<16xi32>, vector<16xi32>], vector<16xf32>,
        %add3A_414 = arith.constant 272 : i32
        %add3A_415 = vector.broadcast %add3A_414 : i32 to vector<16xi32>
        %add3A_416 = arith.addi %iota3A_235, %add3A_415 : vector<16xi32>
        tpu.vector_store_idx %arg11[%broadcast_in_dim3A_403, %add3A_416], %gather3A_413 : memref<120x300xf32, #tpu.memory_space<vmem>>[vector<16xi32>, vector<16xi32>], vector<16xf32>,
        %add3A_417 = arith.constant 112 : i32
        %add3A_418 = vector.broadcast %add3A_417 : i32 to vector<16xi32>
        %add3A_419 = arith.addi %iota3A_235, %add3A_418 : vector<16xi32>
        %gather3A_420 = tpu.vector_load_idx %arg12[%broadcast_in_dim3A_403, %add3A_419] : memref<72x128xf32, #tpu.memory_space<vmem>>[vector<16xi32>, vector<16xi32>], vector<16xf32>,
        %add3A_421 = arith.constant 284 : i32
        %add3A_422 = vector.broadcast %add3A_421 : i32 to vector<16xi32>
        %add3A_423 = arith.addi %iota3A_235, %add3A_422 : vector<16xi32>
        tpu.vector_store_idx %arg11[%broadcast_in_dim3A_403, %add3A_423], %gather3A_420 : memref<120x300xf32, #tpu.memory_space<vmem>>[vector<16xi32>, vector<16xi32>], vector<16xf32>,
      }
      %scan3A_241 = arith.constant 70 : i32
      %broadcast_in_dim3A = arith.constant 0.000000e+00 : f32
      %broadcast_in_dim3A_242 = vector.broadcast %broadcast_in_dim3A : f32 to vector<16xf32>
      %swap3A = arith.constant 70 : i32
      %swap3A_243 = arith.index_cast %swap3A : i32 to index
      %swap3A_244 = arith.constant 0 : index
      %swap3A_245 = tpu.vector_load %arg11[%swap3A_243, %swap3A_244] {strides = array<i32>} : memref<120x300xf32, #tpu.memory_space<vmem>>, vector<16xf32>,
      tpu.vector_store %arg11[%swap3A_243, %swap3A_244], %broadcast_in_dim3A_242 {strides = array<i32>} : memref<120x300xf32, #tpu.memory_space<vmem>>, vector<16xf32>,
      %swap3A_246 = arith.constant 70 : i32
      %swap3A_247 = arith.index_cast %swap3A_246 : i32 to index
      %swap3A_248 = arith.constant 16 : index
      %swap3A_249 = tpu.vector_load %arg11[%swap3A_247, %swap3A_248] {strides = array<i32>} : memref<120x300xf32, #tpu.memory_space<vmem>>, vector<16xf32>,
      tpu.vector_store %arg11[%swap3A_247, %swap3A_248], %broadcast_in_dim3A_242 {strides = array<i32>} : memref<120x300xf32, #tpu.memory_space<vmem>>, vector<16xf32>,
      %swap3A_250 = arith.constant 70 : i32
      %swap3A_251 = arith.index_cast %swap3A_250 : i32 to index
      %swap3A_252 = arith.constant 32 : index
      %swap3A_253 = tpu.vector_load %arg11[%swap3A_251, %swap3A_252] {strides = array<i32>} : memref<120x300xf32, #tpu.memory_space<vmem>>, vector<16xf32>,
      tpu.vector_store %arg11[%swap3A_251, %swap3A_252], %broadcast_in_dim3A_242 {strides = array<i32>} : memref<120x300xf32, #tpu.memory_space<vmem>>, vector<16xf32>,
      %swap3A_254 = arith.constant 70 : i32
      %swap3A_255 = arith.index_cast %swap3A_254 : i32 to index
      %swap3A_256 = arith.constant 48 : index
      %swap3A_257 = tpu.vector_load %arg11[%swap3A_255, %swap3A_256] {strides = array<i32>} : memref<120x300xf32, #tpu.memory_space<vmem>>, vector<16xf32>,
      tpu.vector_store %arg11[%swap3A_255, %swap3A_256], %broadcast_in_dim3A_242 {strides = array<i32>} : memref<120x300xf32, #tpu.memory_space<vmem>>, vector<16xf32>,
      %swap3A_258 = arith.constant 70 : i32
      %swap3A_259 = arith.index_cast %swap3A_258 : i32 to index
      %swap3A_260 = arith.constant 64 : index
      %swap3A_261 = tpu.vector_load %arg11[%swap3A_259, %swap3A_260] {strides = array<i32>} : memref<120x300xf32, #tpu.memory_space<vmem>>, vector<16xf32>,
      tpu.vector_store %arg11[%swap3A_259, %swap3A_260], %broadcast_in_dim3A_242 {strides = array<i32>} : memref<120x300xf32, #tpu.memory_space<vmem>>, vector<16xf32>,
      %swap3A_262 = arith.constant 70 : i32
      %swap3A_263 = arith.index_cast %swap3A_262 : i32 to index
      %swap3A_264 = arith.constant 80 : index
      %swap3A_265 = tpu.vector_load %arg11[%swap3A_263, %swap3A_264] {strides = array<i32>} : memref<120x300xf32, #tpu.memory_space<vmem>>, vector<16xf32>,
      tpu.vector_store %arg11[%swap3A_263, %swap3A_264], %broadcast_in_dim3A_242 {strides = array<i32>} : memref<120x300xf32, #tpu.memory_space<vmem>>, vector<16xf32>,
      %swap3A_266 = arith.constant 70 : i32
      %swap3A_267 = arith.index_cast %swap3A_266 : i32 to index
      %swap3A_268 = arith.constant 96 : index
      %swap3A_269 = tpu.vector_load %arg11[%swap3A_267, %swap3A_268] {strides = array<i32>} : memref<120x300xf32, #tpu.memory_space<vmem>>, vector<16xf32>,
      tpu.vector_store %arg11[%swap3A_267, %swap3A_268], %broadcast_in_dim3A_242 {strides = array<i32>} : memref<120x300xf32, #tpu.memory_space<vmem>>, vector<16xf32>,
      %swap3A_270 = arith.constant 70 : i32
      %swap3A_271 = arith.index_cast %swap3A_270 : i32 to index
      %swap3A_272 = arith.constant 112 : index
      %swap3A_273 = tpu.vector_load %arg11[%swap3A_271, %swap3A_272] {strides = array<i32>} : memref<120x300xf32, #tpu.memory_space<vmem>>, vector<16xf32>,
      tpu.vector_store %arg11[%swap3A_271, %swap3A_272], %broadcast_in_dim3A_242 {strides = array<i32>} : memref<120x300xf32, #tpu.memory_space<vmem>>, vector<16xf32>,
      %swap3A_274 = arith.constant 70 : i32
      %swap3A_275 = arith.index_cast %swap3A_274 : i32 to index
      %swap3A_276 = arith.constant 128 : index
      %swap3A_277 = tpu.vector_load %arg11[%swap3A_275, %swap3A_276] {strides = array<i32>} : memref<120x300xf32, #tpu.memory_space<vmem>>, vector<16xf32>,
      tpu.vector_store %arg11[%swap3A_275, %swap3A_276], %broadcast_in_dim3A_242 {strides = array<i32>} : memref<120x300xf32, #tpu.memory_space<vmem>>, vector<16xf32>,
      %swap3A_278 = arith.constant 70 : i32
      %swap3A_279 = arith.index_cast %swap3A_278 : i32 to index
      %swap3A_280 = arith.constant 144 : index
      %swap3A_281 = tpu.vector_load %arg11[%swap3A_279, %swap3A_280] {strides = array<i32>} : memref<120x300xf32, #tpu.memory_space<vmem>>, vector<16xf32>,
      tpu.vector_store %arg11[%swap3A_279, %swap3A_280], %broadcast_in_dim3A_242 {strides = array<i32>} : memref<120x300xf32, #tpu.memory_space<vmem>>, vector<16xf32>,
      %swap3A_282 = arith.constant 70 : i32
      %swap3A_283 = arith.index_cast %swap3A_282 : i32 to index
      %swap3A_284 = arith.constant 160 : index
      %swap3A_285 = tpu.vector_load %arg11[%swap3A_283, %swap3A_284] {strides = array<i32>} : memref<120x300xf32, #tpu.memory_space<vmem>>, vector<16xf32>,
      tpu.vector_store %arg11[%swap3A_283, %swap3A_284], %broadcast_in_dim3A_242 {strides = array<i32>} : memref<120x300xf32, #tpu.memory_space<vmem>>, vector<16xf32>,
      %swap3A_286 = arith.constant 70 : i32
      %swap3A_287 = arith.index_cast %swap3A_286 : i32 to index
      %swap3A_288 = arith.constant 176 : index
      %swap3A_289 = tpu.vector_load %arg11[%swap3A_287, %swap3A_288] {strides = array<i32>} : memref<120x300xf32, #tpu.memory_space<vmem>>, vector<16xf32>,
      tpu.vector_store %arg11[%swap3A_287, %swap3A_288], %broadcast_in_dim3A_242 {strides = array<i32>} : memref<120x300xf32, #tpu.memory_space<vmem>>, vector<16xf32>,
      %swap3A_290 = arith.constant 70 : i32
      %swap3A_291 = arith.index_cast %swap3A_290 : i32 to index
      %swap3A_292 = arith.constant 192 : index
      %swap3A_293 = tpu.vector_load %arg11[%swap3A_291, %swap3A_292] {strides = array<i32>} : memref<120x300xf32, #tpu.memory_space<vmem>>, vector<16xf32>,
      tpu.vector_store %arg11[%swap3A_291, %swap3A_292], %broadcast_in_dim3A_242 {strides = array<i32>} : memref<120x300xf32, #tpu.memory_space<vmem>>, vector<16xf32>,
      %swap3A_294 = arith.constant 70 : i32
      %swap3A_295 = arith.index_cast %swap3A_294 : i32 to index
      %swap3A_296 = arith.constant 208 : index
      %swap3A_297 = tpu.vector_load %arg11[%swap3A_295, %swap3A_296] {strides = array<i32>} : memref<120x300xf32, #tpu.memory_space<vmem>>, vector<16xf32>,
      tpu.vector_store %arg11[%swap3A_295, %swap3A_296], %broadcast_in_dim3A_242 {strides = array<i32>} : memref<120x300xf32, #tpu.memory_space<vmem>>, vector<16xf32>,
      %swap3A_298 = arith.constant 70 : i32
      %swap3A_299 = arith.index_cast %swap3A_298 : i32 to index
      %swap3A_300 = arith.constant 224 : index
      %swap3A_301 = tpu.vector_load %arg11[%swap3A_299, %swap3A_300] {strides = array<i32>} : memref<120x300xf32, #tpu.memory_space<vmem>>, vector<16xf32>,
      tpu.vector_store %arg11[%swap3A_299, %swap3A_300], %broadcast_in_dim3A_242 {strides = array<i32>} : memref<120x300xf32, #tpu.memory_space<vmem>>, vector<16xf32>,
      %swap3A_302 = arith.constant 70 : i32
      %swap3A_303 = arith.index_cast %swap3A_302 : i32 to index
      %swap3A_304 = arith.constant 240 : index
      %swap3A_305 = tpu.vector_load %arg11[%swap3A_303, %swap3A_304] {strides = array<i32>} : memref<120x300xf32, #tpu.memory_space<vmem>>, vector<16xf32>,
      tpu.vector_store %arg11[%swap3A_303, %swap3A_304], %broadcast_in_dim3A_242 {strides = array<i32>} : memref<120x300xf32, #tpu.memory_space<vmem>>, vector<16xf32>,
      %swap3A_306 = arith.constant 70 : i32
      %swap3A_307 = arith.index_cast %swap3A_306 : i32 to index
      %swap3A_308 = arith.constant 256 : index
      %swap3A_309 = tpu.vector_load %arg11[%swap3A_307, %swap3A_308] {strides = array<i32>} : memref<120x300xf32, #tpu.memory_space<vmem>>, vector<16xf32>,
      tpu.vector_store %arg11[%swap3A_307, %swap3A_308], %broadcast_in_dim3A_242 {strides = array<i32>} : memref<120x300xf32, #tpu.memory_space<vmem>>, vector<16xf32>,
      %swap3A_310 = arith.constant 70 : i32
      %swap3A_311 = arith.index_cast %swap3A_310 : i32 to index
      %swap3A_312 = arith.constant 272 : index
      %swap3A_313 = tpu.vector_load %arg11[%swap3A_311, %swap3A_312] {strides = array<i32>} : memref<120x300xf32, #tpu.memory_space<vmem>>, vector<16xf32>,
      tpu.vector_store %arg11[%swap3A_311, %swap3A_312], %broadcast_in_dim3A_242 {strides = array<i32>} : memref<120x300xf32, #tpu.memory_space<vmem>>, vector<16xf32>,
      %swap3A_314 = arith.constant 70 : i32
      %swap3A_315 = arith.index_cast %swap3A_314 : i32 to index
      %swap3A_316 = arith.constant 284 : index
      %swap3A_317 = tpu.vector_load %arg11[%swap3A_315, %swap3A_316] {strides = array<i32>} : memref<120x300xf32, #tpu.memory_space<vmem>>, vector<16xf32>,
      tpu.vector_store %arg11[%swap3A_315, %swap3A_316], %broadcast_in_dim3A_242 {strides = array<i32>} : memref<120x300xf32, #tpu.memory_space<vmem>>, vector<16xf32>,
      %swap3A_318 = arith.constant 71 : i32
      %swap3A_319 = arith.index_cast %swap3A_318 : i32 to index
      %swap3A_320 = arith.constant 0 : index
      %swap3A_321 = tpu.vector_load %arg11[%swap3A_319, %swap3A_320] {strides = array<i32>} : memref<120x300xf32, #tpu.memory_space<vmem>>, vector<16xf32>,
      tpu.vector_store %arg11[%swap3A_319, %swap3A_320], %broadcast_in_dim3A_242 {strides = array<i32>} : memref<120x300xf32, #tpu.memory_space<vmem>>, vector<16xf32>,
      %swap3A_322 = arith.constant 71 : i32
      %swap3A_323 = arith.index_cast %swap3A_322 : i32 to index
      %swap3A_324 = arith.constant 16 : index
      %swap3A_325 = tpu.vector_load %arg11[%swap3A_323, %swap3A_324] {strides = array<i32>} : memref<120x300xf32, #tpu.memory_space<vmem>>, vector<16xf32>,
      tpu.vector_store %arg11[%swap3A_323, %swap3A_324], %broadcast_in_dim3A_242 {strides = array<i32>} : memref<120x300xf32, #tpu.memory_space<vmem>>, vector<16xf32>,
      %swap3A_326 = arith.constant 71 : i32
      %swap3A_327 = arith.index_cast %swap3A_326 : i32 to index
      %swap3A_328 = arith.constant 32 : index
      %swap3A_329 = tpu.vector_load %arg11[%swap3A_327, %swap3A_328] {strides = array<i32>} : memref<120x300xf32, #tpu.memory_space<vmem>>, vector<16xf32>,
      tpu.vector_store %arg11[%swap3A_327, %swap3A_328], %broadcast_in_dim3A_242 {strides = array<i32>} : memref<120x300xf32, #tpu.memory_space<vmem>>, vector<16xf32>,
      %swap3A_330 = arith.constant 71 : i32
      %swap3A_331 = arith.index_cast %swap3A_330 : i32 to index
      %swap3A_332 = arith.constant 48 : index
      %swap3A_333 = tpu.vector_load %arg11[%swap3A_331, %swap3A_332] {strides = array<i32>} : memref<120x300xf32, #tpu.memory_space<vmem>>, vector<16xf32>,
      tpu.vector_store %arg11[%swap3A_331, %swap3A_332], %broadcast_in_dim3A_242 {strides = array<i32>} : memref<120x300xf32, #tpu.memory_space<vmem>>, vector<16xf32>,
      %swap3A_334 = arith.constant 71 : i32
      %swap3A_335 = arith.index_cast %swap3A_334 : i32 to index
      %swap3A_336 = arith.constant 64 : index
      %swap3A_337 = tpu.vector_load %arg11[%swap3A_335, %swap3A_336] {strides = array<i32>} : memref<120x300xf32, #tpu.memory_space<vmem>>, vector<16xf32>,
      tpu.vector_store %arg11[%swap3A_335, %swap3A_336], %broadcast_in_dim3A_242 {strides = array<i32>} : memref<120x300xf32, #tpu.memory_space<vmem>>, vector<16xf32>,
      %swap3A_338 = arith.constant 71 : i32
      %swap3A_339 = arith.index_cast %swap3A_338 : i32 to index
      %swap3A_340 = arith.constant 80 : index
      %swap3A_341 = tpu.vector_load %arg11[%swap3A_339, %swap3A_340] {strides = array<i32>} : memref<120x300xf32, #tpu.memory_space<vmem>>, vector<16xf32>,
      tpu.vector_store %arg11[%swap3A_339, %swap3A_340], %broadcast_in_dim3A_242 {strides = array<i32>} : memref<120x300xf32, #tpu.memory_space<vmem>>, vector<16xf32>,
      %swap3A_342 = arith.constant 71 : i32
      %swap3A_343 = arith.index_cast %swap3A_342 : i32 to index
      %swap3A_344 = arith.constant 96 : index
      %swap3A_345 = tpu.vector_load %arg11[%swap3A_343, %swap3A_344] {strides = array<i32>} : memref<120x300xf32, #tpu.memory_space<vmem>>, vector<16xf32>,
      tpu.vector_store %arg11[%swap3A_343, %swap3A_344], %broadcast_in_dim3A_242 {strides = array<i32>} : memref<120x300xf32, #tpu.memory_space<vmem>>, vector<16xf32>,
      %swap3A_346 = arith.constant 71 : i32
      %swap3A_347 = arith.index_cast %swap3A_346 : i32 to index
      %swap3A_348 = arith.constant 112 : index
      %swap3A_349 = tpu.vector_load %arg11[%swap3A_347, %swap3A_348] {strides = array<i32>} : memref<120x300xf32, #tpu.memory_space<vmem>>, vector<16xf32>,
      tpu.vector_store %arg11[%swap3A_347, %swap3A_348], %broadcast_in_dim3A_242 {strides = array<i32>} : memref<120x300xf32, #tpu.memory_space<vmem>>, vector<16xf32>,
      %swap3A_350 = arith.constant 71 : i32
      %swap3A_351 = arith.index_cast %swap3A_350 : i32 to index
      %swap3A_352 = arith.constant 128 : index
      %swap3A_353 = tpu.vector_load %arg11[%swap3A_351, %swap3A_352] {strides = array<i32>} : memref<120x300xf32, #tpu.memory_space<vmem>>, vector<16xf32>,
      tpu.vector_store %arg11[%swap3A_351, %swap3A_352], %broadcast_in_dim3A_242 {strides = array<i32>} : memref<120x300xf32, #tpu.memory_space<vmem>>, vector<16xf32>,
      %swap3A_354 = arith.constant 71 : i32
      %swap3A_355 = arith.index_cast %swap3A_354 : i32 to index
      %swap3A_356 = arith.constant 144 : index
      %swap3A_357 = tpu.vector_load %arg11[%swap3A_355, %swap3A_356] {strides = array<i32>} : memref<120x300xf32, #tpu.memory_space<vmem>>, vector<16xf32>,
      tpu.vector_store %arg11[%swap3A_355, %swap3A_356], %broadcast_in_dim3A_242 {strides = array<i32>} : memref<120x300xf32, #tpu.memory_space<vmem>>, vector<16xf32>,
      %swap3A_358 = arith.constant 71 : i32
      %swap3A_359 = arith.index_cast %swap3A_358 : i32 to index
      %swap3A_360 = arith.constant 160 : index
      %swap3A_361 = tpu.vector_load %arg11[%swap3A_359, %swap3A_360] {strides = array<i32>} : memref<120x300xf32, #tpu.memory_space<vmem>>, vector<16xf32>,
      tpu.vector_store %arg11[%swap3A_359, %swap3A_360], %broadcast_in_dim3A_242 {strides = array<i32>} : memref<120x300xf32, #tpu.memory_space<vmem>>, vector<16xf32>,
      %swap3A_362 = arith.constant 71 : i32
      %swap3A_363 = arith.index_cast %swap3A_362 : i32 to index
      %swap3A_364 = arith.constant 176 : index
      %swap3A_365 = tpu.vector_load %arg11[%swap3A_363, %swap3A_364] {strides = array<i32>} : memref<120x300xf32, #tpu.memory_space<vmem>>, vector<16xf32>,
      tpu.vector_store %arg11[%swap3A_363, %swap3A_364], %broadcast_in_dim3A_242 {strides = array<i32>} : memref<120x300xf32, #tpu.memory_space<vmem>>, vector<16xf32>,
      %swap3A_366 = arith.constant 71 : i32
      %swap3A_367 = arith.index_cast %swap3A_366 : i32 to index
      %swap3A_368 = arith.constant 192 : index
      %swap3A_369 = tpu.vector_load %arg11[%swap3A_367, %swap3A_368] {strides = array<i32>} : memref<120x300xf32, #tpu.memory_space<vmem>>, vector<16xf32>,
      tpu.vector_store %arg11[%swap3A_367, %swap3A_368], %broadcast_in_dim3A_242 {strides = array<i32>} : memref<120x300xf32, #tpu.memory_space<vmem>>, vector<16xf32>,
      %swap3A_370 = arith.constant 71 : i32
      %swap3A_371 = arith.index_cast %swap3A_370 : i32 to index
      %swap3A_372 = arith.constant 208 : index
      %swap3A_373 = tpu.vector_load %arg11[%swap3A_371, %swap3A_372] {strides = array<i32>} : memref<120x300xf32, #tpu.memory_space<vmem>>, vector<16xf32>,
      tpu.vector_store %arg11[%swap3A_371, %swap3A_372], %broadcast_in_dim3A_242 {strides = array<i32>} : memref<120x300xf32, #tpu.memory_space<vmem>>, vector<16xf32>,
      %swap3A_374 = arith.constant 71 : i32
      %swap3A_375 = arith.index_cast %swap3A_374 : i32 to index
      %swap3A_376 = arith.constant 224 : index
      %swap3A_377 = tpu.vector_load %arg11[%swap3A_375, %swap3A_376] {strides = array<i32>} : memref<120x300xf32, #tpu.memory_space<vmem>>, vector<16xf32>,
      tpu.vector_store %arg11[%swap3A_375, %swap3A_376], %broadcast_in_dim3A_242 {strides = array<i32>} : memref<120x300xf32, #tpu.memory_space<vmem>>, vector<16xf32>,
      %swap3A_378 = arith.constant 71 : i32
      %swap3A_379 = arith.index_cast %swap3A_378 : i32 to index
      %swap3A_380 = arith.constant 240 : index
      %swap3A_381 = tpu.vector_load %arg11[%swap3A_379, %swap3A_380] {strides = array<i32>} : memref<120x300xf32, #tpu.memory_space<vmem>>, vector<16xf32>,
      tpu.vector_store %arg11[%swap3A_379, %swap3A_380], %broadcast_in_dim3A_242 {strides = array<i32>} : memref<120x300xf32, #tpu.memory_space<vmem>>, vector<16xf32>,
      %swap3A_382 = arith.constant 71 : i32
      %swap3A_383 = arith.index_cast %swap3A_382 : i32 to index
      %swap3A_384 = arith.constant 256 : index
      %swap3A_385 = tpu.vector_load %arg11[%swap3A_383, %swap3A_384] {strides = array<i32>} : memref<120x300xf32, #tpu.memory_space<vmem>>, vector<16xf32>,
      tpu.vector_store %arg11[%swap3A_383, %swap3A_384], %broadcast_in_dim3A_242 {strides = array<i32>} : memref<120x300xf32, #tpu.memory_space<vmem>>, vector<16xf32>,
      %swap3A_386 = arith.constant 71 : i32
      %swap3A_387 = arith.index_cast %swap3A_386 : i32 to index
      %swap3A_388 = arith.constant 272 : index
      %swap3A_389 = tpu.vector_load %arg11[%swap3A_387, %swap3A_388] {strides = array<i32>} : memref<120x300xf32, #tpu.memory_space<vmem>>, vector<16xf32>,
      tpu.vector_store %arg11[%swap3A_387, %swap3A_388], %broadcast_in_dim3A_242 {strides = array<i32>} : memref<120x300xf32, #tpu.memory_space<vmem>>, vector<16xf32>,
      %swap3A_390 = arith.constant 71 : i32
      %swap3A_391 = arith.index_cast %swap3A_390 : i32 to index
      %swap3A_392 = arith.constant 284 : index
      %swap3A_393 = tpu.vector_load %arg11[%swap3A_391, %swap3A_392] {strides = array<i32>} : memref<120x300xf32, #tpu.memory_space<vmem>>, vector<16xf32>,
      tpu.vector_store %arg11[%swap3A_391, %swap3A_392], %broadcast_in_dim3A_242 {strides = array<i32>} : memref<120x300xf32, #tpu.memory_space<vmem>>, vector<16xf32>,
      %dma_start3A_394 = arith.constant 80 : i32
      %dma_start3A_395 = arith.constant 0 : i32
      %dma_start3A_396 = tpu.memref_slice %arg6[%add3A_156, %dma_start3A_394, %dma_start3A_395] : memref<4096x200x300xf32, #tpu.memory_space<hbm>> -> memref<1x120x300xf32, #tpu.memory_space<hbm>>
      %dma_start3A_397 = tpu.memref_squeeze %dma_start3A_396 : memref<1x120x300xf32, #tpu.memory_space<hbm>> -> memref<120x300xf32, #tpu.memory_space<hbm>>
      %dma_start3A_398 = arith.constant 80 : i32
      %dma_start3A_399 = arith.constant 0 : i32
      %dma_start3A_400 = tpu.memref_slice %arg6[%add3A_156, %dma_start3A_398, %dma_start3A_399] : memref<4096x200x300xf32, #tpu.memory_space<hbm>> -> memref<1x120x300xf32, #tpu.memory_space<hbm>>
      %dma_start3A_401 = tpu.memref_squeeze %dma_start3A_400 : memref<1x120x300xf32, #tpu.memory_space<hbm>> -> memref<120x300xf32, #tpu.memory_space<hbm>>
      tpu.enqueue_dma source(%arg11 : memref<120x300xf32, #tpu.memory_space<vmem>>) target(%dma_start3A_401 : memref<120x300xf32, #tpu.memory_space<hbm>>) target_semaphore(%arg17 : memref<!tpu.dma_semaphore, #tpu.memory_space<semaphore_mem>>)
    }
    %scan3A_103 = arith.constant 16 : i32
    %add3A_104 = arith.constant 96 : i32
    %add3A_105 = arith.addi %mul3A_2, %add3A_104 : i32
    %mul3A_106 = arith.constant 160 : i32
    %mul3A_107 = arith.muli %add3A_105, %mul3A_106 : i32
    %dma_wait3A_108 = tpu.memref_slice %arg2[%mul3A_107] : memref<655360xi32, #tpu.memory_space<hbm>> -> memref<2560xi32, #tpu.memory_space<hbm>>
    %dma_wait3A_109 = tpu.memref_slice %arg2[%mul3A_107] : memref<655360xi32, #tpu.memory_space<hbm>> -> memref<2560xi32, #tpu.memory_space<hbm>>
    tpu.wait_dma2 semaphore(%arg13 : memref<!tpu.dma_semaphore, #tpu.memory_space<semaphore_mem>>) src(%dma_wait3A_109 : memref<2560xi32, #tpu.memory_space<hbm>>) dst(%arg7 : memref<2560xi32, #tpu.memory_space<vmem>>)
    %add3A_110 = arith.constant 112 : i32
    %add3A_111 = arith.addi %mul3A_2, %add3A_110 : i32
    %mul3A_112 = arith.constant 160 : i32
    %mul3A_113 = arith.muli %add3A_111, %mul3A_112 : i32
    %dma_start3A_114 = tpu.memref_slice %arg2[%mul3A_113] : memref<655360xi32, #tpu.memory_space<hbm>> -> memref<2560xi32, #tpu.memory_space<hbm>>
    %dma_start3A_115 = tpu.memref_slice %arg2[%mul3A_113] : memref<655360xi32, #tpu.memory_space<hbm>> -> memref<2560xi32, #tpu.memory_space<hbm>>
    tpu.enqueue_dma source(%dma_start3A_115 : memref<2560xi32, #tpu.memory_space<hbm>>) target(%arg8 : memref<2560xi32, #tpu.memory_space<vmem>>) target_semaphore(%arg13 : memref<!tpu.dma_semaphore, #tpu.memory_space<semaphore_mem>>)
    %scan3A_116 = arith.constant 0 : i32
    %scan3A_117 = arith.constant 0 : i32
    %scan3A_118 = arith.constant 16 : i32
    %scan3A_119 = arith.addi %scan3A_117, %scan3A_118 : i32
    %scan3A_120 = arith.constant 1 : i32
    scf.for %scan3A_153 = %scan3A_117 to %scan3A_119 step %scan3A_120  : i32 {
      %add3A_154 = arith.constant 96 : i32
      %add3A_155 = arith.addi %mul3A_2, %add3A_154 : i32
      %add3A_156 = arith.addi %add3A_155, %scan3A_153 : i32
      %mul3A_157 = arith.constant 160 : i32
      %mul3A_158 = arith.muli %scan3A_153, %mul3A_157 : i32
      %add3A_159 = arith.constant 80 : i32
      %add3A_160 = arith.addi %mul3A_158, %add3A_159 : i32
      %dma_wait3A_161 = arith.constant 0 : i32
      %dma_wait3A_162 = arith.constant 0 : i32
      %dma_wait3A_163 = tpu.memref_slice %arg6[%add3A_156, %dma_wait3A_161, %dma_wait3A_162] : memref<4096x200x300xf32, #tpu.memory_space<hbm>> -> memref<1x80x300xf32, #tpu.memory_space<hbm>>
      %dma_wait3A_164 = tpu.memref_squeeze %dma_wait3A_163 : memref<1x80x300xf32, #tpu.memory_space<hbm>> -> memref<80x300xf32, #tpu.memory_space<hbm>>
      %dma_wait3A_165 = arith.constant 0 : i32
      %dma_wait3A_166 = arith.constant 0 : i32
      %dma_wait3A_167 = tpu.memref_slice %arg6[%add3A_156, %dma_wait3A_165, %dma_wait3A_166] : memref<4096x200x300xf32, #tpu.memory_space<hbm>> -> memref<1x80x300xf32, #tpu.memory_space<hbm>>
      %dma_wait3A_168 = tpu.memref_squeeze %dma_wait3A_167 : memref<1x80x300xf32, #tpu.memory_space<hbm>> -> memref<80x300xf32, #tpu.memory_space<hbm>>
      tpu.wait_dma2 semaphore(%arg16 : memref<!tpu.dma_semaphore, #tpu.memory_space<semaphore_mem>>) src(%arg9 : memref<80x300xf32, #tpu.memory_space<vmem>>) dst(%dma_wait3A_168 : memref<80x300xf32, #tpu.memory_space<hbm>>)
      %dma_start3A_169 = arith.constant 0 : i32
      %dma_start3A_170 = arith.constant 0 : i32
      %dma_start3A_171 = tpu.memref_slice %arg9[%dma_start3A_169, %dma_start3A_170] : memref<80x300xf32, #tpu.memory_space<vmem>> -> memref<80x256xf32, #tpu.memory_space<vmem>>
      %dma_start3A_172 = tpu.memref_slice %arg7[%mul3A_158] : memref<2560xi32, #tpu.memory_space<vmem>> -> memref<80xi32, #tpu.memory_space<vmem>>
      %dma_start3A_173 = arith.constant 0 : i32
      %dma_start3A_174 = arith.constant 0 : i32
      %dma_start3A_175 = tpu.memref_slice %arg5[%dma_start3A_173, %dma_start3A_174] : memref<1000000x300xf32, #tpu.memory_space<hbm>> -> memref<1000000x256xf32, #tpu.memory_space<hbm>>
      tpu.enqueue_indirect_dma source(%dma_start3A_175 : memref<1000000x256xf32, #tpu.memory_space<hbm>>) target(%dma_start3A_171 : memref<80x256xf32, #tpu.memory_space<vmem>>) offsets(%dma_start3A_172 : memref<80xi32, #tpu.memory_space<vmem>>) semaphore(%arg14 : memref<!tpu.dma_semaphore, #tpu.memory_space<semaphore_mem>>)
      %dma_start3A_176 = tpu.memref_slice %arg7[%mul3A_158] : memref<2560xi32, #tpu.memory_space<vmem>> -> memref<80xi32, #tpu.memory_space<vmem>>
      %dma_start3A_177 = arith.constant 0 : i32
      %dma_start3A_178 = arith.constant 0 : i32
      %dma_start3A_179 = tpu.memref_slice %arg4[%dma_start3A_177, %dma_start3A_178] : memref<1000000x128xf32, #tpu.memory_space<hbm>> -> memref<1000000x128xf32, #tpu.memory_space<hbm>>
      tpu.enqueue_indirect_dma source(%dma_start3A_179 : memref<1000000x128xf32, #tpu.memory_space<hbm>>) target(%arg10 : memref<80x128xf32, #tpu.memory_space<vmem>>) offsets(%dma_start3A_176 : memref<80xi32, #tpu.memory_space<vmem>>) semaphore(%arg14 : memref<!tpu.dma_semaphore, #tpu.memory_space<semaphore_mem>>)
      %dma_wait3A_180 = arith.constant 80 : i32
      %dma_wait3A_181 = arith.constant 0 : i32
      %dma_wait3A_182 = tpu.memref_slice %arg6[%add3A_156, %dma_wait3A_180, %dma_wait3A_181] : memref<4096x200x300xf32, #tpu.memory_space<hbm>> -> memref<1x120x300xf32, #tpu.memory_space<hbm>>
      %dma_wait3A_183 = tpu.memref_squeeze %dma_wait3A_182 : memref<1x120x300xf32, #tpu.memory_space<hbm>> -> memref<120x300xf32, #tpu.memory_space<hbm>>
      %dma_wait3A_184 = arith.constant 80 : i32
      %dma_wait3A_185 = arith.constant 0 : i32
      %dma_wait3A_186 = tpu.memref_slice %arg6[%add3A_156, %dma_wait3A_184, %dma_wait3A_185] : memref<4096x200x300xf32, #tpu.memory_space<hbm>> -> memref<1x120x300xf32, #tpu.memory_space<hbm>>
      %dma_wait3A_187 = tpu.memref_squeeze %dma_wait3A_186 : memref<1x120x300xf32, #tpu.memory_space<hbm>> -> memref<120x300xf32, #tpu.memory_space<hbm>>
      tpu.wait_dma2 semaphore(%arg17 : memref<!tpu.dma_semaphore, #tpu.memory_space<semaphore_mem>>) src(%arg11 : memref<120x300xf32, #tpu.memory_space<vmem>>) dst(%dma_wait3A_187 : memref<120x300xf32, #tpu.memory_space<hbm>>)
      %dma_start3A_188 = arith.constant 0 : i32
      %dma_start3A_189 = arith.constant 0 : i32
      %dma_start3A_190 = tpu.memref_slice %arg11[%dma_start3A_188, %dma_start3A_189] : memref<120x300xf32, #tpu.memory_space<vmem>> -> memref<72x256xf32, #tpu.memory_space<vmem>>
      %dma_start3A_191 = tpu.memref_slice %arg7[%add3A_160] : memref<2560xi32, #tpu.memory_space<vmem>> -> memref<72xi32, #tpu.memory_space<vmem>>
      %dma_start3A_192 = arith.constant 0 : i32
      %dma_start3A_193 = arith.constant 0 : i32
      %dma_start3A_194 = tpu.memref_slice %arg5[%dma_start3A_192, %dma_start3A_193] : memref<1000000x300xf32, #tpu.memory_space<hbm>> -> memref<1000000x256xf32, #tpu.memory_space<hbm>>
      tpu.enqueue_indirect_dma source(%dma_start3A_194 : memref<1000000x256xf32, #tpu.memory_space<hbm>>) target(%dma_start3A_190 : memref<72x256xf32, #tpu.memory_space<vmem>>) offsets(%dma_start3A_191 : memref<72xi32, #tpu.memory_space<vmem>>) semaphore(%arg15 : memref<!tpu.dma_semaphore, #tpu.memory_space<semaphore_mem>>)
      %dma_start3A_195 = tpu.memref_slice %arg7[%add3A_160] : memref<2560xi32, #tpu.memory_space<vmem>> -> memref<72xi32, #tpu.memory_space<vmem>>
      %dma_start3A_196 = arith.constant 0 : i32
      %dma_start3A_197 = arith.constant 0 : i32
      %dma_start3A_198 = tpu.memref_slice %arg4[%dma_start3A_196, %dma_start3A_197] : memref<1000000x128xf32, #tpu.memory_space<hbm>> -> memref<1000000x128xf32, #tpu.memory_space<hbm>>
      tpu.enqueue_indirect_dma source(%dma_start3A_198 : memref<1000000x128xf32, #tpu.memory_space<hbm>>) target(%arg12 : memref<72x128xf32, #tpu.memory_space<vmem>>) offsets(%dma_start3A_195 : memref<72xi32, #tpu.memory_space<vmem>>) semaphore(%arg15 : memref<!tpu.dma_semaphore, #tpu.memory_space<semaphore_mem>>)
      %dma_wait3A_199 = arith.constant 0 : i32
      %dma_wait3A_200 = arith.constant 0 : i32
      %dma_wait3A_201 = tpu.memref_slice %arg9[%dma_wait3A_199, %dma_wait3A_200] : memref<80x300xf32, #tpu.memory_space<vmem>> -> memref<80x256xf32, #tpu.memory_space<vmem>>
      %dma_wait3A_202 = tpu.memref_slice %arg7[%mul3A_158] : memref<2560xi32, #tpu.memory_space<vmem>> -> memref<80xi32, #tpu.memory_space<vmem>>
      %dma_wait3A_203 = arith.constant 0 : i32
      %dma_wait3A_204 = arith.constant 0 : i32
      %dma_wait3A_205 = tpu.memref_slice %arg5[%dma_wait3A_203, %dma_wait3A_204] : memref<1000000x300xf32, #tpu.memory_space<hbm>> -> memref<1000000x256xf32, #tpu.memory_space<hbm>>
      tpu.wait_indirect_dma semaphore(%arg14 : memref<!tpu.dma_semaphore, #tpu.memory_space<semaphore_mem>>) src(%dma_wait3A_205 : memref<1000000x256xf32, #tpu.memory_space<hbm>>) dst(%dma_wait3A_201 : memref<80x256xf32, #tpu.memory_space<vmem>>)
      %dma_wait3A_206 = tpu.memref_slice %arg7[%mul3A_158] : memref<2560xi32, #tpu.memory_space<vmem>> -> memref<80xi32, #tpu.memory_space<vmem>>
      %dma_wait3A_207 = arith.constant 0 : i32
      %dma_wait3A_208 = arith.constant 0 : i32
      %dma_wait3A_209 = tpu.memref_slice %arg4[%dma_wait3A_207, %dma_wait3A_208] : memref<1000000x128xf32, #tpu.memory_space<hbm>> -> memref<1000000x128xf32, #tpu.memory_space<hbm>>
      tpu.wait_indirect_dma semaphore(%arg14 : memref<!tpu.dma_semaphore, #tpu.memory_space<semaphore_mem>>) src(%dma_wait3A_209 : memref<1000000x128xf32, #tpu.memory_space<hbm>>) dst(%arg10 : memref<80x128xf32, #tpu.memory_space<vmem>>)
      %iota3A = tpu.iota {dimensions = array<i32: 0>} : vector<16xi32>
      %scan3A_210 = arith.constant 0 : i32
      %scan3A_211 = arith.constant 0 : i32
      %scan3A_212 = arith.constant 80 : i32
      %scan3A_213 = arith.addi %scan3A_211, %scan3A_212 : i32
      %scan3A_214 = arith.constant 1 : i32
      scf.for %scan3A_402 = %scan3A_211 to %scan3A_213 step %scan3A_214  : i32 {
        %broadcast_in_dim3A_403 = vector.broadcast %scan3A_402 : i32 to vector<16xi32>
        %add3A_404 = arith.constant 84 : i32
        %add3A_405 = vector.broadcast %add3A_404 : i32 to vector<16xi32>
        %add3A_406 = arith.addi %iota3A, %add3A_405 : vector<16xi32>
        %gather3A = tpu.vector_load_idx %arg10[%broadcast_in_dim3A_403, %add3A_406] : memref<80x128xf32, #tpu.memory_space<vmem>>[vector<16xi32>, vector<16xi32>], vector<16xf32>,
        %add3A_407 = arith.constant 256 : i32
        %add3A_408 = vector.broadcast %add3A_407 : i32 to vector<16xi32>
        %add3A_409 = arith.addi %iota3A, %add3A_408 : vector<16xi32>
        tpu.vector_store_idx %arg9[%broadcast_in_dim3A_403, %add3A_409], %gather3A : memref<80x300xf32, #tpu.memory_space<vmem>>[vector<16xi32>, vector<16xi32>], vector<16xf32>,
        %add3A_410 = arith.constant 100 : i32
        %add3A_411 = vector.broadcast %add3A_410 : i32 to vector<16xi32>
        %add3A_412 = arith.addi %iota3A, %add3A_411 : vector<16xi32>
        %gather3A_413 = tpu.vector_load_idx %arg10[%broadcast_in_dim3A_403, %add3A_412] : memref<80x128xf32, #tpu.memory_space<vmem>>[vector<16xi32>, vector<16xi32>], vector<16xf32>,
        %add3A_414 = arith.constant 272 : i32
        %add3A_415 = vector.broadcast %add3A_414 : i32 to vector<16xi32>
        %add3A_416 = arith.addi %iota3A, %add3A_415 : vector<16xi32>
        tpu.vector_store_idx %arg9[%broadcast_in_dim3A_403, %add3A_416], %gather3A_413 : memref<80x300xf32, #tpu.memory_space<vmem>>[vector<16xi32>, vector<16xi32>], vector<16xf32>,
        %add3A_417 = arith.constant 112 : i32
        %add3A_418 = vector.broadcast %add3A_417 : i32 to vector<16xi32>
        %add3A_419 = arith.addi %iota3A, %add3A_418 : vector<16xi32>
        %gather3A_420 = tpu.vector_load_idx %arg10[%broadcast_in_dim3A_403, %add3A_419] : memref<80x128xf32, #tpu.memory_space<vmem>>[vector<16xi32>, vector<16xi32>], vector<16xf32>,
        %add3A_421 = arith.constant 284 : i32
        %add3A_422 = vector.broadcast %add3A_421 : i32 to vector<16xi32>
        %add3A_423 = arith.addi %iota3A, %add3A_422 : vector<16xi32>
        tpu.vector_store_idx %arg9[%broadcast_in_dim3A_403, %add3A_423], %gather3A_420 : memref<80x300xf32, #tpu.memory_space<vmem>>[vector<16xi32>, vector<16xi32>], vector<16xf32>,
      }
      %scan3A_215 = arith.constant 80 : i32
      %dma_start3A_216 = arith.constant 0 : i32
      %dma_start3A_217 = arith.constant 0 : i32
      %dma_start3A_218 = tpu.memref_slice %arg6[%add3A_156, %dma_start3A_216, %dma_start3A_217] : memref<4096x200x300xf32, #tpu.memory_space<hbm>> -> memref<1x80x300xf32, #tpu.memory_space<hbm>>
      %dma_start3A_219 = tpu.memref_squeeze %dma_start3A_218 : memref<1x80x300xf32, #tpu.memory_space<hbm>> -> memref<80x300xf32, #tpu.memory_space<hbm>>
      %dma_start3A_220 = arith.constant 0 : i32
      %dma_start3A_221 = arith.constant 0 : i32
      %dma_start3A_222 = tpu.memref_slice %arg6[%add3A_156, %dma_start3A_220, %dma_start3A_221] : memref<4096x200x300xf32, #tpu.memory_space<hbm>> -> memref<1x80x300xf32, #tpu.memory_space<hbm>>
      %dma_start3A_223 = tpu.memref_squeeze %dma_start3A_222 : memref<1x80x300xf32, #tpu.memory_space<hbm>> -> memref<80x300xf32, #tpu.memory_space<hbm>>
      tpu.enqueue_dma source(%arg9 : memref<80x300xf32, #tpu.memory_space<vmem>>) target(%dma_start3A_223 : memref<80x300xf32, #tpu.memory_space<hbm>>) target_semaphore(%arg16 : memref<!tpu.dma_semaphore, #tpu.memory_space<semaphore_mem>>)
      %dma_wait3A_224 = arith.constant 0 : i32
      %dma_wait3A_225 = arith.constant 0 : i32
      %dma_wait3A_226 = tpu.memref_slice %arg11[%dma_wait3A_224, %dma_wait3A_225] : memref<120x300xf32, #tpu.memory_space<vmem>> -> memref<72x256xf32, #tpu.memory_space<vmem>>
      %dma_wait3A_227 = tpu.memref_slice %arg7[%add3A_160] : memref<2560xi32, #tpu.memory_space<vmem>> -> memref<72xi32, #tpu.memory_space<vmem>>
      %dma_wait3A_228 = arith.constant 0 : i32
      %dma_wait3A_229 = arith.constant 0 : i32
      %dma_wait3A_230 = tpu.memref_slice %arg5[%dma_wait3A_228, %dma_wait3A_229] : memref<1000000x300xf32, #tpu.memory_space<hbm>> -> memref<1000000x256xf32, #tpu.memory_space<hbm>>
      tpu.wait_indirect_dma semaphore(%arg15 : memref<!tpu.dma_semaphore, #tpu.memory_space<semaphore_mem>>) src(%dma_wait3A_230 : memref<1000000x256xf32, #tpu.memory_space<hbm>>) dst(%dma_wait3A_226 : memref<72x256xf32, #tpu.memory_space<vmem>>)
      %dma_wait3A_231 = tpu.memref_slice %arg7[%add3A_160] : memref<2560xi32, #tpu.memory_space<vmem>> -> memref<72xi32, #tpu.memory_space<vmem>>
      %dma_wait3A_232 = arith.constant 0 : i32
      %dma_wait3A_233 = arith.constant 0 : i32
      %dma_wait3A_234 = tpu.memref_slice %arg4[%dma_wait3A_232, %dma_wait3A_233] : memref<1000000x128xf32, #tpu.memory_space<hbm>> -> memref<1000000x128xf32, #tpu.memory_space<hbm>>
      tpu.wait_indirect_dma semaphore(%arg15 : memref<!tpu.dma_semaphore, #tpu.memory_space<semaphore_mem>>) src(%dma_wait3A_234 : memref<1000000x128xf32, #tpu.memory_space<hbm>>) dst(%arg12 : memref<72x128xf32, #tpu.memory_space<vmem>>)
      %iota3A_235 = tpu.iota {dimensions = array<i32: 0>} : vector<16xi32>
      %scan3A_236 = arith.constant 0 : i32
      %scan3A_237 = arith.constant 0 : i32
      %scan3A_238 = arith.constant 70 : i32
      %scan3A_239 = arith.addi %scan3A_237, %scan3A_238 : i32
      %scan3A_240 = arith.constant 1 : i32
      scf.for %scan3A_402 = %scan3A_237 to %scan3A_239 step %scan3A_240  : i32 {
        %broadcast_in_dim3A_403 = vector.broadcast %scan3A_402 : i32 to vector<16xi32>
        %add3A_404 = arith.constant 84 : i32
        %add3A_405 = vector.broadcast %add3A_404 : i32 to vector<16xi32>
        %add3A_406 = arith.addi %iota3A_235, %add3A_405 : vector<16xi32>
        %gather3A = tpu.vector_load_idx %arg12[%broadcast_in_dim3A_403, %add3A_406] : memref<72x128xf32, #tpu.memory_space<vmem>>[vector<16xi32>, vector<16xi32>], vector<16xf32>,
        %add3A_407 = arith.constant 256 : i32
        %add3A_408 = vector.broadcast %add3A_407 : i32 to vector<16xi32>
        %add3A_409 = arith.addi %iota3A_235, %add3A_408 : vector<16xi32>
        tpu.vector_store_idx %arg11[%broadcast_in_dim3A_403, %add3A_409], %gather3A : memref<120x300xf32, #tpu.memory_space<vmem>>[vector<16xi32>, vector<16xi32>], vector<16xf32>,
        %add3A_410 = arith.constant 100 : i32
        %add3A_411 = vector.broadcast %add3A_410 : i32 to vector<16xi32>
        %add3A_412 = arith.addi %iota3A_235, %add3A_411 : vector<16xi32>
        %gather3A_413 = tpu.vector_load_idx %arg12[%broadcast_in_dim3A_403, %add3A_412] : memref<72x128xf32, #tpu.memory_space<vmem>>[vector<16xi32>, vector<16xi32>], vector<16xf32>,
        %add3A_414 = arith.constant 272 : i32
        %add3A_415 = vector.broadcast %add3A_414 : i32 to vector<16xi32>
        %add3A_416 = arith.addi %iota3A_235, %add3A_415 : vector<16xi32>
        tpu.vector_store_idx %arg11[%broadcast_in_dim3A_403, %add3A_416], %gather3A_413 : memref<120x300xf32, #tpu.memory_space<vmem>>[vector<16xi32>, vector<16xi32>], vector<16xf32>,
        %add3A_417 = arith.constant 112 : i32
        %add3A_418 = vector.broadcast %add3A_417 : i32 to vector<16xi32>
        %add3A_419 = arith.addi %iota3A_235, %add3A_418 : vector<16xi32>
        %gather3A_420 = tpu.vector_load_idx %arg12[%broadcast_in_dim3A_403, %add3A_419] : memref<72x128xf32, #tpu.memory_space<vmem>>[vector<16xi32>, vector<16xi32>], vector<16xf32>,
        %add3A_421 = arith.constant 284 : i32
        %add3A_422 = vector.broadcast %add3A_421 : i32 to vector<16xi32>
        %add3A_423 = arith.addi %iota3A_235, %add3A_422 : vector<16xi32>
        tpu.vector_store_idx %arg11[%broadcast_in_dim3A_403, %add3A_423], %gather3A_420 : memref<120x300xf32, #tpu.memory_space<vmem>>[vector<16xi32>, vector<16xi32>], vector<16xf32>,
      }
      %scan3A_241 = arith.constant 70 : i32
      %broadcast_in_dim3A = arith.constant 0.000000e+00 : f32
      %broadcast_in_dim3A_242 = vector.broadcast %broadcast_in_dim3A : f32 to vector<16xf32>
      %swap3A = arith.constant 70 : i32
      %swap3A_243 = arith.index_cast %swap3A : i32 to index
      %swap3A_244 = arith.constant 0 : index
      %swap3A_245 = tpu.vector_load %arg11[%swap3A_243, %swap3A_244] {strides = array<i32>} : memref<120x300xf32, #tpu.memory_space<vmem>>, vector<16xf32>,
      tpu.vector_store %arg11[%swap3A_243, %swap3A_244], %broadcast_in_dim3A_242 {strides = array<i32>} : memref<120x300xf32, #tpu.memory_space<vmem>>, vector<16xf32>,
      %swap3A_246 = arith.constant 70 : i32
      %swap3A_247 = arith.index_cast %swap3A_246 : i32 to index
      %swap3A_248 = arith.constant 16 : index
      %swap3A_249 = tpu.vector_load %arg11[%swap3A_247, %swap3A_248] {strides = array<i32>} : memref<120x300xf32, #tpu.memory_space<vmem>>, vector<16xf32>,
      tpu.vector_store %arg11[%swap3A_247, %swap3A_248], %broadcast_in_dim3A_242 {strides = array<i32>} : memref<120x300xf32, #tpu.memory_space<vmem>>, vector<16xf32>,
      %swap3A_250 = arith.constant 70 : i32
      %swap3A_251 = arith.index_cast %swap3A_250 : i32 to index
      %swap3A_252 = arith.constant 32 : index
      %swap3A_253 = tpu.vector_load %arg11[%swap3A_251, %swap3A_252] {strides = array<i32>} : memref<120x300xf32, #tpu.memory_space<vmem>>, vector<16xf32>,
      tpu.vector_store %arg11[%swap3A_251, %swap3A_252], %broadcast_in_dim3A_242 {strides = array<i32>} : memref<120x300xf32, #tpu.memory_space<vmem>>, vector<16xf32>,
      %swap3A_254 = arith.constant 70 : i32
      %swap3A_255 = arith.index_cast %swap3A_254 : i32 to index
      %swap3A_256 = arith.constant 48 : index
      %swap3A_257 = tpu.vector_load %arg11[%swap3A_255, %swap3A_256] {strides = array<i32>} : memref<120x300xf32, #tpu.memory_space<vmem>>, vector<16xf32>,
      tpu.vector_store %arg11[%swap3A_255, %swap3A_256], %broadcast_in_dim3A_242 {strides = array<i32>} : memref<120x300xf32, #tpu.memory_space<vmem>>, vector<16xf32>,
      %swap3A_258 = arith.constant 70 : i32
      %swap3A_259 = arith.index_cast %swap3A_258 : i32 to index
      %swap3A_260 = arith.constant 64 : index
      %swap3A_261 = tpu.vector_load %arg11[%swap3A_259, %swap3A_260] {strides = array<i32>} : memref<120x300xf32, #tpu.memory_space<vmem>>, vector<16xf32>,
      tpu.vector_store %arg11[%swap3A_259, %swap3A_260], %broadcast_in_dim3A_242 {strides = array<i32>} : memref<120x300xf32, #tpu.memory_space<vmem>>, vector<16xf32>,
      %swap3A_262 = arith.constant 70 : i32
      %swap3A_263 = arith.index_cast %swap3A_262 : i32 to index
      %swap3A_264 = arith.constant 80 : index
      %swap3A_265 = tpu.vector_load %arg11[%swap3A_263, %swap3A_264] {strides = array<i32>} : memref<120x300xf32, #tpu.memory_space<vmem>>, vector<16xf32>,
      tpu.vector_store %arg11[%swap3A_263, %swap3A_264], %broadcast_in_dim3A_242 {strides = array<i32>} : memref<120x300xf32, #tpu.memory_space<vmem>>, vector<16xf32>,
      %swap3A_266 = arith.constant 70 : i32
      %swap3A_267 = arith.index_cast %swap3A_266 : i32 to index
      %swap3A_268 = arith.constant 96 : index
      %swap3A_269 = tpu.vector_load %arg11[%swap3A_267, %swap3A_268] {strides = array<i32>} : memref<120x300xf32, #tpu.memory_space<vmem>>, vector<16xf32>,
      tpu.vector_store %arg11[%swap3A_267, %swap3A_268], %broadcast_in_dim3A_242 {strides = array<i32>} : memref<120x300xf32, #tpu.memory_space<vmem>>, vector<16xf32>,
      %swap3A_270 = arith.constant 70 : i32
      %swap3A_271 = arith.index_cast %swap3A_270 : i32 to index
      %swap3A_272 = arith.constant 112 : index
      %swap3A_273 = tpu.vector_load %arg11[%swap3A_271, %swap3A_272] {strides = array<i32>} : memref<120x300xf32, #tpu.memory_space<vmem>>, vector<16xf32>,
      tpu.vector_store %arg11[%swap3A_271, %swap3A_272], %broadcast_in_dim3A_242 {strides = array<i32>} : memref<120x300xf32, #tpu.memory_space<vmem>>, vector<16xf32>,
      %swap3A_274 = arith.constant 70 : i32
      %swap3A_275 = arith.index_cast %swap3A_274 : i32 to index
      %swap3A_276 = arith.constant 128 : index
      %swap3A_277 = tpu.vector_load %arg11[%swap3A_275, %swap3A_276] {strides = array<i32>} : memref<120x300xf32, #tpu.memory_space<vmem>>, vector<16xf32>,
      tpu.vector_store %arg11[%swap3A_275, %swap3A_276], %broadcast_in_dim3A_242 {strides = array<i32>} : memref<120x300xf32, #tpu.memory_space<vmem>>, vector<16xf32>,
      %swap3A_278 = arith.constant 70 : i32
      %swap3A_279 = arith.index_cast %swap3A_278 : i32 to index
      %swap3A_280 = arith.constant 144 : index
      %swap3A_281 = tpu.vector_load %arg11[%swap3A_279, %swap3A_280] {strides = array<i32>} : memref<120x300xf32, #tpu.memory_space<vmem>>, vector<16xf32>,
      tpu.vector_store %arg11[%swap3A_279, %swap3A_280], %broadcast_in_dim3A_242 {strides = array<i32>} : memref<120x300xf32, #tpu.memory_space<vmem>>, vector<16xf32>,
      %swap3A_282 = arith.constant 70 : i32
      %swap3A_283 = arith.index_cast %swap3A_282 : i32 to index
      %swap3A_284 = arith.constant 160 : index
      %swap3A_285 = tpu.vector_load %arg11[%swap3A_283, %swap3A_284] {strides = array<i32>} : memref<120x300xf32, #tpu.memory_space<vmem>>, vector<16xf32>,
      tpu.vector_store %arg11[%swap3A_283, %swap3A_284], %broadcast_in_dim3A_242 {strides = array<i32>} : memref<120x300xf32, #tpu.memory_space<vmem>>, vector<16xf32>,
      %swap3A_286 = arith.constant 70 : i32
      %swap3A_287 = arith.index_cast %swap3A_286 : i32 to index
      %swap3A_288 = arith.constant 176 : index
      %swap3A_289 = tpu.vector_load %arg11[%swap3A_287, %swap3A_288] {strides = array<i32>} : memref<120x300xf32, #tpu.memory_space<vmem>>, vector<16xf32>,
      tpu.vector_store %arg11[%swap3A_287, %swap3A_288], %broadcast_in_dim3A_242 {strides = array<i32>} : memref<120x300xf32, #tpu.memory_space<vmem>>, vector<16xf32>,
      %swap3A_290 = arith.constant 70 : i32
      %swap3A_291 = arith.index_cast %swap3A_290 : i32 to index
      %swap3A_292 = arith.constant 192 : index
      %swap3A_293 = tpu.vector_load %arg11[%swap3A_291, %swap3A_292] {strides = array<i32>} : memref<120x300xf32, #tpu.memory_space<vmem>>, vector<16xf32>,
      tpu.vector_store %arg11[%swap3A_291, %swap3A_292], %broadcast_in_dim3A_242 {strides = array<i32>} : memref<120x300xf32, #tpu.memory_space<vmem>>, vector<16xf32>,
      %swap3A_294 = arith.constant 70 : i32
      %swap3A_295 = arith.index_cast %swap3A_294 : i32 to index
      %swap3A_296 = arith.constant 208 : index
      %swap3A_297 = tpu.vector_load %arg11[%swap3A_295, %swap3A_296] {strides = array<i32>} : memref<120x300xf32, #tpu.memory_space<vmem>>, vector<16xf32>,
      tpu.vector_store %arg11[%swap3A_295, %swap3A_296], %broadcast_in_dim3A_242 {strides = array<i32>} : memref<120x300xf32, #tpu.memory_space<vmem>>, vector<16xf32>,
      %swap3A_298 = arith.constant 70 : i32
      %swap3A_299 = arith.index_cast %swap3A_298 : i32 to index
      %swap3A_300 = arith.constant 224 : index
      %swap3A_301 = tpu.vector_load %arg11[%swap3A_299, %swap3A_300] {strides = array<i32>} : memref<120x300xf32, #tpu.memory_space<vmem>>, vector<16xf32>,
      tpu.vector_store %arg11[%swap3A_299, %swap3A_300], %broadcast_in_dim3A_242 {strides = array<i32>} : memref<120x300xf32, #tpu.memory_space<vmem>>, vector<16xf32>,
      %swap3A_302 = arith.constant 70 : i32
      %swap3A_303 = arith.index_cast %swap3A_302 : i32 to index
      %swap3A_304 = arith.constant 240 : index
      %swap3A_305 = tpu.vector_load %arg11[%swap3A_303, %swap3A_304] {strides = array<i32>} : memref<120x300xf32, #tpu.memory_space<vmem>>, vector<16xf32>,
      tpu.vector_store %arg11[%swap3A_303, %swap3A_304], %broadcast_in_dim3A_242 {strides = array<i32>} : memref<120x300xf32, #tpu.memory_space<vmem>>, vector<16xf32>,
      %swap3A_306 = arith.constant 70 : i32
      %swap3A_307 = arith.index_cast %swap3A_306 : i32 to index
      %swap3A_308 = arith.constant 256 : index
      %swap3A_309 = tpu.vector_load %arg11[%swap3A_307, %swap3A_308] {strides = array<i32>} : memref<120x300xf32, #tpu.memory_space<vmem>>, vector<16xf32>,
      tpu.vector_store %arg11[%swap3A_307, %swap3A_308], %broadcast_in_dim3A_242 {strides = array<i32>} : memref<120x300xf32, #tpu.memory_space<vmem>>, vector<16xf32>,
      %swap3A_310 = arith.constant 70 : i32
      %swap3A_311 = arith.index_cast %swap3A_310 : i32 to index
      %swap3A_312 = arith.constant 272 : index
      %swap3A_313 = tpu.vector_load %arg11[%swap3A_311, %swap3A_312] {strides = array<i32>} : memref<120x300xf32, #tpu.memory_space<vmem>>, vector<16xf32>,
      tpu.vector_store %arg11[%swap3A_311, %swap3A_312], %broadcast_in_dim3A_242 {strides = array<i32>} : memref<120x300xf32, #tpu.memory_space<vmem>>, vector<16xf32>,
      %swap3A_314 = arith.constant 70 : i32
      %swap3A_315 = arith.index_cast %swap3A_314 : i32 to index
      %swap3A_316 = arith.constant 284 : index
      %swap3A_317 = tpu.vector_load %arg11[%swap3A_315, %swap3A_316] {strides = array<i32>} : memref<120x300xf32, #tpu.memory_space<vmem>>, vector<16xf32>,
      tpu.vector_store %arg11[%swap3A_315, %swap3A_316], %broadcast_in_dim3A_242 {strides = array<i32>} : memref<120x300xf32, #tpu.memory_space<vmem>>, vector<16xf32>,
      %swap3A_318 = arith.constant 71 : i32
      %swap3A_319 = arith.index_cast %swap3A_318 : i32 to index
      %swap3A_320 = arith.constant 0 : index
      %swap3A_321 = tpu.vector_load %arg11[%swap3A_319, %swap3A_320] {strides = array<i32>} : memref<120x300xf32, #tpu.memory_space<vmem>>, vector<16xf32>,
      tpu.vector_store %arg11[%swap3A_319, %swap3A_320], %broadcast_in_dim3A_242 {strides = array<i32>} : memref<120x300xf32, #tpu.memory_space<vmem>>, vector<16xf32>,
      %swap3A_322 = arith.constant 71 : i32
      %swap3A_323 = arith.index_cast %swap3A_322 : i32 to index
      %swap3A_324 = arith.constant 16 : index
      %swap3A_325 = tpu.vector_load %arg11[%swap3A_323, %swap3A_324] {strides = array<i32>} : memref<120x300xf32, #tpu.memory_space<vmem>>, vector<16xf32>,
      tpu.vector_store %arg11[%swap3A_323, %swap3A_324], %broadcast_in_dim3A_242 {strides = array<i32>} : memref<120x300xf32, #tpu.memory_space<vmem>>, vector<16xf32>,
      %swap3A_326 = arith.constant 71 : i32
      %swap3A_327 = arith.index_cast %swap3A_326 : i32 to index
      %swap3A_328 = arith.constant 32 : index
      %swap3A_329 = tpu.vector_load %arg11[%swap3A_327, %swap3A_328] {strides = array<i32>} : memref<120x300xf32, #tpu.memory_space<vmem>>, vector<16xf32>,
      tpu.vector_store %arg11[%swap3A_327, %swap3A_328], %broadcast_in_dim3A_242 {strides = array<i32>} : memref<120x300xf32, #tpu.memory_space<vmem>>, vector<16xf32>,
      %swap3A_330 = arith.constant 71 : i32
      %swap3A_331 = arith.index_cast %swap3A_330 : i32 to index
      %swap3A_332 = arith.constant 48 : index
      %swap3A_333 = tpu.vector_load %arg11[%swap3A_331, %swap3A_332] {strides = array<i32>} : memref<120x300xf32, #tpu.memory_space<vmem>>, vector<16xf32>,
      tpu.vector_store %arg11[%swap3A_331, %swap3A_332], %broadcast_in_dim3A_242 {strides = array<i32>} : memref<120x300xf32, #tpu.memory_space<vmem>>, vector<16xf32>,
      %swap3A_334 = arith.constant 71 : i32
      %swap3A_335 = arith.index_cast %swap3A_334 : i32 to index
      %swap3A_336 = arith.constant 64 : index
      %swap3A_337 = tpu.vector_load %arg11[%swap3A_335, %swap3A_336] {strides = array<i32>} : memref<120x300xf32, #tpu.memory_space<vmem>>, vector<16xf32>,
      tpu.vector_store %arg11[%swap3A_335, %swap3A_336], %broadcast_in_dim3A_242 {strides = array<i32>} : memref<120x300xf32, #tpu.memory_space<vmem>>, vector<16xf32>,
      %swap3A_338 = arith.constant 71 : i32
      %swap3A_339 = arith.index_cast %swap3A_338 : i32 to index
      %swap3A_340 = arith.constant 80 : index
      %swap3A_341 = tpu.vector_load %arg11[%swap3A_339, %swap3A_340] {strides = array<i32>} : memref<120x300xf32, #tpu.memory_space<vmem>>, vector<16xf32>,
      tpu.vector_store %arg11[%swap3A_339, %swap3A_340], %broadcast_in_dim3A_242 {strides = array<i32>} : memref<120x300xf32, #tpu.memory_space<vmem>>, vector<16xf32>,
      %swap3A_342 = arith.constant 71 : i32
      %swap3A_343 = arith.index_cast %swap3A_342 : i32 to index
      %swap3A_344 = arith.constant 96 : index
      %swap3A_345 = tpu.vector_load %arg11[%swap3A_343, %swap3A_344] {strides = array<i32>} : memref<120x300xf32, #tpu.memory_space<vmem>>, vector<16xf32>,
      tpu.vector_store %arg11[%swap3A_343, %swap3A_344], %broadcast_in_dim3A_242 {strides = array<i32>} : memref<120x300xf32, #tpu.memory_space<vmem>>, vector<16xf32>,
      %swap3A_346 = arith.constant 71 : i32
      %swap3A_347 = arith.index_cast %swap3A_346 : i32 to index
      %swap3A_348 = arith.constant 112 : index
      %swap3A_349 = tpu.vector_load %arg11[%swap3A_347, %swap3A_348] {strides = array<i32>} : memref<120x300xf32, #tpu.memory_space<vmem>>, vector<16xf32>,
      tpu.vector_store %arg11[%swap3A_347, %swap3A_348], %broadcast_in_dim3A_242 {strides = array<i32>} : memref<120x300xf32, #tpu.memory_space<vmem>>, vector<16xf32>,
      %swap3A_350 = arith.constant 71 : i32
      %swap3A_351 = arith.index_cast %swap3A_350 : i32 to index
      %swap3A_352 = arith.constant 128 : index
      %swap3A_353 = tpu.vector_load %arg11[%swap3A_351, %swap3A_352] {strides = array<i32>} : memref<120x300xf32, #tpu.memory_space<vmem>>, vector<16xf32>,
      tpu.vector_store %arg11[%swap3A_351, %swap3A_352], %broadcast_in_dim3A_242 {strides = array<i32>} : memref<120x300xf32, #tpu.memory_space<vmem>>, vector<16xf32>,
      %swap3A_354 = arith.constant 71 : i32
      %swap3A_355 = arith.index_cast %swap3A_354 : i32 to index
      %swap3A_356 = arith.constant 144 : index
      %swap3A_357 = tpu.vector_load %arg11[%swap3A_355, %swap3A_356] {strides = array<i32>} : memref<120x300xf32, #tpu.memory_space<vmem>>, vector<16xf32>,
      tpu.vector_store %arg11[%swap3A_355, %swap3A_356], %broadcast_in_dim3A_242 {strides = array<i32>} : memref<120x300xf32, #tpu.memory_space<vmem>>, vector<16xf32>,
      %swap3A_358 = arith.constant 71 : i32
      %swap3A_359 = arith.index_cast %swap3A_358 : i32 to index
      %swap3A_360 = arith.constant 160 : index
      %swap3A_361 = tpu.vector_load %arg11[%swap3A_359, %swap3A_360] {strides = array<i32>} : memref<120x300xf32, #tpu.memory_space<vmem>>, vector<16xf32>,
      tpu.vector_store %arg11[%swap3A_359, %swap3A_360], %broadcast_in_dim3A_242 {strides = array<i32>} : memref<120x300xf32, #tpu.memory_space<vmem>>, vector<16xf32>,
      %swap3A_362 = arith.constant 71 : i32
      %swap3A_363 = arith.index_cast %swap3A_362 : i32 to index
      %swap3A_364 = arith.constant 176 : index
      %swap3A_365 = tpu.vector_load %arg11[%swap3A_363, %swap3A_364] {strides = array<i32>} : memref<120x300xf32, #tpu.memory_space<vmem>>, vector<16xf32>,
      tpu.vector_store %arg11[%swap3A_363, %swap3A_364], %broadcast_in_dim3A_242 {strides = array<i32>} : memref<120x300xf32, #tpu.memory_space<vmem>>, vector<16xf32>,
      %swap3A_366 = arith.constant 71 : i32
      %swap3A_367 = arith.index_cast %swap3A_366 : i32 to index
      %swap3A_368 = arith.constant 192 : index
      %swap3A_369 = tpu.vector_load %arg11[%swap3A_367, %swap3A_368] {strides = array<i32>} : memref<120x300xf32, #tpu.memory_space<vmem>>, vector<16xf32>,
      tpu.vector_store %arg11[%swap3A_367, %swap3A_368], %broadcast_in_dim3A_242 {strides = array<i32>} : memref<120x300xf32, #tpu.memory_space<vmem>>, vector<16xf32>,
      %swap3A_370 = arith.constant 71 : i32
      %swap3A_371 = arith.index_cast %swap3A_370 : i32 to index
      %swap3A_372 = arith.constant 208 : index
      %swap3A_373 = tpu.vector_load %arg11[%swap3A_371, %swap3A_372] {strides = array<i32>} : memref<120x300xf32, #tpu.memory_space<vmem>>, vector<16xf32>,
      tpu.vector_store %arg11[%swap3A_371, %swap3A_372], %broadcast_in_dim3A_242 {strides = array<i32>} : memref<120x300xf32, #tpu.memory_space<vmem>>, vector<16xf32>,
      %swap3A_374 = arith.constant 71 : i32
      %swap3A_375 = arith.index_cast %swap3A_374 : i32 to index
      %swap3A_376 = arith.constant 224 : index
      %swap3A_377 = tpu.vector_load %arg11[%swap3A_375, %swap3A_376] {strides = array<i32>} : memref<120x300xf32, #tpu.memory_space<vmem>>, vector<16xf32>,
      tpu.vector_store %arg11[%swap3A_375, %swap3A_376], %broadcast_in_dim3A_242 {strides = array<i32>} : memref<120x300xf32, #tpu.memory_space<vmem>>, vector<16xf32>,
      %swap3A_378 = arith.constant 71 : i32
      %swap3A_379 = arith.index_cast %swap3A_378 : i32 to index
      %swap3A_380 = arith.constant 240 : index
      %swap3A_381 = tpu.vector_load %arg11[%swap3A_379, %swap3A_380] {strides = array<i32>} : memref<120x300xf32, #tpu.memory_space<vmem>>, vector<16xf32>,
      tpu.vector_store %arg11[%swap3A_379, %swap3A_380], %broadcast_in_dim3A_242 {strides = array<i32>} : memref<120x300xf32, #tpu.memory_space<vmem>>, vector<16xf32>,
      %swap3A_382 = arith.constant 71 : i32
      %swap3A_383 = arith.index_cast %swap3A_382 : i32 to index
      %swap3A_384 = arith.constant 256 : index
      %swap3A_385 = tpu.vector_load %arg11[%swap3A_383, %swap3A_384] {strides = array<i32>} : memref<120x300xf32, #tpu.memory_space<vmem>>, vector<16xf32>,
      tpu.vector_store %arg11[%swap3A_383, %swap3A_384], %broadcast_in_dim3A_242 {strides = array<i32>} : memref<120x300xf32, #tpu.memory_space<vmem>>, vector<16xf32>,
      %swap3A_386 = arith.constant 71 : i32
      %swap3A_387 = arith.index_cast %swap3A_386 : i32 to index
      %swap3A_388 = arith.constant 272 : index
      %swap3A_389 = tpu.vector_load %arg11[%swap3A_387, %swap3A_388] {strides = array<i32>} : memref<120x300xf32, #tpu.memory_space<vmem>>, vector<16xf32>,
      tpu.vector_store %arg11[%swap3A_387, %swap3A_388], %broadcast_in_dim3A_242 {strides = array<i32>} : memref<120x300xf32, #tpu.memory_space<vmem>>, vector<16xf32>,
      %swap3A_390 = arith.constant 71 : i32
      %swap3A_391 = arith.index_cast %swap3A_390 : i32 to index
      %swap3A_392 = arith.constant 284 : index
      %swap3A_393 = tpu.vector_load %arg11[%swap3A_391, %swap3A_392] {strides = array<i32>} : memref<120x300xf32, #tpu.memory_space<vmem>>, vector<16xf32>,
      tpu.vector_store %arg11[%swap3A_391, %swap3A_392], %broadcast_in_dim3A_242 {strides = array<i32>} : memref<120x300xf32, #tpu.memory_space<vmem>>, vector<16xf32>,
      %dma_start3A_394 = arith.constant 80 : i32
      %dma_start3A_395 = arith.constant 0 : i32
      %dma_start3A_396 = tpu.memref_slice %arg6[%add3A_156, %dma_start3A_394, %dma_start3A_395] : memref<4096x200x300xf32, #tpu.memory_space<hbm>> -> memref<1x120x300xf32, #tpu.memory_space<hbm>>
      %dma_start3A_397 = tpu.memref_squeeze %dma_start3A_396 : memref<1x120x300xf32, #tpu.memory_space<hbm>> -> memref<120x300xf32, #tpu.memory_space<hbm>>
      %dma_start3A_398 = arith.constant 80 : i32
      %dma_start3A_399 = arith.constant 0 : i32
      %dma_start3A_400 = tpu.memref_slice %arg6[%add3A_156, %dma_start3A_398, %dma_start3A_399] : memref<4096x200x300xf32, #tpu.memory_space<hbm>> -> memref<1x120x300xf32, #tpu.memory_space<hbm>>
      %dma_start3A_401 = tpu.memref_squeeze %dma_start3A_400 : memref<1x120x300xf32, #tpu.memory_space<hbm>> -> memref<120x300xf32, #tpu.memory_space<hbm>>
      tpu.enqueue_dma source(%arg11 : memref<120x300xf32, #tpu.memory_space<vmem>>) target(%dma_start3A_401 : memref<120x300xf32, #tpu.memory_space<hbm>>) target_semaphore(%arg17 : memref<!tpu.dma_semaphore, #tpu.memory_space<semaphore_mem>>)
    }
    %scan3A_121 = arith.constant 16 : i32
    %add3A_122 = arith.constant 112 : i32
    %add3A_123 = arith.addi %mul3A_2, %add3A_122 : i32
    %mul3A_124 = arith.constant 160 : i32
    %mul3A_125 = arith.muli %add3A_123, %mul3A_124 : i32
    %dma_wait3A_126 = tpu.memref_slice %arg2[%mul3A_125] : memref<655360xi32, #tpu.memory_space<hbm>> -> memref<2560xi32, #tpu.memory_space<hbm>>
    %dma_wait3A_127 = tpu.memref_slice %arg2[%mul3A_125] : memref<655360xi32, #tpu.memory_space<hbm>> -> memref<2560xi32, #tpu.memory_space<hbm>>
    tpu.wait_dma2 semaphore(%arg13 : memref<!tpu.dma_semaphore, #tpu.memory_space<semaphore_mem>>) src(%dma_wait3A_127 : memref<2560xi32, #tpu.memory_space<hbm>>) dst(%arg8 : memref<2560xi32, #tpu.memory_space<vmem>>)
    %scan3A_128 = arith.constant 0 : i32
    %scan3A_129 = arith.constant 0 : i32
    %scan3A_130 = arith.constant 16 : i32
    %scan3A_131 = arith.addi %scan3A_129, %scan3A_130 : i32
    %scan3A_132 = arith.constant 1 : i32
    scf.for %scan3A_153 = %scan3A_129 to %scan3A_131 step %scan3A_132  : i32 {
      %add3A_154 = arith.constant 112 : i32
      %add3A_155 = arith.addi %mul3A_2, %add3A_154 : i32
      %add3A_156 = arith.addi %add3A_155, %scan3A_153 : i32
      %mul3A_157 = arith.constant 160 : i32
      %mul3A_158 = arith.muli %scan3A_153, %mul3A_157 : i32
      %add3A_159 = arith.constant 80 : i32
      %add3A_160 = arith.addi %mul3A_158, %add3A_159 : i32
      %dma_wait3A_161 = arith.constant 0 : i32
      %dma_wait3A_162 = arith.constant 0 : i32
      %dma_wait3A_163 = tpu.memref_slice %arg6[%add3A_156, %dma_wait3A_161, %dma_wait3A_162] : memref<4096x200x300xf32, #tpu.memory_space<hbm>> -> memref<1x80x300xf32, #tpu.memory_space<hbm>>
      %dma_wait3A_164 = tpu.memref_squeeze %dma_wait3A_163 : memref<1x80x300xf32, #tpu.memory_space<hbm>> -> memref<80x300xf32, #tpu.memory_space<hbm>>
      %dma_wait3A_165 = arith.constant 0 : i32
      %dma_wait3A_166 = arith.constant 0 : i32
      %dma_wait3A_167 = tpu.memref_slice %arg6[%add3A_156, %dma_wait3A_165, %dma_wait3A_166] : memref<4096x200x300xf32, #tpu.memory_space<hbm>> -> memref<1x80x300xf32, #tpu.memory_space<hbm>>
      %dma_wait3A_168 = tpu.memref_squeeze %dma_wait3A_167 : memref<1x80x300xf32, #tpu.memory_space<hbm>> -> memref<80x300xf32, #tpu.memory_space<hbm>>
      tpu.wait_dma2 semaphore(%arg16 : memref<!tpu.dma_semaphore, #tpu.memory_space<semaphore_mem>>) src(%arg9 : memref<80x300xf32, #tpu.memory_space<vmem>>) dst(%dma_wait3A_168 : memref<80x300xf32, #tpu.memory_space<hbm>>)
      %dma_start3A_169 = arith.constant 0 : i32
      %dma_start3A_170 = arith.constant 0 : i32
      %dma_start3A_171 = tpu.memref_slice %arg9[%dma_start3A_169, %dma_start3A_170] : memref<80x300xf32, #tpu.memory_space<vmem>> -> memref<80x256xf32, #tpu.memory_space<vmem>>
      %dma_start3A_172 = tpu.memref_slice %arg8[%mul3A_158] : memref<2560xi32, #tpu.memory_space<vmem>> -> memref<80xi32, #tpu.memory_space<vmem>>
      %dma_start3A_173 = arith.constant 0 : i32
      %dma_start3A_174 = arith.constant 0 : i32
      %dma_start3A_175 = tpu.memref_slice %arg5[%dma_start3A_173, %dma_start3A_174] : memref<1000000x300xf32, #tpu.memory_space<hbm>> -> memref<1000000x256xf32, #tpu.memory_space<hbm>>
      tpu.enqueue_indirect_dma source(%dma_start3A_175 : memref<1000000x256xf32, #tpu.memory_space<hbm>>) target(%dma_start3A_171 : memref<80x256xf32, #tpu.memory_space<vmem>>) offsets(%dma_start3A_172 : memref<80xi32, #tpu.memory_space<vmem>>) semaphore(%arg14 : memref<!tpu.dma_semaphore, #tpu.memory_space<semaphore_mem>>)
      %dma_start3A_176 = tpu.memref_slice %arg8[%mul3A_158] : memref<2560xi32, #tpu.memory_space<vmem>> -> memref<80xi32, #tpu.memory_space<vmem>>
      %dma_start3A_177 = arith.constant 0 : i32
      %dma_start3A_178 = arith.constant 0 : i32
      %dma_start3A_179 = tpu.memref_slice %arg4[%dma_start3A_177, %dma_start3A_178] : memref<1000000x128xf32, #tpu.memory_space<hbm>> -> memref<1000000x128xf32, #tpu.memory_space<hbm>>
      tpu.enqueue_indirect_dma source(%dma_start3A_179 : memref<1000000x128xf32, #tpu.memory_space<hbm>>) target(%arg10 : memref<80x128xf32, #tpu.memory_space<vmem>>) offsets(%dma_start3A_176 : memref<80xi32, #tpu.memory_space<vmem>>) semaphore(%arg14 : memref<!tpu.dma_semaphore, #tpu.memory_space<semaphore_mem>>)
      %dma_wait3A_180 = arith.constant 80 : i32
      %dma_wait3A_181 = arith.constant 0 : i32
      %dma_wait3A_182 = tpu.memref_slice %arg6[%add3A_156, %dma_wait3A_180, %dma_wait3A_181] : memref<4096x200x300xf32, #tpu.memory_space<hbm>> -> memref<1x120x300xf32, #tpu.memory_space<hbm>>
      %dma_wait3A_183 = tpu.memref_squeeze %dma_wait3A_182 : memref<1x120x300xf32, #tpu.memory_space<hbm>> -> memref<120x300xf32, #tpu.memory_space<hbm>>
      %dma_wait3A_184 = arith.constant 80 : i32
      %dma_wait3A_185 = arith.constant 0 : i32
      %dma_wait3A_186 = tpu.memref_slice %arg6[%add3A_156, %dma_wait3A_184, %dma_wait3A_185] : memref<4096x200x300xf32, #tpu.memory_space<hbm>> -> memref<1x120x300xf32, #tpu.memory_space<hbm>>
      %dma_wait3A_187 = tpu.memref_squeeze %dma_wait3A_186 : memref<1x120x300xf32, #tpu.memory_space<hbm>> -> memref<120x300xf32, #tpu.memory_space<hbm>>
      tpu.wait_dma2 semaphore(%arg17 : memref<!tpu.dma_semaphore, #tpu.memory_space<semaphore_mem>>) src(%arg11 : memref<120x300xf32, #tpu.memory_space<vmem>>) dst(%dma_wait3A_187 : memref<120x300xf32, #tpu.memory_space<hbm>>)
      %dma_start3A_188 = arith.constant 0 : i32
      %dma_start3A_189 = arith.constant 0 : i32
      %dma_start3A_190 = tpu.memref_slice %arg11[%dma_start3A_188, %dma_start3A_189] : memref<120x300xf32, #tpu.memory_space<vmem>> -> memref<72x256xf32, #tpu.memory_space<vmem>>
      %dma_start3A_191 = tpu.memref_slice %arg8[%add3A_160] : memref<2560xi32, #tpu.memory_space<vmem>> -> memref<72xi32, #tpu.memory_space<vmem>>
      %dma_start3A_192 = arith.constant 0 : i32
      %dma_start3A_193 = arith.constant 0 : i32
      %dma_start3A_194 = tpu.memref_slice %arg5[%dma_start3A_192, %dma_start3A_193] : memref<1000000x300xf32, #tpu.memory_space<hbm>> -> memref<1000000x256xf32, #tpu.memory_space<hbm>>
      tpu.enqueue_indirect_dma source(%dma_start3A_194 : memref<1000000x256xf32, #tpu.memory_space<hbm>>) target(%dma_start3A_190 : memref<72x256xf32, #tpu.memory_space<vmem>>) offsets(%dma_start3A_191 : memref<72xi32, #tpu.memory_space<vmem>>) semaphore(%arg15 : memref<!tpu.dma_semaphore, #tpu.memory_space<semaphore_mem>>)
      %dma_start3A_195 = tpu.memref_slice %arg8[%add3A_160] : memref<2560xi32, #tpu.memory_space<vmem>> -> memref<72xi32, #tpu.memory_space<vmem>>
      %dma_start3A_196 = arith.constant 0 : i32
      %dma_start3A_197 = arith.constant 0 : i32
      %dma_start3A_198 = tpu.memref_slice %arg4[%dma_start3A_196, %dma_start3A_197] : memref<1000000x128xf32, #tpu.memory_space<hbm>> -> memref<1000000x128xf32, #tpu.memory_space<hbm>>
      tpu.enqueue_indirect_dma source(%dma_start3A_198 : memref<1000000x128xf32, #tpu.memory_space<hbm>>) target(%arg12 : memref<72x128xf32, #tpu.memory_space<vmem>>) offsets(%dma_start3A_195 : memref<72xi32, #tpu.memory_space<vmem>>) semaphore(%arg15 : memref<!tpu.dma_semaphore, #tpu.memory_space<semaphore_mem>>)
      %dma_wait3A_199 = arith.constant 0 : i32
      %dma_wait3A_200 = arith.constant 0 : i32
      %dma_wait3A_201 = tpu.memref_slice %arg9[%dma_wait3A_199, %dma_wait3A_200] : memref<80x300xf32, #tpu.memory_space<vmem>> -> memref<80x256xf32, #tpu.memory_space<vmem>>
      %dma_wait3A_202 = tpu.memref_slice %arg8[%mul3A_158] : memref<2560xi32, #tpu.memory_space<vmem>> -> memref<80xi32, #tpu.memory_space<vmem>>
      %dma_wait3A_203 = arith.constant 0 : i32
      %dma_wait3A_204 = arith.constant 0 : i32
      %dma_wait3A_205 = tpu.memref_slice %arg5[%dma_wait3A_203, %dma_wait3A_204] : memref<1000000x300xf32, #tpu.memory_space<hbm>> -> memref<1000000x256xf32, #tpu.memory_space<hbm>>
      tpu.wait_indirect_dma semaphore(%arg14 : memref<!tpu.dma_semaphore, #tpu.memory_space<semaphore_mem>>) src(%dma_wait3A_205 : memref<1000000x256xf32, #tpu.memory_space<hbm>>) dst(%dma_wait3A_201 : memref<80x256xf32, #tpu.memory_space<vmem>>)
      %dma_wait3A_206 = tpu.memref_slice %arg8[%mul3A_158] : memref<2560xi32, #tpu.memory_space<vmem>> -> memref<80xi32, #tpu.memory_space<vmem>>
      %dma_wait3A_207 = arith.constant 0 : i32
      %dma_wait3A_208 = arith.constant 0 : i32
      %dma_wait3A_209 = tpu.memref_slice %arg4[%dma_wait3A_207, %dma_wait3A_208] : memref<1000000x128xf32, #tpu.memory_space<hbm>> -> memref<1000000x128xf32, #tpu.memory_space<hbm>>
      tpu.wait_indirect_dma semaphore(%arg14 : memref<!tpu.dma_semaphore, #tpu.memory_space<semaphore_mem>>) src(%dma_wait3A_209 : memref<1000000x128xf32, #tpu.memory_space<hbm>>) dst(%arg10 : memref<80x128xf32, #tpu.memory_space<vmem>>)
      %iota3A = tpu.iota {dimensions = array<i32: 0>} : vector<16xi32>
      %scan3A_210 = arith.constant 0 : i32
      %scan3A_211 = arith.constant 0 : i32
      %scan3A_212 = arith.constant 80 : i32
      %scan3A_213 = arith.addi %scan3A_211, %scan3A_212 : i32
      %scan3A_214 = arith.constant 1 : i32
      scf.for %scan3A_402 = %scan3A_211 to %scan3A_213 step %scan3A_214  : i32 {
        %broadcast_in_dim3A_403 = vector.broadcast %scan3A_402 : i32 to vector<16xi32>
        %add3A_404 = arith.constant 84 : i32
        %add3A_405 = vector.broadcast %add3A_404 : i32 to vector<16xi32>
        %add3A_406 = arith.addi %iota3A, %add3A_405 : vector<16xi32>
        %gather3A = tpu.vector_load_idx %arg10[%broadcast_in_dim3A_403, %add3A_406] : memref<80x128xf32, #tpu.memory_space<vmem>>[vector<16xi32>, vector<16xi32>], vector<16xf32>,
        %add3A_407 = arith.constant 256 : i32
        %add3A_408 = vector.broadcast %add3A_407 : i32 to vector<16xi32>
        %add3A_409 = arith.addi %iota3A, %add3A_408 : vector<16xi32>
        tpu.vector_store_idx %arg9[%broadcast_in_dim3A_403, %add3A_409], %gather3A : memref<80x300xf32, #tpu.memory_space<vmem>>[vector<16xi32>, vector<16xi32>], vector<16xf32>,
        %add3A_410 = arith.constant 100 : i32
        %add3A_411 = vector.broadcast %add3A_410 : i32 to vector<16xi32>
        %add3A_412 = arith.addi %iota3A, %add3A_411 : vector<16xi32>
        %gather3A_413 = tpu.vector_load_idx %arg10[%broadcast_in_dim3A_403, %add3A_412] : memref<80x128xf32, #tpu.memory_space<vmem>>[vector<16xi32>, vector<16xi32>], vector<16xf32>,
        %add3A_414 = arith.constant 272 : i32
        %add3A_415 = vector.broadcast %add3A_414 : i32 to vector<16xi32>
        %add3A_416 = arith.addi %iota3A, %add3A_415 : vector<16xi32>
        tpu.vector_store_idx %arg9[%broadcast_in_dim3A_403, %add3A_416], %gather3A_413 : memref<80x300xf32, #tpu.memory_space<vmem>>[vector<16xi32>, vector<16xi32>], vector<16xf32>,
        %add3A_417 = arith.constant 112 : i32
        %add3A_418 = vector.broadcast %add3A_417 : i32 to vector<16xi32>
        %add3A_419 = arith.addi %iota3A, %add3A_418 : vector<16xi32>
        %gather3A_420 = tpu.vector_load_idx %arg10[%broadcast_in_dim3A_403, %add3A_419] : memref<80x128xf32, #tpu.memory_space<vmem>>[vector<16xi32>, vector<16xi32>], vector<16xf32>,
        %add3A_421 = arith.constant 284 : i32
        %add3A_422 = vector.broadcast %add3A_421 : i32 to vector<16xi32>
        %add3A_423 = arith.addi %iota3A, %add3A_422 : vector<16xi32>
        tpu.vector_store_idx %arg9[%broadcast_in_dim3A_403, %add3A_423], %gather3A_420 : memref<80x300xf32, #tpu.memory_space<vmem>>[vector<16xi32>, vector<16xi32>], vector<16xf32>,
      }
      %scan3A_215 = arith.constant 80 : i32
      %dma_start3A_216 = arith.constant 0 : i32
      %dma_start3A_217 = arith.constant 0 : i32
      %dma_start3A_218 = tpu.memref_slice %arg6[%add3A_156, %dma_start3A_216, %dma_start3A_217] : memref<4096x200x300xf32, #tpu.memory_space<hbm>> -> memref<1x80x300xf32, #tpu.memory_space<hbm>>
      %dma_start3A_219 = tpu.memref_squeeze %dma_start3A_218 : memref<1x80x300xf32, #tpu.memory_space<hbm>> -> memref<80x300xf32, #tpu.memory_space<hbm>>
      %dma_start3A_220 = arith.constant 0 : i32
      %dma_start3A_221 = arith.constant 0 : i32
      %dma_start3A_222 = tpu.memref_slice %arg6[%add3A_156, %dma_start3A_220, %dma_start3A_221] : memref<4096x200x300xf32, #tpu.memory_space<hbm>> -> memref<1x80x300xf32, #tpu.memory_space<hbm>>
      %dma_start3A_223 = tpu.memref_squeeze %dma_start3A_222 : memref<1x80x300xf32, #tpu.memory_space<hbm>> -> memref<80x300xf32, #tpu.memory_space<hbm>>
      tpu.enqueue_dma source(%arg9 : memref<80x300xf32, #tpu.memory_space<vmem>>) target(%dma_start3A_223 : memref<80x300xf32, #tpu.memory_space<hbm>>) target_semaphore(%arg16 : memref<!tpu.dma_semaphore, #tpu.memory_space<semaphore_mem>>)
      %dma_wait3A_224 = arith.constant 0 : i32
      %dma_wait3A_225 = arith.constant 0 : i32
      %dma_wait3A_226 = tpu.memref_slice %arg11[%dma_wait3A_224, %dma_wait3A_225] : memref<120x300xf32, #tpu.memory_space<vmem>> -> memref<72x256xf32, #tpu.memory_space<vmem>>
      %dma_wait3A_227 = tpu.memref_slice %arg8[%add3A_160] : memref<2560xi32, #tpu.memory_space<vmem>> -> memref<72xi32, #tpu.memory_space<vmem>>
      %dma_wait3A_228 = arith.constant 0 : i32
      %dma_wait3A_229 = arith.constant 0 : i32
      %dma_wait3A_230 = tpu.memref_slice %arg5[%dma_wait3A_228, %dma_wait3A_229] : memref<1000000x300xf32, #tpu.memory_space<hbm>> -> memref<1000000x256xf32, #tpu.memory_space<hbm>>
      tpu.wait_indirect_dma semaphore(%arg15 : memref<!tpu.dma_semaphore, #tpu.memory_space<semaphore_mem>>) src(%dma_wait3A_230 : memref<1000000x256xf32, #tpu.memory_space<hbm>>) dst(%dma_wait3A_226 : memref<72x256xf32, #tpu.memory_space<vmem>>)
      %dma_wait3A_231 = tpu.memref_slice %arg8[%add3A_160] : memref<2560xi32, #tpu.memory_space<vmem>> -> memref<72xi32, #tpu.memory_space<vmem>>
      %dma_wait3A_232 = arith.constant 0 : i32
      %dma_wait3A_233 = arith.constant 0 : i32
      %dma_wait3A_234 = tpu.memref_slice %arg4[%dma_wait3A_232, %dma_wait3A_233] : memref<1000000x128xf32, #tpu.memory_space<hbm>> -> memref<1000000x128xf32, #tpu.memory_space<hbm>>
      tpu.wait_indirect_dma semaphore(%arg15 : memref<!tpu.dma_semaphore, #tpu.memory_space<semaphore_mem>>) src(%dma_wait3A_234 : memref<1000000x128xf32, #tpu.memory_space<hbm>>) dst(%arg12 : memref<72x128xf32, #tpu.memory_space<vmem>>)
      %iota3A_235 = tpu.iota {dimensions = array<i32: 0>} : vector<16xi32>
      %scan3A_236 = arith.constant 0 : i32
      %scan3A_237 = arith.constant 0 : i32
      %scan3A_238 = arith.constant 70 : i32
      %scan3A_239 = arith.addi %scan3A_237, %scan3A_238 : i32
      %scan3A_240 = arith.constant 1 : i32
      scf.for %scan3A_402 = %scan3A_237 to %scan3A_239 step %scan3A_240  : i32 {
        %broadcast_in_dim3A_403 = vector.broadcast %scan3A_402 : i32 to vector<16xi32>
        %add3A_404 = arith.constant 84 : i32
        %add3A_405 = vector.broadcast %add3A_404 : i32 to vector<16xi32>
        %add3A_406 = arith.addi %iota3A_235, %add3A_405 : vector<16xi32>
        %gather3A = tpu.vector_load_idx %arg12[%broadcast_in_dim3A_403, %add3A_406] : memref<72x128xf32, #tpu.memory_space<vmem>>[vector<16xi32>, vector<16xi32>], vector<16xf32>,
        %add3A_407 = arith.constant 256 : i32
        %add3A_408 = vector.broadcast %add3A_407 : i32 to vector<16xi32>
        %add3A_409 = arith.addi %iota3A_235, %add3A_408 : vector<16xi32>
        tpu.vector_store_idx %arg11[%broadcast_in_dim3A_403, %add3A_409], %gather3A : memref<120x300xf32, #tpu.memory_space<vmem>>[vector<16xi32>, vector<16xi32>], vector<16xf32>,
        %add3A_410 = arith.constant 100 : i32
        %add3A_411 = vector.broadcast %add3A_410 : i32 to vector<16xi32>
        %add3A_412 = arith.addi %iota3A_235, %add3A_411 : vector<16xi32>
        %gather3A_413 = tpu.vector_load_idx %arg12[%broadcast_in_dim3A_403, %add3A_412] : memref<72x128xf32, #tpu.memory_space<vmem>>[vector<16xi32>, vector<16xi32>], vector<16xf32>,
        %add3A_414 = arith.constant 272 : i32
        %add3A_415 = vector.broadcast %add3A_414 : i32 to vector<16xi32>
        %add3A_416 = arith.addi %iota3A_235, %add3A_415 : vector<16xi32>
        tpu.vector_store_idx %arg11[%broadcast_in_dim3A_403, %add3A_416], %gather3A_413 : memref<120x300xf32, #tpu.memory_space<vmem>>[vector<16xi32>, vector<16xi32>], vector<16xf32>,
        %add3A_417 = arith.constant 112 : i32
        %add3A_418 = vector.broadcast %add3A_417 : i32 to vector<16xi32>
        %add3A_419 = arith.addi %iota3A_235, %add3A_418 : vector<16xi32>
        %gather3A_420 = tpu.vector_load_idx %arg12[%broadcast_in_dim3A_403, %add3A_419] : memref<72x128xf32, #tpu.memory_space<vmem>>[vector<16xi32>, vector<16xi32>], vector<16xf32>,
        %add3A_421 = arith.constant 284 : i32
        %add3A_422 = vector.broadcast %add3A_421 : i32 to vector<16xi32>
        %add3A_423 = arith.addi %iota3A_235, %add3A_422 : vector<16xi32>
        tpu.vector_store_idx %arg11[%broadcast_in_dim3A_403, %add3A_423], %gather3A_420 : memref<120x300xf32, #tpu.memory_space<vmem>>[vector<16xi32>, vector<16xi32>], vector<16xf32>,
      }
      %scan3A_241 = arith.constant 70 : i32
      %broadcast_in_dim3A = arith.constant 0.000000e+00 : f32
      %broadcast_in_dim3A_242 = vector.broadcast %broadcast_in_dim3A : f32 to vector<16xf32>
      %swap3A = arith.constant 70 : i32
      %swap3A_243 = arith.index_cast %swap3A : i32 to index
      %swap3A_244 = arith.constant 0 : index
      %swap3A_245 = tpu.vector_load %arg11[%swap3A_243, %swap3A_244] {strides = array<i32>} : memref<120x300xf32, #tpu.memory_space<vmem>>, vector<16xf32>,
      tpu.vector_store %arg11[%swap3A_243, %swap3A_244], %broadcast_in_dim3A_242 {strides = array<i32>} : memref<120x300xf32, #tpu.memory_space<vmem>>, vector<16xf32>,
      %swap3A_246 = arith.constant 70 : i32
      %swap3A_247 = arith.index_cast %swap3A_246 : i32 to index
      %swap3A_248 = arith.constant 16 : index
      %swap3A_249 = tpu.vector_load %arg11[%swap3A_247, %swap3A_248] {strides = array<i32>} : memref<120x300xf32, #tpu.memory_space<vmem>>, vector<16xf32>,
      tpu.vector_store %arg11[%swap3A_247, %swap3A_248], %broadcast_in_dim3A_242 {strides = array<i32>} : memref<120x300xf32, #tpu.memory_space<vmem>>, vector<16xf32>,
      %swap3A_250 = arith.constant 70 : i32
      %swap3A_251 = arith.index_cast %swap3A_250 : i32 to index
      %swap3A_252 = arith.constant 32 : index
      %swap3A_253 = tpu.vector_load %arg11[%swap3A_251, %swap3A_252] {strides = array<i32>} : memref<120x300xf32, #tpu.memory_space<vmem>>, vector<16xf32>,
      tpu.vector_store %arg11[%swap3A_251, %swap3A_252], %broadcast_in_dim3A_242 {strides = array<i32>} : memref<120x300xf32, #tpu.memory_space<vmem>>, vector<16xf32>,
      %swap3A_254 = arith.constant 70 : i32
      %swap3A_255 = arith.index_cast %swap3A_254 : i32 to index
      %swap3A_256 = arith.constant 48 : index
      %swap3A_257 = tpu.vector_load %arg11[%swap3A_255, %swap3A_256] {strides = array<i32>} : memref<120x300xf32, #tpu.memory_space<vmem>>, vector<16xf32>,
      tpu.vector_store %arg11[%swap3A_255, %swap3A_256], %broadcast_in_dim3A_242 {strides = array<i32>} : memref<120x300xf32, #tpu.memory_space<vmem>>, vector<16xf32>,
      %swap3A_258 = arith.constant 70 : i32
      %swap3A_259 = arith.index_cast %swap3A_258 : i32 to index
      %swap3A_260 = arith.constant 64 : index
      %swap3A_261 = tpu.vector_load %arg11[%swap3A_259, %swap3A_260] {strides = array<i32>} : memref<120x300xf32, #tpu.memory_space<vmem>>, vector<16xf32>,
      tpu.vector_store %arg11[%swap3A_259, %swap3A_260], %broadcast_in_dim3A_242 {strides = array<i32>} : memref<120x300xf32, #tpu.memory_space<vmem>>, vector<16xf32>,
      %swap3A_262 = arith.constant 70 : i32
      %swap3A_263 = arith.index_cast %swap3A_262 : i32 to index
      %swap3A_264 = arith.constant 80 : index
      %swap3A_265 = tpu.vector_load %arg11[%swap3A_263, %swap3A_264] {strides = array<i32>} : memref<120x300xf32, #tpu.memory_space<vmem>>, vector<16xf32>,
      tpu.vector_store %arg11[%swap3A_263, %swap3A_264], %broadcast_in_dim3A_242 {strides = array<i32>} : memref<120x300xf32, #tpu.memory_space<vmem>>, vector<16xf32>,
      %swap3A_266 = arith.constant 70 : i32
      %swap3A_267 = arith.index_cast %swap3A_266 : i32 to index
      %swap3A_268 = arith.constant 96 : index
      %swap3A_269 = tpu.vector_load %arg11[%swap3A_267, %swap3A_268] {strides = array<i32>} : memref<120x300xf32, #tpu.memory_space<vmem>>, vector<16xf32>,
      tpu.vector_store %arg11[%swap3A_267, %swap3A_268], %broadcast_in_dim3A_242 {strides = array<i32>} : memref<120x300xf32, #tpu.memory_space<vmem>>, vector<16xf32>,
      %swap3A_270 = arith.constant 70 : i32
      %swap3A_271 = arith.index_cast %swap3A_270 : i32 to index
      %swap3A_272 = arith.constant 112 : index
      %swap3A_273 = tpu.vector_load %arg11[%swap3A_271, %swap3A_272] {strides = array<i32>} : memref<120x300xf32, #tpu.memory_space<vmem>>, vector<16xf32>,
      tpu.vector_store %arg11[%swap3A_271, %swap3A_272], %broadcast_in_dim3A_242 {strides = array<i32>} : memref<120x300xf32, #tpu.memory_space<vmem>>, vector<16xf32>,
      %swap3A_274 = arith.constant 70 : i32
      %swap3A_275 = arith.index_cast %swap3A_274 : i32 to index
      %swap3A_276 = arith.constant 128 : index
      %swap3A_277 = tpu.vector_load %arg11[%swap3A_275, %swap3A_276] {strides = array<i32>} : memref<120x300xf32, #tpu.memory_space<vmem>>, vector<16xf32>,
      tpu.vector_store %arg11[%swap3A_275, %swap3A_276], %broadcast_in_dim3A_242 {strides = array<i32>} : memref<120x300xf32, #tpu.memory_space<vmem>>, vector<16xf32>,
      %swap3A_278 = arith.constant 70 : i32
      %swap3A_279 = arith.index_cast %swap3A_278 : i32 to index
      %swap3A_280 = arith.constant 144 : index
      %swap3A_281 = tpu.vector_load %arg11[%swap3A_279, %swap3A_280] {strides = array<i32>} : memref<120x300xf32, #tpu.memory_space<vmem>>, vector<16xf32>,
      tpu.vector_store %arg11[%swap3A_279, %swap3A_280], %broadcast_in_dim3A_242 {strides = array<i32>} : memref<120x300xf32, #tpu.memory_space<vmem>>, vector<16xf32>,
      %swap3A_282 = arith.constant 70 : i32
      %swap3A_283 = arith.index_cast %swap3A_282 : i32 to index
      %swap3A_284 = arith.constant 160 : index
      %swap3A_285 = tpu.vector_load %arg11[%swap3A_283, %swap3A_284] {strides = array<i32>} : memref<120x300xf32, #tpu.memory_space<vmem>>, vector<16xf32>,
      tpu.vector_store %arg11[%swap3A_283, %swap3A_284], %broadcast_in_dim3A_242 {strides = array<i32>} : memref<120x300xf32, #tpu.memory_space<vmem>>, vector<16xf32>,
      %swap3A_286 = arith.constant 70 : i32
      %swap3A_287 = arith.index_cast %swap3A_286 : i32 to index
      %swap3A_288 = arith.constant 176 : index
      %swap3A_289 = tpu.vector_load %arg11[%swap3A_287, %swap3A_288] {strides = array<i32>} : memref<120x300xf32, #tpu.memory_space<vmem>>, vector<16xf32>,
      tpu.vector_store %arg11[%swap3A_287, %swap3A_288], %broadcast_in_dim3A_242 {strides = array<i32>} : memref<120x300xf32, #tpu.memory_space<vmem>>, vector<16xf32>,
      %swap3A_290 = arith.constant 70 : i32
      %swap3A_291 = arith.index_cast %swap3A_290 : i32 to index
      %swap3A_292 = arith.constant 192 : index
      %swap3A_293 = tpu.vector_load %arg11[%swap3A_291, %swap3A_292] {strides = array<i32>} : memref<120x300xf32, #tpu.memory_space<vmem>>, vector<16xf32>,
      tpu.vector_store %arg11[%swap3A_291, %swap3A_292], %broadcast_in_dim3A_242 {strides = array<i32>} : memref<120x300xf32, #tpu.memory_space<vmem>>, vector<16xf32>,
      %swap3A_294 = arith.constant 70 : i32
      %swap3A_295 = arith.index_cast %swap3A_294 : i32 to index
      %swap3A_296 = arith.constant 208 : index
      %swap3A_297 = tpu.vector_load %arg11[%swap3A_295, %swap3A_296] {strides = array<i32>} : memref<120x300xf32, #tpu.memory_space<vmem>>, vector<16xf32>,
      tpu.vector_store %arg11[%swap3A_295, %swap3A_296], %broadcast_in_dim3A_242 {strides = array<i32>} : memref<120x300xf32, #tpu.memory_space<vmem>>, vector<16xf32>,
      %swap3A_298 = arith.constant 70 : i32
      %swap3A_299 = arith.index_cast %swap3A_298 : i32 to index
      %swap3A_300 = arith.constant 224 : index
      %swap3A_301 = tpu.vector_load %arg11[%swap3A_299, %swap3A_300] {strides = array<i32>} : memref<120x300xf32, #tpu.memory_space<vmem>>, vector<16xf32>,
      tpu.vector_store %arg11[%swap3A_299, %swap3A_300], %broadcast_in_dim3A_242 {strides = array<i32>} : memref<120x300xf32, #tpu.memory_space<vmem>>, vector<16xf32>,
      %swap3A_302 = arith.constant 70 : i32
      %swap3A_303 = arith.index_cast %swap3A_302 : i32 to index
      %swap3A_304 = arith.constant 240 : index
      %swap3A_305 = tpu.vector_load %arg11[%swap3A_303, %swap3A_304] {strides = array<i32>} : memref<120x300xf32, #tpu.memory_space<vmem>>, vector<16xf32>,
      tpu.vector_store %arg11[%swap3A_303, %swap3A_304], %broadcast_in_dim3A_242 {strides = array<i32>} : memref<120x300xf32, #tpu.memory_space<vmem>>, vector<16xf32>,
      %swap3A_306 = arith.constant 70 : i32
      %swap3A_307 = arith.index_cast %swap3A_306 : i32 to index
      %swap3A_308 = arith.constant 256 : index
      %swap3A_309 = tpu.vector_load %arg11[%swap3A_307, %swap3A_308] {strides = array<i32>} : memref<120x300xf32, #tpu.memory_space<vmem>>, vector<16xf32>,
      tpu.vector_store %arg11[%swap3A_307, %swap3A_308], %broadcast_in_dim3A_242 {strides = array<i32>} : memref<120x300xf32, #tpu.memory_space<vmem>>, vector<16xf32>,
      %swap3A_310 = arith.constant 70 : i32
      %swap3A_311 = arith.index_cast %swap3A_310 : i32 to index
      %swap3A_312 = arith.constant 272 : index
      %swap3A_313 = tpu.vector_load %arg11[%swap3A_311, %swap3A_312] {strides = array<i32>} : memref<120x300xf32, #tpu.memory_space<vmem>>, vector<16xf32>,
      tpu.vector_store %arg11[%swap3A_311, %swap3A_312], %broadcast_in_dim3A_242 {strides = array<i32>} : memref<120x300xf32, #tpu.memory_space<vmem>>, vector<16xf32>,
      %swap3A_314 = arith.constant 70 : i32
      %swap3A_315 = arith.index_cast %swap3A_314 : i32 to index
      %swap3A_316 = arith.constant 284 : index
      %swap3A_317 = tpu.vector_load %arg11[%swap3A_315, %swap3A_316] {strides = array<i32>} : memref<120x300xf32, #tpu.memory_space<vmem>>, vector<16xf32>,
      tpu.vector_store %arg11[%swap3A_315, %swap3A_316], %broadcast_in_dim3A_242 {strides = array<i32>} : memref<120x300xf32, #tpu.memory_space<vmem>>, vector<16xf32>,
      %swap3A_318 = arith.constant 71 : i32
      %swap3A_319 = arith.index_cast %swap3A_318 : i32 to index
      %swap3A_320 = arith.constant 0 : index
      %swap3A_321 = tpu.vector_load %arg11[%swap3A_319, %swap3A_320] {strides = array<i32>} : memref<120x300xf32, #tpu.memory_space<vmem>>, vector<16xf32>,
      tpu.vector_store %arg11[%swap3A_319, %swap3A_320], %broadcast_in_dim3A_242 {strides = array<i32>} : memref<120x300xf32, #tpu.memory_space<vmem>>, vector<16xf32>,
      %swap3A_322 = arith.constant 71 : i32
      %swap3A_323 = arith.index_cast %swap3A_322 : i32 to index
      %swap3A_324 = arith.constant 16 : index
      %swap3A_325 = tpu.vector_load %arg11[%swap3A_323, %swap3A_324] {strides = array<i32>} : memref<120x300xf32, #tpu.memory_space<vmem>>, vector<16xf32>,
      tpu.vector_store %arg11[%swap3A_323, %swap3A_324], %broadcast_in_dim3A_242 {strides = array<i32>} : memref<120x300xf32, #tpu.memory_space<vmem>>, vector<16xf32>,
      %swap3A_326 = arith.constant 71 : i32
      %swap3A_327 = arith.index_cast %swap3A_326 : i32 to index
      %swap3A_328 = arith.constant 32 : index
      %swap3A_329 = tpu.vector_load %arg11[%swap3A_327, %swap3A_328] {strides = array<i32>} : memref<120x300xf32, #tpu.memory_space<vmem>>, vector<16xf32>,
      tpu.vector_store %arg11[%swap3A_327, %swap3A_328], %broadcast_in_dim3A_242 {strides = array<i32>} : memref<120x300xf32, #tpu.memory_space<vmem>>, vector<16xf32>,
      %swap3A_330 = arith.constant 71 : i32
      %swap3A_331 = arith.index_cast %swap3A_330 : i32 to index
      %swap3A_332 = arith.constant 48 : index
      %swap3A_333 = tpu.vector_load %arg11[%swap3A_331, %swap3A_332] {strides = array<i32>} : memref<120x300xf32, #tpu.memory_space<vmem>>, vector<16xf32>,
      tpu.vector_store %arg11[%swap3A_331, %swap3A_332], %broadcast_in_dim3A_242 {strides = array<i32>} : memref<120x300xf32, #tpu.memory_space<vmem>>, vector<16xf32>,
      %swap3A_334 = arith.constant 71 : i32
      %swap3A_335 = arith.index_cast %swap3A_334 : i32 to index
      %swap3A_336 = arith.constant 64 : index
      %swap3A_337 = tpu.vector_load %arg11[%swap3A_335, %swap3A_336] {strides = array<i32>} : memref<120x300xf32, #tpu.memory_space<vmem>>, vector<16xf32>,
      tpu.vector_store %arg11[%swap3A_335, %swap3A_336], %broadcast_in_dim3A_242 {strides = array<i32>} : memref<120x300xf32, #tpu.memory_space<vmem>>, vector<16xf32>,
      %swap3A_338 = arith.constant 71 : i32
      %swap3A_339 = arith.index_cast %swap3A_338 : i32 to index
      %swap3A_340 = arith.constant 80 : index
      %swap3A_341 = tpu.vector_load %arg11[%swap3A_339, %swap3A_340] {strides = array<i32>} : memref<120x300xf32, #tpu.memory_space<vmem>>, vector<16xf32>,
      tpu.vector_store %arg11[%swap3A_339, %swap3A_340], %broadcast_in_dim3A_242 {strides = array<i32>} : memref<120x300xf32, #tpu.memory_space<vmem>>, vector<16xf32>,
      %swap3A_342 = arith.constant 71 : i32
      %swap3A_343 = arith.index_cast %swap3A_342 : i32 to index
      %swap3A_344 = arith.constant 96 : index
      %swap3A_345 = tpu.vector_load %arg11[%swap3A_343, %swap3A_344] {strides = array<i32>} : memref<120x300xf32, #tpu.memory_space<vmem>>, vector<16xf32>,
      tpu.vector_store %arg11[%swap3A_343, %swap3A_344], %broadcast_in_dim3A_242 {strides = array<i32>} : memref<120x300xf32, #tpu.memory_space<vmem>>, vector<16xf32>,
      %swap3A_346 = arith.constant 71 : i32
      %swap3A_347 = arith.index_cast %swap3A_346 : i32 to index
      %swap3A_348 = arith.constant 112 : index
      %swap3A_349 = tpu.vector_load %arg11[%swap3A_347, %swap3A_348] {strides = array<i32>} : memref<120x300xf32, #tpu.memory_space<vmem>>, vector<16xf32>,
      tpu.vector_store %arg11[%swap3A_347, %swap3A_348], %broadcast_in_dim3A_242 {strides = array<i32>} : memref<120x300xf32, #tpu.memory_space<vmem>>, vector<16xf32>,
      %swap3A_350 = arith.constant 71 : i32
      %swap3A_351 = arith.index_cast %swap3A_350 : i32 to index
      %swap3A_352 = arith.constant 128 : index
      %swap3A_353 = tpu.vector_load %arg11[%swap3A_351, %swap3A_352] {strides = array<i32>} : memref<120x300xf32, #tpu.memory_space<vmem>>, vector<16xf32>,
      tpu.vector_store %arg11[%swap3A_351, %swap3A_352], %broadcast_in_dim3A_242 {strides = array<i32>} : memref<120x300xf32, #tpu.memory_space<vmem>>, vector<16xf32>,
      %swap3A_354 = arith.constant 71 : i32
      %swap3A_355 = arith.index_cast %swap3A_354 : i32 to index
      %swap3A_356 = arith.constant 144 : index
      %swap3A_357 = tpu.vector_load %arg11[%swap3A_355, %swap3A_356] {strides = array<i32>} : memref<120x300xf32, #tpu.memory_space<vmem>>, vector<16xf32>,
      tpu.vector_store %arg11[%swap3A_355, %swap3A_356], %broadcast_in_dim3A_242 {strides = array<i32>} : memref<120x300xf32, #tpu.memory_space<vmem>>, vector<16xf32>,
      %swap3A_358 = arith.constant 71 : i32
      %swap3A_359 = arith.index_cast %swap3A_358 : i32 to index
      %swap3A_360 = arith.constant 160 : index
      %swap3A_361 = tpu.vector_load %arg11[%swap3A_359, %swap3A_360] {strides = array<i32>} : memref<120x300xf32, #tpu.memory_space<vmem>>, vector<16xf32>,
      tpu.vector_store %arg11[%swap3A_359, %swap3A_360], %broadcast_in_dim3A_242 {strides = array<i32>} : memref<120x300xf32, #tpu.memory_space<vmem>>, vector<16xf32>,
      %swap3A_362 = arith.constant 71 : i32
      %swap3A_363 = arith.index_cast %swap3A_362 : i32 to index
      %swap3A_364 = arith.constant 176 : index
      %swap3A_365 = tpu.vector_load %arg11[%swap3A_363, %swap3A_364] {strides = array<i32>} : memref<120x300xf32, #tpu.memory_space<vmem>>, vector<16xf32>,
      tpu.vector_store %arg11[%swap3A_363, %swap3A_364], %broadcast_in_dim3A_242 {strides = array<i32>} : memref<120x300xf32, #tpu.memory_space<vmem>>, vector<16xf32>,
      %swap3A_366 = arith.constant 71 : i32
      %swap3A_367 = arith.index_cast %swap3A_366 : i32 to index
      %swap3A_368 = arith.constant 192 : index
      %swap3A_369 = tpu.vector_load %arg11[%swap3A_367, %swap3A_368] {strides = array<i32>} : memref<120x300xf32, #tpu.memory_space<vmem>>, vector<16xf32>,
      tpu.vector_store %arg11[%swap3A_367, %swap3A_368], %broadcast_in_dim3A_242 {strides = array<i32>} : memref<120x300xf32, #tpu.memory_space<vmem>>, vector<16xf32>,
      %swap3A_370 = arith.constant 71 : i32
      %swap3A_371 = arith.index_cast %swap3A_370 : i32 to index
      %swap3A_372 = arith.constant 208 : index
      %swap3A_373 = tpu.vector_load %arg11[%swap3A_371, %swap3A_372] {strides = array<i32>} : memref<120x300xf32, #tpu.memory_space<vmem>>, vector<16xf32>,
      tpu.vector_store %arg11[%swap3A_371, %swap3A_372], %broadcast_in_dim3A_242 {strides = array<i32>} : memref<120x300xf32, #tpu.memory_space<vmem>>, vector<16xf32>,
      %swap3A_374 = arith.constant 71 : i32
      %swap3A_375 = arith.index_cast %swap3A_374 : i32 to index
      %swap3A_376 = arith.constant 224 : index
      %swap3A_377 = tpu.vector_load %arg11[%swap3A_375, %swap3A_376] {strides = array<i32>} : memref<120x300xf32, #tpu.memory_space<vmem>>, vector<16xf32>,
      tpu.vector_store %arg11[%swap3A_375, %swap3A_376], %broadcast_in_dim3A_242 {strides = array<i32>} : memref<120x300xf32, #tpu.memory_space<vmem>>, vector<16xf32>,
      %swap3A_378 = arith.constant 71 : i32
      %swap3A_379 = arith.index_cast %swap3A_378 : i32 to index
      %swap3A_380 = arith.constant 240 : index
      %swap3A_381 = tpu.vector_load %arg11[%swap3A_379, %swap3A_380] {strides = array<i32>} : memref<120x300xf32, #tpu.memory_space<vmem>>, vector<16xf32>,
      tpu.vector_store %arg11[%swap3A_379, %swap3A_380], %broadcast_in_dim3A_242 {strides = array<i32>} : memref<120x300xf32, #tpu.memory_space<vmem>>, vector<16xf32>,
      %swap3A_382 = arith.constant 71 : i32
      %swap3A_383 = arith.index_cast %swap3A_382 : i32 to index
      %swap3A_384 = arith.constant 256 : index
      %swap3A_385 = tpu.vector_load %arg11[%swap3A_383, %swap3A_384] {strides = array<i32>} : memref<120x300xf32, #tpu.memory_space<vmem>>, vector<16xf32>,
      tpu.vector_store %arg11[%swap3A_383, %swap3A_384], %broadcast_in_dim3A_242 {strides = array<i32>} : memref<120x300xf32, #tpu.memory_space<vmem>>, vector<16xf32>,
      %swap3A_386 = arith.constant 71 : i32
      %swap3A_387 = arith.index_cast %swap3A_386 : i32 to index
      %swap3A_388 = arith.constant 272 : index
      %swap3A_389 = tpu.vector_load %arg11[%swap3A_387, %swap3A_388] {strides = array<i32>} : memref<120x300xf32, #tpu.memory_space<vmem>>, vector<16xf32>,
      tpu.vector_store %arg11[%swap3A_387, %swap3A_388], %broadcast_in_dim3A_242 {strides = array<i32>} : memref<120x300xf32, #tpu.memory_space<vmem>>, vector<16xf32>,
      %swap3A_390 = arith.constant 71 : i32
      %swap3A_391 = arith.index_cast %swap3A_390 : i32 to index
      %swap3A_392 = arith.constant 284 : index
      %swap3A_393 = tpu.vector_load %arg11[%swap3A_391, %swap3A_392] {strides = array<i32>} : memref<120x300xf32, #tpu.memory_space<vmem>>, vector<16xf32>,
      tpu.vector_store %arg11[%swap3A_391, %swap3A_392], %broadcast_in_dim3A_242 {strides = array<i32>} : memref<120x300xf32, #tpu.memory_space<vmem>>, vector<16xf32>,
      %dma_start3A_394 = arith.constant 80 : i32
      %dma_start3A_395 = arith.constant 0 : i32
      %dma_start3A_396 = tpu.memref_slice %arg6[%add3A_156, %dma_start3A_394, %dma_start3A_395] : memref<4096x200x300xf32, #tpu.memory_space<hbm>> -> memref<1x120x300xf32, #tpu.memory_space<hbm>>
      %dma_start3A_397 = tpu.memref_squeeze %dma_start3A_396 : memref<1x120x300xf32, #tpu.memory_space<hbm>> -> memref<120x300xf32, #tpu.memory_space<hbm>>
      %dma_start3A_398 = arith.constant 80 : i32
      %dma_start3A_399 = arith.constant 0 : i32
      %dma_start3A_400 = tpu.memref_slice %arg6[%add3A_156, %dma_start3A_398, %dma_start3A_399] : memref<4096x200x300xf32, #tpu.memory_space<hbm>> -> memref<1x120x300xf32, #tpu.memory_space<hbm>>
      %dma_start3A_401 = tpu.memref_squeeze %dma_start3A_400 : memref<1x120x300xf32, #tpu.memory_space<hbm>> -> memref<120x300xf32, #tpu.memory_space<hbm>>
      tpu.enqueue_dma source(%arg11 : memref<120x300xf32, #tpu.memory_space<vmem>>) target(%dma_start3A_401 : memref<120x300xf32, #tpu.memory_space<hbm>>) target_semaphore(%arg17 : memref<!tpu.dma_semaphore, #tpu.memory_space<semaphore_mem>>)
    }
    %scan3A_133 = arith.constant 16 : i32
    %add3A_134 = arith.constant 128 : i32
    %add3A_135 = arith.addi %mul3A_2, %add3A_134 : i32
    %sub3A = arith.constant 1 : i32
    %sub3A_136 = arith.subi %add3A_135, %sub3A : i32
    %dma_wait3A_137 = arith.constant 0 : i32
    %dma_wait3A_138 = arith.constant 0 : i32
    %dma_wait3A_139 = tpu.memref_slice %arg6[%sub3A_136, %dma_wait3A_137, %dma_wait3A_138] : memref<4096x200x300xf32, #tpu.memory_space<hbm>> -> memref<1x80x300xf32, #tpu.memory_space<hbm>>
    %dma_wait3A_140 = tpu.memref_squeeze %dma_wait3A_139 : memref<1x80x300xf32, #tpu.memory_space<hbm>> -> memref<80x300xf32, #tpu.memory_space<hbm>>
    %dma_wait3A_141 = arith.constant 0 : i32
    %dma_wait3A_142 = arith.constant 0 : i32
    %dma_wait3A_143 = tpu.memref_slice %arg6[%sub3A_136, %dma_wait3A_141, %dma_wait3A_142] : memref<4096x200x300xf32, #tpu.memory_space<hbm>> -> memref<1x80x300xf32, #tpu.memory_space<hbm>>
    %dma_wait3A_144 = tpu.memref_squeeze %dma_wait3A_143 : memref<1x80x300xf32, #tpu.memory_space<hbm>> -> memref<80x300xf32, #tpu.memory_space<hbm>>
    tpu.wait_dma2 semaphore(%arg16 : memref<!tpu.dma_semaphore, #tpu.memory_space<semaphore_mem>>) src(%arg9 : memref<80x300xf32, #tpu.memory_space<vmem>>) dst(%dma_wait3A_144 : memref<80x300xf32, #tpu.memory_space<hbm>>)
    %dma_wait3A_145 = arith.constant 80 : i32
    %dma_wait3A_146 = arith.constant 0 : i32
    %dma_wait3A_147 = tpu.memref_slice %arg6[%sub3A_136, %dma_wait3A_145, %dma_wait3A_146] : memref<4096x200x300xf32, #tpu.memory_space<hbm>> -> memref<1x120x300xf32, #tpu.memory_space<hbm>>
    %dma_wait3A_148 = tpu.memref_squeeze %dma_wait3A_147 : memref<1x120x300xf32, #tpu.memory_space<hbm>> -> memref<120x300xf32, #tpu.memory_space<hbm>>
    %dma_wait3A_149 = arith.constant 80 : i32
    %dma_wait3A_150 = arith.constant 0 : i32
    %dma_wait3A_151 = tpu.memref_slice %arg6[%sub3A_136, %dma_wait3A_149, %dma_wait3A_150] : memref<4096x200x300xf32, #tpu.memory_space<hbm>> -> memref<1x120x300xf32, #tpu.memory_space<hbm>>
    %dma_wait3A_152 = tpu.memref_squeeze %dma_wait3A_151 : memref<1x120x300xf32, #tpu.memory_space<hbm>> -> memref<120x300xf32, #tpu.memory_space<hbm>>
    tpu.wait_dma2 semaphore(%arg17 : memref<!tpu.dma_semaphore, #tpu.memory_space<semaphore_mem>>) src(%arg11 : memref<120x300xf32, #tpu.memory_space<vmem>>) dst(%dma_wait3A_152 : memref<120x300xf32, #tpu.memory_space<hbm>>)
    return
  }
}

</mosaic_0001>

<sc_bundles>
// kernel: kernel.3.cloned.1.call-start
scs
__scs_entry_jumppad:
0x0: {  	(pc) =	sbr.rel $0x88, $3  }
0x1: {  	(tag) =	ssettag $0x0;
	lr =	simm.s32 $0x1  }
0x2: {  	[smem:$0x3F9F] =	sst lr;
	_ =	strace $0xD0000000  }
0x3: {  	_ = 	snop  }
0x4: {  	_ = 	snop  }
0x5: {  	_ = 	snop  }
0x6: {  	_ = 	snop  }
0x7: {  	_ = 	snop  }
__scs_overlays_trampoline_lowered:
0x8: {  	[smem:$0x3FAE] =	sst s0  }
0x9: {  	[smem:$0x3FAF] =	sst s1  }
0xa: {  	[smem:$0x3FB0] =	sst s2  }
0xb: {  	[smem:$0x3FB1] =	sst s3  }
0xc: {  	[smem:$0x3FB2] =	sst s4  }
0xd: {  	[smem:$0x3FB3] =	sst s5  }
0xe: {  	[smem:$0x3FB4] =	sst s6  }
0xf: {  	[smem:$0x3FB5] =	sst s7  }
0x10: {  	[smem:$0x3FB6] =	sst s8  }
0x11: {  	[smem:$0x3FB7] =	sst s9;
	s0 =	simm.s32 @!p0 $0x0  }
0x12: {  	s1 =	sld [smem:$0x3F9D];
	s0 =	simm.s32 @p0 $0x1  }
0x13: {  	[smem:$0x3FB8] =	sst s0;
	s0 =	simm.s32 @!p1 $0x0  }
0x14: {  	s2 =	sld [smem:$0x3F9C];
	s0 =	simm.s32 @p1 $0x1  }
0x15: {  	[smem:$0x3FB9] =	sst s0;
	s0 =	simm.s32 @!p2 $0x0  }
0x16: {  	s3 =	sld [smem:$0x3FDB];
	s0 =	simm.s32 @p2 $0x1  }
0x17: {  	s4 =	simm.s32 $0x1BF5;
	[smem:$0x3FBB] =	sst s0  }
0x18: {  	s0 =	sld [smem:$0x3F9E];
	_ =	swait.ge [sflag:s4], $0x0  }
0x19: {  	s7 =	sld [smem:$0x3F9F]  }
0x1a: {  	s8 =	sadd.s32 $0xFFFFE003, lr  }
0x1b: {  	s9 =	sadd.s32 $0xFFFFFEF7, lr;
	s5 =	simm.s32 $0xFFFFFFFF;
	p2 =	slt.u32 s8, $0xFFFFF086  }
0x1c: {  	p1 =	slt.u32 s9, $0xF7A;
	s5 =	simm.s32 @!p2 $0x0  }
0x1d: {  	s5 =	simm.s32 @p1 $0x1;
	p0 =	seq.s32 s7, s2  }
0x1e: {  	s7 =	smul.u32 @!p0 $0xF7A, s2;
	p2 =	seq.s32 @!p0 s5, $0x0  }
0x1f: {  	s9 =	smul.u32 $0xF7A, s1;
	s8 =	simm.s32 @!p0 $0x1BF5;
	p2 =	por !p2, p0  }
0x20: {  	[sflag:s8] =	ssyncset.s32 @!p0 $0xFFFFF086;
	s6 =	sadd.s32 @!p0 s3, s7;
	s7 =	simm.s32 @!p0 $0x108  }
0x21: {  	s3 =	sadd.s32 s3, s9;
	s6 =	sadd.s32 @!p0 $0x88, s6;
	s7 =	simm.s32 @p2 $0x1082  }
0x22: {  	[simem:s7], [sflag:s8] =	dma.local @!p0 [hbm:s6], $0xF7A  }
0x23: {  	s9 =	sor.u32 $0xD0000000, s2;
	s6 =	simm.s32 $0x108;
	_ =	swait.ge @!p0 [sflag:s8], $0x0  }
0x24: {  	s3 =	sadd.s32 $0x88, s3;
	s6 =	simm.s32 @!p1 $0x1082;
	[sflag:s4] =	ssyncset.s32 $0xFFFFF086  }
0x25: {  	[simem:s6], [sflag:s4] =	dma.local [hbm:s3], $0xF7A  }
0x26: {  	[smem:$0x3F9F] =	sst s1;
	(tag) =	ssettag s2;
	_ =	strace s9  }
0x27: {  	s1 =	sld [smem:$0x3FAF]  }
0x28: {  	s2 =	sld [smem:$0x3FB0]  }
0x29: {  	s4 =	sld [smem:$0x3FB2]  }
0x2a: {  	p0 =	seq.s32 s5, $0x0;
	s5 =	sld [smem:$0x3FB3]  }
0x2b: {  	s6 =	sld [smem:$0x3FB4]  }
0x2c: {  	s7 =	sld [smem:$0x3FB5]  }
0x2d: {  	s3 =	simm.s32 $0x108;
	s8 =	sld [smem:$0x3FB6]  }
0x2e: {  	s3 =	simm.s32 @!p0 $0x1082;
	s9 =	sld [smem:$0x3FB7]  }
0x2f: {  	lr =	sadd.s32 s0, s3;
	s0 =	sld [smem:$0x3FAE]  }
0x30: {  	s3 =	sld [smem:$0x3FB1]  }
0x31: {  	[smem:$0x3FBA] =	sst s10  }
0x32: {  	s10 =	sld [smem:$0x3FB8];
	_ =	sdelay $0x3  }
0x33: {  	p0 =	seq.s32 s10, $0x1;
	s10 =	sld [smem:$0x3FBA];
	_ =	sdelay $0x3  }
0x34: {  	[smem:$0x3FBA] =	sst s10  }
0x35: {  	s10 =	sld [smem:$0x3FB9];
	_ =	sdelay $0x3  }
0x36: {  	p1 =	seq.s32 s10, $0x1;
	s10 =	sld [smem:$0x3FBA];
	_ =	sdelay $0x3  }
0x37: {  	[smem:$0x3FBA] =	sst s10  }
0x38: {  	s10 =	sld [smem:$0x3FBB]  }
0x39: {  	_ = 	snop;
	(pc) =	sbr.ind lr, $3  }
0x3a: {  	_ = 	snop  }
0x3b: {  	_ = 	snop  }
0x3c: {  	p2 =	seq.s32 s10, $0x1;
	s10 =	sld [smem:$0x3FBA]  }
0x3d: {  	_ =	shalt  }
0x3e: {  	_ =	shalt  }
0x3f: {  	_ =	shalt  }
0x40: {  	_ =	shalt  }
0x41: {  	_ =	shalt  }
0x42: {  	_ =	shalt  }
0x43: {  	_ =	shalt  }
0x44: {  	_ =	shalt  }
0x45: {  	_ =	shalt  }
0x46: {  	_ =	shalt  }
0x47: {  	_ =	shalt  }
0x48: {  	_ =	shalt  }
0x49: {  	_ =	shalt  }
0x4a: {  	_ =	shalt  }
0x4b: {  	_ =	shalt  }
0x4c: {  	_ =	shalt  }
0x4d: {  	_ =	shalt  }
0x4e: {  	_ =	shalt  }
0x4f: {  	_ =	shalt  }
0x50: {  	_ =	shalt  }
0x51: {  	_ =	shalt  }
0x52: {  	_ =	shalt  }
0x53: {  	_ =	shalt  }
0x54: {  	_ =	shalt  }
0x55: {  	_ =	shalt  }
0x56: {  	_ =	shalt  }
0x57: {  	_ =	shalt  }
0x58: {  	_ =	shalt  }
0x59: {  	_ =	shalt  }
0x5a: {  	_ =	shalt  }
0x5b: {  	_ =	shalt  }
0x5c: {  	_ =	shalt  }
0x5d: {  	_ =	shalt  }
0x5e: {  	_ =	shalt  }
0x5f: {  	_ =	shalt  }
0x60: {  	_ =	shalt  }
0x61: {  	_ =	shalt  }
0x62: {  	_ =	shalt  }
0x63: {  	_ =	shalt  }
0x64: {  	_ =	shalt  }
0x65: {  	_ =	shalt  }
0x66: {  	_ =	shalt  }
0x67: {  	_ =	shalt  }
0x68: {  	_ =	shalt  }
0x69: {  	_ =	shalt  }
0x6a: {  	_ =	shalt  }
0x6b: {  	_ =	shalt  }
0x6c: {  	_ =	shalt  }
0x6d: {  	_ =	shalt  }
0x6e: {  	_ =	shalt  }
0x6f: {  	_ =	shalt  }
0x70: {  	_ =	shalt  }
0x71: {  	_ =	shalt  }
0x72: {  	_ =	shalt  }
0x73: {  	_ =	shalt  }
0x74: {  	_ =	shalt  }
0x75: {  	_ =	shalt  }
0x76: {  	_ =	shalt  }
0x77: {  	_ =	shalt  }
0x78: {  	_ =	shalt  }
0x79: {  	_ =	shalt  }
0x7a: {  	_ =	shalt  }
0x7b: {  	_ =	shalt  }
0x7c: {  	_ =	shalt  }
0x7d: {  	_ =	shalt  }
0x7e: {  	_ =	shalt  }
0x7f: {  	_ =	shalt  }
0x80: {  	_ =	shalt  }
0x81: {  	_ =	shalt  }
0x82: {  	_ =	shalt  }
0x83: {  	_ =	shalt  }
0x84: {  	_ =	shalt  }
0x85: {  	_ =	shalt  }
0x86: {  	_ =	shalt  }
0x87: {  	_ =	shalt  }
.Lfunc_end0:
.L_simem_size_0:
called_computation_lowered:
.L_overlay_start_0:
0x88: {  	s2 =	sld [smem:$0x3FD9]  }
0x89: {  	s3 =	sld [smem:$0x3FFE];
	_ =	sdelay $0x1  }
0x8a: {  	s1 =	srdreg.scid  }
0x8b: {  	s0 =	sand.u32 $0x1, s1  }
0x8c: {  	s17 =	sshll.u32 s0, $0xA;
	s2 =	sadd.s32 s3, s2  }
0x8d: {  	s2 =	sadd.s32 s2, s17  }
0x8e: {  	[smem:$0x3FC6] =	sst s2  }
0x8f: {  	_ = 	snop  }
0x90: {  	s2 =	sld [smem:$0x3FD0];
	(tm) =	ssettm $0x1  }
0x91: {  	s18 =	sld [smem:$0x3FFB];
	_ =	sdelay $0x3  }
0x92: {  	_ =	strace s18  }
0x93: {  	s3 =	sld [smem:$0x3FFC];
	_ =	sdelay $0x3  }
0x94: {  	_ =	strace s3  }
0x95: {  	s3 =	sld [smem:$0x3FFD];
	_ =	sdelay $0x3  }
0x96: {  	_ =	strace s3  }
0x97: {  	_ =	strace $0x8FFFFFFF  }
0x98: {  	s19 =	sld [smem:$0x3FDB];
	_ =	sdelay $0x1  }
0x99: {  	s4 =	simm.s32 $_scs_section_size  }
0x9a: {  	s5 =	simm.s32 $_size__tile_overlayer_lowered;
	s6 =	simm.s32 $_tile_overlayer_lowered  }
0x9b: {  	s22 =	simm.s32 $0x1BFF;
	s21 =	sshll.u32 s6, $0x1;
	s3 =	sadd.s32 s4, s19  }
0x9c: {  	s7 =	simm.s32 $0x0;
	s20 =	sshll.u32 s5, $0x1;
	s5 =	sadd.s32 s21, s3  }
0x9d: {  	[timem:s7], [sflag:s22] =	dma.local [hbm:s5], s20  }
0x9e: {  	_ =	swait.ge [sflag:s22], s20  }
0x9f: {  	s4 =	ssub.s32 $0x0, s20;
	[sflag:s22] =	ssyncset.done $0x0  }
0xa0: {  	[sflag:s22] =	ssyncadd.s32 s4;
	_ =	sdelay $0x1  }
0xa1: {  	s23 =	simm.s32 $0x1B8B  }
0xa2: {  	_ =	swait.ge [sflag:s23], $0x1  }
0xa3: {  	[sflag:s23] =	ssyncset.done $0x0  }
0xa4: {  	s25 =	simm.s32 $0x1B8E;
	s24 =	sld [smem:$0x3FFE];
	[sflag:s23] =	ssyncadd.s32 $0xFFFFFFFF  }
0xa5: {  	s26 =	simm.s32 $execute0_lowered;
	[smem:$0x3FD2] =	sst s25  }
0xa6: {  	s5 =	sshll.u32 s26, $0x1;
	_ =	strace $0x80000046;
	[dreg:$0x1] =	wrdreg $0xFFFFFFFF  }
0xa7: {  	s28 =	simm.s32 $_size_execute0_lowered;
	s3 =	sadd.s32 s3, s5;
	[dreg:$0x0] =	wrdreg $0x0  }
0xa8: {  	s5 =	sshll.u32 s28, $0x1;
	[dreg:$0x2] =	wrdreg s3  }
0xa9: {  	[dreg:$0x3] =	wrdreg s5  }
0xaa: {  	[dreg:$0x4] =	wrdreg $0xC0  }
0xab: {  	_ =	task [dreg:s7], $0x5FFFF  }
0xac: {  	[dreg:$0x1] =	wrdreg $0xFFFFFFFF  }
0xad: {  	[dreg:$0x0] =	wrdreg $0x60  }
0xae: {  	[dreg:$0x2] =	wrdreg s24  }
0xaf: {  	[dreg:$0x3] =	wrdreg s2  }
0xb0: {  	[dreg:$0x4] =	wrdreg $0x9  }
0xb1: {  	_ =	task.clear_ibuf [dreg:s7], $0x5FFFF;
	_ =	strace $0x90000046  }
0xb2: {  	s29 =	simm.s32 $0x9;
	_ =	strace $0x80000048  }
0xb3: {  	_ =	swait.ge [sflag:s29], $0x1  }
0xb4: {  	[sflag:s29] =	ssyncadd.s32 $0xFFFFFFFF  }
0xb5: {  	_ =	strace $0x90000048  }
0xb6: {  	_ =	sfence  }
0xb7: {  	s30 =	sld [smem:$0x0];
	_ =	sdelay $0x2  }
0xb8: {  	s31 =	sshll.u32 s1, $0xD;
	s1 =	sshrl.u32 s1, $0x2  }
0xb9: {  	s3 =	sand.u32 $0x4000, s31;
	s1 =	sadd.s32 s1, s30  }
0xba: {  	s0 =	sor.u32 s3, s0;
	s1 =	sshll.u32 s1, $0x11  }
0xbb: {  	s0 =	sor.u32 s1, s0  }
0xbc: {  	s0 =	sadd.s32 $0x8F2B, s0  }
0xbd: {  	[sflag:s0] =	ssyncadd.remote.s32 $0x1  }
0xbe: {  	_ =	sfence.sel $0xFFFF  }
0xbf: {  	[dreg:$0x0] =	wrdreg $0xFFFFFFFF;
	(pc) =	sbr.abs _section_cstart, $3  }
0xc0: {  	[dreg:$0x1] =	wrdreg $0xFFFFFFFF  }
0xc1: {  	_ =	task.clear_ibuf [dreg:s7], $0x2FFFF;
	_ =	strace $0x9FFFFFFF  }
0xc2: {  	(tm) =	ssettm $0x7FFFFFFF  }
0xc3: {  	_ =	shalt  }
tec
execute0_lowered:
.L_overlay_start_1:
0x0: {  	(tag) =	ssettag $0x1  }
0x1: {  	s0 =	rddreg [dreg:$0x0]  }
0x2: {  	s2 =	rddreg [dreg:$0x1]  }
0x3: {  	s1 =	srdreg.scid;
	s4 =	stileid.u32;
	s3 =	simm.s32 $0x0  }
0x4: {  	s28 =	simm.s32 $0x1400;
	s15 =	simm.s32 $0x7400;
	s14 =	simm.s32 $0x5  }
0x5: {  	s1 =	sand.u32 $0x1, s1;
	s4 =	sshll.u32 s4, $0x1;
	[smem:$0x7FF] =	sst s3  }
0x6: {  	s5 =	sadd.s32 $0x400, s0;
	s7 =	sadd.s32 $0x2DDB000, s0;
	s8 =	sadd.s32 $0x14400, s0  }
0x7: {  	s10 =	sadd.s32 $0x2DDBA00, s0;
	s4 =	sor.u32 s1, s4;
	_ =	strace $0x80000047  }
0x8: {  	[dreg:$0x5] =	wrdreg s7;
	s1 =	ssub.s32 $0x2, s1;
	s31 =	sshll.u32 s4, $0x7  }
0x9: {  	s4 =	smul.u32 $0xA00, s4;
	s11 =	sshrl.u32 s1, $0x1;
	s6 =	sor.u32 $0x10, s31  }
0xa: {  	s16 =	sor.u32 $0x20, s31;
	s9 =	sor.u32 $0x30, s31;
	[dreg:$0x3] =	wrdreg s31  }
0xb: {  	s18 =	sor.u32 $0x40, s31;
	[dreg:$0x4] =	wrdreg s6;
	s6 =	smul.u32 $0x14, s6  }
0xc: {  	s12 =	sor.u32 $0x50, s31;
	[dreg:$0x6] =	wrdreg s16;
	s7 =	smul.u32 $0x14, s16  }
0xd: {  	s13 =	sor.u32 $0x60, s31;
	[dreg:$0x7] =	wrdreg s9;
	s17 =	smul.u32 $0x14, s9  }
0xe: {  	s1 =	ssub.s32 s1, s11;
	[dreg:$0x8] =	wrdreg s18;
	s9 =	smul.u32 $0x14, s18  }
0xf: {  	s20 =	sor.u32 $0x70, s31;
	[dreg:$0x9] =	wrdreg s12;
	s12 =	smul.u32 $0x14, s12  }
0x10: {  	s11 =	simm.s32 $0x16800;
	[dreg:$0xa] =	wrdreg s13;
	s19 =	smul.u32 $0x14, s13  }
0x11: {  	s4 =	sadd.s32 s5, s4;
	[dreg:$0xb] =	wrdreg s20;
	s22 =	smul.u32 $0x14, s20  }
0x12: {  	s30 =	smax.u32 s1, $0x1;
	s16 =	simm.s32 $0x8000;
	s18 =	simm.s32 $0x8C00  }
0x13: {  	s20 =	simm.s32 $0xC000;
	s13 =	simm.s32 $0x4;
	[dreg:$0xc] =	wrdreg s4  }
0x14: {  	s1 =	simm.s32 $0x0;
	[dreg:$0x14] =	wrdreg s30;
	s4 =	simm.s32 $0x3  }
0x15: {  	s21 =	sadd.s32 s5, s6;
	s23 =	sadd.s32 s5, s7;
	s0 =	sadd.s32 s5, s17  }
0x16: {  	s24 =	sadd.s32 s5, s9;
	s25 =	sadd.s32 s5, s12;
	[dreg:$0xd] =	wrdreg s21  }
0x17: {  	s26 =	sadd.s32 s5, s19;
	s29 =	sadd.s32 s5, s22;
	[dreg:$0xe] =	wrdreg s23  }
0x18: {  	s6 =	simm.s32 $0x6800;
	s17 =	simm.s32 $0x50;
	[dreg:$0xf] =	wrdreg s0  }
0x19: {  	s19 =	simm.s32 $0xB400;
	s22 =	simm.s32 $0xD800;
	[dreg:$0x10] =	wrdreg s24  }
0x1a: {  	v0 =	vlaneseq.u32;
	vm0 =	vmmov $0xffff;
	v9 =	vimm.f32 $0.0e+00;
	s5 =	simm.s32 $0x10800;
	s7 =	simm.s32 $0x11400;
	[dreg:$0x11] =	wrdreg s25  }
0x1b: {  	v1 =	vand.u32 $0x7, v0;
	v2 =	vshrl.u32 v0, $0x3;
	v3 =	vor.u32 $0x8, v0;
	s9 =	simm.s32 $0x48;
	s12 =	simm.s32 $0x2;
	[dreg:$0x12] =	wrdreg s26  }
0x1c: {  	v4 =	vadd.s32 $0x54, v0;
	v5 =	vadd.s32 $0x64, v0;
	v6 =	vor.u32 $0x10, v0;
	[dreg:$0x13] =	wrdreg s29;
	s24 =	simm.s32 $0x5C00;
	s21 =	simm.s32 $0xCC00  }
0x1d: {  	v7 =	vor.u32 $0x70, v0;
	v8 =	vadd.s32 $0x1C, v0;
	v2 =	vmul.u32 $0x8, v2;
	s23 =	simm.s32 $0xE400;
	s26 =	simm.s32 $0xF000;
	s25 =	simm.s32 $0xFC00  }
.LBB2_1:
0x1e: {  	[dreg:$0x15] =	wrdreg s1  }
0x1f: {  	s0 =	rddreg [dreg:$0x5];
	s30 =	simm.s32 $0x12000;
	s1 =	simm.s32 $0x6  }
0x20: {  	[tilespmem:s30], [sflag:$0x6] =	stream.linear.gather [hbm4b:s0+s3], $0x4800, $0x38;
	[tilespmem:$0x18C00] =	vst v63  }
0x21: {  	_ =	swait.ge [sflag:s1], $0x4800  }
0x22: {  	[sflag:s1] =	ssyncset.done $0x0  }
0x23: {  	s30 =	rddreg [dreg:$0xc];
	[sflag:s1] =	ssyncadd.s32 $0xFFFFB800  }
0x24: {  	[tilespmem:s3], [sflag:$0x6] =	stream.linear.gather [hbm4b:s30+s3], $0xA00, $0x38;
	[tilespmem:$0x18C00] =	vst v63  }
0x25: {  	_ =	swait.ge [sflag:s1], $0xA00  }
0x26: {  	s29 =	simm.s32 $0x0;
	[sflag:s1] =	ssyncset.done $0x0  }
0x27: {  	s30 =	simm.s32 $0xA00;
	[sflag:s1] =	ssyncadd.s32 $0xFFFFF600;
	s1 =	rddreg [dreg:$0xd]  }
0x28: {  	[tilespmem:s30], [sflag:$0x1] =	stream.linear.gather [hbm4b:s1+s3], $0xA00, $0x38;
	[tilespmem:$0x18C00] =	vst v63  }
.LBB2_2:
0x29: {  	p0 =	seq.s32 s29, $0x0  }
0x2a: {  	s0 =	simm.s32 @!p0 $0x4  }
0x2b: {  	s1 =	smul.u32 $0x280, s29;
	_ =	swait.ge @!p0 [sflag:s0], $0x7800  }
0x2c: {  	[sflag:s0] =	ssyncset.done @!p0 $0x0  }
0x2d: {  	s30 =	sshra.s32 s1, $0x2;
	[sflag:s0] =	ssyncadd.s32 @!p0 $0xFFFF8800  }
0x2e: {  	v10 =	vld [tilespmem:s30+$0x0];
	_ =	sdelay $0x4  }
0x2f: {  	v11 =	vshrl.u32 v10, $0x3  }
0x30: {  	v11 =	vmul.u32 $0x18, v11  }
0x31: {  	v10 =	vand.u32 $0x7, v10  }
0x32: {  	v10 =	vor.u32 v10, v11  }
0x33: {  	v11 =	vperm.xlane v10, v1;
	_ =	sdelay $0x1  }
0x34: {  	v10 =	vperm.xlane v10, v3;
	v11 =	vadd.s32 v2, v11;
	_ =	sdelay $0x1  }
0x35: {  	v10 =	vadd.s32 v2, v10;
	_ =	sdelay $0x2  }
0x36: {  	[tilespmem:s28], [sflag:$0x2] =	stream.indirect_vreg.gather [hbm4b:s8+s3], $0x80, v11, vm0, $0xb8;
	[tilespmem:$0x18C00] =	vst v63  }
0x37: {  	s1 =	simm.s32 $0x2000  }
0x38: {  	[tilespmem:s1], [sflag:$0x2] =	stream.indirect_vreg.gather [hbm4b:s8+s3], $0x80, v10, vm0, $0xb8;
	[tilespmem:$0x18C00] =	vst v63  }
0x39: {  	v10 =	vld [tilespmem:s30+$0x10];
	_ =	sdelay $0x4  }
0x3a: {  	v11 =	vshrl.u32 v10, $0x3  }
0x3b: {  	v11 =	vmul.u32 $0x18, v11  }
0x3c: {  	v10 =	vand.u32 $0x7, v10  }
0x3d: {  	v10 =	vor.u32 v10, v11  }
0x3e: {  	v11 =	vperm.xlane v10, v1;
	_ =	sdelay $0x1  }
0x3f: {  	v10 =	vperm.xlane v10, v3;
	v11 =	vadd.s32 v2, v11;
	_ =	sdelay $0x1  }
0x40: {  	v10 =	vadd.s32 v2, v10;
	_ =	sdelay $0x1  }
0x41: {  	s1 =	simm.s32 $0x2C00  }
0x42: {  	[tilespmem:s1], [sflag:$0x2] =	stream.indirect_vreg.gather [hbm4b:s8+s3], $0x80, v11, vm0, $0xb8;
	[tilespmem:$0x18C00] =	vst v63  }
0x43: {  	s1 =	simm.s32 $0x3800  }
0x44: {  	[tilespmem:s1], [sflag:$0x2] =	stream.indirect_vreg.gather [hbm4b:s8+s3], $0x80, v10, vm0, $0xb8;
	[tilespmem:$0x18C00] =	vst v63  }
0x45: {  	v10 =	vld [tilespmem:s30+$0x20];
	_ =	sdelay $0x4  }
0x46: {  	v11 =	vshrl.u32 v10, $0x3  }
0x47: {  	v11 =	vmul.u32 $0x18, v11  }
0x48: {  	v10 =	vand.u32 $0x7, v10  }
0x49: {  	v10 =	vor.u32 v10, v11  }
0x4a: {  	v11 =	vperm.xlane v10, v1;
	_ =	sdelay $0x1  }
0x4b: {  	v10 =	vperm.xlane v10, v3;
	v11 =	vadd.s32 v2, v11;
	_ =	sdelay $0x1  }
0x4c: {  	v10 =	vadd.s32 v2, v10;
	_ =	sdelay $0x1  }
0x4d: {  	s1 =	simm.s32 $0x4400  }
0x4e: {  	[tilespmem:s1], [sflag:$0x2] =	stream.indirect_vreg.gather [hbm4b:s8+s3], $0x80, v11, vm0, $0xb8;
	[tilespmem:$0x18C00] =	vst v63  }
0x4f: {  	s1 =	simm.s32 $0x5000  }
0x50: {  	[tilespmem:s1], [sflag:$0x2] =	stream.indirect_vreg.gather [hbm4b:s8+s3], $0x80, v10, vm0, $0xb8;
	[tilespmem:$0x18C00] =	vst v63  }
0x51: {  	v10 =	vld [tilespmem:s30+$0x30];
	_ =	sdelay $0x4  }
0x52: {  	v11 =	vshrl.u32 v10, $0x3  }
0x53: {  	v11 =	vmul.u32 $0x18, v11  }
0x54: {  	v10 =	vand.u32 $0x7, v10  }
0x55: {  	v10 =	vor.u32 v10, v11  }
0x56: {  	v11 =	vperm.xlane v10, v1;
	_ =	sdelay $0x1  }
0x57: {  	v10 =	vperm.xlane v10, v3;
	v11 =	vadd.s32 v2, v11;
	_ =	sdelay $0x1  }
0x58: {  	v10 =	vadd.s32 v2, v10;
	_ =	sdelay $0x2  }
0x59: {  	[tilespmem:s24], [sflag:$0x2] =	stream.indirect_vreg.gather [hbm4b:s8+s3], $0x80, v11, vm0, $0xb8;
	[tilespmem:$0x18C00] =	vst v63  }
0x5a: {  	_ = 	snop  }
0x5b: {  	[tilespmem:s6], [sflag:$0x2] =	stream.indirect_vreg.gather [hbm4b:s8+s3], $0x80, v10, vm0, $0xb8;
	[tilespmem:$0x18C00] =	vst v63  }
0x5c: {  	v10 =	vld [tilespmem:s30+$0x40];
	_ =	sdelay $0x4  }
0x5d: {  	v11 =	vshrl.u32 v10, $0x3  }
0x5e: {  	v11 =	vmul.u32 $0x18, v11  }
0x5f: {  	v10 =	vand.u32 $0x7, v10  }
0x60: {  	v10 =	vor.u32 v10, v11  }
0x61: {  	v11 =	vperm.xlane v10, v1;
	_ =	sdelay $0x1  }
0x62: {  	v10 =	vperm.xlane v10, v3;
	v11 =	vadd.s32 v2, v11;
	_ =	sdelay $0x1  }
0x63: {  	v10 =	vadd.s32 v2, v10;
	_ =	sdelay $0x2  }
0x64: {  	[tilespmem:s15], [sflag:$0x2] =	stream.indirect_vreg.gather [hbm4b:s8+s3], $0x80, v11, vm0, $0xb8;
	[tilespmem:$0x18C00] =	vst v63  }
0x65: {  	_ = 	snop  }
0x66: {  	[tilespmem:s16], [sflag:$0x2] =	stream.indirect_vreg.gather [hbm4b:s8+s3], $0x80, v10, vm0, $0xb8;
	[tilespmem:$0x18C00] =	vst v63  }
0x67: {  	s0 =	simm.s32 @!p0 $0x5  }
0x68: {  	[tilespmem:s18], [sflag:$0x2] =	stream.indirect.gather [hbm4b:s2+s17], $0x80, s30, s17, $0xb8;
	[tilespmem:$0x18C00] =	vst v63  }
0x69: {  	_ =	swait.ge @!p0 [sflag:s0], $0xB400  }
0x6a: {  	[sflag:s0] =	ssyncset.done @!p0 $0x0  }
0x6b: {  	[sflag:s0] =	ssyncadd.s32 @!p0 $0xFFFF4C00  }
0x6c: {  	v10 =	vld [tilespmem:s30+$0x50];
	_ =	sdelay $0x4  }
0x6d: {  	v11 =	vshrl.u32 v10, $0x3  }
0x6e: {  	v11 =	vmul.u32 $0x18, v11  }
0x6f: {  	v10 =	vand.u32 $0x7, v10  }
0x70: {  	v10 =	vor.u32 v10, v11  }
0x71: {  	v11 =	vperm.xlane v10, v1;
	_ =	sdelay $0x1  }
0x72: {  	v10 =	vperm.xlane v10, v3;
	v11 =	vadd.s32 v2, v11;
	_ =	sdelay $0x1  }
0x73: {  	v10 =	vadd.s32 v2, v10;
	_ =	sdelay $0x1  }
0x74: {  	s0 =	simm.s32 $0x0  }
0x75: {  	[tilespmem:s19], [sflag:$0x3] =	stream.indirect_vreg.gather [hbm4b:s8+s0], $0x80, v11, vm0, $0xb8;
	[tilespmem:$0x18C00] =	vst v63  }
0x76: {  	_ = 	snop  }
0x77: {  	[tilespmem:s20], [sflag:$0x3] =	stream.indirect_vreg.gather [hbm4b:s8+s0], $0x80, v10, vm0, $0xb8;
	[tilespmem:$0x18C00] =	vst v63  }
0x78: {  	v10 =	vld [tilespmem:s30+$0x60];
	_ =	sdelay $0x4  }
0x79: {  	v11 =	vshrl.u32 v10, $0x3  }
0x7a: {  	v11 =	vmul.u32 $0x18, v11  }
0x7b: {  	v10 =	vand.u32 $0x7, v10  }
0x7c: {  	v10 =	vor.u32 v10, v11  }
0x7d: {  	v11 =	vperm.xlane v10, v1;
	_ =	sdelay $0x1  }
0x7e: {  	v10 =	vperm.xlane v10, v3;
	v11 =	vadd.s32 v2, v11;
	_ =	sdelay $0x1  }
0x7f: {  	v10 =	vadd.s32 v2, v10;
	_ =	sdelay $0x2  }
0x80: {  	[tilespmem:s21], [sflag:$0x3] =	stream.indirect_vreg.gather [hbm4b:s8+s0], $0x80, v11, vm0, $0xb8;
	[tilespmem:$0x18C00] =	vst v63  }
0x81: {  	_ = 	snop  }
0x82: {  	[tilespmem:s22], [sflag:$0x3] =	stream.indirect_vreg.gather [hbm4b:s8+s0], $0x80, v10, vm0, $0xb8;
	[tilespmem:$0x18C00] =	vst v63  }
0x83: {  	v10 =	vld [tilespmem:s30+$0x70];
	_ =	sdelay $0x4  }
0x84: {  	v11 =	vshrl.u32 v10, $0x3  }
0x85: {  	v11 =	vmul.u32 $0x18, v11  }
0x86: {  	v10 =	vand.u32 $0x7, v10  }
0x87: {  	v10 =	vor.u32 v10, v11  }
0x88: {  	v11 =	vperm.xlane v10, v1;
	_ =	sdelay $0x1  }
0x89: {  	v10 =	vperm.xlane v10, v3;
	v11 =	vadd.s32 v2, v11;
	_ =	sdelay $0x1  }
0x8a: {  	v10 =	vadd.s32 v2, v10;
	_ =	sdelay $0x2  }
0x8b: {  	[tilespmem:s23], [sflag:$0x3] =	stream.indirect_vreg.gather [hbm4b:s8+s0], $0x80, v11, vm0, $0xb8;
	[tilespmem:$0x18C00] =	vst v63  }
0x8c: {  	_ = 	snop  }
0x8d: {  	[tilespmem:s26], [sflag:$0x3] =	stream.indirect_vreg.gather [hbm4b:s8+s0], $0x80, v10, vm0, $0xb8;
	[tilespmem:$0x18C00] =	vst v63  }
0x8e: {  	v10 =	vld [tilespmem:s30+$0x80];
	_ =	sdelay $0x4  }
0x8f: {  	v11 =	vshrl.u32 v10, $0x3  }
0x90: {  	v11 =	vmul.u32 $0x18, v11  }
0x91: {  	v10 =	vand.u32 $0x7, v10  }
0x92: {  	v10 =	vor.u32 v10, v11  }
0x93: {  	v11 =	vperm.xlane v10, v1;
	_ =	sdelay $0x1  }
0x94: {  	v10 =	vperm.xlane v10, v3;
	v11 =	vadd.s32 v2, v11;
	_ =	sdelay $0x1  }
0x95: {  	v10 =	vadd.s32 v2, v10;
	_ =	sdelay $0x2  }
0x96: {  	[tilespmem:s25], [sflag:$0x3] =	stream.indirect_vreg.gather [hbm4b:s8+s0], $0x80, v11, vm0, $0xb8;
	[tilespmem:$0x18C00] =	vst v63  }
0x97: {  	_ = 	snop  }
0x98: {  	[tilespmem:s5], [sflag:$0x3] =	stream.indirect_vreg.gather [hbm4b:s8+s0], $0x80, v10, vm0, $0xb8;
	[tilespmem:$0x18C00] =	vst v63  }
0x99: {  	v10 =	vld.msk [tilespmem:s30+$0x90], $0xff;
	_ =	sdelay $0x4  }
0x9a: {  	v11 =	vshrl.u32 v10, $0x3  }
0x9b: {  	v11 =	vmul.u32 $0x18, v11  }
0x9c: {  	v10 =	vand.u32 $0x7, v10  }
0x9d: {  	v10 =	vor.u32 v10, v11  }
0x9e: {  	v10 =	vperm.xlane v10, v1;
	_ =	sdelay $0x1  }
0x9f: {  	v10 =	vadd.s32 v2, v10;
	_ =	sdelay $0x4  }
0xa0: {  	[tilespmem:s7], [sflag:$0x3] =	stream.indirect_vreg.gather [hbm4b:s8+s0], $0x80, v10, vm0, $0xb8;
	[tilespmem:$0x18C00] =	vst v63  }
0xa1: {  	s1 =	sadd.s32 $0x50, s30  }
0xa2: {  	v10 =	vmov s0;
	[tilespmem:s11], [sflag:$0x3] =	stream.indirect.gather [hbm4b:s2+s9], $0x80, s1, s9, $0xb8;
	[tilespmem:$0x18C00] =	vst v63  }
0xa3: {  	v11 =	vshll.u32 v10, $0x7;
	_ =	swait.ge [sflag:s12], $0x5000  }
0xa4: {  	v10 =	vshrl.u32 v10, $0x3;
	v12 =	vor.u32 v4, v11;
	[sflag:s12] =	ssyncset.done $0x0  }
0xa5: {  	v10 =	vmul.u32 $0xC00, v10;
	[sflag:s12] =	ssyncadd.s32 $0xFFFFB000  }
0xa6: {  	v13 =	vand.u32 $0x380, v11;
	_ =	swait.ge [sflag:s12], $0x2800  }
0xa7: {  	v10 =	vor.u32 v13, v10;
	[sflag:s12] =	ssyncset.done $0x0  }
0xa8: {  	v10 =	vadd.s32 $0x800, v10;
	[sflag:s12] =	ssyncadd.s32 $0xFFFFD800  }
0xa9: {  	v13 =	vor.u32 v0, v10;
	v12 =	vld.idx.msk [tilespmem:v12+s18+$0x0], $0xffff  }
0xaa: {  	v14 =	vor.u32 v5, v11;
	_ =	sdelay $0x3  }
0xab: {  	[tilespmem:v13+s28+$0x0] =	vst.idx.msk $0xffff, v12  }
0xac: {  	v13 =	vor.u32 v6, v10;
	v12 =	vld.idx.msk [tilespmem:v14+s18+$0x0], $0xffff  }
0xad: {  	v11 =	vor.u32 v7, v11;
	_ =	sdelay $0x3  }
0xae: {  	s1 =	simm.s32 $0x1;
	[tilespmem:v13+s28+$0x0] =	vst.idx.msk $0xffff, v12  }
0xaf: {  	s30 =	simm.s32 $0x2;
	s0 =	sor.u32 s31, s29;
	v12 =	vmov s1;
	v11 =	vld.idx.msk [tilespmem:v11+s18+$0x0], $0xffff  }
.LBB2_3:
0xb0: {  	p0 =	sne.s32 s30, $0x4F;
	v13 =	vshll.u32 v12, $0x7;
	v10 =	vor.u32 v8, v10  }
0xb1: {  	v14 =	vor.u32 v4, v13  }
0xb2: {  	v12 =	vshrl.u32 v12, $0x3  }
0xb3: {  	v12 =	vmul.u32 $0xC00, v12  }
0xb4: {  	v15 =	vand.u32 $0x380, v13  }
0xb5: {  	v12 =	vor.u32 v15, v12;
	[tilespmem:v10+s28+$0x0] =	vst.idx.msk $0xffff, v11  }
0xb6: {  	v10 =	vadd.s32 $0x800, v12;
	v11 =	vld.idx.msk [tilespmem:v14+s18+$0x0], $0xffff  }
0xb7: {  	v12 =	vor.u32 v0, v10  }
0xb8: {  	v14 =	vor.u32 v5, v13;
	_ =	sdelay $0x3  }
0xb9: {  	[tilespmem:v12+s28+$0x0] =	vst.idx.msk $0xffff, v11  }
0xba: {  	v11 =	vld.idx.msk [tilespmem:v14+s18+$0x0], $0xffff  }
0xbb: {  	v12 =	vor.u32 v6, v10  }
0xbc: {  	v13 =	vor.u32 v7, v13  }
.Ltmp0:
0xbd: {  	(pc) =	sbr.rel @p0 .LBB2_3-.Ltmp0, $3  }
0xbe: {  	_ =	sdelay $0x1  }
0xbf: {  	[tilespmem:v12+s28+$0x0] =	vst.idx.msk $0xffff, v11  }
0xc0: {  	v12 =	vmov s30;
	s30 =	sadd.s32 $0x1, s30;
	v11 =	vld.idx.msk [tilespmem:v13+s18+$0x0], $0xffff  }
0xc1: {  	v13 =	vshll.u32 v12, $0x7;
	v10 =	vor.u32 v8, v10  }
0xc2: {  	v12 =	vshrl.u32 v12, $0x3;
	v14 =	vor.u32 v4, v13  }
0xc3: {  	v12 =	vmul.u32 $0xC00, v12  }
0xc4: {  	v15 =	vand.u32 $0x380, v13  }
0xc5: {  	v12 =	vor.u32 v15, v12  }
0xc6: {  	[tilespmem:v10+s28+$0x0] =	vst.idx.msk $0xffff, v11;
	v10 =	vadd.s32 $0x800, v12  }
0xc7: {  	v11 =	vld.idx.msk [tilespmem:v14+s18+$0x0], $0xffff;
	v12 =	vor.u32 v0, v10  }
0xc8: {  	v14 =	vor.u32 v5, v13;
	_ =	sdelay $0x3  }
0xc9: {  	[tilespmem:v12+s28+$0x0] =	vst.idx.msk $0xffff, v11  }
0xca: {  	v12 =	vor.u32 v6, v10;
	v11 =	vld.idx.msk [tilespmem:v14+s18+$0x0], $0xffff  }
0xcb: {  	v13 =	vor.u32 v7, v13;
	_ =	sdelay $0x3  }
0xcc: {  	[tilespmem:v12+s28+$0x0] =	vst.idx.msk $0xffff, v11  }
0xcd: {  	v10 =	vor.u32 v8, v10;
	v11 =	vld.idx.msk [tilespmem:v13+s18+$0x0], $0xffff;
	_ =	sdelay $0x1  }
0xce: {  	s0 =	smul.u32 $0x12C00, s0;
	_ =	sdelay $0x1  }
0xcf: {  	s0 =	sshrl.u32 s0, $0x3  }
0xd0: {  	s1 =	simm.s32 $0x0;
	s30 =	sadd.s32 s10, s0;
	[tilespmem:v10+s28+$0x0] =	vst.idx.msk $0xffff, v11  }
0xd1: {  	v10 =	vmov s1;
	[hbm4b:s30+s1] =	stream.linear.scatter [tilespmem:s28], [sflag:$0x4], $0x7800, $0x38;
	[tilespmem:$0x18C00] =	vst v63  }
0xd2: {  	v11 =	vshll.u32 v10, $0x7;
	_ =	swait.ge [sflag:s4], $0x4800  }
0xd3: {  	v10 =	vshrl.u32 v10, $0x3;
	v12 =	vor.u32 v4, v11;
	[sflag:s4] =	ssyncset.done $0x0  }
0xd4: {  	v10 =	vmul.u32 $0xC00, v10;
	[sflag:s4] =	ssyncadd.s32 $0xFFFFB800  }
0xd5: {  	v13 =	vand.u32 $0x380, v11;
	_ =	swait.ge [sflag:s4], $0x2400  }
0xd6: {  	v10 =	vor.u32 v13, v10;
	[sflag:s4] =	ssyncset.done $0x0  }
0xd7: {  	v10 =	vadd.s32 $0x800, v10;
	[sflag:s4] =	ssyncadd.s32 $0xFFFFDC00  }
0xd8: {  	v13 =	vor.u32 v0, v10;
	v12 =	vld.idx.msk [tilespmem:v12+s11+$0x0], $0xffff  }
0xd9: {  	v14 =	vor.u32 v5, v11;
	_ =	sdelay $0x3  }
0xda: {  	[tilespmem:v13+s19+$0x0] =	vst.idx.msk $0xffff, v12  }
0xdb: {  	v13 =	vor.u32 v6, v10;
	v12 =	vld.idx.msk [tilespmem:v14+s11+$0x0], $0xffff  }
0xdc: {  	v11 =	vor.u32 v7, v11;
	_ =	sdelay $0x3  }
0xdd: {  	s1 =	simm.s32 $0x1;
	[tilespmem:v13+s19+$0x0] =	vst.idx.msk $0xffff, v12  }
0xde: {  	s0 =	simm.s32 $0x2;
	v12 =	vmov s1;
	v11 =	vld.idx.msk [tilespmem:v11+s11+$0x0], $0xffff  }
.LBB2_5:
0xdf: {  	p0 =	sne.s32 s0, $0x45;
	v13 =	vshll.u32 v12, $0x7;
	v10 =	vor.u32 v8, v10  }
0xe0: {  	v14 =	vor.u32 v4, v13  }
0xe1: {  	v12 =	vshrl.u32 v12, $0x3  }
0xe2: {  	v12 =	vmul.u32 $0xC00, v12  }
0xe3: {  	v15 =	vand.u32 $0x380, v13  }
0xe4: {  	v12 =	vor.u32 v15, v12;
	[tilespmem:v10+s19+$0x0] =	vst.idx.msk $0xffff, v11  }
0xe5: {  	v10 =	vadd.s32 $0x800, v12;
	v11 =	vld.idx.msk [tilespmem:v14+s11+$0x0], $0xffff  }
0xe6: {  	v12 =	vor.u32 v0, v10  }
0xe7: {  	v14 =	vor.u32 v5, v13;
	_ =	sdelay $0x3  }
0xe8: {  	[tilespmem:v12+s19+$0x0] =	vst.idx.msk $0xffff, v11  }
0xe9: {  	v11 =	vld.idx.msk [tilespmem:v14+s11+$0x0], $0xffff  }
0xea: {  	v12 =	vor.u32 v6, v10  }
0xeb: {  	v13 =	vor.u32 v7, v13  }
.Ltmp1:
0xec: {  	(pc) =	sbr.rel @p0 .LBB2_5-.Ltmp1, $3  }
0xed: {  	_ =	sdelay $0x1  }
0xee: {  	[tilespmem:v12+s19+$0x0] =	vst.idx.msk $0xffff, v11  }
0xef: {  	v12 =	vmov s0;
	s0 =	sadd.s32 $0x1, s0;
	v11 =	vld.idx.msk [tilespmem:v13+s11+$0x0], $0xffff  }
0xf0: {  	v13 =	vshll.u32 v12, $0x7;
	v10 =	vor.u32 v8, v10  }
0xf1: {  	v61 =	vshrl.u32 v12, $0x3;
	v14 =	vor.u32 v4, v13  }
0xf2: {  	v12 =	vmul.u32 $0xC00, v61  }
0xf3: {  	v15 =	vand.u32 $0x380, v13  }
0xf4: {  	v12 =	vor.u32 v15, v12  }
0xf5: {  	[tilespmem:v10+s19+$0x0] =	vst.idx.msk $0xffff, v11;
	v10 =	vadd.s32 $0x800, v12  }
0xf6: {  	v11 =	vld.idx.msk [tilespmem:v14+s11+$0x0], $0xffff;
	v12 =	vor.u32 v0, v10  }
0xf7: {  	v62 =	vor.u32 v5, v13;
	_ =	sdelay $0x3  }
0xf8: {  	[tilespmem:v12+s19+$0x0] =	vst.idx.msk $0xffff, v11  }
0xf9: {  	v63 =	vor.u32 v6, v10;
	v11 =	vld.idx.msk [tilespmem:v62+s11+$0x0], $0xffff  }
0xfa: {  	v13 =	vor.u32 v7, v13;
	_ =	sdelay $0x3  }
0xfb: {  	[tilespmem:v63+s19+$0x0] =	vst.idx.msk $0xffff, v11  }
0xfc: {  	v10 =	vor.u32 v8, v10;
	v11 =	vld.idx.msk [tilespmem:v13+s11+$0x0], $0xffff;
	_ =	sdelay $0x4  }
0xfd: {  	[tilespmem:v10+s19+$0x0] =	vst.idx.msk $0xffff, v11  }
0xfe: {  	[tilespmem:$0x11700] =	vst v9  }
0xff: {  	[tilespmem:$0x11710] =	vst v9  }
0x100: {  	[tilespmem:$0x11720] =	vst v9  }
0x101: {  	[tilespmem:$0x11730] =	vst v9  }
0x102: {  	[tilespmem:$0x11740] =	vst v9  }
0x103: {  	[tilespmem:$0x11750] =	vst v9  }
0x104: {  	[tilespmem:$0x11760] =	vst v9  }
0x105: {  	[tilespmem:$0x11770] =	vst v9  }
0x106: {  	[tilespmem:$0x11B00] =	vst v9  }
0x107: {  	[tilespmem:$0x11B10] =	vst v9  }
0x108: {  	[tilespmem:$0x11B20] =	vst v9  }
0x109: {  	[tilespmem:$0x11B30] =	vst v9  }
0x10a: {  	[tilespmem:$0x11B40] =	vst v9  }
0x10b: {  	[tilespmem:$0x11B50] =	vst v9  }
0x10c: {  	[tilespmem:$0x11B60] =	vst v9  }
0x10d: {  	[tilespmem:$0x11B70] =	vst v9  }
0x10e: {  	[tilespmem:$0x11F00] =	vst v9  }
0x10f: {  	[tilespmem:$0x11F10] =	vst v9  }
0x110: {  	[tilespmem:$0x11780] =	vst v9  }
0x111: {  	[tilespmem:$0x11790] =	vst v9  }
0x112: {  	[tilespmem:$0x117A0] =	vst v9  }
0x113: {  	[tilespmem:$0x117B0] =	vst v9  }
0x114: {  	[tilespmem:$0x117C0] =	vst v9  }
0x115: {  	[tilespmem:$0x117D0] =	vst v9  }
0x116: {  	[tilespmem:$0x117E0] =	vst v9  }
0x117: {  	[tilespmem:$0x117F0] =	vst v9  }
0x118: {  	[tilespmem:$0x11B80] =	vst v9  }
0x119: {  	[tilespmem:$0x11B90] =	vst v9  }
0x11a: {  	[tilespmem:$0x11BA0] =	vst v9  }
0x11b: {  	[tilespmem:$0x11BB0] =	vst v9  }
0x11c: {  	[tilespmem:$0x11BC0] =	vst v9  }
0x11d: {  	[tilespmem:$0x11BD0] =	vst v9  }
0x11e: {  	s29 =	sadd.s32 $0x1, s29;
	[tilespmem:$0x11BE0] =	vst v9  }
0x11f: {  	p0 =	sne.s32 s29, $0x10;
	[tilespmem:$0x11BF0] =	vst v9  }
.Ltmp2:
0x120: {  	[tilespmem:$0x11F80] =	vst v9;
	(pc) =	sbr.rel @p0 .LBB2_2-.Ltmp2, $4  }
0x121: {  	[tilespmem:$0x11F90] =	vst v9  }
0x122: {  	[tilespmem:$0x11F1C] =	vst v9  }
0x123: {  	s0 =	sadd.s32 $0xF00, s30;
	[tilespmem:$0x11F9C] =	vst v9  }
0x124: {  	[hbm4b:s0+s3] =	stream.linear.scatter [tilespmem:s19], [sflag:$0x5], $0xB400, $0x38;
	[tilespmem:$0x18C00] =	vst v63  }
0x125: {  	s0 =	simm.s32 $0x1  }
0x126: {  	_ =	swait.ge [sflag:s0], $0xA00  }
0x127: {  	s29 =	simm.s32 $0x0;
	[sflag:s0] =	ssyncset.done $0x0  }
0x128: {  	s30 =	simm.s32 $0x0;
	s31 =	rddreg [dreg:$0xe];
	[sflag:s0] =	ssyncadd.s32 $0xFFFFF600  }
0x129: {  	[tilespmem:s29], [sflag:$0x1] =	stream.linear.gather [hbm4b:s31+s29], $0xA00, $0x38;
	[tilespmem:$0x18C00] =	vst v63  }
.LBB2_8:
0x12a: {  	_ =	swait.ge [sflag:s13], $0x7800;
	s0 =	smul.u32 $0x280, s30  }
0x12b: {  	[sflag:s13] =	ssyncset.done $0x0  }
0x12c: {  	[sflag:s13] =	ssyncadd.s32 $0xFFFF8800;
	s31 =	sshra.s32 s0, $0x2  }
0x12d: {  	v10 =	vld [tilespmem:s31+$0xA00];
	_ =	sdelay $0x4  }
0x12e: {  	v11 =	vshrl.u32 v10, $0x3  }
0x12f: {  	v11 =	vmul.u32 $0x18, v11  }
0x130: {  	v10 =	vand.u32 $0x7, v10  }
0x131: {  	v10 =	vor.u32 v10, v11  }
0x132: {  	v11 =	vperm.xlane v10, v1;
	_ =	sdelay $0x1  }
0x133: {  	v10 =	vperm.xlane v10, v3;
	v11 =	vadd.s32 v2, v11;
	_ =	sdelay $0x1  }
0x134: {  	v10 =	vadd.s32 v2, v10;
	_ =	sdelay $0x2  }
0x135: {  	[tilespmem:s28], [sflag:$0x2] =	stream.indirect_vreg.gather [hbm4b:s8+s29], $0x80, v11, vm0, $0xb8;
	[tilespmem:$0x18C00] =	vst v63  }
0x136: {  	s1 =	simm.s32 $0x2000  }
0x137: {  	[tilespmem:s1], [sflag:$0x2] =	stream.indirect_vreg.gather [hbm4b:s8+s29], $0x80, v10, vm0, $0xb8;
	[tilespmem:$0x18C00] =	vst v63  }
0x138: {  	v10 =	vld [tilespmem:s31+$0xA10];
	_ =	sdelay $0x4  }
0x139: {  	v11 =	vshrl.u32 v10, $0x3  }
0x13a: {  	v11 =	vmul.u32 $0x18, v11  }
0x13b: {  	v10 =	vand.u32 $0x7, v10  }
0x13c: {  	v10 =	vor.u32 v10, v11  }
0x13d: {  	v11 =	vperm.xlane v10, v1;
	_ =	sdelay $0x1  }
0x13e: {  	v10 =	vperm.xlane v10, v3;
	v11 =	vadd.s32 v2, v11;
	_ =	sdelay $0x1  }
0x13f: {  	v10 =	vadd.s32 v2, v10;
	_ =	sdelay $0x1  }
0x140: {  	s1 =	simm.s32 $0x2C00  }
0x141: {  	[tilespmem:s1], [sflag:$0x2] =	stream.indirect_vreg.gather [hbm4b:s8+s29], $0x80, v11, vm0, $0xb8;
	[tilespmem:$0x18C00] =	vst v63  }
0x142: {  	s1 =	simm.s32 $0x3800  }
0x143: {  	[tilespmem:s1], [sflag:$0x2] =	stream.indirect_vreg.gather [hbm4b:s8+s29], $0x80, v10, vm0, $0xb8;
	[tilespmem:$0x18C00] =	vst v63  }
0x144: {  	v10 =	vld [tilespmem:s31+$0xA20];
	_ =	sdelay $0x4  }
0x145: {  	v11 =	vshrl.u32 v10, $0x3  }
0x146: {  	v11 =	vmul.u32 $0x18, v11  }
0x147: {  	v10 =	vand.u32 $0x7, v10  }
0x148: {  	v10 =	vor.u32 v10, v11  }
0x149: {  	v11 =	vperm.xlane v10, v1;
	_ =	sdelay $0x1  }
0x14a: {  	v10 =	vperm.xlane v10, v3;
	v11 =	vadd.s32 v2, v11;
	_ =	sdelay $0x1  }
0x14b: {  	v10 =	vadd.s32 v2, v10;
	_ =	sdelay $0x1  }
0x14c: {  	s1 =	simm.s32 $0x4400  }
0x14d: {  	[tilespmem:s1], [sflag:$0x2] =	stream.indirect_vreg.gather [hbm4b:s8+s29], $0x80, v11, vm0, $0xb8;
	[tilespmem:$0x18C00] =	vst v63  }
0x14e: {  	s1 =	simm.s32 $0x5000  }
0x14f: {  	[tilespmem:s1], [sflag:$0x2] =	stream.indirect_vreg.gather [hbm4b:s8+s29], $0x80, v10, vm0, $0xb8;
	[tilespmem:$0x18C00] =	vst v63  }
0x150: {  	v10 =	vld [tilespmem:s31+$0xA30];
	_ =	sdelay $0x4  }
0x151: {  	v11 =	vshrl.u32 v10, $0x3  }
0x152: {  	v11 =	vmul.u32 $0x18, v11  }
0x153: {  	v10 =	vand.u32 $0x7, v10  }
0x154: {  	v10 =	vor.u32 v10, v11  }
0x155: {  	v11 =	vperm.xlane v10, v1;
	_ =	sdelay $0x1  }
0x156: {  	v10 =	vperm.xlane v10, v3;
	v11 =	vadd.s32 v2, v11;
	_ =	sdelay $0x1  }
0x157: {  	v10 =	vadd.s32 v2, v10;
	_ =	sdelay $0x2  }
0x158: {  	[tilespmem:s24], [sflag:$0x2] =	stream.indirect_vreg.gather [hbm4b:s8+s29], $0x80, v11, vm0, $0xb8;
	[tilespmem:$0x18C00] =	vst v63  }
0x159: {  	_ = 	snop  }
0x15a: {  	[tilespmem:s6], [sflag:$0x2] =	stream.indirect_vreg.gather [hbm4b:s8+s29], $0x80, v10, vm0, $0xb8;
	[tilespmem:$0x18C00] =	vst v63  }
0x15b: {  	v10 =	vld [tilespmem:s31+$0xA40];
	_ =	sdelay $0x4  }
0x15c: {  	v11 =	vshrl.u32 v10, $0x3  }
0x15d: {  	v11 =	vmul.u32 $0x18, v11  }
0x15e: {  	v10 =	vand.u32 $0x7, v10  }
0x15f: {  	v10 =	vor.u32 v10, v11  }
0x160: {  	v11 =	vperm.xlane v10, v1;
	_ =	sdelay $0x1  }
0x161: {  	v10 =	vperm.xlane v10, v3;
	v11 =	vadd.s32 v2, v11;
	_ =	sdelay $0x1  }
0x162: {  	v10 =	vadd.s32 v2, v10;
	_ =	sdelay $0x2  }
0x163: {  	[tilespmem:s15], [sflag:$0x2] =	stream.indirect_vreg.gather [hbm4b:s8+s29], $0x80, v11, vm0, $0xb8;
	[tilespmem:$0x18C00] =	vst v63  }
0x164: {  	_ = 	snop  }
0x165: {  	[tilespmem:s16], [sflag:$0x2] =	stream.indirect_vreg.gather [hbm4b:s8+s29], $0x80, v10, vm0, $0xb8;
	[tilespmem:$0x18C00] =	vst v63  }
0x166: {  	s1 =	sadd.s32 $0xA00, s31  }
0x167: {  	[tilespmem:s18], [sflag:$0x2] =	stream.indirect.gather [hbm4b:s2+s17], $0x80, s1, s17, $0xb8;
	[tilespmem:$0x18C00] =	vst v63  }
0x168: {  	_ =	swait.ge [sflag:s14], $0xB400  }
0x169: {  	[sflag:s14] =	ssyncset.done $0x0  }
0x16a: {  	[sflag:s14] =	ssyncadd.s32 $0xFFFF4C00  }
0x16b: {  	v10 =	vld [tilespmem:s31+$0xA50];
	_ =	sdelay $0x4  }
0x16c: {  	v11 =	vshrl.u32 v10, $0x3  }
0x16d: {  	v11 =	vmul.u32 $0x18, v11  }
0x16e: {  	v10 =	vand.u32 $0x7, v10  }
0x16f: {  	v10 =	vor.u32 v10, v11  }
0x170: {  	v11 =	vperm.xlane v10, v1;
	_ =	sdelay $0x1  }
0x171: {  	v10 =	vperm.xlane v10, v3;
	v11 =	vadd.s32 v2, v11;
	_ =	sdelay $0x1  }
0x172: {  	v10 =	vadd.s32 v2, v10;
	_ =	sdelay $0x2  }
0x173: {  	[tilespmem:s19], [sflag:$0x3] =	stream.indirect_vreg.gather [hbm4b:s8+s29], $0x80, v11, vm0, $0xb8;
	[tilespmem:$0x18C00] =	vst v63  }
0x174: {  	_ = 	snop  }
0x175: {  	[tilespmem:s20], [sflag:$0x3] =	stream.indirect_vreg.gather [hbm4b:s8+s29], $0x80, v10, vm0, $0xb8;
	[tilespmem:$0x18C00] =	vst v63  }
0x176: {  	v10 =	vld [tilespmem:s31+$0xA60];
	_ =	sdelay $0x4  }
0x177: {  	v11 =	vshrl.u32 v10, $0x3  }
0x178: {  	v11 =	vmul.u32 $0x18, v11  }
0x179: {  	v10 =	vand.u32 $0x7, v10  }
0x17a: {  	v10 =	vor.u32 v10, v11  }
0x17b: {  	v11 =	vperm.xlane v10, v1;
	_ =	sdelay $0x1  }
0x17c: {  	v10 =	vperm.xlane v10, v3;
	v11 =	vadd.s32 v2, v11;
	_ =	sdelay $0x1  }
0x17d: {  	v10 =	vadd.s32 v2, v10;
	_ =	sdelay $0x2  }
0x17e: {  	[tilespmem:s21], [sflag:$0x3] =	stream.indirect_vreg.gather [hbm4b:s8+s29], $0x80, v11, vm0, $0xb8;
	[tilespmem:$0x18C00] =	vst v63  }
0x17f: {  	_ = 	snop  }
0x180: {  	[tilespmem:s22], [sflag:$0x3] =	stream.indirect_vreg.gather [hbm4b:s8+s29], $0x80, v10, vm0, $0xb8;
	[tilespmem:$0x18C00] =	vst v63  }
0x181: {  	v10 =	vld [tilespmem:s31+$0xA70];
	_ =	sdelay $0x4  }
0x182: {  	v11 =	vshrl.u32 v10, $0x3  }
0x183: {  	v11 =	vmul.u32 $0x18, v11  }
0x184: {  	v10 =	vand.u32 $0x7, v10  }
0x185: {  	v10 =	vor.u32 v10, v11  }
0x186: {  	v11 =	vperm.xlane v10, v1;
	_ =	sdelay $0x1  }
0x187: {  	v10 =	vperm.xlane v10, v3;
	v11 =	vadd.s32 v2, v11;
	_ =	sdelay $0x1  }
0x188: {  	v10 =	vadd.s32 v2, v10;
	_ =	sdelay $0x2  }
0x189: {  	[tilespmem:s23], [sflag:$0x3] =	stream.indirect_vreg.gather [hbm4b:s8+s29], $0x80, v11, vm0, $0xb8;
	[tilespmem:$0x18C00] =	vst v63  }
0x18a: {  	_ = 	snop  }
0x18b: {  	[tilespmem:s26], [sflag:$0x3] =	stream.indirect_vreg.gather [hbm4b:s8+s29], $0x80, v10, vm0, $0xb8;
	[tilespmem:$0x18C00] =	vst v63  }
0x18c: {  	v10 =	vld [tilespmem:s31+$0xA80];
	_ =	sdelay $0x4  }
0x18d: {  	v11 =	vshrl.u32 v10, $0x3  }
0x18e: {  	v11 =	vmul.u32 $0x18, v11  }
0x18f: {  	v10 =	vand.u32 $0x7, v10  }
0x190: {  	v10 =	vor.u32 v10, v11  }
0x191: {  	v11 =	vperm.xlane v10, v1;
	_ =	sdelay $0x1  }
0x192: {  	v10 =	vperm.xlane v10, v3;
	v11 =	vadd.s32 v2, v11;
	_ =	sdelay $0x1  }
0x193: {  	v10 =	vadd.s32 v2, v10;
	_ =	sdelay $0x2  }
0x194: {  	[tilespmem:s25], [sflag:$0x3] =	stream.indirect_vreg.gather [hbm4b:s8+s29], $0x80, v11, vm0, $0xb8;
	[tilespmem:$0x18C00] =	vst v63  }
0x195: {  	_ = 	snop  }
0x196: {  	[tilespmem:s5], [sflag:$0x3] =	stream.indirect_vreg.gather [hbm4b:s8+s29], $0x80, v10, vm0, $0xb8;
	[tilespmem:$0x18C00] =	vst v63  }
0x197: {  	v10 =	vld.msk [tilespmem:s31+$0xA90], $0xff;
	_ =	sdelay $0x4  }
0x198: {  	v11 =	vshrl.u32 v10, $0x3  }
0x199: {  	v11 =	vmul.u32 $0x18, v11  }
0x19a: {  	v10 =	vand.u32 $0x7, v10  }
0x19b: {  	v10 =	vor.u32 v10, v11  }
0x19c: {  	v10 =	vperm.xlane v10, v1;
	_ =	sdelay $0x1  }
0x19d: {  	v10 =	vadd.s32 v2, v10;
	_ =	sdelay $0x4  }
0x19e: {  	[tilespmem:s7], [sflag:$0x3] =	stream.indirect_vreg.gather [hbm4b:s8+s29], $0x80, v10, vm0, $0xb8;
	[tilespmem:$0x18C00] =	vst v63  }
0x19f: {  	s1 =	sadd.s32 $0xA50, s31  }
0x1a0: {  	v10 =	vmov s29;
	[tilespmem:s11], [sflag:$0x3] =	stream.indirect.gather [hbm4b:s2+s9], $0x80, s1, s9, $0xb8;
	[tilespmem:$0x18C00] =	vst v63  }
0x1a1: {  	v11 =	vshll.u32 v10, $0x7;
	_ =	swait.ge [sflag:s12], $0x5000  }
0x1a2: {  	v10 =	vshrl.u32 v10, $0x3;
	v12 =	vor.u32 v4, v11;
	[sflag:s12] =	ssyncset.done $0x0  }
0x1a3: {  	v10 =	vmul.u32 $0xC00, v10;
	[sflag:s12] =	ssyncadd.s32 $0xFFFFB000  }
0x1a4: {  	v13 =	vand.u32 $0x380, v11;
	_ =	swait.ge [sflag:s12], $0x2800  }
0x1a5: {  	v10 =	vor.u32 v13, v10;
	[sflag:s12] =	ssyncset.done $0x0  }
0x1a6: {  	v10 =	vadd.s32 $0x800, v10;
	[sflag:s12] =	ssyncadd.s32 $0xFFFFD800  }
0x1a7: {  	v13 =	vor.u32 v0, v10;
	v12 =	vld.idx.msk [tilespmem:v12+s18+$0x0], $0xffff  }
0x1a8: {  	v14 =	vor.u32 v5, v11;
	_ =	sdelay $0x3  }
0x1a9: {  	[tilespmem:v13+s28+$0x0] =	vst.idx.msk $0xffff, v12  }
0x1aa: {  	s1 =	rddreg [dreg:$0x4];
	v13 =	vor.u32 v6, v10;
	v12 =	vld.idx.msk [tilespmem:v14+s18+$0x0], $0xffff  }
0x1ab: {  	v11 =	vor.u32 v7, v11;
	s0 =	sor.u32 s1, s30  }
0x1ac: {  	s0 =	smul.u32 $0x12C00, s0;
	_ =	sdelay $0x1  }
0x1ad: {  	s0 =	sshrl.u32 s0, $0x3  }
0x1ae: {  	s1 =	simm.s32 $0x1;
	s0 =	sadd.s32 s10, s0;
	[tilespmem:v13+s28+$0x0] =	vst.idx.msk $0xffff, v12  }
0x1af: {  	s31 =	sadd.s32 $0xF00, s0;
	v12 =	vmov s1;
	s1 =	simm.s32 $0x2;
	v11 =	vld.idx.msk [tilespmem:v11+s18+$0x0], $0xffff  }
.LBB2_9:
0x1b0: {  	p0 =	sne.s32 s1, $0x4F;
	v13 =	vshll.u32 v12, $0x7;
	v10 =	vor.u32 v8, v10  }
0x1b1: {  	v14 =	vor.u32 v4, v13  }
0x1b2: {  	v12 =	vshrl.u32 v12, $0x3  }
0x1b3: {  	v12 =	vmul.u32 $0xC00, v12  }
0x1b4: {  	v15 =	vand.u32 $0x380, v13  }
0x1b5: {  	v12 =	vor.u32 v15, v12;
	[tilespmem:v10+s28+$0x0] =	vst.idx.msk $0xffff, v11  }
0x1b6: {  	v10 =	vadd.s32 $0x800, v12;
	v11 =	vld.idx.msk [tilespmem:v14+s18+$0x0], $0xffff  }
0x1b7: {  	v12 =	vor.u32 v0, v10  }
0x1b8: {  	v14 =	vor.u32 v5, v13;
	_ =	sdelay $0x3  }
0x1b9: {  	[tilespmem:v12+s28+$0x0] =	vst.idx.msk $0xffff, v11  }
0x1ba: {  	v11 =	vld.idx.msk [tilespmem:v14+s18+$0x0], $0xffff  }
0x1bb: {  	v12 =	vor.u32 v6, v10  }
0x1bc: {  	v13 =	vor.u32 v7, v13  }
.Ltmp3:
0x1bd: {  	(pc) =	sbr.rel @p0 .LBB2_9-.Ltmp3, $3  }
0x1be: {  	_ =	sdelay $0x1  }
0x1bf: {  	[tilespmem:v12+s28+$0x0] =	vst.idx.msk $0xffff, v11  }
0x1c0: {  	v12 =	vmov s1;
	s1 =	sadd.s32 $0x1, s1;
	v11 =	vld.idx.msk [tilespmem:v13+s18+$0x0], $0xffff  }
0x1c1: {  	v13 =	vshll.u32 v12, $0x7;
	v10 =	vor.u32 v8, v10  }
0x1c2: {  	v12 =	vshrl.u32 v12, $0x3;
	v14 =	vor.u32 v4, v13  }
0x1c3: {  	v12 =	vmul.u32 $0xC00, v12  }
0x1c4: {  	v15 =	vand.u32 $0x380, v13  }
0x1c5: {  	v12 =	vor.u32 v15, v12  }
0x1c6: {  	[tilespmem:v10+s28+$0x0] =	vst.idx.msk $0xffff, v11;
	v10 =	vadd.s32 $0x800, v12  }
0x1c7: {  	v11 =	vld.idx.msk [tilespmem:v14+s18+$0x0], $0xffff;
	v12 =	vor.u32 v0, v10  }
0x1c8: {  	v14 =	vor.u32 v5, v13;
	_ =	sdelay $0x3  }
0x1c9: {  	[tilespmem:v12+s28+$0x0] =	vst.idx.msk $0xffff, v11  }
0x1ca: {  	v12 =	vor.u32 v6, v10;
	v11 =	vld.idx.msk [tilespmem:v14+s18+$0x0], $0xffff  }
0x1cb: {  	v13 =	vor.u32 v7, v13;
	_ =	sdelay $0x3  }
0x1cc: {  	[tilespmem:v12+s28+$0x0] =	vst.idx.msk $0xffff, v11  }
0x1cd: {  	v10 =	vor.u32 v8, v10;
	v11 =	vld.idx.msk [tilespmem:v13+s18+$0x0], $0xffff;
	_ =	sdelay $0x4  }
0x1ce: {  	s1 =	simm.s32 $0x0;
	[tilespmem:v10+s28+$0x0] =	vst.idx.msk $0xffff, v11  }
0x1cf: {  	v10 =	vmov s1;
	[hbm4b:s0+s1] =	stream.linear.scatter [tilespmem:s28], [sflag:$0x4], $0x7800, $0x38;
	[tilespmem:$0x18C00] =	vst v63  }
0x1d0: {  	v11 =	vshll.u32 v10, $0x7;
	_ =	swait.ge [sflag:s4], $0x4800  }
0x1d1: {  	v10 =	vshrl.u32 v10, $0x3;
	v12 =	vor.u32 v4, v11;
	[sflag:s4] =	ssyncset.done $0x0  }
0x1d2: {  	v10 =	vmul.u32 $0xC00, v10;
	[sflag:s4] =	ssyncadd.s32 $0xFFFFB800  }
0x1d3: {  	v13 =	vand.u32 $0x380, v11;
	_ =	swait.ge [sflag:s4], $0x2400  }
0x1d4: {  	v10 =	vor.u32 v13, v10;
	[sflag:s4] =	ssyncset.done $0x0  }
0x1d5: {  	v10 =	vadd.s32 $0x800, v10;
	[sflag:s4] =	ssyncadd.s32 $0xFFFFDC00  }
0x1d6: {  	v13 =	vor.u32 v0, v10;
	v12 =	vld.idx.msk [tilespmem:v12+s11+$0x0], $0xffff  }
0x1d7: {  	v14 =	vor.u32 v5, v11;
	_ =	sdelay $0x3  }
0x1d8: {  	[tilespmem:v13+s19+$0x0] =	vst.idx.msk $0xffff, v12  }
0x1d9: {  	v13 =	vor.u32 v6, v10;
	v12 =	vld.idx.msk [tilespmem:v14+s11+$0x0], $0xffff  }
0x1da: {  	v11 =	vor.u32 v7, v11;
	_ =	sdelay $0x3  }
0x1db: {  	s1 =	simm.s32 $0x1;
	[tilespmem:v13+s19+$0x0] =	vst.idx.msk $0xffff, v12  }
0x1dc: {  	s0 =	simm.s32 $0x2;
	v12 =	vmov s1;
	v11 =	vld.idx.msk [tilespmem:v11+s11+$0x0], $0xffff  }
.LBB2_11:
0x1dd: {  	p0 =	sne.s32 s0, $0x45;
	v13 =	vshll.u32 v12, $0x7;
	v10 =	vor.u32 v8, v10  }
0x1de: {  	v14 =	vor.u32 v4, v13  }
0x1df: {  	v12 =	vshrl.u32 v12, $0x3  }
0x1e0: {  	v12 =	vmul.u32 $0xC00, v12  }
0x1e1: {  	v15 =	vand.u32 $0x380, v13  }
0x1e2: {  	v12 =	vor.u32 v15, v12;
	[tilespmem:v10+s19+$0x0] =	vst.idx.msk $0xffff, v11  }
0x1e3: {  	v10 =	vadd.s32 $0x800, v12;
	v11 =	vld.idx.msk [tilespmem:v14+s11+$0x0], $0xffff  }
0x1e4: {  	v12 =	vor.u32 v0, v10  }
0x1e5: {  	v14 =	vor.u32 v5, v13;
	_ =	sdelay $0x3  }
0x1e6: {  	[tilespmem:v12+s19+$0x0] =	vst.idx.msk $0xffff, v11  }
0x1e7: {  	v11 =	vld.idx.msk [tilespmem:v14+s11+$0x0], $0xffff  }
0x1e8: {  	v12 =	vor.u32 v6, v10  }
0x1e9: {  	v13 =	vor.u32 v7, v13  }
.Ltmp4:
0x1ea: {  	(pc) =	sbr.rel @p0 .LBB2_11-.Ltmp4, $3  }
0x1eb: {  	_ =	sdelay $0x1  }
0x1ec: {  	[tilespmem:v12+s19+$0x0] =	vst.idx.msk $0xffff, v11  }
0x1ed: {  	v12 =	vmov s0;
	s0 =	sadd.s32 $0x1, s0;
	v11 =	vld.idx.msk [tilespmem:v13+s11+$0x0], $0xffff  }
0x1ee: {  	v13 =	vshll.u32 v12, $0x7;
	v10 =	vor.u32 v8, v10  }
0x1ef: {  	v61 =	vshrl.u32 v12, $0x3;
	v14 =	vor.u32 v4, v13  }
0x1f0: {  	v12 =	vmul.u32 $0xC00, v61  }
0x1f1: {  	v15 =	vand.u32 $0x380, v13  }
0x1f2: {  	v12 =	vor.u32 v15, v12  }
0x1f3: {  	[tilespmem:v10+s19+$0x0] =	vst.idx.msk $0xffff, v11;
	v10 =	vadd.s32 $0x800, v12  }
0x1f4: {  	v11 =	vld.idx.msk [tilespmem:v14+s11+$0x0], $0xffff;
	v12 =	vor.u32 v0, v10  }
0x1f5: {  	v62 =	vor.u32 v5, v13;
	_ =	sdelay $0x3  }
0x1f6: {  	[tilespmem:v12+s19+$0x0] =	vst.idx.msk $0xffff, v11  }
0x1f7: {  	v63 =	vor.u32 v6, v10;
	v11 =	vld.idx.msk [tilespmem:v62+s11+$0x0], $0xffff  }
0x1f8: {  	v13 =	vor.u32 v7, v13;
	_ =	sdelay $0x3  }
0x1f9: {  	[tilespmem:v63+s19+$0x0] =	vst.idx.msk $0xffff, v11  }
0x1fa: {  	v10 =	vor.u32 v8, v10;
	v11 =	vld.idx.msk [tilespmem:v13+s11+$0x0], $0xffff;
	_ =	sdelay $0x4  }
0x1fb: {  	[tilespmem:v10+s19+$0x0] =	vst.idx.msk $0xffff, v11  }
0x1fc: {  	[tilespmem:$0x11700] =	vst v9  }
0x1fd: {  	[tilespmem:$0x11710] =	vst v9  }
0x1fe: {  	[tilespmem:$0x11720] =	vst v9  }
0x1ff: {  	[tilespmem:$0x11730] =	vst v9  }
0x200: {  	[tilespmem:$0x11740] =	vst v9  }
0x201: {  	[tilespmem:$0x11750] =	vst v9  }
0x202: {  	[tilespmem:$0x11760] =	vst v9  }
0x203: {  	[tilespmem:$0x11770] =	vst v9  }
0x204: {  	[tilespmem:$0x11B00] =	vst v9  }
0x205: {  	[tilespmem:$0x11B10] =	vst v9  }
0x206: {  	[tilespmem:$0x11B20] =	vst v9  }
0x207: {  	[tilespmem:$0x11B30] =	vst v9  }
0x208: {  	[tilespmem:$0x11B40] =	vst v9  }
0x209: {  	[tilespmem:$0x11B50] =	vst v9  }
0x20a: {  	[tilespmem:$0x11B60] =	vst v9  }
0x20b: {  	[tilespmem:$0x11B70] =	vst v9  }
0x20c: {  	[tilespmem:$0x11F00] =	vst v9  }
0x20d: {  	[tilespmem:$0x11F10] =	vst v9  }
0x20e: {  	[tilespmem:$0x11780] =	vst v9  }
0x20f: {  	[tilespmem:$0x11790] =	vst v9  }
0x210: {  	[tilespmem:$0x117A0] =	vst v9  }
0x211: {  	[tilespmem:$0x117B0] =	vst v9  }
0x212: {  	[tilespmem:$0x117C0] =	vst v9  }
0x213: {  	[tilespmem:$0x117D0] =	vst v9  }
0x214: {  	[tilespmem:$0x117E0] =	vst v9  }
0x215: {  	[tilespmem:$0x117F0] =	vst v9  }
0x216: {  	[tilespmem:$0x11B80] =	vst v9  }
0x217: {  	[tilespmem:$0x11B90] =	vst v9  }
0x218: {  	[tilespmem:$0x11BA0] =	vst v9  }
0x219: {  	[tilespmem:$0x11BB0] =	vst v9  }
0x21a: {  	[tilespmem:$0x11BC0] =	vst v9  }
0x21b: {  	[tilespmem:$0x11BD0] =	vst v9  }
0x21c: {  	s30 =	sadd.s32 $0x1, s30;
	[tilespmem:$0x11BE0] =	vst v9  }
0x21d: {  	p0 =	sne.s32 s30, $0x10;
	[tilespmem:$0x11BF0] =	vst v9  }
.Ltmp5:
0x21e: {  	[tilespmem:$0x11F80] =	vst v9;
	(pc) =	sbr.rel @p0 .LBB2_8-.Ltmp5, $4  }
0x21f: {  	[tilespmem:$0x11F90] =	vst v9  }
0x220: {  	[tilespmem:$0x11F1C] =	vst v9  }
0x221: {  	[tilespmem:$0x11F9C] =	vst v9  }
0x222: {  	[hbm4b:s31+s3] =	stream.linear.scatter [tilespmem:s19], [sflag:$0x5], $0xB400, $0x38;
	[tilespmem:$0x18C00] =	vst v63  }
0x223: {  	s0 =	simm.s32 $0x1  }
0x224: {  	_ =	swait.ge [sflag:s0], $0xA00  }
0x225: {  	s29 =	simm.s32 $0x0;
	s1 =	simm.s32 $0xA00;
	[sflag:s0] =	ssyncset.done $0x0  }
0x226: {  	s30 =	simm.s32 $0x0;
	s31 =	rddreg [dreg:$0xf];
	[sflag:s0] =	ssyncadd.s32 $0xFFFFF600  }
0x227: {  	[tilespmem:s1], [sflag:$0x1] =	stream.linear.gather [hbm4b:s31+s29], $0xA00, $0x38;
	[tilespmem:$0x18C00] =	vst v63  }
.LBB2_14:
0x228: {  	_ =	swait.ge [sflag:s13], $0x7800;
	s0 =	smul.u32 $0x280, s30  }
0x229: {  	[sflag:s13] =	ssyncset.done $0x0  }
0x22a: {  	[sflag:s13] =	ssyncadd.s32 $0xFFFF8800;
	s31 =	sshra.s32 s0, $0x2  }
0x22b: {  	v10 =	vld [tilespmem:s31+$0x0];
	_ =	sdelay $0x4  }
0x22c: {  	v11 =	vshrl.u32 v10, $0x3  }
0x22d: {  	v11 =	vmul.u32 $0x18, v11  }
0x22e: {  	v10 =	vand.u32 $0x7, v10  }
0x22f: {  	v10 =	vor.u32 v10, v11  }
0x230: {  	v11 =	vperm.xlane v10, v1;
	_ =	sdelay $0x1  }
0x231: {  	v10 =	vperm.xlane v10, v3;
	v11 =	vadd.s32 v2, v11;
	_ =	sdelay $0x1  }
0x232: {  	v10 =	vadd.s32 v2, v10;
	_ =	sdelay $0x2  }
0x233: {  	[tilespmem:s28], [sflag:$0x2] =	stream.indirect_vreg.gather [hbm4b:s8+s29], $0x80, v11, vm0, $0xb8;
	[tilespmem:$0x18C00] =	vst v63  }
0x234: {  	s1 =	simm.s32 $0x2000  }
0x235: {  	[tilespmem:s1], [sflag:$0x2] =	stream.indirect_vreg.gather [hbm4b:s8+s29], $0x80, v10, vm0, $0xb8;
	[tilespmem:$0x18C00] =	vst v63  }
0x236: {  	v10 =	vld [tilespmem:s31+$0x10];
	_ =	sdelay $0x4  }
0x237: {  	v11 =	vshrl.u32 v10, $0x3  }
0x238: {  	v11 =	vmul.u32 $0x18, v11  }
0x239: {  	v10 =	vand.u32 $0x7, v10  }
0x23a: {  	v10 =	vor.u32 v10, v11  }
0x23b: {  	v11 =	vperm.xlane v10, v1;
	_ =	sdelay $0x1  }
0x23c: {  	v10 =	vperm.xlane v10, v3;
	v11 =	vadd.s32 v2, v11;
	_ =	sdelay $0x1  }
0x23d: {  	v10 =	vadd.s32 v2, v10;
	_ =	sdelay $0x1  }
0x23e: {  	s1 =	simm.s32 $0x2C00  }
0x23f: {  	[tilespmem:s1], [sflag:$0x2] =	stream.indirect_vreg.gather [hbm4b:s8+s29], $0x80, v11, vm0, $0xb8;
	[tilespmem:$0x18C00] =	vst v63  }
0x240: {  	s1 =	simm.s32 $0x3800  }
0x241: {  	[tilespmem:s1], [sflag:$0x2] =	stream.indirect_vreg.gather [hbm4b:s8+s29], $0x80, v10, vm0, $0xb8;
	[tilespmem:$0x18C00] =	vst v63  }
0x242: {  	v10 =	vld [tilespmem:s31+$0x20];
	_ =	sdelay $0x4  }
0x243: {  	v11 =	vshrl.u32 v10, $0x3  }
0x244: {  	v11 =	vmul.u32 $0x18, v11  }
0x245: {  	v10 =	vand.u32 $0x7, v10  }
0x246: {  	v10 =	vor.u32 v10, v11  }
0x247: {  	v11 =	vperm.xlane v10, v1;
	_ =	sdelay $0x1  }
0x248: {  	v10 =	vperm.xlane v10, v3;
	v11 =	vadd.s32 v2, v11;
	_ =	sdelay $0x1  }
0x249: {  	v10 =	vadd.s32 v2, v10;
	_ =	sdelay $0x1  }
0x24a: {  	s1 =	simm.s32 $0x4400  }
0x24b: {  	[tilespmem:s1], [sflag:$0x2] =	stream.indirect_vreg.gather [hbm4b:s8+s29], $0x80, v11, vm0, $0xb8;
	[tilespmem:$0x18C00] =	vst v63  }
0x24c: {  	s1 =	simm.s32 $0x5000  }
0x24d: {  	[tilespmem:s1], [sflag:$0x2] =	stream.indirect_vreg.gather [hbm4b:s8+s29], $0x80, v10, vm0, $0xb8;
	[tilespmem:$0x18C00] =	vst v63  }
0x24e: {  	v10 =	vld [tilespmem:s31+$0x30];
	_ =	sdelay $0x4  }
0x24f: {  	v11 =	vshrl.u32 v10, $0x3  }
0x250: {  	v11 =	vmul.u32 $0x18, v11  }
0x251: {  	v10 =	vand.u32 $0x7, v10  }
0x252: {  	v10 =	vor.u32 v10, v11  }
0x253: {  	v11 =	vperm.xlane v10, v1;
	_ =	sdelay $0x1  }
0x254: {  	v10 =	vperm.xlane v10, v3;
	v11 =	vadd.s32 v2, v11;
	_ =	sdelay $0x1  }
0x255: {  	v10 =	vadd.s32 v2, v10;
	_ =	sdelay $0x2  }
0x256: {  	[tilespmem:s24], [sflag:$0x2] =	stream.indirect_vreg.gather [hbm4b:s8+s29], $0x80, v11, vm0, $0xb8;
	[tilespmem:$0x18C00] =	vst v63  }
0x257: {  	_ = 	snop  }
0x258: {  	[tilespmem:s6], [sflag:$0x2] =	stream.indirect_vreg.gather [hbm4b:s8+s29], $0x80, v10, vm0, $0xb8;
	[tilespmem:$0x18C00] =	vst v63  }
0x259: {  	v10 =	vld [tilespmem:s31+$0x40];
	_ =	sdelay $0x4  }
0x25a: {  	v11 =	vshrl.u32 v10, $0x3  }
0x25b: {  	v11 =	vmul.u32 $0x18, v11  }
0x25c: {  	v10 =	vand.u32 $0x7, v10  }
0x25d: {  	v10 =	vor.u32 v10, v11  }
0x25e: {  	v11 =	vperm.xlane v10, v1;
	_ =	sdelay $0x1  }
0x25f: {  	v10 =	vperm.xlane v10, v3;
	v11 =	vadd.s32 v2, v11;
	_ =	sdelay $0x1  }
0x260: {  	v10 =	vadd.s32 v2, v10;
	_ =	sdelay $0x2  }
0x261: {  	[tilespmem:s15], [sflag:$0x2] =	stream.indirect_vreg.gather [hbm4b:s8+s29], $0x80, v11, vm0, $0xb8;
	[tilespmem:$0x18C00] =	vst v63  }
0x262: {  	_ = 	snop  }
0x263: {  	[tilespmem:s16], [sflag:$0x2] =	stream.indirect_vreg.gather [hbm4b:s8+s29], $0x80, v10, vm0, $0xb8;
	[tilespmem:$0x18C00] =	vst v63  }
0x264: {  	_ = 	snop  }
0x265: {  	[tilespmem:s18], [sflag:$0x2] =	stream.indirect.gather [hbm4b:s2+s17], $0x80, s31, s17, $0xb8;
	[tilespmem:$0x18C00] =	vst v63  }
0x266: {  	_ =	swait.ge [sflag:s14], $0xB400  }
0x267: {  	[sflag:s14] =	ssyncset.done $0x0  }
0x268: {  	[sflag:s14] =	ssyncadd.s32 $0xFFFF4C00  }
0x269: {  	v10 =	vld [tilespmem:s31+$0x50];
	_ =	sdelay $0x4  }
0x26a: {  	v11 =	vshrl.u32 v10, $0x3  }
0x26b: {  	v11 =	vmul.u32 $0x18, v11  }
0x26c: {  	v10 =	vand.u32 $0x7, v10  }
0x26d: {  	v10 =	vor.u32 v10, v11  }
0x26e: {  	v11 =	vperm.xlane v10, v1;
	_ =	sdelay $0x1  }
0x26f: {  	v10 =	vperm.xlane v10, v3;
	v11 =	vadd.s32 v2, v11;
	_ =	sdelay $0x1  }
0x270: {  	v10 =	vadd.s32 v2, v10;
	_ =	sdelay $0x2  }
0x271: {  	[tilespmem:s19], [sflag:$0x3] =	stream.indirect_vreg.gather [hbm4b:s8+s29], $0x80, v11, vm0, $0xb8;
	[tilespmem:$0x18C00] =	vst v63  }
0x272: {  	_ = 	snop  }
0x273: {  	[tilespmem:s20], [sflag:$0x3] =	stream.indirect_vreg.gather [hbm4b:s8+s29], $0x80, v10, vm0, $0xb8;
	[tilespmem:$0x18C00] =	vst v63  }
0x274: {  	v10 =	vld [tilespmem:s31+$0x60];
	_ =	sdelay $0x4  }
0x275: {  	v11 =	vshrl.u32 v10, $0x3  }
0x276: {  	v11 =	vmul.u32 $0x18, v11  }
0x277: {  	v10 =	vand.u32 $0x7, v10  }
0x278: {  	v10 =	vor.u32 v10, v11  }
0x279: {  	v11 =	vperm.xlane v10, v1;
	_ =	sdelay $0x1  }
0x27a: {  	v10 =	vperm.xlane v10, v3;
	v11 =	vadd.s32 v2, v11;
	_ =	sdelay $0x1  }
0x27b: {  	v10 =	vadd.s32 v2, v10;
	_ =	sdelay $0x2  }
0x27c: {  	[tilespmem:s21], [sflag:$0x3] =	stream.indirect_vreg.gather [hbm4b:s8+s29], $0x80, v11, vm0, $0xb8;
	[tilespmem:$0x18C00] =	vst v63  }
0x27d: {  	_ = 	snop  }
0x27e: {  	[tilespmem:s22], [sflag:$0x3] =	stream.indirect_vreg.gather [hbm4b:s8+s29], $0x80, v10, vm0, $0xb8;
	[tilespmem:$0x18C00] =	vst v63  }
0x27f: {  	v10 =	vld [tilespmem:s31+$0x70];
	_ =	sdelay $0x4  }
0x280: {  	v11 =	vshrl.u32 v10, $0x3  }
0x281: {  	v11 =	vmul.u32 $0x18, v11  }
0x282: {  	v10 =	vand.u32 $0x7, v10  }
0x283: {  	v10 =	vor.u32 v10, v11  }
0x284: {  	v11 =	vperm.xlane v10, v1;
	_ =	sdelay $0x1  }
0x285: {  	v10 =	vperm.xlane v10, v3;
	v11 =	vadd.s32 v2, v11;
	_ =	sdelay $0x1  }
0x286: {  	v10 =	vadd.s32 v2, v10;
	_ =	sdelay $0x2  }
0x287: {  	[tilespmem:s23], [sflag:$0x3] =	stream.indirect_vreg.gather [hbm4b:s8+s29], $0x80, v11, vm0, $0xb8;
	[tilespmem:$0x18C00] =	vst v63  }
0x288: {  	_ = 	snop  }
0x289: {  	[tilespmem:s26], [sflag:$0x3] =	stream.indirect_vreg.gather [hbm4b:s8+s29], $0x80, v10, vm0, $0xb8;
	[tilespmem:$0x18C00] =	vst v63  }
0x28a: {  	v10 =	vld [tilespmem:s31+$0x80];
	_ =	sdelay $0x4  }
0x28b: {  	v11 =	vshrl.u32 v10, $0x3  }
0x28c: {  	v11 =	vmul.u32 $0x18, v11  }
0x28d: {  	v10 =	vand.u32 $0x7, v10  }
0x28e: {  	v10 =	vor.u32 v10, v11  }
0x28f: {  	v11 =	vperm.xlane v10, v1;
	_ =	sdelay $0x1  }
0x290: {  	v10 =	vperm.xlane v10, v3;
	v11 =	vadd.s32 v2, v11;
	_ =	sdelay $0x1  }
0x291: {  	v10 =	vadd.s32 v2, v10;
	_ =	sdelay $0x2  }
0x292: {  	[tilespmem:s25], [sflag:$0x3] =	stream.indirect_vreg.gather [hbm4b:s8+s29], $0x80, v11, vm0, $0xb8;
	[tilespmem:$0x18C00] =	vst v63  }
0x293: {  	_ = 	snop  }
0x294: {  	[tilespmem:s5], [sflag:$0x3] =	stream.indirect_vreg.gather [hbm4b:s8+s29], $0x80, v10, vm0, $0xb8;
	[tilespmem:$0x18C00] =	vst v63  }
0x295: {  	v10 =	vld.msk [tilespmem:s31+$0x90], $0xff;
	_ =	sdelay $0x4  }
0x296: {  	v11 =	vshrl.u32 v10, $0x3  }
0x297: {  	v11 =	vmul.u32 $0x18, v11  }
0x298: {  	v10 =	vand.u32 $0x7, v10  }
0x299: {  	v10 =	vor.u32 v10, v11  }
0x29a: {  	v10 =	vperm.xlane v10, v1;
	_ =	sdelay $0x1  }
0x29b: {  	v10 =	vadd.s32 v2, v10;
	_ =	sdelay $0x4  }
0x29c: {  	[tilespmem:s7], [sflag:$0x3] =	stream.indirect_vreg.gather [hbm4b:s8+s29], $0x80, v10, vm0, $0xb8;
	[tilespmem:$0x18C00] =	vst v63  }
0x29d: {  	s1 =	sadd.s32 $0x50, s31  }
0x29e: {  	v10 =	vmov s29;
	[tilespmem:s11], [sflag:$0x3] =	stream.indirect.gather [hbm4b:s2+s9], $0x80, s1, s9, $0xb8;
	[tilespmem:$0x18C00] =	vst v63  }
0x29f: {  	v11 =	vshll.u32 v10, $0x7;
	_ =	swait.ge [sflag:s12], $0x5000  }
0x2a0: {  	v10 =	vshrl.u32 v10, $0x3;
	v12 =	vor.u32 v4, v11;
	[sflag:s12] =	ssyncset.done $0x0  }
0x2a1: {  	v10 =	vmul.u32 $0xC00, v10;
	[sflag:s12] =	ssyncadd.s32 $0xFFFFB000  }
0x2a2: {  	v13 =	vand.u32 $0x380, v11;
	_ =	swait.ge [sflag:s12], $0x2800  }
0x2a3: {  	v10 =	vor.u32 v13, v10;
	[sflag:s12] =	ssyncset.done $0x0  }
0x2a4: {  	v10 =	vadd.s32 $0x800, v10;
	[sflag:s12] =	ssyncadd.s32 $0xFFFFD800  }
0x2a5: {  	v13 =	vor.u32 v0, v10;
	v12 =	vld.idx.msk [tilespmem:v12+s18+$0x0], $0xffff  }
0x2a6: {  	v14 =	vor.u32 v5, v11;
	_ =	sdelay $0x3  }
0x2a7: {  	[tilespmem:v13+s28+$0x0] =	vst.idx.msk $0xffff, v12  }
0x2a8: {  	s1 =	rddreg [dreg:$0x6];
	v13 =	vor.u32 v6, v10;
	v12 =	vld.idx.msk [tilespmem:v14+s18+$0x0], $0xffff  }
0x2a9: {  	v11 =	vor.u32 v7, v11;
	s0 =	sor.u32 s1, s30  }
0x2aa: {  	s0 =	smul.u32 $0x12C00, s0;
	_ =	sdelay $0x1  }
0x2ab: {  	s0 =	sshrl.u32 s0, $0x3  }
0x2ac: {  	s1 =	simm.s32 $0x1;
	s0 =	sadd.s32 s10, s0;
	[tilespmem:v13+s28+$0x0] =	vst.idx.msk $0xffff, v12  }
0x2ad: {  	s31 =	sadd.s32 $0xF00, s0;
	v12 =	vmov s1;
	s1 =	simm.s32 $0x2;
	v11 =	vld.idx.msk [tilespmem:v11+s18+$0x0], $0xffff  }
.LBB2_15:
0x2ae: {  	p0 =	sne.s32 s1, $0x4F;
	v13 =	vshll.u32 v12, $0x7;
	v10 =	vor.u32 v8, v10  }
0x2af: {  	v14 =	vor.u32 v4, v13  }
0x2b0: {  	v12 =	vshrl.u32 v12, $0x3  }
0x2b1: {  	v12 =	vmul.u32 $0xC00, v12  }
0x2b2: {  	v15 =	vand.u32 $0x380, v13  }
0x2b3: {  	v12 =	vor.u32 v15, v12;
	[tilespmem:v10+s28+$0x0] =	vst.idx.msk $0xffff, v11  }
0x2b4: {  	v10 =	vadd.s32 $0x800, v12;
	v11 =	vld.idx.msk [tilespmem:v14+s18+$0x0], $0xffff  }
0x2b5: {  	v12 =	vor.u32 v0, v10  }
0x2b6: {  	v14 =	vor.u32 v5, v13;
	_ =	sdelay $0x3  }
0x2b7: {  	[tilespmem:v12+s28+$0x0] =	vst.idx.msk $0xffff, v11  }
0x2b8: {  	v11 =	vld.idx.msk [tilespmem:v14+s18+$0x0], $0xffff  }
0x2b9: {  	v12 =	vor.u32 v6, v10  }
0x2ba: {  	v13 =	vor.u32 v7, v13  }
.Ltmp6:
0x2bb: {  	(pc) =	sbr.rel @p0 .LBB2_15-.Ltmp6, $3  }
0x2bc: {  	_ =	sdelay $0x1  }
0x2bd: {  	[tilespmem:v12+s28+$0x0] =	vst.idx.msk $0xffff, v11  }
0x2be: {  	v12 =	vmov s1;
	s1 =	sadd.s32 $0x1, s1;
	v11 =	vld.idx.msk [tilespmem:v13+s18+$0x0], $0xffff  }
0x2bf: {  	v13 =	vshll.u32 v12, $0x7;
	v10 =	vor.u32 v8, v10  }
0x2c0: {  	v12 =	vshrl.u32 v12, $0x3;
	v14 =	vor.u32 v4, v13  }
0x2c1: {  	v12 =	vmul.u32 $0xC00, v12  }
0x2c2: {  	v15 =	vand.u32 $0x380, v13  }
0x2c3: {  	v12 =	vor.u32 v15, v12  }
0x2c4: {  	[tilespmem:v10+s28+$0x0] =	vst.idx.msk $0xffff, v11;
	v10 =	vadd.s32 $0x800, v12  }
0x2c5: {  	v11 =	vld.idx.msk [tilespmem:v14+s18+$0x0], $0xffff;
	v12 =	vor.u32 v0, v10  }
0x2c6: {  	v14 =	vor.u32 v5, v13;
	_ =	sdelay $0x3  }
0x2c7: {  	[tilespmem:v12+s28+$0x0] =	vst.idx.msk $0xffff, v11  }
0x2c8: {  	v12 =	vor.u32 v6, v10;
	v11 =	vld.idx.msk [tilespmem:v14+s18+$0x0], $0xffff  }
0x2c9: {  	v13 =	vor.u32 v7, v13;
	_ =	sdelay $0x3  }
0x2ca: {  	[tilespmem:v12+s28+$0x0] =	vst.idx.msk $0xffff, v11  }
0x2cb: {  	v10 =	vor.u32 v8, v10;
	v11 =	vld.idx.msk [tilespmem:v13+s18+$0x0], $0xffff;
	_ =	sdelay $0x4  }
0x2cc: {  	s1 =	simm.s32 $0x0;
	[tilespmem:v10+s28+$0x0] =	vst.idx.msk $0xffff, v11  }
0x2cd: {  	v10 =	vmov s1;
	[hbm4b:s0+s1] =	stream.linear.scatter [tilespmem:s28], [sflag:$0x4], $0x7800, $0x38;
	[tilespmem:$0x18C00] =	vst v63  }
0x2ce: {  	v11 =	vshll.u32 v10, $0x7;
	_ =	swait.ge [sflag:s4], $0x4800  }
0x2cf: {  	v10 =	vshrl.u32 v10, $0x3;
	v12 =	vor.u32 v4, v11;
	[sflag:s4] =	ssyncset.done $0x0  }
0x2d0: {  	v10 =	vmul.u32 $0xC00, v10;
	[sflag:s4] =	ssyncadd.s32 $0xFFFFB800  }
0x2d1: {  	v13 =	vand.u32 $0x380, v11;
	_ =	swait.ge [sflag:s4], $0x2400  }
0x2d2: {  	v10 =	vor.u32 v13, v10;
	[sflag:s4] =	ssyncset.done $0x0  }
0x2d3: {  	v10 =	vadd.s32 $0x800, v10;
	[sflag:s4] =	ssyncadd.s32 $0xFFFFDC00  }
0x2d4: {  	v13 =	vor.u32 v0, v10;
	v12 =	vld.idx.msk [tilespmem:v12+s11+$0x0], $0xffff  }
0x2d5: {  	v14 =	vor.u32 v5, v11;
	_ =	sdelay $0x3  }
0x2d6: {  	[tilespmem:v13+s19+$0x0] =	vst.idx.msk $0xffff, v12  }
0x2d7: {  	v13 =	vor.u32 v6, v10;
	v12 =	vld.idx.msk [tilespmem:v14+s11+$0x0], $0xffff  }
0x2d8: {  	v11 =	vor.u32 v7, v11;
	_ =	sdelay $0x3  }
0x2d9: {  	s1 =	simm.s32 $0x1;
	[tilespmem:v13+s19+$0x0] =	vst.idx.msk $0xffff, v12  }
0x2da: {  	s0 =	simm.s32 $0x2;
	v12 =	vmov s1;
	v11 =	vld.idx.msk [tilespmem:v11+s11+$0x0], $0xffff  }
.LBB2_17:
0x2db: {  	p0 =	sne.s32 s0, $0x45;
	v13 =	vshll.u32 v12, $0x7;
	v10 =	vor.u32 v8, v10  }
0x2dc: {  	v14 =	vor.u32 v4, v13  }
0x2dd: {  	v12 =	vshrl.u32 v12, $0x3  }
0x2de: {  	v12 =	vmul.u32 $0xC00, v12  }
0x2df: {  	v15 =	vand.u32 $0x380, v13  }
0x2e0: {  	v12 =	vor.u32 v15, v12;
	[tilespmem:v10+s19+$0x0] =	vst.idx.msk $0xffff, v11  }
0x2e1: {  	v10 =	vadd.s32 $0x800, v12;
	v11 =	vld.idx.msk [tilespmem:v14+s11+$0x0], $0xffff  }
0x2e2: {  	v12 =	vor.u32 v0, v10  }
0x2e3: {  	v14 =	vor.u32 v5, v13;
	_ =	sdelay $0x3  }
0x2e4: {  	[tilespmem:v12+s19+$0x0] =	vst.idx.msk $0xffff, v11  }
0x2e5: {  	v11 =	vld.idx.msk [tilespmem:v14+s11+$0x0], $0xffff  }
0x2e6: {  	v12 =	vor.u32 v6, v10  }
0x2e7: {  	v13 =	vor.u32 v7, v13  }
.Ltmp7:
0x2e8: {  	(pc) =	sbr.rel @p0 .LBB2_17-.Ltmp7, $3  }
0x2e9: {  	_ =	sdelay $0x1  }
0x2ea: {  	[tilespmem:v12+s19+$0x0] =	vst.idx.msk $0xffff, v11  }
0x2eb: {  	v12 =	vmov s0;
	s0 =	sadd.s32 $0x1, s0;
	v11 =	vld.idx.msk [tilespmem:v13+s11+$0x0], $0xffff  }
0x2ec: {  	v13 =	vshll.u32 v12, $0x7;
	v10 =	vor.u32 v8, v10  }
0x2ed: {  	v61 =	vshrl.u32 v12, $0x3;
	v14 =	vor.u32 v4, v13  }
0x2ee: {  	v12 =	vmul.u32 $0xC00, v61  }
0x2ef: {  	v15 =	vand.u32 $0x380, v13  }
0x2f0: {  	v12 =	vor.u32 v15, v12  }
0x2f1: {  	[tilespmem:v10+s19+$0x0] =	vst.idx.msk $0xffff, v11;
	v10 =	vadd.s32 $0x800, v12  }
0x2f2: {  	v11 =	vld.idx.msk [tilespmem:v14+s11+$0x0], $0xffff;
	v12 =	vor.u32 v0, v10  }
0x2f3: {  	v62 =	vor.u32 v5, v13;
	_ =	sdelay $0x3  }
0x2f4: {  	[tilespmem:v12+s19+$0x0] =	vst.idx.msk $0xffff, v11  }
0x2f5: {  	v63 =	vor.u32 v6, v10;
	v11 =	vld.idx.msk [tilespmem:v62+s11+$0x0], $0xffff  }
0x2f6: {  	v13 =	vor.u32 v7, v13;
	_ =	sdelay $0x3  }
0x2f7: {  	[tilespmem:v63+s19+$0x0] =	vst.idx.msk $0xffff, v11  }
0x2f8: {  	v10 =	vor.u32 v8, v10;
	v11 =	vld.idx.msk [tilespmem:v13+s11+$0x0], $0xffff;
	_ =	sdelay $0x4  }
0x2f9: {  	[tilespmem:v10+s19+$0x0] =	vst.idx.msk $0xffff, v11  }
0x2fa: {  	[tilespmem:$0x11700] =	vst v9  }
0x2fb: {  	[tilespmem:$0x11710] =	vst v9  }
0x2fc: {  	[tilespmem:$0x11720] =	vst v9  }
0x2fd: {  	[tilespmem:$0x11730] =	vst v9  }
0x2fe: {  	[tilespmem:$0x11740] =	vst v9  }
0x2ff: {  	[tilespmem:$0x11750] =	vst v9  }
0x300: {  	[tilespmem:$0x11760] =	vst v9  }
0x301: {  	[tilespmem:$0x11770] =	vst v9  }
0x302: {  	[tilespmem:$0x11B00] =	vst v9  }
0x303: {  	[tilespmem:$0x11B10] =	vst v9  }
0x304: {  	[tilespmem:$0x11B20] =	vst v9  }
0x305: {  	[tilespmem:$0x11B30] =	vst v9  }
0x306: {  	[tilespmem:$0x11B40] =	vst v9  }
0x307: {  	[tilespmem:$0x11B50] =	vst v9  }
0x308: {  	[tilespmem:$0x11B60] =	vst v9  }
0x309: {  	[tilespmem:$0x11B70] =	vst v9  }
0x30a: {  	[tilespmem:$0x11F00] =	vst v9  }
0x30b: {  	[tilespmem:$0x11F10] =	vst v9  }
0x30c: {  	[tilespmem:$0x11780] =	vst v9  }
0x30d: {  	[tilespmem:$0x11790] =	vst v9  }
0x30e: {  	[tilespmem:$0x117A0] =	vst v9  }
0x30f: {  	[tilespmem:$0x117B0] =	vst v9  }
0x310: {  	[tilespmem:$0x117C0] =	vst v9  }
0x311: {  	[tilespmem:$0x117D0] =	vst v9  }
0x312: {  	[tilespmem:$0x117E0] =	vst v9  }
0x313: {  	[tilespmem:$0x117F0] =	vst v9  }
0x314: {  	[tilespmem:$0x11B80] =	vst v9  }
0x315: {  	[tilespmem:$0x11B90] =	vst v9  }
0x316: {  	[tilespmem:$0x11BA0] =	vst v9  }
0x317: {  	[tilespmem:$0x11BB0] =	vst v9  }
0x318: {  	[tilespmem:$0x11BC0] =	vst v9  }
0x319: {  	[tilespmem:$0x11BD0] =	vst v9  }
0x31a: {  	s30 =	sadd.s32 $0x1, s30;
	[tilespmem:$0x11BE0] =	vst v9  }
0x31b: {  	p0 =	sne.s32 s30, $0x10;
	[tilespmem:$0x11BF0] =	vst v9  }
.Ltmp8:
0x31c: {  	[tilespmem:$0x11F80] =	vst v9;
	(pc) =	sbr.rel @p0 .LBB2_14-.Ltmp8, $4  }
0x31d: {  	[tilespmem:$0x11F90] =	vst v9  }
0x31e: {  	[tilespmem:$0x11F1C] =	vst v9  }
0x31f: {  	[tilespmem:$0x11F9C] =	vst v9  }
0x320: {  	[hbm4b:s31+s3] =	stream.linear.scatter [tilespmem:s19], [sflag:$0x5], $0xB400, $0x38;
	[tilespmem:$0x18C00] =	vst v63  }
0x321: {  	s0 =	simm.s32 $0x1  }
0x322: {  	_ =	swait.ge [sflag:s0], $0xA00  }
0x323: {  	s29 =	simm.s32 $0x0;
	[sflag:s0] =	ssyncset.done $0x0  }
0x324: {  	s30 =	simm.s32 $0x0;
	s31 =	rddreg [dreg:$0x10];
	[sflag:s0] =	ssyncadd.s32 $0xFFFFF600  }
0x325: {  	[tilespmem:s29], [sflag:$0x1] =	stream.linear.gather [hbm4b:s31+s29], $0xA00, $0x38;
	[tilespmem:$0x18C00] =	vst v63  }
.LBB2_20:
0x326: {  	_ =	swait.ge [sflag:s13], $0x7800;
	s0 =	smul.u32 $0x280, s30  }
0x327: {  	[sflag:s13] =	ssyncset.done $0x0  }
0x328: {  	[sflag:s13] =	ssyncadd.s32 $0xFFFF8800;
	s31 =	sshra.s32 s0, $0x2  }
0x329: {  	v10 =	vld [tilespmem:s31+$0xA00];
	_ =	sdelay $0x4  }
0x32a: {  	v11 =	vshrl.u32 v10, $0x3  }
0x32b: {  	v11 =	vmul.u32 $0x18, v11  }
0x32c: {  	v10 =	vand.u32 $0x7, v10  }
0x32d: {  	v10 =	vor.u32 v10, v11  }
0x32e: {  	v11 =	vperm.xlane v10, v1;
	_ =	sdelay $0x1  }
0x32f: {  	v10 =	vperm.xlane v10, v3;
	v11 =	vadd.s32 v2, v11;
	_ =	sdelay $0x1  }
0x330: {  	v10 =	vadd.s32 v2, v10;
	_ =	sdelay $0x2  }
0x331: {  	[tilespmem:s28], [sflag:$0x2] =	stream.indirect_vreg.gather [hbm4b:s8+s29], $0x80, v11, vm0, $0xb8;
	[tilespmem:$0x18C00] =	vst v63  }
0x332: {  	s1 =	simm.s32 $0x2000  }
0x333: {  	[tilespmem:s1], [sflag:$0x2] =	stream.indirect_vreg.gather [hbm4b:s8+s29], $0x80, v10, vm0, $0xb8;
	[tilespmem:$0x18C00] =	vst v63  }
0x334: {  	v10 =	vld [tilespmem:s31+$0xA10];
	_ =	sdelay $0x4  }
0x335: {  	v11 =	vshrl.u32 v10, $0x3  }
0x336: {  	v11 =	vmul.u32 $0x18, v11  }
0x337: {  	v10 =	vand.u32 $0x7, v10  }
0x338: {  	v10 =	vor.u32 v10, v11  }
0x339: {  	v11 =	vperm.xlane v10, v1;
	_ =	sdelay $0x1  }
0x33a: {  	v10 =	vperm.xlane v10, v3;
	v11 =	vadd.s32 v2, v11;
	_ =	sdelay $0x1  }
0x33b: {  	v10 =	vadd.s32 v2, v10;
	_ =	sdelay $0x1  }
0x33c: {  	s1 =	simm.s32 $0x2C00  }
0x33d: {  	[tilespmem:s1], [sflag:$0x2] =	stream.indirect_vreg.gather [hbm4b:s8+s29], $0x80, v11, vm0, $0xb8;
	[tilespmem:$0x18C00] =	vst v63  }
0x33e: {  	s1 =	simm.s32 $0x3800  }
0x33f: {  	[tilespmem:s1], [sflag:$0x2] =	stream.indirect_vreg.gather [hbm4b:s8+s29], $0x80, v10, vm0, $0xb8;
	[tilespmem:$0x18C00] =	vst v63  }
0x340: {  	v10 =	vld [tilespmem:s31+$0xA20];
	_ =	sdelay $0x4  }
0x341: {  	v11 =	vshrl.u32 v10, $0x3  }
0x342: {  	v11 =	vmul.u32 $0x18, v11  }
0x343: {  	v10 =	vand.u32 $0x7, v10  }
0x344: {  	v10 =	vor.u32 v10, v11  }
0x345: {  	v11 =	vperm.xlane v10, v1;
	_ =	sdelay $0x1  }
0x346: {  	v10 =	vperm.xlane v10, v3;
	v11 =	vadd.s32 v2, v11;
	_ =	sdelay $0x1  }
0x347: {  	v10 =	vadd.s32 v2, v10;
	_ =	sdelay $0x1  }
0x348: {  	s1 =	simm.s32 $0x4400  }
0x349: {  	[tilespmem:s1], [sflag:$0x2] =	stream.indirect_vreg.gather [hbm4b:s8+s29], $0x80, v11, vm0, $0xb8;
	[tilespmem:$0x18C00] =	vst v63  }
0x34a: {  	s1 =	simm.s32 $0x5000  }
0x34b: {  	[tilespmem:s1], [sflag:$0x2] =	stream.indirect_vreg.gather [hbm4b:s8+s29], $0x80, v10, vm0, $0xb8;
	[tilespmem:$0x18C00] =	vst v63  }
0x34c: {  	v10 =	vld [tilespmem:s31+$0xA30];
	_ =	sdelay $0x4  }
0x34d: {  	v11 =	vshrl.u32 v10, $0x3  }
0x34e: {  	v11 =	vmul.u32 $0x18, v11  }
0x34f: {  	v10 =	vand.u32 $0x7, v10  }
0x350: {  	v10 =	vor.u32 v10, v11  }
0x351: {  	v11 =	vperm.xlane v10, v1;
	_ =	sdelay $0x1  }
0x352: {  	v10 =	vperm.xlane v10, v3;
	v11 =	vadd.s32 v2, v11;
	_ =	sdelay $0x1  }
0x353: {  	v10 =	vadd.s32 v2, v10;
	_ =	sdelay $0x2  }
0x354: {  	[tilespmem:s24], [sflag:$0x2] =	stream.indirect_vreg.gather [hbm4b:s8+s29], $0x80, v11, vm0, $0xb8;
	[tilespmem:$0x18C00] =	vst v63  }
0x355: {  	_ = 	snop  }
0x356: {  	[tilespmem:s6], [sflag:$0x2] =	stream.indirect_vreg.gather [hbm4b:s8+s29], $0x80, v10, vm0, $0xb8;
	[tilespmem:$0x18C00] =	vst v63  }
0x357: {  	v10 =	vld [tilespmem:s31+$0xA40];
	_ =	sdelay $0x4  }
0x358: {  	v11 =	vshrl.u32 v10, $0x3  }
0x359: {  	v11 =	vmul.u32 $0x18, v11  }
0x35a: {  	v10 =	vand.u32 $0x7, v10  }
0x35b: {  	v10 =	vor.u32 v10, v11  }
0x35c: {  	v11 =	vperm.xlane v10, v1;
	_ =	sdelay $0x1  }
0x35d: {  	v10 =	vperm.xlane v10, v3;
	v11 =	vadd.s32 v2, v11;
	_ =	sdelay $0x1  }
0x35e: {  	v10 =	vadd.s32 v2, v10;
	_ =	sdelay $0x2  }
0x35f: {  	[tilespmem:s15], [sflag:$0x2] =	stream.indirect_vreg.gather [hbm4b:s8+s29], $0x80, v11, vm0, $0xb8;
	[tilespmem:$0x18C00] =	vst v63  }
0x360: {  	_ = 	snop  }
0x361: {  	[tilespmem:s16], [sflag:$0x2] =	stream.indirect_vreg.gather [hbm4b:s8+s29], $0x80, v10, vm0, $0xb8;
	[tilespmem:$0x18C00] =	vst v63  }
0x362: {  	s1 =	sadd.s32 $0xA00, s31  }
0x363: {  	[tilespmem:s18], [sflag:$0x2] =	stream.indirect.gather [hbm4b:s2+s17], $0x80, s1, s17, $0xb8;
	[tilespmem:$0x18C00] =	vst v63  }
0x364: {  	_ =	swait.ge [sflag:s14], $0xB400  }
0x365: {  	[sflag:s14] =	ssyncset.done $0x0  }
0x366: {  	[sflag:s14] =	ssyncadd.s32 $0xFFFF4C00  }
0x367: {  	v10 =	vld [tilespmem:s31+$0xA50];
	_ =	sdelay $0x4  }
0x368: {  	v11 =	vshrl.u32 v10, $0x3  }
0x369: {  	v11 =	vmul.u32 $0x18, v11  }
0x36a: {  	v10 =	vand.u32 $0x7, v10  }
0x36b: {  	v10 =	vor.u32 v10, v11  }
0x36c: {  	v11 =	vperm.xlane v10, v1;
	_ =	sdelay $0x1  }
0x36d: {  	v10 =	vperm.xlane v10, v3;
	v11 =	vadd.s32 v2, v11;
	_ =	sdelay $0x1  }
0x36e: {  	v10 =	vadd.s32 v2, v10;
	_ =	sdelay $0x2  }
0x36f: {  	[tilespmem:s19], [sflag:$0x3] =	stream.indirect_vreg.gather [hbm4b:s8+s29], $0x80, v11, vm0, $0xb8;
	[tilespmem:$0x18C00] =	vst v63  }
0x370: {  	_ = 	snop  }
0x371: {  	[tilespmem:s20], [sflag:$0x3] =	stream.indirect_vreg.gather [hbm4b:s8+s29], $0x80, v10, vm0, $0xb8;
	[tilespmem:$0x18C00] =	vst v63  }
0x372: {  	v10 =	vld [tilespmem:s31+$0xA60];
	_ =	sdelay $0x4  }
0x373: {  	v11 =	vshrl.u32 v10, $0x3  }
0x374: {  	v11 =	vmul.u32 $0x18, v11  }
0x375: {  	v10 =	vand.u32 $0x7, v10  }
0x376: {  	v10 =	vor.u32 v10, v11  }
0x377: {  	v11 =	vperm.xlane v10, v1;
	_ =	sdelay $0x1  }
0x378: {  	v10 =	vperm.xlane v10, v3;
	v11 =	vadd.s32 v2, v11;
	_ =	sdelay $0x1  }
0x379: {  	v10 =	vadd.s32 v2, v10;
	_ =	sdelay $0x2  }
0x37a: {  	[tilespmem:s21], [sflag:$0x3] =	stream.indirect_vreg.gather [hbm4b:s8+s29], $0x80, v11, vm0, $0xb8;
	[tilespmem:$0x18C00] =	vst v63  }
0x37b: {  	_ = 	snop  }
0x37c: {  	[tilespmem:s22], [sflag:$0x3] =	stream.indirect_vreg.gather [hbm4b:s8+s29], $0x80, v10, vm0, $0xb8;
	[tilespmem:$0x18C00] =	vst v63  }
0x37d: {  	v10 =	vld [tilespmem:s31+$0xA70];
	_ =	sdelay $0x4  }
0x37e: {  	v11 =	vshrl.u32 v10, $0x3  }
0x37f: {  	v11 =	vmul.u32 $0x18, v11  }
0x380: {  	v10 =	vand.u32 $0x7, v10  }
0x381: {  	v10 =	vor.u32 v10, v11  }
0x382: {  	v11 =	vperm.xlane v10, v1;
	_ =	sdelay $0x1  }
0x383: {  	v10 =	vperm.xlane v10, v3;
	v11 =	vadd.s32 v2, v11;
	_ =	sdelay $0x1  }
0x384: {  	v10 =	vadd.s32 v2, v10;
	_ =	sdelay $0x2  }
0x385: {  	[tilespmem:s23], [sflag:$0x3] =	stream.indirect_vreg.gather [hbm4b:s8+s29], $0x80, v11, vm0, $0xb8;
	[tilespmem:$0x18C00] =	vst v63  }
0x386: {  	_ = 	snop  }
0x387: {  	[tilespmem:s26], [sflag:$0x3] =	stream.indirect_vreg.gather [hbm4b:s8+s29], $0x80, v10, vm0, $0xb8;
	[tilespmem:$0x18C00] =	vst v63  }
0x388: {  	v10 =	vld [tilespmem:s31+$0xA80];
	_ =	sdelay $0x4  }
0x389: {  	v11 =	vshrl.u32 v10, $0x3  }
0x38a: {  	v11 =	vmul.u32 $0x18, v11  }
0x38b: {  	v10 =	vand.u32 $0x7, v10  }
0x38c: {  	v10 =	vor.u32 v10, v11  }
0x38d: {  	v11 =	vperm.xlane v10, v1;
	_ =	sdelay $0x1  }
0x38e: {  	v10 =	vperm.xlane v10, v3;
	v11 =	vadd.s32 v2, v11;
	_ =	sdelay $0x1  }
0x38f: {  	v10 =	vadd.s32 v2, v10;
	_ =	sdelay $0x2  }
0x390: {  	[tilespmem:s25], [sflag:$0x3] =	stream.indirect_vreg.gather [hbm4b:s8+s29], $0x80, v11, vm0, $0xb8;
	[tilespmem:$0x18C00] =	vst v63  }
0x391: {  	_ = 	snop  }
0x392: {  	[tilespmem:s5], [sflag:$0x3] =	stream.indirect_vreg.gather [hbm4b:s8+s29], $0x80, v10, vm0, $0xb8;
	[tilespmem:$0x18C00] =	vst v63  }
0x393: {  	v10 =	vld.msk [tilespmem:s31+$0xA90], $0xff;
	_ =	sdelay $0x4  }
0x394: {  	v11 =	vshrl.u32 v10, $0x3  }
0x395: {  	v11 =	vmul.u32 $0x18, v11  }
0x396: {  	v10 =	vand.u32 $0x7, v10  }
0x397: {  	v10 =	vor.u32 v10, v11  }
0x398: {  	v10 =	vperm.xlane v10, v1;
	_ =	sdelay $0x1  }
0x399: {  	v10 =	vadd.s32 v2, v10;
	_ =	sdelay $0x4  }
0x39a: {  	[tilespmem:s7], [sflag:$0x3] =	stream.indirect_vreg.gather [hbm4b:s8+s29], $0x80, v10, vm0, $0xb8;
	[tilespmem:$0x18C00] =	vst v63  }
0x39b: {  	s1 =	sadd.s32 $0xA50, s31  }
0x39c: {  	v10 =	vmov s29;
	[tilespmem:s11], [sflag:$0x3] =	stream.indirect.gather [hbm4b:s2+s9], $0x80, s1, s9, $0xb8;
	[tilespmem:$0x18C00] =	vst v63  }
0x39d: {  	v11 =	vshll.u32 v10, $0x7;
	_ =	swait.ge [sflag:s12], $0x5000  }
0x39e: {  	v10 =	vshrl.u32 v10, $0x3;
	v12 =	vor.u32 v4, v11;
	[sflag:s12] =	ssyncset.done $0x0  }
0x39f: {  	v10 =	vmul.u32 $0xC00, v10;
	[sflag:s12] =	ssyncadd.s32 $0xFFFFB000  }
0x3a0: {  	v13 =	vand.u32 $0x380, v11;
	_ =	swait.ge [sflag:s12], $0x2800  }
0x3a1: {  	v10 =	vor.u32 v13, v10;
	[sflag:s12] =	ssyncset.done $0x0  }
0x3a2: {  	v10 =	vadd.s32 $0x800, v10;
	[sflag:s12] =	ssyncadd.s32 $0xFFFFD800  }
0x3a3: {  	v13 =	vor.u32 v0, v10;
	v12 =	vld.idx.msk [tilespmem:v12+s18+$0x0], $0xffff  }
0x3a4: {  	v14 =	vor.u32 v5, v11;
	_ =	sdelay $0x3  }
0x3a5: {  	[tilespmem:v13+s28+$0x0] =	vst.idx.msk $0xffff, v12  }
0x3a6: {  	s1 =	rddreg [dreg:$0x7];
	v13 =	vor.u32 v6, v10;
	v12 =	vld.idx.msk [tilespmem:v14+s18+$0x0], $0xffff  }
0x3a7: {  	v11 =	vor.u32 v7, v11;
	s0 =	sor.u32 s1, s30  }
0x3a8: {  	s0 =	smul.u32 $0x12C00, s0;
	_ =	sdelay $0x1  }
0x3a9: {  	s0 =	sshrl.u32 s0, $0x3  }
0x3aa: {  	s1 =	simm.s32 $0x1;
	s0 =	sadd.s32 s10, s0;
	[tilespmem:v13+s28+$0x0] =	vst.idx.msk $0xffff, v12  }
0x3ab: {  	s31 =	sadd.s32 $0xF00, s0;
	v12 =	vmov s1;
	s1 =	simm.s32 $0x2;
	v11 =	vld.idx.msk [tilespmem:v11+s18+$0x0], $0xffff  }
.LBB2_21:
0x3ac: {  	p0 =	sne.s32 s1, $0x4F;
	v13 =	vshll.u32 v12, $0x7;
	v10 =	vor.u32 v8, v10  }
0x3ad: {  	v14 =	vor.u32 v4, v13  }
0x3ae: {  	v12 =	vshrl.u32 v12, $0x3  }
0x3af: {  	v12 =	vmul.u32 $0xC00, v12  }
0x3b0: {  	v15 =	vand.u32 $0x380, v13  }
0x3b1: {  	v12 =	vor.u32 v15, v12;
	[tilespmem:v10+s28+$0x0] =	vst.idx.msk $0xffff, v11  }
0x3b2: {  	v10 =	vadd.s32 $0x800, v12;
	v11 =	vld.idx.msk [tilespmem:v14+s18+$0x0], $0xffff  }
0x3b3: {  	v12 =	vor.u32 v0, v10  }
0x3b4: {  	v14 =	vor.u32 v5, v13;
	_ =	sdelay $0x3  }
0x3b5: {  	[tilespmem:v12+s28+$0x0] =	vst.idx.msk $0xffff, v11  }
0x3b6: {  	v11 =	vld.idx.msk [tilespmem:v14+s18+$0x0], $0xffff  }
0x3b7: {  	v12 =	vor.u32 v6, v10  }
0x3b8: {  	v13 =	vor.u32 v7, v13  }
.Ltmp9:
0x3b9: {  	(pc) =	sbr.rel @p0 .LBB2_21-.Ltmp9, $3  }
0x3ba: {  	_ =	sdelay $0x1  }
0x3bb: {  	[tilespmem:v12+s28+$0x0] =	vst.idx.msk $0xffff, v11  }
0x3bc: {  	v12 =	vmov s1;
	s1 =	sadd.s32 $0x1, s1;
	v11 =	vld.idx.msk [tilespmem:v13+s18+$0x0], $0xffff  }
0x3bd: {  	v13 =	vshll.u32 v12, $0x7;
	v10 =	vor.u32 v8, v10  }
0x3be: {  	v12 =	vshrl.u32 v12, $0x3;
	v14 =	vor.u32 v4, v13  }
0x3bf: {  	v12 =	vmul.u32 $0xC00, v12  }
0x3c0: {  	v15 =	vand.u32 $0x380, v13  }
0x3c1: {  	v12 =	vor.u32 v15, v12  }
0x3c2: {  	[tilespmem:v10+s28+$0x0] =	vst.idx.msk $0xffff, v11;
	v10 =	vadd.s32 $0x800, v12  }
0x3c3: {  	v11 =	vld.idx.msk [tilespmem:v14+s18+$0x0], $0xffff;
	v12 =	vor.u32 v0, v10  }
0x3c4: {  	v14 =	vor.u32 v5, v13;
	_ =	sdelay $0x3  }
0x3c5: {  	[tilespmem:v12+s28+$0x0] =	vst.idx.msk $0xffff, v11  }
0x3c6: {  	v12 =	vor.u32 v6, v10;
	v11 =	vld.idx.msk [tilespmem:v14+s18+$0x0], $0xffff  }
0x3c7: {  	v13 =	vor.u32 v7, v13;
	_ =	sdelay $0x3  }
0x3c8: {  	[tilespmem:v12+s28+$0x0] =	vst.idx.msk $0xffff, v11  }
0x3c9: {  	v10 =	vor.u32 v8, v10;
	v11 =	vld.idx.msk [tilespmem:v13+s18+$0x0], $0xffff;
	_ =	sdelay $0x4  }
0x3ca: {  	s1 =	simm.s32 $0x0;
	[tilespmem:v10+s28+$0x0] =	vst.idx.msk $0xffff, v11  }
0x3cb: {  	v10 =	vmov s1;
	[hbm4b:s0+s1] =	stream.linear.scatter [tilespmem:s28], [sflag:$0x4], $0x7800, $0x38;
	[tilespmem:$0x18C00] =	vst v63  }
0x3cc: {  	v11 =	vshll.u32 v10, $0x7;
	_ =	swait.ge [sflag:s4], $0x4800  }
0x3cd: {  	v10 =	vshrl.u32 v10, $0x3;
	v12 =	vor.u32 v4, v11;
	[sflag:s4] =	ssyncset.done $0x0  }
0x3ce: {  	v10 =	vmul.u32 $0xC00, v10;
	[sflag:s4] =	ssyncadd.s32 $0xFFFFB800  }
0x3cf: {  	v13 =	vand.u32 $0x380, v11;
	_ =	swait.ge [sflag:s4], $0x2400  }
0x3d0: {  	v10 =	vor.u32 v13, v10;
	[sflag:s4] =	ssyncset.done $0x0  }
0x3d1: {  	v10 =	vadd.s32 $0x800, v10;
	[sflag:s4] =	ssyncadd.s32 $0xFFFFDC00  }
0x3d2: {  	v13 =	vor.u32 v0, v10;
	v12 =	vld.idx.msk [tilespmem:v12+s11+$0x0], $0xffff  }
0x3d3: {  	v14 =	vor.u32 v5, v11;
	_ =	sdelay $0x3  }
0x3d4: {  	[tilespmem:v13+s19+$0x0] =	vst.idx.msk $0xffff, v12  }
0x3d5: {  	v13 =	vor.u32 v6, v10;
	v12 =	vld.idx.msk [tilespmem:v14+s11+$0x0], $0xffff  }
0x3d6: {  	v11 =	vor.u32 v7, v11;
	_ =	sdelay $0x3  }
0x3d7: {  	s1 =	simm.s32 $0x1;
	[tilespmem:v13+s19+$0x0] =	vst.idx.msk $0xffff, v12  }
0x3d8: {  	s0 =	simm.s32 $0x2;
	v12 =	vmov s1;
	v11 =	vld.idx.msk [tilespmem:v11+s11+$0x0], $0xffff  }
.LBB2_23:
0x3d9: {  	p0 =	sne.s32 s0, $0x45;
	v13 =	vshll.u32 v12, $0x7;
	v10 =	vor.u32 v8, v10  }
0x3da: {  	v14 =	vor.u32 v4, v13  }
0x3db: {  	v12 =	vshrl.u32 v12, $0x3  }
0x3dc: {  	v12 =	vmul.u32 $0xC00, v12  }
0x3dd: {  	v15 =	vand.u32 $0x380, v13  }
0x3de: {  	v12 =	vor.u32 v15, v12;
	[tilespmem:v10+s19+$0x0] =	vst.idx.msk $0xffff, v11  }
0x3df: {  	v10 =	vadd.s32 $0x800, v12;
	v11 =	vld.idx.msk [tilespmem:v14+s11+$0x0], $0xffff  }
0x3e0: {  	v12 =	vor.u32 v0, v10  }
0x3e1: {  	v14 =	vor.u32 v5, v13;
	_ =	sdelay $0x3  }
0x3e2: {  	[tilespmem:v12+s19+$0x0] =	vst.idx.msk $0xffff, v11  }
0x3e3: {  	v11 =	vld.idx.msk [tilespmem:v14+s11+$0x0], $0xffff  }
0x3e4: {  	v12 =	vor.u32 v6, v10  }
0x3e5: {  	v13 =	vor.u32 v7, v13  }
.Ltmp10:
0x3e6: {  	(pc) =	sbr.rel @p0 .LBB2_23-.Ltmp10, $3  }
0x3e7: {  	_ =	sdelay $0x1  }
0x3e8: {  	[tilespmem:v12+s19+$0x0] =	vst.idx.msk $0xffff, v11  }
0x3e9: {  	v12 =	vmov s0;
	s0 =	sadd.s32 $0x1, s0;
	v11 =	vld.idx.msk [tilespmem:v13+s11+$0x0], $0xffff  }
0x3ea: {  	v13 =	vshll.u32 v12, $0x7;
	v10 =	vor.u32 v8, v10  }
0x3eb: {  	v61 =	vshrl.u32 v12, $0x3;
	v14 =	vor.u32 v4, v13  }
0x3ec: {  	v12 =	vmul.u32 $0xC00, v61  }
0x3ed: {  	v15 =	vand.u32 $0x380, v13  }
0x3ee: {  	v12 =	vor.u32 v15, v12  }
0x3ef: {  	[tilespmem:v10+s19+$0x0] =	vst.idx.msk $0xffff, v11;
	v10 =	vadd.s32 $0x800, v12  }
0x3f0: {  	v11 =	vld.idx.msk [tilespmem:v14+s11+$0x0], $0xffff;
	v12 =	vor.u32 v0, v10  }
0x3f1: {  	v62 =	vor.u32 v5, v13;
	_ =	sdelay $0x3  }
0x3f2: {  	[tilespmem:v12+s19+$0x0] =	vst.idx.msk $0xffff, v11  }
0x3f3: {  	v63 =	vor.u32 v6, v10;
	v11 =	vld.idx.msk [tilespmem:v62+s11+$0x0], $0xffff  }
0x3f4: {  	v13 =	vor.u32 v7, v13;
	_ =	sdelay $0x3  }
0x3f5: {  	[tilespmem:v63+s19+$0x0] =	vst.idx.msk $0xffff, v11  }
0x3f6: {  	v10 =	vor.u32 v8, v10;
	v11 =	vld.idx.msk [tilespmem:v13+s11+$0x0], $0xffff;
	_ =	sdelay $0x4  }
0x3f7: {  	[tilespmem:v10+s19+$0x0] =	vst.idx.msk $0xffff, v11  }
0x3f8: {  	[tilespmem:$0x11700] =	vst v9  }
0x3f9: {  	[tilespmem:$0x11710] =	vst v9  }
0x3fa: {  	[tilespmem:$0x11720] =	vst v9  }
0x3fb: {  	[tilespmem:$0x11730] =	vst v9  }
0x3fc: {  	[tilespmem:$0x11740] =	vst v9  }
0x3fd: {  	[tilespmem:$0x11750] =	vst v9  }
0x3fe: {  	[tilespmem:$0x11760] =	vst v9  }
0x3ff: {  	[tilespmem:$0x11770] =	vst v9  }
0x400: {  	[tilespmem:$0x11B00] =	vst v9  }
0x401: {  	[tilespmem:$0x11B10] =	vst v9  }
0x402: {  	[tilespmem:$0x11B20] =	vst v9  }
0x403: {  	[tilespmem:$0x11B30] =	vst v9  }
0x404: {  	[tilespmem:$0x11B40] =	vst v9  }
0x405: {  	[tilespmem:$0x11B50] =	vst v9  }
0x406: {  	[tilespmem:$0x11B60] =	vst v9  }
0x407: {  	[tilespmem:$0x11B70] =	vst v9  }
0x408: {  	[tilespmem:$0x11F00] =	vst v9  }
0x409: {  	[tilespmem:$0x11F10] =	vst v9  }
0x40a: {  	[tilespmem:$0x11780] =	vst v9  }
0x40b: {  	[tilespmem:$0x11790] =	vst v9  }
0x40c: {  	[tilespmem:$0x117A0] =	vst v9  }
0x40d: {  	[tilespmem:$0x117B0] =	vst v9  }
0x40e: {  	[tilespmem:$0x117C0] =	vst v9  }
0x40f: {  	[tilespmem:$0x117D0] =	vst v9  }
0x410: {  	[tilespmem:$0x117E0] =	vst v9  }
0x411: {  	[tilespmem:$0x117F0] =	vst v9  }
0x412: {  	[tilespmem:$0x11B80] =	vst v9  }
0x413: {  	[tilespmem:$0x11B90] =	vst v9  }
0x414: {  	[tilespmem:$0x11BA0] =	vst v9  }
0x415: {  	[tilespmem:$0x11BB0] =	vst v9  }
0x416: {  	[tilespmem:$0x11BC0] =	vst v9  }
0x417: {  	[tilespmem:$0x11BD0] =	vst v9  }
0x418: {  	s30 =	sadd.s32 $0x1, s30;
	[tilespmem:$0x11BE0] =	vst v9  }
0x419: {  	p0 =	sne.s32 s30, $0x10;
	[tilespmem:$0x11BF0] =	vst v9  }
.Ltmp11:
0x41a: {  	[tilespmem:$0x11F80] =	vst v9;
	(pc) =	sbr.rel @p0 .LBB2_20-.Ltmp11, $4  }
0x41b: {  	[tilespmem:$0x11F90] =	vst v9  }
0x41c: {  	[tilespmem:$0x11F1C] =	vst v9  }
0x41d: {  	[tilespmem:$0x11F9C] =	vst v9  }
0x41e: {  	[hbm4b:s31+s3] =	stream.linear.scatter [tilespmem:s19], [sflag:$0x5], $0xB400, $0x38;
	[tilespmem:$0x18C00] =	vst v63  }
0x41f: {  	s0 =	simm.s32 $0x1  }
0x420: {  	_ =	swait.ge [sflag:s0], $0xA00  }
0x421: {  	s29 =	simm.s32 $0x0;
	s1 =	simm.s32 $0xA00;
	[sflag:s0] =	ssyncset.done $0x0  }
0x422: {  	s30 =	simm.s32 $0x0;
	s31 =	rddreg [dreg:$0x11];
	[sflag:s0] =	ssyncadd.s32 $0xFFFFF600  }
0x423: {  	[tilespmem:s1], [sflag:$0x1] =	stream.linear.gather [hbm4b:s31+s29], $0xA00, $0x38;
	[tilespmem:$0x18C00] =	vst v63  }
.LBB2_26:
0x424: {  	_ =	swait.ge [sflag:s13], $0x7800;
	s0 =	smul.u32 $0x280, s30  }
0x425: {  	[sflag:s13] =	ssyncset.done $0x0  }
0x426: {  	[sflag:s13] =	ssyncadd.s32 $0xFFFF8800;
	s31 =	sshra.s32 s0, $0x2  }
0x427: {  	v10 =	vld [tilespmem:s31+$0x0];
	_ =	sdelay $0x4  }
0x428: {  	v11 =	vshrl.u32 v10, $0x3  }
0x429: {  	v11 =	vmul.u32 $0x18, v11  }
0x42a: {  	v10 =	vand.u32 $0x7, v10  }
0x42b: {  	v10 =	vor.u32 v10, v11  }
0x42c: {  	v11 =	vperm.xlane v10, v1;
	_ =	sdelay $0x1  }
0x42d: {  	v10 =	vperm.xlane v10, v3;
	v11 =	vadd.s32 v2, v11;
	_ =	sdelay $0x1  }
0x42e: {  	v10 =	vadd.s32 v2, v10;
	_ =	sdelay $0x2  }
0x42f: {  	[tilespmem:s28], [sflag:$0x2] =	stream.indirect_vreg.gather [hbm4b:s8+s29], $0x80, v11, vm0, $0xb8;
	[tilespmem:$0x18C00] =	vst v63  }
0x430: {  	s1 =	simm.s32 $0x2000  }
0x431: {  	[tilespmem:s1], [sflag:$0x2] =	stream.indirect_vreg.gather [hbm4b:s8+s29], $0x80, v10, vm0, $0xb8;
	[tilespmem:$0x18C00] =	vst v63  }
0x432: {  	v10 =	vld [tilespmem:s31+$0x10];
	_ =	sdelay $0x4  }
0x433: {  	v11 =	vshrl.u32 v10, $0x3  }
0x434: {  	v11 =	vmul.u32 $0x18, v11  }
0x435: {  	v10 =	vand.u32 $0x7, v10  }
0x436: {  	v10 =	vor.u32 v10, v11  }
0x437: {  	v11 =	vperm.xlane v10, v1;
	_ =	sdelay $0x1  }
0x438: {  	v10 =	vperm.xlane v10, v3;
	v11 =	vadd.s32 v2, v11;
	_ =	sdelay $0x1  }
0x439: {  	v10 =	vadd.s32 v2, v10;
	_ =	sdelay $0x1  }
0x43a: {  	s1 =	simm.s32 $0x2C00  }
0x43b: {  	[tilespmem:s1], [sflag:$0x2] =	stream.indirect_vreg.gather [hbm4b:s8+s29], $0x80, v11, vm0, $0xb8;
	[tilespmem:$0x18C00] =	vst v63  }
0x43c: {  	s1 =	simm.s32 $0x3800  }
0x43d: {  	[tilespmem:s1], [sflag:$0x2] =	stream.indirect_vreg.gather [hbm4b:s8+s29], $0x80, v10, vm0, $0xb8;
	[tilespmem:$0x18C00] =	vst v63  }
0x43e: {  	v10 =	vld [tilespmem:s31+$0x20];
	_ =	sdelay $0x4  }
0x43f: {  	v11 =	vshrl.u32 v10, $0x3  }
0x440: {  	v11 =	vmul.u32 $0x18, v11  }
0x441: {  	v10 =	vand.u32 $0x7, v10  }
0x442: {  	v10 =	vor.u32 v10, v11  }
0x443: {  	v11 =	vperm.xlane v10, v1;
	_ =	sdelay $0x1  }
0x444: {  	v10 =	vperm.xlane v10, v3;
	v11 =	vadd.s32 v2, v11;
	_ =	sdelay $0x1  }
0x445: {  	v10 =	vadd.s32 v2, v10;
	_ =	sdelay $0x1  }
0x446: {  	s1 =	simm.s32 $0x4400  }
0x447: {  	[tilespmem:s1], [sflag:$0x2] =	stream.indirect_vreg.gather [hbm4b:s8+s29], $0x80, v11, vm0, $0xb8;
	[tilespmem:$0x18C00] =	vst v63  }
0x448: {  	s1 =	simm.s32 $0x5000  }
0x449: {  	[tilespmem:s1], [sflag:$0x2] =	stream.indirect_vreg.gather [hbm4b:s8+s29], $0x80, v10, vm0, $0xb8;
	[tilespmem:$0x18C00] =	vst v63  }
0x44a: {  	v10 =	vld [tilespmem:s31+$0x30];
	_ =	sdelay $0x4  }
0x44b: {  	v11 =	vshrl.u32 v10, $0x3  }
0x44c: {  	v11 =	vmul.u32 $0x18, v11  }
0x44d: {  	v10 =	vand.u32 $0x7, v10  }
0x44e: {  	v10 =	vor.u32 v10, v11  }
0x44f: {  	v11 =	vperm.xlane v10, v1;
	_ =	sdelay $0x1  }
0x450: {  	v10 =	vperm.xlane v10, v3;
	v11 =	vadd.s32 v2, v11;
	_ =	sdelay $0x1  }
0x451: {  	v10 =	vadd.s32 v2, v10;
	_ =	sdelay $0x2  }
0x452: {  	[tilespmem:s24], [sflag:$0x2] =	stream.indirect_vreg.gather [hbm4b:s8+s29], $0x80, v11, vm0, $0xb8;
	[tilespmem:$0x18C00] =	vst v63  }
0x453: {  	_ = 	snop  }
0x454: {  	[tilespmem:s6], [sflag:$0x2] =	stream.indirect_vreg.gather [hbm4b:s8+s29], $0x80, v10, vm0, $0xb8;
	[tilespmem:$0x18C00] =	vst v63  }
0x455: {  	v10 =	vld [tilespmem:s31+$0x40];
	_ =	sdelay $0x4  }
0x456: {  	v11 =	vshrl.u32 v10, $0x3  }
0x457: {  	v11 =	vmul.u32 $0x18, v11  }
0x458: {  	v10 =	vand.u32 $0x7, v10  }
0x459: {  	v10 =	vor.u32 v10, v11  }
0x45a: {  	v11 =	vperm.xlane v10, v1;
	_ =	sdelay $0x1  }
0x45b: {  	v10 =	vperm.xlane v10, v3;
	v11 =	vadd.s32 v2, v11;
	_ =	sdelay $0x1  }
0x45c: {  	v10 =	vadd.s32 v2, v10;
	_ =	sdelay $0x2  }
0x45d: {  	[tilespmem:s15], [sflag:$0x2] =	stream.indirect_vreg.gather [hbm4b:s8+s29], $0x80, v11, vm0, $0xb8;
	[tilespmem:$0x18C00] =	vst v63  }
0x45e: {  	_ = 	snop  }
0x45f: {  	[tilespmem:s16], [sflag:$0x2] =	stream.indirect_vreg.gather [hbm4b:s8+s29], $0x80, v10, vm0, $0xb8;
	[tilespmem:$0x18C00] =	vst v63  }
0x460: {  	_ = 	snop  }
0x461: {  	[tilespmem:s18], [sflag:$0x2] =	stream.indirect.gather [hbm4b:s2+s17], $0x80, s31, s17, $0xb8;
	[tilespmem:$0x18C00] =	vst v63  }
0x462: {  	_ =	swait.ge [sflag:s14], $0xB400  }
0x463: {  	[sflag:s14] =	ssyncset.done $0x0  }
0x464: {  	[sflag:s14] =	ssyncadd.s32 $0xFFFF4C00  }
0x465: {  	v10 =	vld [tilespmem:s31+$0x50];
	_ =	sdelay $0x4  }
0x466: {  	v11 =	vshrl.u32 v10, $0x3  }
0x467: {  	v11 =	vmul.u32 $0x18, v11  }
0x468: {  	v10 =	vand.u32 $0x7, v10  }
0x469: {  	v10 =	vor.u32 v10, v11  }
0x46a: {  	v11 =	vperm.xlane v10, v1;
	_ =	sdelay $0x1  }
0x46b: {  	v10 =	vperm.xlane v10, v3;
	v11 =	vadd.s32 v2, v11;
	_ =	sdelay $0x1  }
0x46c: {  	v10 =	vadd.s32 v2, v10;
	_ =	sdelay $0x2  }
0x46d: {  	[tilespmem:s19], [sflag:$0x3] =	stream.indirect_vreg.gather [hbm4b:s8+s29], $0x80, v11, vm0, $0xb8;
	[tilespmem:$0x18C00] =	vst v63  }
0x46e: {  	_ = 	snop  }
0x46f: {  	[tilespmem:s20], [sflag:$0x3] =	stream.indirect_vreg.gather [hbm4b:s8+s29], $0x80, v10, vm0, $0xb8;
	[tilespmem:$0x18C00] =	vst v63  }
0x470: {  	v10 =	vld [tilespmem:s31+$0x60];
	_ =	sdelay $0x4  }
0x471: {  	v11 =	vshrl.u32 v10, $0x3  }
0x472: {  	v11 =	vmul.u32 $0x18, v11  }
0x473: {  	v10 =	vand.u32 $0x7, v10  }
0x474: {  	v10 =	vor.u32 v10, v11  }
0x475: {  	v11 =	vperm.xlane v10, v1;
	_ =	sdelay $0x1  }
0x476: {  	v10 =	vperm.xlane v10, v3;
	v11 =	vadd.s32 v2, v11;
	_ =	sdelay $0x1  }
0x477: {  	v10 =	vadd.s32 v2, v10;
	_ =	sdelay $0x2  }
0x478: {  	[tilespmem:s21], [sflag:$0x3] =	stream.indirect_vreg.gather [hbm4b:s8+s29], $0x80, v11, vm0, $0xb8;
	[tilespmem:$0x18C00] =	vst v63  }
0x479: {  	_ = 	snop  }
0x47a: {  	[tilespmem:s22], [sflag:$0x3] =	stream.indirect_vreg.gather [hbm4b:s8+s29], $0x80, v10, vm0, $0xb8;
	[tilespmem:$0x18C00] =	vst v63  }
0x47b: {  	v10 =	vld [tilespmem:s31+$0x70];
	_ =	sdelay $0x4  }
0x47c: {  	v11 =	vshrl.u32 v10, $0x3  }
0x47d: {  	v11 =	vmul.u32 $0x18, v11  }
0x47e: {  	v10 =	vand.u32 $0x7, v10  }
0x47f: {  	v10 =	vor.u32 v10, v11  }
0x480: {  	v11 =	vperm.xlane v10, v1;
	_ =	sdelay $0x1  }
0x481: {  	v10 =	vperm.xlane v10, v3;
	v11 =	vadd.s32 v2, v11;
	_ =	sdelay $0x1  }
0x482: {  	v10 =	vadd.s32 v2, v10;
	_ =	sdelay $0x2  }
0x483: {  	[tilespmem:s23], [sflag:$0x3] =	stream.indirect_vreg.gather [hbm4b:s8+s29], $0x80, v11, vm0, $0xb8;
	[tilespmem:$0x18C00] =	vst v63  }
0x484: {  	_ = 	snop  }
0x485: {  	[tilespmem:s26], [sflag:$0x3] =	stream.indirect_vreg.gather [hbm4b:s8+s29], $0x80, v10, vm0, $0xb8;
	[tilespmem:$0x18C00] =	vst v63  }
0x486: {  	v10 =	vld [tilespmem:s31+$0x80];
	_ =	sdelay $0x4  }
0x487: {  	v11 =	vshrl.u32 v10, $0x3  }
0x488: {  	v11 =	vmul.u32 $0x18, v11  }
0x489: {  	v10 =	vand.u32 $0x7, v10  }
0x48a: {  	v10 =	vor.u32 v10, v11  }
0x48b: {  	v11 =	vperm.xlane v10, v1;
	_ =	sdelay $0x1  }
0x48c: {  	v10 =	vperm.xlane v10, v3;
	v11 =	vadd.s32 v2, v11;
	_ =	sdelay $0x1  }
0x48d: {  	v10 =	vadd.s32 v2, v10;
	_ =	sdelay $0x2  }
0x48e: {  	[tilespmem:s25], [sflag:$0x3] =	stream.indirect_vreg.gather [hbm4b:s8+s29], $0x80, v11, vm0, $0xb8;
	[tilespmem:$0x18C00] =	vst v63  }
0x48f: {  	_ = 	snop  }
0x490: {  	[tilespmem:s5], [sflag:$0x3] =	stream.indirect_vreg.gather [hbm4b:s8+s29], $0x80, v10, vm0, $0xb8;
	[tilespmem:$0x18C00] =	vst v63  }
0x491: {  	v10 =	vld.msk [tilespmem:s31+$0x90], $0xff;
	_ =	sdelay $0x4  }
0x492: {  	v11 =	vshrl.u32 v10, $0x3  }
0x493: {  	v11 =	vmul.u32 $0x18, v11  }
0x494: {  	v10 =	vand.u32 $0x7, v10  }
0x495: {  	v10 =	vor.u32 v10, v11  }
0x496: {  	v10 =	vperm.xlane v10, v1;
	_ =	sdelay $0x1  }
0x497: {  	v10 =	vadd.s32 v2, v10;
	_ =	sdelay $0x4  }
0x498: {  	[tilespmem:s7], [sflag:$0x3] =	stream.indirect_vreg.gather [hbm4b:s8+s29], $0x80, v10, vm0, $0xb8;
	[tilespmem:$0x18C00] =	vst v63  }
0x499: {  	s1 =	sadd.s32 $0x50, s31  }
0x49a: {  	v10 =	vmov s29;
	[tilespmem:s11], [sflag:$0x3] =	stream.indirect.gather [hbm4b:s2+s9], $0x80, s1, s9, $0xb8;
	[tilespmem:$0x18C00] =	vst v63  }
0x49b: {  	v11 =	vshll.u32 v10, $0x7;
	_ =	swait.ge [sflag:s12], $0x5000  }
0x49c: {  	v10 =	vshrl.u32 v10, $0x3;
	v12 =	vor.u32 v4, v11;
	[sflag:s12] =	ssyncset.done $0x0  }
0x49d: {  	v10 =	vmul.u32 $0xC00, v10;
	[sflag:s12] =	ssyncadd.s32 $0xFFFFB000  }
0x49e: {  	v13 =	vand.u32 $0x380, v11;
	_ =	swait.ge [sflag:s12], $0x2800  }
0x49f: {  	v10 =	vor.u32 v13, v10;
	[sflag:s12] =	ssyncset.done $0x0  }
0x4a0: {  	v10 =	vadd.s32 $0x800, v10;
	[sflag:s12] =	ssyncadd.s32 $0xFFFFD800  }
0x4a1: {  	v13 =	vor.u32 v0, v10;
	v12 =	vld.idx.msk [tilespmem:v12+s18+$0x0], $0xffff  }
0x4a2: {  	v14 =	vor.u32 v5, v11;
	_ =	sdelay $0x3  }
0x4a3: {  	[tilespmem:v13+s28+$0x0] =	vst.idx.msk $0xffff, v12  }
0x4a4: {  	s1 =	rddreg [dreg:$0x8];
	v13 =	vor.u32 v6, v10;
	v12 =	vld.idx.msk [tilespmem:v14+s18+$0x0], $0xffff  }
0x4a5: {  	v11 =	vor.u32 v7, v11;
	s0 =	sor.u32 s1, s30  }
0x4a6: {  	s0 =	smul.u32 $0x12C00, s0;
	_ =	sdelay $0x1  }
0x4a7: {  	s0 =	sshrl.u32 s0, $0x3  }
0x4a8: {  	s1 =	simm.s32 $0x1;
	s0 =	sadd.s32 s10, s0;
	[tilespmem:v13+s28+$0x0] =	vst.idx.msk $0xffff, v12  }
0x4a9: {  	s31 =	sadd.s32 $0xF00, s0;
	v12 =	vmov s1;
	s1 =	simm.s32 $0x2;
	v11 =	vld.idx.msk [tilespmem:v11+s18+$0x0], $0xffff  }
.LBB2_27:
0x4aa: {  	p0 =	sne.s32 s1, $0x4F;
	v13 =	vshll.u32 v12, $0x7;
	v10 =	vor.u32 v8, v10  }
0x4ab: {  	v14 =	vor.u32 v4, v13  }
0x4ac: {  	v12 =	vshrl.u32 v12, $0x3  }
0x4ad: {  	v12 =	vmul.u32 $0xC00, v12  }
0x4ae: {  	v15 =	vand.u32 $0x380, v13  }
0x4af: {  	v12 =	vor.u32 v15, v12;
	[tilespmem:v10+s28+$0x0] =	vst.idx.msk $0xffff, v11  }
0x4b0: {  	v10 =	vadd.s32 $0x800, v12;
	v11 =	vld.idx.msk [tilespmem:v14+s18+$0x0], $0xffff  }
0x4b1: {  	v12 =	vor.u32 v0, v10  }
0x4b2: {  	v14 =	vor.u32 v5, v13;
	_ =	sdelay $0x3  }
0x4b3: {  	[tilespmem:v12+s28+$0x0] =	vst.idx.msk $0xffff, v11  }
0x4b4: {  	v11 =	vld.idx.msk [tilespmem:v14+s18+$0x0], $0xffff  }
0x4b5: {  	v12 =	vor.u32 v6, v10  }
0x4b6: {  	v13 =	vor.u32 v7, v13  }
.Ltmp12:
0x4b7: {  	(pc) =	sbr.rel @p0 .LBB2_27-.Ltmp12, $3  }
0x4b8: {  	_ =	sdelay $0x1  }
0x4b9: {  	[tilespmem:v12+s28+$0x0] =	vst.idx.msk $0xffff, v11  }
0x4ba: {  	v12 =	vmov s1;
	s1 =	sadd.s32 $0x1, s1;
	v11 =	vld.idx.msk [tilespmem:v13+s18+$0x0], $0xffff  }
0x4bb: {  	v13 =	vshll.u32 v12, $0x7;
	v10 =	vor.u32 v8, v10  }
0x4bc: {  	v12 =	vshrl.u32 v12, $0x3;
	v14 =	vor.u32 v4, v13  }
0x4bd: {  	v12 =	vmul.u32 $0xC00, v12  }
0x4be: {  	v15 =	vand.u32 $0x380, v13  }
0x4bf: {  	v12 =	vor.u32 v15, v12  }
0x4c0: {  	[tilespmem:v10+s28+$0x0] =	vst.idx.msk $0xffff, v11;
	v10 =	vadd.s32 $0x800, v12  }
0x4c1: {  	v11 =	vld.idx.msk [tilespmem:v14+s18+$0x0], $0xffff;
	v12 =	vor.u32 v0, v10  }
0x4c2: {  	v14 =	vor.u32 v5, v13;
	_ =	sdelay $0x3  }
0x4c3: {  	[tilespmem:v12+s28+$0x0] =	vst.idx.msk $0xffff, v11  }
0x4c4: {  	v12 =	vor.u32 v6, v10;
	v11 =	vld.idx.msk [tilespmem:v14+s18+$0x0], $0xffff  }
0x4c5: {  	v13 =	vor.u32 v7, v13;
	_ =	sdelay $0x3  }
0x4c6: {  	[tilespmem:v12+s28+$0x0] =	vst.idx.msk $0xffff, v11  }
0x4c7: {  	v10 =	vor.u32 v8, v10;
	v11 =	vld.idx.msk [tilespmem:v13+s18+$0x0], $0xffff;
	_ =	sdelay $0x4  }
0x4c8: {  	s1 =	simm.s32 $0x0;
	[tilespmem:v10+s28+$0x0] =	vst.idx.msk $0xffff, v11  }
0x4c9: {  	v10 =	vmov s1;
	[hbm4b:s0+s1] =	stream.linear.scatter [tilespmem:s28], [sflag:$0x4], $0x7800, $0x38;
	[tilespmem:$0x18C00] =	vst v63  }
0x4ca: {  	v11 =	vshll.u32 v10, $0x7;
	_ =	swait.ge [sflag:s4], $0x4800  }
0x4cb: {  	v10 =	vshrl.u32 v10, $0x3;
	v12 =	vor.u32 v4, v11;
	[sflag:s4] =	ssyncset.done $0x0  }
0x4cc: {  	v10 =	vmul.u32 $0xC00, v10;
	[sflag:s4] =	ssyncadd.s32 $0xFFFFB800  }
0x4cd: {  	v13 =	vand.u32 $0x380, v11;
	_ =	swait.ge [sflag:s4], $0x2400  }
0x4ce: {  	v10 =	vor.u32 v13, v10;
	[sflag:s4] =	ssyncset.done $0x0  }
0x4cf: {  	v10 =	vadd.s32 $0x800, v10;
	[sflag:s4] =	ssyncadd.s32 $0xFFFFDC00  }
0x4d0: {  	v13 =	vor.u32 v0, v10;
	v12 =	vld.idx.msk [tilespmem:v12+s11+$0x0], $0xffff  }
0x4d1: {  	v14 =	vor.u32 v5, v11;
	_ =	sdelay $0x3  }
0x4d2: {  	[tilespmem:v13+s19+$0x0] =	vst.idx.msk $0xffff, v12  }
0x4d3: {  	v13 =	vor.u32 v6, v10;
	v12 =	vld.idx.msk [tilespmem:v14+s11+$0x0], $0xffff  }
0x4d4: {  	v11 =	vor.u32 v7, v11;
	_ =	sdelay $0x3  }
0x4d5: {  	s1 =	simm.s32 $0x1;
	[tilespmem:v13+s19+$0x0] =	vst.idx.msk $0xffff, v12  }
0x4d6: {  	s0 =	simm.s32 $0x2;
	v12 =	vmov s1;
	v11 =	vld.idx.msk [tilespmem:v11+s11+$0x0], $0xffff  }
.LBB2_29:
0x4d7: {  	p0 =	sne.s32 s0, $0x45;
	v13 =	vshll.u32 v12, $0x7;
	v10 =	vor.u32 v8, v10  }
0x4d8: {  	v14 =	vor.u32 v4, v13  }
0x4d9: {  	v12 =	vshrl.u32 v12, $0x3  }
0x4da: {  	v12 =	vmul.u32 $0xC00, v12  }
0x4db: {  	v15 =	vand.u32 $0x380, v13  }
0x4dc: {  	v12 =	vor.u32 v15, v12;
	[tilespmem:v10+s19+$0x0] =	vst.idx.msk $0xffff, v11  }
0x4dd: {  	v10 =	vadd.s32 $0x800, v12;
	v11 =	vld.idx.msk [tilespmem:v14+s11+$0x0], $0xffff  }
0x4de: {  	v12 =	vor.u32 v0, v10  }
0x4df: {  	v14 =	vor.u32 v5, v13;
	_ =	sdelay $0x3  }
0x4e0: {  	[tilespmem:v12+s19+$0x0] =	vst.idx.msk $0xffff, v11  }
0x4e1: {  	v11 =	vld.idx.msk [tilespmem:v14+s11+$0x0], $0xffff  }
0x4e2: {  	v12 =	vor.u32 v6, v10  }
0x4e3: {  	v13 =	vor.u32 v7, v13  }
.Ltmp13:
0x4e4: {  	(pc) =	sbr.rel @p0 .LBB2_29-.Ltmp13, $3  }
0x4e5: {  	_ =	sdelay $0x1  }
0x4e6: {  	[tilespmem:v12+s19+$0x0] =	vst.idx.msk $0xffff, v11  }
0x4e7: {  	v12 =	vmov s0;
	s0 =	sadd.s32 $0x1, s0;
	v11 =	vld.idx.msk [tilespmem:v13+s11+$0x0], $0xffff  }
0x4e8: {  	v13 =	vshll.u32 v12, $0x7;
	v10 =	vor.u32 v8, v10  }
0x4e9: {  	v61 =	vshrl.u32 v12, $0x3;
	v14 =	vor.u32 v4, v13  }
0x4ea: {  	v12 =	vmul.u32 $0xC00, v61  }
0x4eb: {  	v15 =	vand.u32 $0x380, v13  }
0x4ec: {  	v12 =	vor.u32 v15, v12  }
0x4ed: {  	[tilespmem:v10+s19+$0x0] =	vst.idx.msk $0xffff, v11;
	v10 =	vadd.s32 $0x800, v12  }
0x4ee: {  	v11 =	vld.idx.msk [tilespmem:v14+s11+$0x0], $0xffff;
	v12 =	vor.u32 v0, v10  }
0x4ef: {  	v62 =	vor.u32 v5, v13;
	_ =	sdelay $0x3  }
0x4f0: {  	[tilespmem:v12+s19+$0x0] =	vst.idx.msk $0xffff, v11  }
0x4f1: {  	v63 =	vor.u32 v6, v10;
	v11 =	vld.idx.msk [tilespmem:v62+s11+$0x0], $0xffff  }
0x4f2: {  	v13 =	vor.u32 v7, v13;
	_ =	sdelay $0x3  }
0x4f3: {  	[tilespmem:v63+s19+$0x0] =	vst.idx.msk $0xffff, v11  }
0x4f4: {  	v10 =	vor.u32 v8, v10;
	v11 =	vld.idx.msk [tilespmem:v13+s11+$0x0], $0xffff;
	_ =	sdelay $0x4  }
0x4f5: {  	[tilespmem:v10+s19+$0x0] =	vst.idx.msk $0xffff, v11  }
0x4f6: {  	[tilespmem:$0x11700] =	vst v9  }
0x4f7: {  	[tilespmem:$0x11710] =	vst v9  }
0x4f8: {  	[tilespmem:$0x11720] =	vst v9  }
0x4f9: {  	[tilespmem:$0x11730] =	vst v9  }
0x4fa: {  	[tilespmem:$0x11740] =	vst v9  }
0x4fb: {  	[tilespmem:$0x11750] =	vst v9  }
0x4fc: {  	[tilespmem:$0x11760] =	vst v9  }
0x4fd: {  	[tilespmem:$0x11770] =	vst v9  }
0x4fe: {  	[tilespmem:$0x11B00] =	vst v9  }
0x4ff: {  	[tilespmem:$0x11B10] =	vst v9  }
0x500: {  	[tilespmem:$0x11B20] =	vst v9  }
0x501: {  	[tilespmem:$0x11B30] =	vst v9  }
0x502: {  	[tilespmem:$0x11B40] =	vst v9  }
0x503: {  	[tilespmem:$0x11B50] =	vst v9  }
0x504: {  	[tilespmem:$0x11B60] =	vst v9  }
0x505: {  	[tilespmem:$0x11B70] =	vst v9  }
0x506: {  	[tilespmem:$0x11F00] =	vst v9  }
0x507: {  	[tilespmem:$0x11F10] =	vst v9  }
0x508: {  	[tilespmem:$0x11780] =	vst v9  }
0x509: {  	[tilespmem:$0x11790] =	vst v9  }
0x50a: {  	[tilespmem:$0x117A0] =	vst v9  }
0x50b: {  	[tilespmem:$0x117B0] =	vst v9  }
0x50c: {  	[tilespmem:$0x117C0] =	vst v9  }
0x50d: {  	[tilespmem:$0x117D0] =	vst v9  }
0x50e: {  	[tilespmem:$0x117E0] =	vst v9  }
0x50f: {  	[tilespmem:$0x117F0] =	vst v9  }
0x510: {  	[tilespmem:$0x11B80] =	vst v9  }
0x511: {  	[tilespmem:$0x11B90] =	vst v9  }
0x512: {  	[tilespmem:$0x11BA0] =	vst v9  }
0x513: {  	[tilespmem:$0x11BB0] =	vst v9  }
0x514: {  	[tilespmem:$0x11BC0] =	vst v9  }
0x515: {  	[tilespmem:$0x11BD0] =	vst v9  }
0x516: {  	s30 =	sadd.s32 $0x1, s30;
	[tilespmem:$0x11BE0] =	vst v9  }
0x517: {  	p0 =	sne.s32 s30, $0x10;
	[tilespmem:$0x11BF0] =	vst v9  }
.Ltmp14:
0x518: {  	[tilespmem:$0x11F80] =	vst v9;
	(pc) =	sbr.rel @p0 .LBB2_26-.Ltmp14, $4  }
0x519: {  	[tilespmem:$0x11F90] =	vst v9  }
0x51a: {  	[tilespmem:$0x11F1C] =	vst v9  }
0x51b: {  	[tilespmem:$0x11F9C] =	vst v9  }
0x51c: {  	[hbm4b:s31+s3] =	stream.linear.scatter [tilespmem:s19], [sflag:$0x5], $0xB400, $0x38;
	[tilespmem:$0x18C00] =	vst v63  }
0x51d: {  	s0 =	simm.s32 $0x1  }
0x51e: {  	_ =	swait.ge [sflag:s0], $0xA00  }
0x51f: {  	s29 =	simm.s32 $0x0;
	[sflag:s0] =	ssyncset.done $0x0  }
0x520: {  	s30 =	simm.s32 $0x0;
	s31 =	rddreg [dreg:$0x12];
	[sflag:s0] =	ssyncadd.s32 $0xFFFFF600  }
0x521: {  	[tilespmem:s29], [sflag:$0x1] =	stream.linear.gather [hbm4b:s31+s29], $0xA00, $0x38;
	[tilespmem:$0x18C00] =	vst v63  }
.LBB2_32:
0x522: {  	_ =	swait.ge [sflag:s13], $0x7800;
	s0 =	smul.u32 $0x280, s30  }
0x523: {  	[sflag:s13] =	ssyncset.done $0x0  }
0x524: {  	[sflag:s13] =	ssyncadd.s32 $0xFFFF8800;
	s31 =	sshra.s32 s0, $0x2  }
0x525: {  	v10 =	vld [tilespmem:s31+$0xA00];
	_ =	sdelay $0x4  }
0x526: {  	v11 =	vshrl.u32 v10, $0x3  }
0x527: {  	v11 =	vmul.u32 $0x18, v11  }
0x528: {  	v10 =	vand.u32 $0x7, v10  }
0x529: {  	v10 =	vor.u32 v10, v11  }
0x52a: {  	v11 =	vperm.xlane v10, v1;
	_ =	sdelay $0x1  }
0x52b: {  	v10 =	vperm.xlane v10, v3;
	v11 =	vadd.s32 v2, v11;
	_ =	sdelay $0x1  }
0x52c: {  	v10 =	vadd.s32 v2, v10;
	_ =	sdelay $0x2  }
0x52d: {  	[tilespmem:s28], [sflag:$0x2] =	stream.indirect_vreg.gather [hbm4b:s8+s29], $0x80, v11, vm0, $0xb8;
	[tilespmem:$0x18C00] =	vst v63  }
0x52e: {  	s1 =	simm.s32 $0x2000  }
0x52f: {  	[tilespmem:s1], [sflag:$0x2] =	stream.indirect_vreg.gather [hbm4b:s8+s29], $0x80, v10, vm0, $0xb8;
	[tilespmem:$0x18C00] =	vst v63  }
0x530: {  	v10 =	vld [tilespmem:s31+$0xA10];
	_ =	sdelay $0x4  }
0x531: {  	v11 =	vshrl.u32 v10, $0x3  }
0x532: {  	v11 =	vmul.u32 $0x18, v11  }
0x533: {  	v10 =	vand.u32 $0x7, v10  }
0x534: {  	v10 =	vor.u32 v10, v11  }
0x535: {  	v11 =	vperm.xlane v10, v1;
	_ =	sdelay $0x1  }
0x536: {  	v10 =	vperm.xlane v10, v3;
	v11 =	vadd.s32 v2, v11;
	_ =	sdelay $0x1  }
0x537: {  	v10 =	vadd.s32 v2, v10;
	_ =	sdelay $0x1  }
0x538: {  	s1 =	simm.s32 $0x2C00  }
0x539: {  	[tilespmem:s1], [sflag:$0x2] =	stream.indirect_vreg.gather [hbm4b:s8+s29], $0x80, v11, vm0, $0xb8;
	[tilespmem:$0x18C00] =	vst v63  }
0x53a: {  	s1 =	simm.s32 $0x3800  }
0x53b: {  	[tilespmem:s1], [sflag:$0x2] =	stream.indirect_vreg.gather [hbm4b:s8+s29], $0x80, v10, vm0, $0xb8;
	[tilespmem:$0x18C00] =	vst v63  }
0x53c: {  	v10 =	vld [tilespmem:s31+$0xA20];
	_ =	sdelay $0x4  }
0x53d: {  	v11 =	vshrl.u32 v10, $0x3  }
0x53e: {  	v11 =	vmul.u32 $0x18, v11  }
0x53f: {  	v10 =	vand.u32 $0x7, v10  }
0x540: {  	v10 =	vor.u32 v10, v11  }
0x541: {  	v11 =	vperm.xlane v10, v1;
	_ =	sdelay $0x1  }
0x542: {  	v10 =	vperm.xlane v10, v3;
	v11 =	vadd.s32 v2, v11;
	_ =	sdelay $0x1  }
0x543: {  	v10 =	vadd.s32 v2, v10;
	_ =	sdelay $0x1  }
0x544: {  	s1 =	simm.s32 $0x4400  }
0x545: {  	[tilespmem:s1], [sflag:$0x2] =	stream.indirect_vreg.gather [hbm4b:s8+s29], $0x80, v11, vm0, $0xb8;
	[tilespmem:$0x18C00] =	vst v63  }
0x546: {  	s1 =	simm.s32 $0x5000  }
0x547: {  	[tilespmem:s1], [sflag:$0x2] =	stream.indirect_vreg.gather [hbm4b:s8+s29], $0x80, v10, vm0, $0xb8;
	[tilespmem:$0x18C00] =	vst v63  }
0x548: {  	v10 =	vld [tilespmem:s31+$0xA30];
	_ =	sdelay $0x4  }
0x549: {  	v11 =	vshrl.u32 v10, $0x3  }
0x54a: {  	v11 =	vmul.u32 $0x18, v11  }
0x54b: {  	v10 =	vand.u32 $0x7, v10  }
0x54c: {  	v10 =	vor.u32 v10, v11  }
0x54d: {  	v11 =	vperm.xlane v10, v1;
	_ =	sdelay $0x1  }
0x54e: {  	v10 =	vperm.xlane v10, v3;
	v11 =	vadd.s32 v2, v11;
	_ =	sdelay $0x1  }
0x54f: {  	v10 =	vadd.s32 v2, v10;
	_ =	sdelay $0x2  }
0x550: {  	[tilespmem:s24], [sflag:$0x2] =	stream.indirect_vreg.gather [hbm4b:s8+s29], $0x80, v11, vm0, $0xb8;
	[tilespmem:$0x18C00] =	vst v63  }
0x551: {  	_ = 	snop  }
0x552: {  	[tilespmem:s6], [sflag:$0x2] =	stream.indirect_vreg.gather [hbm4b:s8+s29], $0x80, v10, vm0, $0xb8;
	[tilespmem:$0x18C00] =	vst v63  }
0x553: {  	v10 =	vld [tilespmem:s31+$0xA40];
	_ =	sdelay $0x4  }
0x554: {  	v11 =	vshrl.u32 v10, $0x3  }
0x555: {  	v11 =	vmul.u32 $0x18, v11  }
0x556: {  	v10 =	vand.u32 $0x7, v10  }
0x557: {  	v10 =	vor.u32 v10, v11  }
0x558: {  	v11 =	vperm.xlane v10, v1;
	_ =	sdelay $0x1  }
0x559: {  	v10 =	vperm.xlane v10, v3;
	v11 =	vadd.s32 v2, v11;
	_ =	sdelay $0x1  }
0x55a: {  	v10 =	vadd.s32 v2, v10;
	_ =	sdelay $0x2  }
0x55b: {  	[tilespmem:s15], [sflag:$0x2] =	stream.indirect_vreg.gather [hbm4b:s8+s29], $0x80, v11, vm0, $0xb8;
	[tilespmem:$0x18C00] =	vst v63  }
0x55c: {  	_ = 	snop  }
0x55d: {  	[tilespmem:s16], [sflag:$0x2] =	stream.indirect_vreg.gather [hbm4b:s8+s29], $0x80, v10, vm0, $0xb8;
	[tilespmem:$0x18C00] =	vst v63  }
0x55e: {  	s1 =	sadd.s32 $0xA00, s31  }
0x55f: {  	[tilespmem:s18], [sflag:$0x2] =	stream.indirect.gather [hbm4b:s2+s17], $0x80, s1, s17, $0xb8;
	[tilespmem:$0x18C00] =	vst v63  }
0x560: {  	_ =	swait.ge [sflag:s14], $0xB400  }
0x561: {  	[sflag:s14] =	ssyncset.done $0x0  }
0x562: {  	[sflag:s14] =	ssyncadd.s32 $0xFFFF4C00  }
0x563: {  	v10 =	vld [tilespmem:s31+$0xA50];
	_ =	sdelay $0x4  }
0x564: {  	v11 =	vshrl.u32 v10, $0x3  }
0x565: {  	v11 =	vmul.u32 $0x18, v11  }
0x566: {  	v10 =	vand.u32 $0x7, v10  }
0x567: {  	v10 =	vor.u32 v10, v11  }
0x568: {  	v11 =	vperm.xlane v10, v1;
	_ =	sdelay $0x1  }
0x569: {  	v10 =	vperm.xlane v10, v3;
	v11 =	vadd.s32 v2, v11;
	_ =	sdelay $0x1  }
0x56a: {  	v10 =	vadd.s32 v2, v10;
	_ =	sdelay $0x2  }
0x56b: {  	[tilespmem:s19], [sflag:$0x3] =	stream.indirect_vreg.gather [hbm4b:s8+s29], $0x80, v11, vm0, $0xb8;
	[tilespmem:$0x18C00] =	vst v63  }
0x56c: {  	_ = 	snop  }
0x56d: {  	[tilespmem:s20], [sflag:$0x3] =	stream.indirect_vreg.gather [hbm4b:s8+s29], $0x80, v10, vm0, $0xb8;
	[tilespmem:$0x18C00] =	vst v63  }
0x56e: {  	v10 =	vld [tilespmem:s31+$0xA60];
	_ =	sdelay $0x4  }
0x56f: {  	v11 =	vshrl.u32 v10, $0x3  }
0x570: {  	v11 =	vmul.u32 $0x18, v11  }
0x571: {  	v10 =	vand.u32 $0x7, v10  }
0x572: {  	v10 =	vor.u32 v10, v11  }
0x573: {  	v11 =	vperm.xlane v10, v1;
	_ =	sdelay $0x1  }
0x574: {  	v10 =	vperm.xlane v10, v3;
	v11 =	vadd.s32 v2, v11;
	_ =	sdelay $0x1  }
0x575: {  	v10 =	vadd.s32 v2, v10;
	_ =	sdelay $0x2  }
0x576: {  	[tilespmem:s21], [sflag:$0x3] =	stream.indirect_vreg.gather [hbm4b:s8+s29], $0x80, v11, vm0, $0xb8;
	[tilespmem:$0x18C00] =	vst v63  }
0x577: {  	_ = 	snop  }
0x578: {  	[tilespmem:s22], [sflag:$0x3] =	stream.indirect_vreg.gather [hbm4b:s8+s29], $0x80, v10, vm0, $0xb8;
	[tilespmem:$0x18C00] =	vst v63  }
0x579: {  	v10 =	vld [tilespmem:s31+$0xA70];
	_ =	sdelay $0x4  }
0x57a: {  	v11 =	vshrl.u32 v10, $0x3  }
0x57b: {  	v11 =	vmul.u32 $0x18, v11  }
0x57c: {  	v10 =	vand.u32 $0x7, v10  }
0x57d: {  	v10 =	vor.u32 v10, v11  }
0x57e: {  	v11 =	vperm.xlane v10, v1;
	_ =	sdelay $0x1  }
0x57f: {  	v10 =	vperm.xlane v10, v3;
	v11 =	vadd.s32 v2, v11;
	_ =	sdelay $0x1  }
0x580: {  	v10 =	vadd.s32 v2, v10;
	_ =	sdelay $0x2  }
0x581: {  	[tilespmem:s23], [sflag:$0x3] =	stream.indirect_vreg.gather [hbm4b:s8+s29], $0x80, v11, vm0, $0xb8;
	[tilespmem:$0x18C00] =	vst v63  }
0x582: {  	_ = 	snop  }
0x583: {  	[tilespmem:s26], [sflag:$0x3] =	stream.indirect_vreg.gather [hbm4b:s8+s29], $0x80, v10, vm0, $0xb8;
	[tilespmem:$0x18C00] =	vst v63  }
0x584: {  	v10 =	vld [tilespmem:s31+$0xA80];
	_ =	sdelay $0x4  }
0x585: {  	v11 =	vshrl.u32 v10, $0x3  }
0x586: {  	v11 =	vmul.u32 $0x18, v11  }
0x587: {  	v10 =	vand.u32 $0x7, v10  }
0x588: {  	v10 =	vor.u32 v10, v11  }
0x589: {  	v11 =	vperm.xlane v10, v1;
	_ =	sdelay $0x1  }
0x58a: {  	v10 =	vperm.xlane v10, v3;
	v11 =	vadd.s32 v2, v11;
	_ =	sdelay $0x1  }
0x58b: {  	v10 =	vadd.s32 v2, v10;
	_ =	sdelay $0x2  }
0x58c: {  	[tilespmem:s25], [sflag:$0x3] =	stream.indirect_vreg.gather [hbm4b:s8+s29], $0x80, v11, vm0, $0xb8;
	[tilespmem:$0x18C00] =	vst v63  }
0x58d: {  	_ = 	snop  }
0x58e: {  	[tilespmem:s5], [sflag:$0x3] =	stream.indirect_vreg.gather [hbm4b:s8+s29], $0x80, v10, vm0, $0xb8;
	[tilespmem:$0x18C00] =	vst v63  }
0x58f: {  	v10 =	vld.msk [tilespmem:s31+$0xA90], $0xff;
	_ =	sdelay $0x4  }
0x590: {  	v11 =	vshrl.u32 v10, $0x3  }
0x591: {  	v11 =	vmul.u32 $0x18, v11  }
0x592: {  	v10 =	vand.u32 $0x7, v10  }
0x593: {  	v10 =	vor.u32 v10, v11  }
0x594: {  	v10 =	vperm.xlane v10, v1;
	_ =	sdelay $0x1  }
0x595: {  	v10 =	vadd.s32 v2, v10;
	_ =	sdelay $0x4  }
0x596: {  	[tilespmem:s7], [sflag:$0x3] =	stream.indirect_vreg.gather [hbm4b:s8+s29], $0x80, v10, vm0, $0xb8;
	[tilespmem:$0x18C00] =	vst v63  }
0x597: {  	s1 =	sadd.s32 $0xA50, s31  }
0x598: {  	v10 =	vmov s29;
	[tilespmem:s11], [sflag:$0x3] =	stream.indirect.gather [hbm4b:s2+s9], $0x80, s1, s9, $0xb8;
	[tilespmem:$0x18C00] =	vst v63  }
0x599: {  	v11 =	vshll.u32 v10, $0x7;
	_ =	swait.ge [sflag:s12], $0x5000  }
0x59a: {  	v10 =	vshrl.u32 v10, $0x3;
	v12 =	vor.u32 v4, v11;
	[sflag:s12] =	ssyncset.done $0x0  }
0x59b: {  	v10 =	vmul.u32 $0xC00, v10;
	[sflag:s12] =	ssyncadd.s32 $0xFFFFB000  }
0x59c: {  	v13 =	vand.u32 $0x380, v11;
	_ =	swait.ge [sflag:s12], $0x2800  }
0x59d: {  	v10 =	vor.u32 v13, v10;
	[sflag:s12] =	ssyncset.done $0x0  }
0x59e: {  	v10 =	vadd.s32 $0x800, v10;
	[sflag:s12] =	ssyncadd.s32 $0xFFFFD800  }
0x59f: {  	v13 =	vor.u32 v0, v10;
	v12 =	vld.idx.msk [tilespmem:v12+s18+$0x0], $0xffff  }
0x5a0: {  	v14 =	vor.u32 v5, v11;
	_ =	sdelay $0x3  }
0x5a1: {  	[tilespmem:v13+s28+$0x0] =	vst.idx.msk $0xffff, v12  }
0x5a2: {  	s1 =	rddreg [dreg:$0x9];
	v13 =	vor.u32 v6, v10;
	v12 =	vld.idx.msk [tilespmem:v14+s18+$0x0], $0xffff  }
0x5a3: {  	v11 =	vor.u32 v7, v11;
	s0 =	sor.u32 s1, s30  }
0x5a4: {  	s0 =	smul.u32 $0x12C00, s0;
	_ =	sdelay $0x1  }
0x5a5: {  	s0 =	sshrl.u32 s0, $0x3  }
0x5a6: {  	s1 =	simm.s32 $0x1;
	s0 =	sadd.s32 s10, s0;
	[tilespmem:v13+s28+$0x0] =	vst.idx.msk $0xffff, v12  }
0x5a7: {  	s31 =	sadd.s32 $0xF00, s0;
	v12 =	vmov s1;
	s1 =	simm.s32 $0x2;
	v11 =	vld.idx.msk [tilespmem:v11+s18+$0x0], $0xffff  }
.LBB2_33:
0x5a8: {  	p0 =	sne.s32 s1, $0x4F;
	v13 =	vshll.u32 v12, $0x7;
	v10 =	vor.u32 v8, v10  }
0x5a9: {  	v14 =	vor.u32 v4, v13  }
0x5aa: {  	v12 =	vshrl.u32 v12, $0x3  }
0x5ab: {  	v12 =	vmul.u32 $0xC00, v12  }
0x5ac: {  	v15 =	vand.u32 $0x380, v13  }
0x5ad: {  	v12 =	vor.u32 v15, v12;
	[tilespmem:v10+s28+$0x0] =	vst.idx.msk $0xffff, v11  }
0x5ae: {  	v10 =	vadd.s32 $0x800, v12;
	v11 =	vld.idx.msk [tilespmem:v14+s18+$0x0], $0xffff  }
0x5af: {  	v12 =	vor.u32 v0, v10  }
0x5b0: {  	v14 =	vor.u32 v5, v13;
	_ =	sdelay $0x3  }
0x5b1: {  	[tilespmem:v12+s28+$0x0] =	vst.idx.msk $0xffff, v11  }
0x5b2: {  	v11 =	vld.idx.msk [tilespmem:v14+s18+$0x0], $0xffff  }
0x5b3: {  	v12 =	vor.u32 v6, v10  }
0x5b4: {  	v13 =	vor.u32 v7, v13  }
.Ltmp15:
0x5b5: {  	(pc) =	sbr.rel @p0 .LBB2_33-.Ltmp15, $3  }
0x5b6: {  	_ =	sdelay $0x1  }
0x5b7: {  	[tilespmem:v12+s28+$0x0] =	vst.idx.msk $0xffff, v11  }
0x5b8: {  	v12 =	vmov s1;
	s1 =	sadd.s32 $0x1, s1;
	v11 =	vld.idx.msk [tilespmem:v13+s18+$0x0], $0xffff  }
0x5b9: {  	v13 =	vshll.u32 v12, $0x7;
	v10 =	vor.u32 v8, v10  }
0x5ba: {  	v12 =	vshrl.u32 v12, $0x3;
	v14 =	vor.u32 v4, v13  }
0x5bb: {  	v12 =	vmul.u32 $0xC00, v12  }
0x5bc: {  	v15 =	vand.u32 $0x380, v13  }
0x5bd: {  	v12 =	vor.u32 v15, v12  }
0x5be: {  	[tilespmem:v10+s28+$0x0] =	vst.idx.msk $0xffff, v11;
	v10 =	vadd.s32 $0x800, v12  }
0x5bf: {  	v11 =	vld.idx.msk [tilespmem:v14+s18+$0x0], $0xffff;
	v12 =	vor.u32 v0, v10  }
0x5c0: {  	v14 =	vor.u32 v5, v13;
	_ =	sdelay $0x3  }
0x5c1: {  	[tilespmem:v12+s28+$0x0] =	vst.idx.msk $0xffff, v11  }
0x5c2: {  	v12 =	vor.u32 v6, v10;
	v11 =	vld.idx.msk [tilespmem:v14+s18+$0x0], $0xffff  }
0x5c3: {  	v13 =	vor.u32 v7, v13;
	_ =	sdelay $0x3  }
0x5c4: {  	[tilespmem:v12+s28+$0x0] =	vst.idx.msk $0xffff, v11  }
0x5c5: {  	v10 =	vor.u32 v8, v10;
	v11 =	vld.idx.msk [tilespmem:v13+s18+$0x0], $0xffff;
	_ =	sdelay $0x4  }
0x5c6: {  	s1 =	simm.s32 $0x0;
	[tilespmem:v10+s28+$0x0] =	vst.idx.msk $0xffff, v11  }
0x5c7: {  	v10 =	vmov s1;
	[hbm4b:s0+s1] =	stream.linear.scatter [tilespmem:s28], [sflag:$0x4], $0x7800, $0x38;
	[tilespmem:$0x18C00] =	vst v63  }
0x5c8: {  	v11 =	vshll.u32 v10, $0x7;
	_ =	swait.ge [sflag:s4], $0x4800  }
0x5c9: {  	v10 =	vshrl.u32 v10, $0x3;
	v12 =	vor.u32 v4, v11;
	[sflag:s4] =	ssyncset.done $0x0  }
0x5ca: {  	v10 =	vmul.u32 $0xC00, v10;
	[sflag:s4] =	ssyncadd.s32 $0xFFFFB800  }
0x5cb: {  	v13 =	vand.u32 $0x380, v11;
	_ =	swait.ge [sflag:s4], $0x2400  }
0x5cc: {  	v10 =	vor.u32 v13, v10;
	[sflag:s4] =	ssyncset.done $0x0  }
0x5cd: {  	v10 =	vadd.s32 $0x800, v10;
	[sflag:s4] =	ssyncadd.s32 $0xFFFFDC00  }
0x5ce: {  	v13 =	vor.u32 v0, v10;
	v12 =	vld.idx.msk [tilespmem:v12+s11+$0x0], $0xffff  }
0x5cf: {  	v14 =	vor.u32 v5, v11;
	_ =	sdelay $0x3  }
0x5d0: {  	[tilespmem:v13+s19+$0x0] =	vst.idx.msk $0xffff, v12  }
0x5d1: {  	v13 =	vor.u32 v6, v10;
	v12 =	vld.idx.msk [tilespmem:v14+s11+$0x0], $0xffff  }
0x5d2: {  	v11 =	vor.u32 v7, v11;
	_ =	sdelay $0x3  }
0x5d3: {  	s1 =	simm.s32 $0x1;
	[tilespmem:v13+s19+$0x0] =	vst.idx.msk $0xffff, v12  }
0x5d4: {  	s0 =	simm.s32 $0x2;
	v12 =	vmov s1;
	v11 =	vld.idx.msk [tilespmem:v11+s11+$0x0], $0xffff  }
.LBB2_35:
0x5d5: {  	p0 =	sne.s32 s0, $0x45;
	v13 =	vshll.u32 v12, $0x7;
	v10 =	vor.u32 v8, v10  }
0x5d6: {  	v14 =	vor.u32 v4, v13  }
0x5d7: {  	v12 =	vshrl.u32 v12, $0x3  }
0x5d8: {  	v12 =	vmul.u32 $0xC00, v12  }
0x5d9: {  	v15 =	vand.u32 $0x380, v13  }
0x5da: {  	v12 =	vor.u32 v15, v12;
	[tilespmem:v10+s19+$0x0] =	vst.idx.msk $0xffff, v11  }
0x5db: {  	v10 =	vadd.s32 $0x800, v12;
	v11 =	vld.idx.msk [tilespmem:v14+s11+$0x0], $0xffff  }
0x5dc: {  	v12 =	vor.u32 v0, v10  }
0x5dd: {  	v14 =	vor.u32 v5, v13;
	_ =	sdelay $0x3  }
0x5de: {  	[tilespmem:v12+s19+$0x0] =	vst.idx.msk $0xffff, v11  }
0x5df: {  	v11 =	vld.idx.msk [tilespmem:v14+s11+$0x0], $0xffff  }
0x5e0: {  	v12 =	vor.u32 v6, v10  }
0x5e1: {  	v13 =	vor.u32 v7, v13  }
.Ltmp16:
0x5e2: {  	(pc) =	sbr.rel @p0 .LBB2_35-.Ltmp16, $3  }
0x5e3: {  	_ =	sdelay $0x1  }
0x5e4: {  	[tilespmem:v12+s19+$0x0] =	vst.idx.msk $0xffff, v11  }
0x5e5: {  	v12 =	vmov s0;
	s0 =	sadd.s32 $0x1, s0;
	v11 =	vld.idx.msk [tilespmem:v13+s11+$0x0], $0xffff  }
0x5e6: {  	v13 =	vshll.u32 v12, $0x7;
	v10 =	vor.u32 v8, v10  }
0x5e7: {  	v61 =	vshrl.u32 v12, $0x3;
	v14 =	vor.u32 v4, v13  }
0x5e8: {  	v12 =	vmul.u32 $0xC00, v61  }
0x5e9: {  	v15 =	vand.u32 $0x380, v13  }
0x5ea: {  	v12 =	vor.u32 v15, v12  }
0x5eb: {  	[tilespmem:v10+s19+$0x0] =	vst.idx.msk $0xffff, v11;
	v10 =	vadd.s32 $0x800, v12  }
0x5ec: {  	v11 =	vld.idx.msk [tilespmem:v14+s11+$0x0], $0xffff;
	v12 =	vor.u32 v0, v10  }
0x5ed: {  	v62 =	vor.u32 v5, v13;
	_ =	sdelay $0x3  }
0x5ee: {  	[tilespmem:v12+s19+$0x0] =	vst.idx.msk $0xffff, v11  }
0x5ef: {  	v63 =	vor.u32 v6, v10;
	v11 =	vld.idx.msk [tilespmem:v62+s11+$0x0], $0xffff  }
0x5f0: {  	v13 =	vor.u32 v7, v13;
	_ =	sdelay $0x3  }
0x5f1: {  	[tilespmem:v63+s19+$0x0] =	vst.idx.msk $0xffff, v11  }
0x5f2: {  	v10 =	vor.u32 v8, v10;
	v11 =	vld.idx.msk [tilespmem:v13+s11+$0x0], $0xffff;
	_ =	sdelay $0x4  }
0x5f3: {  	[tilespmem:v10+s19+$0x0] =	vst.idx.msk $0xffff, v11  }
0x5f4: {  	[tilespmem:$0x11700] =	vst v9  }
0x5f5: {  	[tilespmem:$0x11710] =	vst v9  }
0x5f6: {  	[tilespmem:$0x11720] =	vst v9  }
0x5f7: {  	[tilespmem:$0x11730] =	vst v9  }
0x5f8: {  	[tilespmem:$0x11740] =	vst v9  }
0x5f9: {  	[tilespmem:$0x11750] =	vst v9  }
0x5fa: {  	[tilespmem:$0x11760] =	vst v9  }
0x5fb: {  	[tilespmem:$0x11770] =	vst v9  }
0x5fc: {  	[tilespmem:$0x11B00] =	vst v9  }
0x5fd: {  	[tilespmem:$0x11B10] =	vst v9  }
0x5fe: {  	[tilespmem:$0x11B20] =	vst v9  }
0x5ff: {  	[tilespmem:$0x11B30] =	vst v9  }
0x600: {  	[tilespmem:$0x11B40] =	vst v9  }
0x601: {  	[tilespmem:$0x11B50] =	vst v9  }
0x602: {  	[tilespmem:$0x11B60] =	vst v9  }
0x603: {  	[tilespmem:$0x11B70] =	vst v9  }
0x604: {  	[tilespmem:$0x11F00] =	vst v9  }
0x605: {  	[tilespmem:$0x11F10] =	vst v9  }
0x606: {  	[tilespmem:$0x11780] =	vst v9  }
0x607: {  	[tilespmem:$0x11790] =	vst v9  }
0x608: {  	[tilespmem:$0x117A0] =	vst v9  }
0x609: {  	[tilespmem:$0x117B0] =	vst v9  }
0x60a: {  	[tilespmem:$0x117C0] =	vst v9  }
0x60b: {  	[tilespmem:$0x117D0] =	vst v9  }
0x60c: {  	[tilespmem:$0x117E0] =	vst v9  }
0x60d: {  	[tilespmem:$0x117F0] =	vst v9  }
0x60e: {  	[tilespmem:$0x11B80] =	vst v9  }
0x60f: {  	[tilespmem:$0x11B90] =	vst v9  }
0x610: {  	[tilespmem:$0x11BA0] =	vst v9  }
0x611: {  	[tilespmem:$0x11BB0] =	vst v9  }
0x612: {  	[tilespmem:$0x11BC0] =	vst v9  }
0x613: {  	[tilespmem:$0x11BD0] =	vst v9  }
0x614: {  	s30 =	sadd.s32 $0x1, s30;
	[tilespmem:$0x11BE0] =	vst v9  }
0x615: {  	p0 =	sne.s32 s30, $0x10;
	[tilespmem:$0x11BF0] =	vst v9  }
.Ltmp17:
0x616: {  	[tilespmem:$0x11F80] =	vst v9;
	(pc) =	sbr.rel @p0 .LBB2_32-.Ltmp17, $4  }
0x617: {  	[tilespmem:$0x11F90] =	vst v9  }
0x618: {  	[tilespmem:$0x11F1C] =	vst v9  }
0x619: {  	[tilespmem:$0x11F9C] =	vst v9  }
0x61a: {  	[hbm4b:s31+s3] =	stream.linear.scatter [tilespmem:s19], [sflag:$0x5], $0xB400, $0x38;
	[tilespmem:$0x18C00] =	vst v63  }
0x61b: {  	s0 =	simm.s32 $0x1  }
0x61c: {  	_ =	swait.ge [sflag:s0], $0xA00  }
0x61d: {  	s29 =	simm.s32 $0x0;
	s1 =	simm.s32 $0xA00;
	[sflag:s0] =	ssyncset.done $0x0  }
0x61e: {  	s30 =	simm.s32 $0x0;
	s31 =	rddreg [dreg:$0x13];
	[sflag:s0] =	ssyncadd.s32 $0xFFFFF600  }
0x61f: {  	[tilespmem:s1], [sflag:$0x1] =	stream.linear.gather [hbm4b:s31+s29], $0xA00, $0x38;
	[tilespmem:$0x18C00] =	vst v63  }
.LBB2_38:
0x620: {  	_ =	swait.ge [sflag:s13], $0x7800;
	s0 =	smul.u32 $0x280, s30  }
0x621: {  	[sflag:s13] =	ssyncset.done $0x0  }
0x622: {  	[sflag:s13] =	ssyncadd.s32 $0xFFFF8800;
	s31 =	sshra.s32 s0, $0x2  }
0x623: {  	v10 =	vld [tilespmem:s31+$0x0];
	_ =	sdelay $0x4  }
0x624: {  	v11 =	vshrl.u32 v10, $0x3  }
0x625: {  	v11 =	vmul.u32 $0x18, v11  }
0x626: {  	v10 =	vand.u32 $0x7, v10  }
0x627: {  	v10 =	vor.u32 v10, v11  }
0x628: {  	v11 =	vperm.xlane v10, v1;
	_ =	sdelay $0x1  }
0x629: {  	v10 =	vperm.xlane v10, v3;
	v11 =	vadd.s32 v2, v11;
	_ =	sdelay $0x1  }
0x62a: {  	v10 =	vadd.s32 v2, v10;
	_ =	sdelay $0x2  }
0x62b: {  	[tilespmem:s28], [sflag:$0x2] =	stream.indirect_vreg.gather [hbm4b:s8+s29], $0x80, v11, vm0, $0xb8;
	[tilespmem:$0x18C00] =	vst v63  }
0x62c: {  	s1 =	simm.s32 $0x2000  }
0x62d: {  	[tilespmem:s1], [sflag:$0x2] =	stream.indirect_vreg.gather [hbm4b:s8+s29], $0x80, v10, vm0, $0xb8;
	[tilespmem:$0x18C00] =	vst v63  }
0x62e: {  	v10 =	vld [tilespmem:s31+$0x10];
	_ =	sdelay $0x4  }
0x62f: {  	v11 =	vshrl.u32 v10, $0x3  }
0x630: {  	v11 =	vmul.u32 $0x18, v11  }
0x631: {  	v10 =	vand.u32 $0x7, v10  }
0x632: {  	v10 =	vor.u32 v10, v11  }
0x633: {  	v11 =	vperm.xlane v10, v1;
	_ =	sdelay $0x1  }
0x634: {  	v10 =	vperm.xlane v10, v3;
	v11 =	vadd.s32 v2, v11;
	_ =	sdelay $0x1  }
0x635: {  	v10 =	vadd.s32 v2, v10;
	_ =	sdelay $0x1  }
0x636: {  	s1 =	simm.s32 $0x2C00  }
0x637: {  	[tilespmem:s1], [sflag:$0x2] =	stream.indirect_vreg.gather [hbm4b:s8+s29], $0x80, v11, vm0, $0xb8;
	[tilespmem:$0x18C00] =	vst v63  }
0x638: {  	s1 =	simm.s32 $0x3800  }
0x639: {  	[tilespmem:s1], [sflag:$0x2] =	stream.indirect_vreg.gather [hbm4b:s8+s29], $0x80, v10, vm0, $0xb8;
	[tilespmem:$0x18C00] =	vst v63  }
0x63a: {  	v10 =	vld [tilespmem:s31+$0x20];
	_ =	sdelay $0x4  }
0x63b: {  	v11 =	vshrl.u32 v10, $0x3  }
0x63c: {  	v11 =	vmul.u32 $0x18, v11  }
0x63d: {  	v10 =	vand.u32 $0x7, v10  }
0x63e: {  	v10 =	vor.u32 v10, v11  }
0x63f: {  	v11 =	vperm.xlane v10, v1;
	_ =	sdelay $0x1  }
0x640: {  	v10 =	vperm.xlane v10, v3;
	v11 =	vadd.s32 v2, v11;
	_ =	sdelay $0x1  }
0x641: {  	v10 =	vadd.s32 v2, v10;
	_ =	sdelay $0x1  }
0x642: {  	s1 =	simm.s32 $0x4400  }
0x643: {  	[tilespmem:s1], [sflag:$0x2] =	stream.indirect_vreg.gather [hbm4b:s8+s29], $0x80, v11, vm0, $0xb8;
	[tilespmem:$0x18C00] =	vst v63  }
0x644: {  	s1 =	simm.s32 $0x5000  }
0x645: {  	[tilespmem:s1], [sflag:$0x2] =	stream.indirect_vreg.gather [hbm4b:s8+s29], $0x80, v10, vm0, $0xb8;
	[tilespmem:$0x18C00] =	vst v63  }
0x646: {  	v10 =	vld [tilespmem:s31+$0x30];
	_ =	sdelay $0x4  }
0x647: {  	v11 =	vshrl.u32 v10, $0x3  }
0x648: {  	v11 =	vmul.u32 $0x18, v11  }
0x649: {  	v10 =	vand.u32 $0x7, v10  }
0x64a: {  	v10 =	vor.u32 v10, v11  }
0x64b: {  	v11 =	vperm.xlane v10, v1;
	_ =	sdelay $0x1  }
0x64c: {  	v10 =	vperm.xlane v10, v3;
	v11 =	vadd.s32 v2, v11;
	_ =	sdelay $0x1  }
0x64d: {  	v10 =	vadd.s32 v2, v10;
	_ =	sdelay $0x2  }
0x64e: {  	[tilespmem:s24], [sflag:$0x2] =	stream.indirect_vreg.gather [hbm4b:s8+s29], $0x80, v11, vm0, $0xb8;
	[tilespmem:$0x18C00] =	vst v63  }
0x64f: {  	_ = 	snop  }
0x650: {  	[tilespmem:s6], [sflag:$0x2] =	stream.indirect_vreg.gather [hbm4b:s8+s29], $0x80, v10, vm0, $0xb8;
	[tilespmem:$0x18C00] =	vst v63  }
0x651: {  	v10 =	vld [tilespmem:s31+$0x40];
	_ =	sdelay $0x4  }
0x652: {  	v11 =	vshrl.u32 v10, $0x3  }
0x653: {  	v11 =	vmul.u32 $0x18, v11  }
0x654: {  	v10 =	vand.u32 $0x7, v10  }
0x655: {  	v10 =	vor.u32 v10, v11  }
0x656: {  	v11 =	vperm.xlane v10, v1;
	_ =	sdelay $0x1  }
0x657: {  	v10 =	vperm.xlane v10, v3;
	v11 =	vadd.s32 v2, v11;
	_ =	sdelay $0x1  }
0x658: {  	v10 =	vadd.s32 v2, v10;
	_ =	sdelay $0x2  }
0x659: {  	[tilespmem:s15], [sflag:$0x2] =	stream.indirect_vreg.gather [hbm4b:s8+s29], $0x80, v11, vm0, $0xb8;
	[tilespmem:$0x18C00] =	vst v63  }
0x65a: {  	_ = 	snop  }
0x65b: {  	[tilespmem:s16], [sflag:$0x2] =	stream.indirect_vreg.gather [hbm4b:s8+s29], $0x80, v10, vm0, $0xb8;
	[tilespmem:$0x18C00] =	vst v63  }
0x65c: {  	_ = 	snop  }
0x65d: {  	[tilespmem:s18], [sflag:$0x2] =	stream.indirect.gather [hbm4b:s2+s17], $0x80, s31, s17, $0xb8;
	[tilespmem:$0x18C00] =	vst v63  }
0x65e: {  	_ =	swait.ge [sflag:s14], $0xB400  }
0x65f: {  	[sflag:s14] =	ssyncset.done $0x0  }
0x660: {  	[sflag:s14] =	ssyncadd.s32 $0xFFFF4C00  }
0x661: {  	v10 =	vld [tilespmem:s31+$0x50];
	_ =	sdelay $0x4  }
0x662: {  	v11 =	vshrl.u32 v10, $0x3  }
0x663: {  	v11 =	vmul.u32 $0x18, v11  }
0x664: {  	v10 =	vand.u32 $0x7, v10  }
0x665: {  	v10 =	vor.u32 v10, v11  }
0x666: {  	v11 =	vperm.xlane v10, v1;
	_ =	sdelay $0x1  }
0x667: {  	v10 =	vperm.xlane v10, v3;
	v11 =	vadd.s32 v2, v11;
	_ =	sdelay $0x1  }
0x668: {  	v10 =	vadd.s32 v2, v10;
	_ =	sdelay $0x2  }
0x669: {  	[tilespmem:s19], [sflag:$0x3] =	stream.indirect_vreg.gather [hbm4b:s8+s29], $0x80, v11, vm0, $0xb8;
	[tilespmem:$0x18C00] =	vst v63  }
0x66a: {  	_ = 	snop  }
0x66b: {  	[tilespmem:s20], [sflag:$0x3] =	stream.indirect_vreg.gather [hbm4b:s8+s29], $0x80, v10, vm0, $0xb8;
	[tilespmem:$0x18C00] =	vst v63  }
0x66c: {  	v10 =	vld [tilespmem:s31+$0x60];
	_ =	sdelay $0x4  }
0x66d: {  	v11 =	vshrl.u32 v10, $0x3  }
0x66e: {  	v11 =	vmul.u32 $0x18, v11  }
0x66f: {  	v10 =	vand.u32 $0x7, v10  }
0x670: {  	v10 =	vor.u32 v10, v11  }
0x671: {  	v11 =	vperm.xlane v10, v1;
	_ =	sdelay $0x1  }
0x672: {  	v10 =	vperm.xlane v10, v3;
	v11 =	vadd.s32 v2, v11;
	_ =	sdelay $0x1  }
0x673: {  	v10 =	vadd.s32 v2, v10;
	_ =	sdelay $0x2  }
0x674: {  	[tilespmem:s21], [sflag:$0x3] =	stream.indirect_vreg.gather [hbm4b:s8+s29], $0x80, v11, vm0, $0xb8;
	[tilespmem:$0x18C00] =	vst v63  }
0x675: {  	_ = 	snop  }
0x676: {  	[tilespmem:s22], [sflag:$0x3] =	stream.indirect_vreg.gather [hbm4b:s8+s29], $0x80, v10, vm0, $0xb8;
	[tilespmem:$0x18C00] =	vst v63  }
0x677: {  	v10 =	vld [tilespmem:s31+$0x70];
	_ =	sdelay $0x4  }
0x678: {  	v11 =	vshrl.u32 v10, $0x3  }
0x679: {  	v11 =	vmul.u32 $0x18, v11  }
0x67a: {  	v10 =	vand.u32 $0x7, v10  }
0x67b: {  	v10 =	vor.u32 v10, v11  }
0x67c: {  	v11 =	vperm.xlane v10, v1;
	_ =	sdelay $0x1  }
0x67d: {  	v10 =	vperm.xlane v10, v3;
	v11 =	vadd.s32 v2, v11;
	_ =	sdelay $0x1  }
0x67e: {  	v10 =	vadd.s32 v2, v10;
	_ =	sdelay $0x2  }
0x67f: {  	[tilespmem:s23], [sflag:$0x3] =	stream.indirect_vreg.gather [hbm4b:s8+s29], $0x80, v11, vm0, $0xb8;
	[tilespmem:$0x18C00] =	vst v63  }
0x680: {  	_ = 	snop  }
0x681: {  	[tilespmem:s26], [sflag:$0x3] =	stream.indirect_vreg.gather [hbm4b:s8+s29], $0x80, v10, vm0, $0xb8;
	[tilespmem:$0x18C00] =	vst v63  }
0x682: {  	v10 =	vld [tilespmem:s31+$0x80];
	_ =	sdelay $0x4  }
0x683: {  	v11 =	vshrl.u32 v10, $0x3  }
0x684: {  	v11 =	vmul.u32 $0x18, v11  }
0x685: {  	v10 =	vand.u32 $0x7, v10  }
0x686: {  	v10 =	vor.u32 v10, v11  }
0x687: {  	v11 =	vperm.xlane v10, v1;
	_ =	sdelay $0x1  }
0x688: {  	v10 =	vperm.xlane v10, v3;
	v11 =	vadd.s32 v2, v11;
	_ =	sdelay $0x1  }
0x689: {  	v10 =	vadd.s32 v2, v10;
	_ =	sdelay $0x2  }
0x68a: {  	[tilespmem:s25], [sflag:$0x3] =	stream.indirect_vreg.gather [hbm4b:s8+s29], $0x80, v11, vm0, $0xb8;
	[tilespmem:$0x18C00] =	vst v63  }
0x68b: {  	_ = 	snop  }
0x68c: {  	[tilespmem:s5], [sflag:$0x3] =	stream.indirect_vreg.gather [hbm4b:s8+s29], $0x80, v10, vm0, $0xb8;
	[tilespmem:$0x18C00] =	vst v63  }
0x68d: {  	v10 =	vld.msk [tilespmem:s31+$0x90], $0xff;
	_ =	sdelay $0x4  }
0x68e: {  	v11 =	vshrl.u32 v10, $0x3  }
0x68f: {  	v11 =	vmul.u32 $0x18, v11  }
0x690: {  	v10 =	vand.u32 $0x7, v10  }
0x691: {  	v10 =	vor.u32 v10, v11  }
0x692: {  	v10 =	vperm.xlane v10, v1;
	_ =	sdelay $0x1  }
0x693: {  	v10 =	vadd.s32 v2, v10;
	_ =	sdelay $0x4  }
0x694: {  	[tilespmem:s7], [sflag:$0x3] =	stream.indirect_vreg.gather [hbm4b:s8+s29], $0x80, v10, vm0, $0xb8;
	[tilespmem:$0x18C00] =	vst v63  }
0x695: {  	s1 =	sadd.s32 $0x50, s31  }
0x696: {  	v10 =	vmov s29;
	[tilespmem:s11], [sflag:$0x3] =	stream.indirect.gather [hbm4b:s2+s9], $0x80, s1, s9, $0xb8;
	[tilespmem:$0x18C00] =	vst v63  }
0x697: {  	v11 =	vshll.u32 v10, $0x7;
	_ =	swait.ge [sflag:s12], $0x5000  }
0x698: {  	v10 =	vshrl.u32 v10, $0x3;
	v12 =	vor.u32 v4, v11;
	[sflag:s12] =	ssyncset.done $0x0  }
0x699: {  	v10 =	vmul.u32 $0xC00, v10;
	[sflag:s12] =	ssyncadd.s32 $0xFFFFB000  }
0x69a: {  	v13 =	vand.u32 $0x380, v11;
	_ =	swait.ge [sflag:s12], $0x2800  }
0x69b: {  	v10 =	vor.u32 v13, v10;
	[sflag:s12] =	ssyncset.done $0x0  }
0x69c: {  	v10 =	vadd.s32 $0x800, v10;
	[sflag:s12] =	ssyncadd.s32 $0xFFFFD800  }
0x69d: {  	v13 =	vor.u32 v0, v10;
	v12 =	vld.idx.msk [tilespmem:v12+s18+$0x0], $0xffff  }
0x69e: {  	v14 =	vor.u32 v5, v11;
	_ =	sdelay $0x3  }
0x69f: {  	[tilespmem:v13+s28+$0x0] =	vst.idx.msk $0xffff, v12  }
0x6a0: {  	s1 =	rddreg [dreg:$0xa];
	v13 =	vor.u32 v6, v10;
	v12 =	vld.idx.msk [tilespmem:v14+s18+$0x0], $0xffff  }
0x6a1: {  	v11 =	vor.u32 v7, v11;
	s0 =	sor.u32 s1, s30  }
0x6a2: {  	s0 =	smul.u32 $0x12C00, s0;
	_ =	sdelay $0x1  }
0x6a3: {  	s0 =	sshrl.u32 s0, $0x3  }
0x6a4: {  	s1 =	simm.s32 $0x1;
	s0 =	sadd.s32 s10, s0;
	[tilespmem:v13+s28+$0x0] =	vst.idx.msk $0xffff, v12  }
0x6a5: {  	s31 =	sadd.s32 $0xF00, s0;
	v12 =	vmov s1;
	s1 =	simm.s32 $0x2;
	v11 =	vld.idx.msk [tilespmem:v11+s18+$0x0], $0xffff  }
.LBB2_39:
0x6a6: {  	p0 =	sne.s32 s1, $0x4F;
	v13 =	vshll.u32 v12, $0x7;
	v10 =	vor.u32 v8, v10  }
0x6a7: {  	v14 =	vor.u32 v4, v13  }
0x6a8: {  	v12 =	vshrl.u32 v12, $0x3  }
0x6a9: {  	v12 =	vmul.u32 $0xC00, v12  }
0x6aa: {  	v15 =	vand.u32 $0x380, v13  }
0x6ab: {  	v12 =	vor.u32 v15, v12;
	[tilespmem:v10+s28+$0x0] =	vst.idx.msk $0xffff, v11  }
0x6ac: {  	v10 =	vadd.s32 $0x800, v12;
	v11 =	vld.idx.msk [tilespmem:v14+s18+$0x0], $0xffff  }
0x6ad: {  	v12 =	vor.u32 v0, v10  }
0x6ae: {  	v14 =	vor.u32 v5, v13;
	_ =	sdelay $0x3  }
0x6af: {  	[tilespmem:v12+s28+$0x0] =	vst.idx.msk $0xffff, v11  }
0x6b0: {  	v11 =	vld.idx.msk [tilespmem:v14+s18+$0x0], $0xffff  }
0x6b1: {  	v12 =	vor.u32 v6, v10  }
0x6b2: {  	v13 =	vor.u32 v7, v13  }
.Ltmp18:
0x6b3: {  	(pc) =	sbr.rel @p0 .LBB2_39-.Ltmp18, $3  }
0x6b4: {  	_ =	sdelay $0x1  }
0x6b5: {  	[tilespmem:v12+s28+$0x0] =	vst.idx.msk $0xffff, v11  }
0x6b6: {  	v12 =	vmov s1;
	s1 =	sadd.s32 $0x1, s1;
	v11 =	vld.idx.msk [tilespmem:v13+s18+$0x0], $0xffff  }
0x6b7: {  	v13 =	vshll.u32 v12, $0x7;
	v10 =	vor.u32 v8, v10  }
0x6b8: {  	v12 =	vshrl.u32 v12, $0x3;
	v14 =	vor.u32 v4, v13  }
0x6b9: {  	v12 =	vmul.u32 $0xC00, v12  }
0x6ba: {  	v15 =	vand.u32 $0x380, v13  }
0x6bb: {  	v12 =	vor.u32 v15, v12  }
0x6bc: {  	[tilespmem:v10+s28+$0x0] =	vst.idx.msk $0xffff, v11;
	v10 =	vadd.s32 $0x800, v12  }
0x6bd: {  	v11 =	vld.idx.msk [tilespmem:v14+s18+$0x0], $0xffff;
	v12 =	vor.u32 v0, v10  }
0x6be: {  	v14 =	vor.u32 v5, v13;
	_ =	sdelay $0x3  }
0x6bf: {  	[tilespmem:v12+s28+$0x0] =	vst.idx.msk $0xffff, v11  }
0x6c0: {  	v12 =	vor.u32 v6, v10;
	v11 =	vld.idx.msk [tilespmem:v14+s18+$0x0], $0xffff  }
0x6c1: {  	v13 =	vor.u32 v7, v13;
	_ =	sdelay $0x3  }
0x6c2: {  	[tilespmem:v12+s28+$0x0] =	vst.idx.msk $0xffff, v11  }
0x6c3: {  	v10 =	vor.u32 v8, v10;
	v11 =	vld.idx.msk [tilespmem:v13+s18+$0x0], $0xffff;
	_ =	sdelay $0x4  }
0x6c4: {  	s1 =	simm.s32 $0x0;
	[tilespmem:v10+s28+$0x0] =	vst.idx.msk $0xffff, v11  }
0x6c5: {  	v10 =	vmov s1;
	[hbm4b:s0+s1] =	stream.linear.scatter [tilespmem:s28], [sflag:$0x4], $0x7800, $0x38;
	[tilespmem:$0x18C00] =	vst v63  }
0x6c6: {  	v11 =	vshll.u32 v10, $0x7;
	_ =	swait.ge [sflag:s4], $0x4800  }
0x6c7: {  	v10 =	vshrl.u32 v10, $0x3;
	v12 =	vor.u32 v4, v11;
	[sflag:s4] =	ssyncset.done $0x0  }
0x6c8: {  	v10 =	vmul.u32 $0xC00, v10;
	[sflag:s4] =	ssyncadd.s32 $0xFFFFB800  }
0x6c9: {  	v13 =	vand.u32 $0x380, v11;
	_ =	swait.ge [sflag:s4], $0x2400  }
0x6ca: {  	v10 =	vor.u32 v13, v10;
	[sflag:s4] =	ssyncset.done $0x0  }
0x6cb: {  	v10 =	vadd.s32 $0x800, v10;
	[sflag:s4] =	ssyncadd.s32 $0xFFFFDC00  }
0x6cc: {  	v13 =	vor.u32 v0, v10;
	v12 =	vld.idx.msk [tilespmem:v12+s11+$0x0], $0xffff  }
0x6cd: {  	v14 =	vor.u32 v5, v11;
	_ =	sdelay $0x3  }
0x6ce: {  	[tilespmem:v13+s19+$0x0] =	vst.idx.msk $0xffff, v12  }
0x6cf: {  	v13 =	vor.u32 v6, v10;
	v12 =	vld.idx.msk [tilespmem:v14+s11+$0x0], $0xffff  }
0x6d0: {  	v11 =	vor.u32 v7, v11;
	_ =	sdelay $0x3  }
0x6d1: {  	s1 =	simm.s32 $0x1;
	[tilespmem:v13+s19+$0x0] =	vst.idx.msk $0xffff, v12  }
0x6d2: {  	s0 =	simm.s32 $0x2;
	v12 =	vmov s1;
	v11 =	vld.idx.msk [tilespmem:v11+s11+$0x0], $0xffff  }
.LBB2_41:
0x6d3: {  	p0 =	sne.s32 s0, $0x45;
	v13 =	vshll.u32 v12, $0x7;
	v10 =	vor.u32 v8, v10  }
0x6d4: {  	v14 =	vor.u32 v4, v13  }
0x6d5: {  	v12 =	vshrl.u32 v12, $0x3  }
0x6d6: {  	v12 =	vmul.u32 $0xC00, v12  }
0x6d7: {  	v15 =	vand.u32 $0x380, v13  }
0x6d8: {  	v12 =	vor.u32 v15, v12;
	[tilespmem:v10+s19+$0x0] =	vst.idx.msk $0xffff, v11  }
0x6d9: {  	v10 =	vadd.s32 $0x800, v12;
	v11 =	vld.idx.msk [tilespmem:v14+s11+$0x0], $0xffff  }
0x6da: {  	v12 =	vor.u32 v0, v10  }
0x6db: {  	v14 =	vor.u32 v5, v13;
	_ =	sdelay $0x3  }
0x6dc: {  	[tilespmem:v12+s19+$0x0] =	vst.idx.msk $0xffff, v11  }
0x6dd: {  	v11 =	vld.idx.msk [tilespmem:v14+s11+$0x0], $0xffff  }
0x6de: {  	v12 =	vor.u32 v6, v10  }
0x6df: {  	v13 =	vor.u32 v7, v13  }
.Ltmp19:
0x6e0: {  	(pc) =	sbr.rel @p0 .LBB2_41-.Ltmp19, $3  }
0x6e1: {  	_ =	sdelay $0x1  }
0x6e2: {  	[tilespmem:v12+s19+$0x0] =	vst.idx.msk $0xffff, v11  }
0x6e3: {  	v12 =	vmov s0;
	s0 =	sadd.s32 $0x1, s0;
	v11 =	vld.idx.msk [tilespmem:v13+s11+$0x0], $0xffff  }
0x6e4: {  	v13 =	vshll.u32 v12, $0x7;
	v10 =	vor.u32 v8, v10  }
0x6e5: {  	v61 =	vshrl.u32 v12, $0x3;
	v14 =	vor.u32 v4, v13  }
0x6e6: {  	v12 =	vmul.u32 $0xC00, v61  }
0x6e7: {  	v15 =	vand.u32 $0x380, v13  }
0x6e8: {  	v12 =	vor.u32 v15, v12  }
0x6e9: {  	[tilespmem:v10+s19+$0x0] =	vst.idx.msk $0xffff, v11;
	v10 =	vadd.s32 $0x800, v12  }
0x6ea: {  	v11 =	vld.idx.msk [tilespmem:v14+s11+$0x0], $0xffff;
	v12 =	vor.u32 v0, v10  }
0x6eb: {  	v62 =	vor.u32 v5, v13;
	_ =	sdelay $0x3  }
0x6ec: {  	[tilespmem:v12+s19+$0x0] =	vst.idx.msk $0xffff, v11  }
0x6ed: {  	v63 =	vor.u32 v6, v10;
	v11 =	vld.idx.msk [tilespmem:v62+s11+$0x0], $0xffff  }
0x6ee: {  	v13 =	vor.u32 v7, v13;
	_ =	sdelay $0x3  }
0x6ef: {  	[tilespmem:v63+s19+$0x0] =	vst.idx.msk $0xffff, v11  }
0x6f0: {  	v10 =	vor.u32 v8, v10;
	v11 =	vld.idx.msk [tilespmem:v13+s11+$0x0], $0xffff;
	_ =	sdelay $0x4  }
0x6f1: {  	[tilespmem:v10+s19+$0x0] =	vst.idx.msk $0xffff, v11  }
0x6f2: {  	[tilespmem:$0x11700] =	vst v9  }
0x6f3: {  	[tilespmem:$0x11710] =	vst v9  }
0x6f4: {  	[tilespmem:$0x11720] =	vst v9  }
0x6f5: {  	[tilespmem:$0x11730] =	vst v9  }
0x6f6: {  	[tilespmem:$0x11740] =	vst v9  }
0x6f7: {  	[tilespmem:$0x11750] =	vst v9  }
0x6f8: {  	[tilespmem:$0x11760] =	vst v9  }
0x6f9: {  	[tilespmem:$0x11770] =	vst v9  }
0x6fa: {  	[tilespmem:$0x11B00] =	vst v9  }
0x6fb: {  	[tilespmem:$0x11B10] =	vst v9  }
0x6fc: {  	[tilespmem:$0x11B20] =	vst v9  }
0x6fd: {  	[tilespmem:$0x11B30] =	vst v9  }
0x6fe: {  	[tilespmem:$0x11B40] =	vst v9  }
0x6ff: {  	[tilespmem:$0x11B50] =	vst v9  }
0x700: {  	[tilespmem:$0x11B60] =	vst v9  }
0x701: {  	[tilespmem:$0x11B70] =	vst v9  }
0x702: {  	[tilespmem:$0x11F00] =	vst v9  }
0x703: {  	[tilespmem:$0x11F10] =	vst v9  }
0x704: {  	[tilespmem:$0x11780] =	vst v9  }
0x705: {  	[tilespmem:$0x11790] =	vst v9  }
0x706: {  	[tilespmem:$0x117A0] =	vst v9  }
0x707: {  	[tilespmem:$0x117B0] =	vst v9  }
0x708: {  	[tilespmem:$0x117C0] =	vst v9  }
0x709: {  	[tilespmem:$0x117D0] =	vst v9  }
0x70a: {  	[tilespmem:$0x117E0] =	vst v9  }
0x70b: {  	[tilespmem:$0x117F0] =	vst v9  }
0x70c: {  	[tilespmem:$0x11B80] =	vst v9  }
0x70d: {  	[tilespmem:$0x11B90] =	vst v9  }
0x70e: {  	[tilespmem:$0x11BA0] =	vst v9  }
0x70f: {  	[tilespmem:$0x11BB0] =	vst v9  }
0x710: {  	[tilespmem:$0x11BC0] =	vst v9  }
0x711: {  	[tilespmem:$0x11BD0] =	vst v9  }
0x712: {  	s30 =	sadd.s32 $0x1, s30;
	[tilespmem:$0x11BE0] =	vst v9  }
0x713: {  	p0 =	sne.s32 s30, $0x10;
	[tilespmem:$0x11BF0] =	vst v9  }
.Ltmp20:
0x714: {  	[tilespmem:$0x11F80] =	vst v9;
	(pc) =	sbr.rel @p0 .LBB2_38-.Ltmp20, $4  }
0x715: {  	[tilespmem:$0x11F90] =	vst v9  }
0x716: {  	[tilespmem:$0x11F1C] =	vst v9  }
0x717: {  	[tilespmem:$0x11F9C] =	vst v9  }
0x718: {  	[hbm4b:s31+s3] =	stream.linear.scatter [tilespmem:s19], [sflag:$0x5], $0xB400, $0x38;
	[tilespmem:$0x18C00] =	vst v63  }
0x719: {  	s0 =	simm.s32 $0x1  }
0x71a: {  	_ =	swait.ge [sflag:s0], $0xA00  }
0x71b: {  	[sflag:s0] =	ssyncset.done $0x0  }
0x71c: {  	s29 =	simm.s32 $0x0;
	s30 =	simm.s32 $0x0;
	[sflag:s0] =	ssyncadd.s32 $0xFFFFF600  }
.LBB2_44:
0x71d: {  	_ =	swait.ge [sflag:s13], $0x7800;
	s0 =	smul.u32 $0x280, s30  }
0x71e: {  	[sflag:s13] =	ssyncset.done $0x0  }
0x71f: {  	[sflag:s13] =	ssyncadd.s32 $0xFFFF8800;
	s31 =	sshra.s32 s0, $0x2  }
0x720: {  	v10 =	vld [tilespmem:s31+$0xA00];
	_ =	sdelay $0x4  }
0x721: {  	v11 =	vshrl.u32 v10, $0x3  }
0x722: {  	v11 =	vmul.u32 $0x18, v11  }
0x723: {  	v10 =	vand.u32 $0x7, v10  }
0x724: {  	v10 =	vor.u32 v10, v11  }
0x725: {  	v11 =	vperm.xlane v10, v1;
	_ =	sdelay $0x1  }
0x726: {  	v10 =	vperm.xlane v10, v3;
	v11 =	vadd.s32 v2, v11;
	_ =	sdelay $0x1  }
0x727: {  	v10 =	vadd.s32 v2, v10;
	_ =	sdelay $0x2  }
0x728: {  	[tilespmem:s28], [sflag:$0x2] =	stream.indirect_vreg.gather [hbm4b:s8+s29], $0x80, v11, vm0, $0xb8;
	[tilespmem:$0x18C00] =	vst v63  }
0x729: {  	s1 =	simm.s32 $0x2000  }
0x72a: {  	[tilespmem:s1], [sflag:$0x2] =	stream.indirect_vreg.gather [hbm4b:s8+s29], $0x80, v10, vm0, $0xb8;
	[tilespmem:$0x18C00] =	vst v63  }
0x72b: {  	v10 =	vld [tilespmem:s31+$0xA10];
	_ =	sdelay $0x4  }
0x72c: {  	v11 =	vshrl.u32 v10, $0x3  }
0x72d: {  	v11 =	vmul.u32 $0x18, v11  }
0x72e: {  	v10 =	vand.u32 $0x7, v10  }
0x72f: {  	v10 =	vor.u32 v10, v11  }
0x730: {  	v11 =	vperm.xlane v10, v1;
	_ =	sdelay $0x1  }
0x731: {  	v10 =	vperm.xlane v10, v3;
	v11 =	vadd.s32 v2, v11;
	_ =	sdelay $0x1  }
0x732: {  	v10 =	vadd.s32 v2, v10;
	_ =	sdelay $0x1  }
0x733: {  	s1 =	simm.s32 $0x2C00  }
0x734: {  	[tilespmem:s1], [sflag:$0x2] =	stream.indirect_vreg.gather [hbm4b:s8+s29], $0x80, v11, vm0, $0xb8;
	[tilespmem:$0x18C00] =	vst v63  }
0x735: {  	s1 =	simm.s32 $0x3800  }
0x736: {  	[tilespmem:s1], [sflag:$0x2] =	stream.indirect_vreg.gather [hbm4b:s8+s29], $0x80, v10, vm0, $0xb8;
	[tilespmem:$0x18C00] =	vst v63  }
0x737: {  	v10 =	vld [tilespmem:s31+$0xA20];
	_ =	sdelay $0x4  }
0x738: {  	v11 =	vshrl.u32 v10, $0x3  }
0x739: {  	v11 =	vmul.u32 $0x18, v11  }
0x73a: {  	v10 =	vand.u32 $0x7, v10  }
0x73b: {  	v10 =	vor.u32 v10, v11  }
0x73c: {  	v11 =	vperm.xlane v10, v1;
	_ =	sdelay $0x1  }
0x73d: {  	v10 =	vperm.xlane v10, v3;
	v11 =	vadd.s32 v2, v11;
	_ =	sdelay $0x1  }
0x73e: {  	v10 =	vadd.s32 v2, v10;
	_ =	sdelay $0x1  }
0x73f: {  	s1 =	simm.s32 $0x4400  }
0x740: {  	[tilespmem:s1], [sflag:$0x2] =	stream.indirect_vreg.gather [hbm4b:s8+s29], $0x80, v11, vm0, $0xb8;
	[tilespmem:$0x18C00] =	vst v63  }
0x741: {  	s1 =	simm.s32 $0x5000  }
0x742: {  	[tilespmem:s1], [sflag:$0x2] =	stream.indirect_vreg.gather [hbm4b:s8+s29], $0x80, v10, vm0, $0xb8;
	[tilespmem:$0x18C00] =	vst v63  }
0x743: {  	v10 =	vld [tilespmem:s31+$0xA30];
	_ =	sdelay $0x4  }
0x744: {  	v11 =	vshrl.u32 v10, $0x3  }
0x745: {  	v11 =	vmul.u32 $0x18, v11  }
0x746: {  	v10 =	vand.u32 $0x7, v10  }
0x747: {  	v10 =	vor.u32 v10, v11  }
0x748: {  	v11 =	vperm.xlane v10, v1;
	_ =	sdelay $0x1  }
0x749: {  	v10 =	vperm.xlane v10, v3;
	v11 =	vadd.s32 v2, v11;
	_ =	sdelay $0x1  }
0x74a: {  	v10 =	vadd.s32 v2, v10;
	_ =	sdelay $0x2  }
0x74b: {  	[tilespmem:s24], [sflag:$0x2] =	stream.indirect_vreg.gather [hbm4b:s8+s29], $0x80, v11, vm0, $0xb8;
	[tilespmem:$0x18C00] =	vst v63  }
0x74c: {  	_ = 	snop  }
0x74d: {  	[tilespmem:s6], [sflag:$0x2] =	stream.indirect_vreg.gather [hbm4b:s8+s29], $0x80, v10, vm0, $0xb8;
	[tilespmem:$0x18C00] =	vst v63  }
0x74e: {  	v10 =	vld [tilespmem:s31+$0xA40];
	_ =	sdelay $0x4  }
0x74f: {  	v11 =	vshrl.u32 v10, $0x3  }
0x750: {  	v11 =	vmul.u32 $0x18, v11  }
0x751: {  	v10 =	vand.u32 $0x7, v10  }
0x752: {  	v10 =	vor.u32 v10, v11  }
0x753: {  	v11 =	vperm.xlane v10, v1;
	_ =	sdelay $0x1  }
0x754: {  	v10 =	vperm.xlane v10, v3;
	v11 =	vadd.s32 v2, v11;
	_ =	sdelay $0x1  }
0x755: {  	v10 =	vadd.s32 v2, v10;
	_ =	sdelay $0x2  }
0x756: {  	[tilespmem:s15], [sflag:$0x2] =	stream.indirect_vreg.gather [hbm4b:s8+s29], $0x80, v11, vm0, $0xb8;
	[tilespmem:$0x18C00] =	vst v63  }
0x757: {  	_ = 	snop  }
0x758: {  	[tilespmem:s16], [sflag:$0x2] =	stream.indirect_vreg.gather [hbm4b:s8+s29], $0x80, v10, vm0, $0xb8;
	[tilespmem:$0x18C00] =	vst v63  }
0x759: {  	s1 =	sadd.s32 $0xA00, s31  }
0x75a: {  	[tilespmem:s18], [sflag:$0x2] =	stream.indirect.gather [hbm4b:s2+s17], $0x80, s1, s17, $0xb8;
	[tilespmem:$0x18C00] =	vst v63  }
0x75b: {  	_ =	swait.ge [sflag:s14], $0xB400  }
0x75c: {  	[sflag:s14] =	ssyncset.done $0x0  }
0x75d: {  	[sflag:s14] =	ssyncadd.s32 $0xFFFF4C00  }
0x75e: {  	v10 =	vld [tilespmem:s31+$0xA50];
	_ =	sdelay $0x4  }
0x75f: {  	v11 =	vshrl.u32 v10, $0x3  }
0x760: {  	v11 =	vmul.u32 $0x18, v11  }
0x761: {  	v10 =	vand.u32 $0x7, v10  }
0x762: {  	v10 =	vor.u32 v10, v11  }
0x763: {  	v11 =	vperm.xlane v10, v1;
	_ =	sdelay $0x1  }
0x764: {  	v10 =	vperm.xlane v10, v3;
	v11 =	vadd.s32 v2, v11;
	_ =	sdelay $0x1  }
0x765: {  	v10 =	vadd.s32 v2, v10;
	_ =	sdelay $0x2  }
0x766: {  	[tilespmem:s19], [sflag:$0x3] =	stream.indirect_vreg.gather [hbm4b:s8+s29], $0x80, v11, vm0, $0xb8;
	[tilespmem:$0x18C00] =	vst v63  }
0x767: {  	_ = 	snop  }
0x768: {  	[tilespmem:s20], [sflag:$0x3] =	stream.indirect_vreg.gather [hbm4b:s8+s29], $0x80, v10, vm0, $0xb8;
	[tilespmem:$0x18C00] =	vst v63  }
0x769: {  	v10 =	vld [tilespmem:s31+$0xA60];
	_ =	sdelay $0x4  }
0x76a: {  	v11 =	vshrl.u32 v10, $0x3  }
0x76b: {  	v11 =	vmul.u32 $0x18, v11  }
0x76c: {  	v10 =	vand.u32 $0x7, v10  }
0x76d: {  	v10 =	vor.u32 v10, v11  }
0x76e: {  	v11 =	vperm.xlane v10, v1;
	_ =	sdelay $0x1  }
0x76f: {  	v10 =	vperm.xlane v10, v3;
	v11 =	vadd.s32 v2, v11;
	_ =	sdelay $0x1  }
0x770: {  	v10 =	vadd.s32 v2, v10;
	_ =	sdelay $0x2  }
0x771: {  	[tilespmem:s21], [sflag:$0x3] =	stream.indirect_vreg.gather [hbm4b:s8+s29], $0x80, v11, vm0, $0xb8;
	[tilespmem:$0x18C00] =	vst v63  }
0x772: {  	_ = 	snop  }
0x773: {  	[tilespmem:s22], [sflag:$0x3] =	stream.indirect_vreg.gather [hbm4b:s8+s29], $0x80, v10, vm0, $0xb8;
	[tilespmem:$0x18C00] =	vst v63  }
0x774: {  	v10 =	vld [tilespmem:s31+$0xA70];
	_ =	sdelay $0x4  }
0x775: {  	v11 =	vshrl.u32 v10, $0x3  }
0x776: {  	v11 =	vmul.u32 $0x18, v11  }
0x777: {  	v10 =	vand.u32 $0x7, v10  }
0x778: {  	v10 =	vor.u32 v10, v11  }
0x779: {  	v11 =	vperm.xlane v10, v1;
	_ =	sdelay $0x1  }
0x77a: {  	v10 =	vperm.xlane v10, v3;
	v11 =	vadd.s32 v2, v11;
	_ =	sdelay $0x1  }
0x77b: {  	v10 =	vadd.s32 v2, v10;
	_ =	sdelay $0x2  }
0x77c: {  	[tilespmem:s23], [sflag:$0x3] =	stream.indirect_vreg.gather [hbm4b:s8+s29], $0x80, v11, vm0, $0xb8;
	[tilespmem:$0x18C00] =	vst v63  }
0x77d: {  	_ = 	snop  }
0x77e: {  	[tilespmem:s26], [sflag:$0x3] =	stream.indirect_vreg.gather [hbm4b:s8+s29], $0x80, v10, vm0, $0xb8;
	[tilespmem:$0x18C00] =	vst v63  }
0x77f: {  	v10 =	vld [tilespmem:s31+$0xA80];
	_ =	sdelay $0x4  }
0x780: {  	v11 =	vshrl.u32 v10, $0x3  }
0x781: {  	v11 =	vmul.u32 $0x18, v11  }
0x782: {  	v10 =	vand.u32 $0x7, v10  }
0x783: {  	v10 =	vor.u32 v10, v11  }
0x784: {  	v11 =	vperm.xlane v10, v1;
	_ =	sdelay $0x1  }
0x785: {  	v10 =	vperm.xlane v10, v3;
	v11 =	vadd.s32 v2, v11;
	_ =	sdelay $0x1  }
0x786: {  	v10 =	vadd.s32 v2, v10;
	_ =	sdelay $0x2  }
0x787: {  	[tilespmem:s25], [sflag:$0x3] =	stream.indirect_vreg.gather [hbm4b:s8+s29], $0x80, v11, vm0, $0xb8;
	[tilespmem:$0x18C00] =	vst v63  }
0x788: {  	_ = 	snop  }
0x789: {  	[tilespmem:s5], [sflag:$0x3] =	stream.indirect_vreg.gather [hbm4b:s8+s29], $0x80, v10, vm0, $0xb8;
	[tilespmem:$0x18C00] =	vst v63  }
0x78a: {  	v10 =	vld.msk [tilespmem:s31+$0xA90], $0xff;
	_ =	sdelay $0x4  }
0x78b: {  	v11 =	vshrl.u32 v10, $0x3  }
0x78c: {  	v11 =	vmul.u32 $0x18, v11  }
0x78d: {  	v10 =	vand.u32 $0x7, v10  }
0x78e: {  	v10 =	vor.u32 v10, v11  }
0x78f: {  	v10 =	vperm.xlane v10, v1;
	_ =	sdelay $0x1  }
0x790: {  	v10 =	vadd.s32 v2, v10;
	_ =	sdelay $0x4  }
0x791: {  	[tilespmem:s7], [sflag:$0x3] =	stream.indirect_vreg.gather [hbm4b:s8+s29], $0x80, v10, vm0, $0xb8;
	[tilespmem:$0x18C00] =	vst v63  }
0x792: {  	s1 =	sadd.s32 $0xA50, s31  }
0x793: {  	v10 =	vmov s29;
	[tilespmem:s11], [sflag:$0x3] =	stream.indirect.gather [hbm4b:s2+s9], $0x80, s1, s9, $0xb8;
	[tilespmem:$0x18C00] =	vst v63  }
0x794: {  	v11 =	vshll.u32 v10, $0x7;
	_ =	swait.ge [sflag:s12], $0x5000  }
0x795: {  	v10 =	vshrl.u32 v10, $0x3;
	v12 =	vor.u32 v4, v11;
	[sflag:s12] =	ssyncset.done $0x0  }
0x796: {  	v10 =	vmul.u32 $0xC00, v10;
	[sflag:s12] =	ssyncadd.s32 $0xFFFFB000  }
0x797: {  	v13 =	vand.u32 $0x380, v11;
	_ =	swait.ge [sflag:s12], $0x2800  }
0x798: {  	v10 =	vor.u32 v13, v10;
	[sflag:s12] =	ssyncset.done $0x0  }
0x799: {  	v10 =	vadd.s32 $0x800, v10;
	[sflag:s12] =	ssyncadd.s32 $0xFFFFD800  }
0x79a: {  	v13 =	vor.u32 v0, v10;
	v12 =	vld.idx.msk [tilespmem:v12+s18+$0x0], $0xffff  }
0x79b: {  	v14 =	vor.u32 v5, v11;
	_ =	sdelay $0x3  }
0x79c: {  	[tilespmem:v13+s28+$0x0] =	vst.idx.msk $0xffff, v12  }
0x79d: {  	s1 =	rddreg [dreg:$0xb];
	v13 =	vor.u32 v6, v10;
	v12 =	vld.idx.msk [tilespmem:v14+s18+$0x0], $0xffff  }
0x79e: {  	v11 =	vor.u32 v7, v11;
	s0 =	sor.u32 s1, s30  }
0x79f: {  	s0 =	smul.u32 $0x12C00, s0;
	_ =	sdelay $0x1  }
0x7a0: {  	s0 =	sshrl.u32 s0, $0x3  }
0x7a1: {  	s1 =	simm.s32 $0x1;
	s0 =	sadd.s32 s10, s0;
	[tilespmem:v13+s28+$0x0] =	vst.idx.msk $0xffff, v12  }
0x7a2: {  	s31 =	sadd.s32 $0xF00, s0;
	v12 =	vmov s1;
	s1 =	simm.s32 $0x2;
	v11 =	vld.idx.msk [tilespmem:v11+s18+$0x0], $0xffff  }
.LBB2_45:
0x7a3: {  	p0 =	sne.s32 s1, $0x4F;
	v13 =	vshll.u32 v12, $0x7;
	v10 =	vor.u32 v8, v10  }
0x7a4: {  	v14 =	vor.u32 v4, v13  }
0x7a5: {  	v12 =	vshrl.u32 v12, $0x3  }
0x7a6: {  	v12 =	vmul.u32 $0xC00, v12  }
0x7a7: {  	v15 =	vand.u32 $0x380, v13  }
0x7a8: {  	v12 =	vor.u32 v15, v12;
	[tilespmem:v10+s28+$0x0] =	vst.idx.msk $0xffff, v11  }
0x7a9: {  	v10 =	vadd.s32 $0x800, v12;
	v11 =	vld.idx.msk [tilespmem:v14+s18+$0x0], $0xffff  }
0x7aa: {  	v12 =	vor.u32 v0, v10  }
0x7ab: {  	v14 =	vor.u32 v5, v13;
	_ =	sdelay $0x3  }
0x7ac: {  	[tilespmem:v12+s28+$0x0] =	vst.idx.msk $0xffff, v11  }
0x7ad: {  	v11 =	vld.idx.msk [tilespmem:v14+s18+$0x0], $0xffff  }
0x7ae: {  	v12 =	vor.u32 v6, v10  }
0x7af: {  	v13 =	vor.u32 v7, v13  }
.Ltmp21:
0x7b0: {  	(pc) =	sbr.rel @p0 .LBB2_45-.Ltmp21, $3  }
0x7b1: {  	_ =	sdelay $0x1  }
0x7b2: {  	[tilespmem:v12+s28+$0x0] =	vst.idx.msk $0xffff, v11  }
0x7b3: {  	v12 =	vmov s1;
	s1 =	sadd.s32 $0x1, s1;
	v11 =	vld.idx.msk [tilespmem:v13+s18+$0x0], $0xffff  }
0x7b4: {  	v13 =	vshll.u32 v12, $0x7;
	v10 =	vor.u32 v8, v10  }
0x7b5: {  	v12 =	vshrl.u32 v12, $0x3;
	v14 =	vor.u32 v4, v13  }
0x7b6: {  	v12 =	vmul.u32 $0xC00, v12  }
0x7b7: {  	v15 =	vand.u32 $0x380, v13  }
0x7b8: {  	v12 =	vor.u32 v15, v12  }
0x7b9: {  	[tilespmem:v10+s28+$0x0] =	vst.idx.msk $0xffff, v11;
	v10 =	vadd.s32 $0x800, v12  }
0x7ba: {  	v11 =	vld.idx.msk [tilespmem:v14+s18+$0x0], $0xffff;
	v12 =	vor.u32 v0, v10  }
0x7bb: {  	v14 =	vor.u32 v5, v13;
	_ =	sdelay $0x3  }
0x7bc: {  	[tilespmem:v12+s28+$0x0] =	vst.idx.msk $0xffff, v11  }
0x7bd: {  	v12 =	vor.u32 v6, v10;
	v11 =	vld.idx.msk [tilespmem:v14+s18+$0x0], $0xffff  }
0x7be: {  	v13 =	vor.u32 v7, v13;
	_ =	sdelay $0x3  }
0x7bf: {  	[tilespmem:v12+s28+$0x0] =	vst.idx.msk $0xffff, v11  }
0x7c0: {  	v10 =	vor.u32 v8, v10;
	v11 =	vld.idx.msk [tilespmem:v13+s18+$0x0], $0xffff;
	_ =	sdelay $0x4  }
0x7c1: {  	s1 =	simm.s32 $0x0;
	[tilespmem:v10+s28+$0x0] =	vst.idx.msk $0xffff, v11  }
0x7c2: {  	v10 =	vmov s1;
	[hbm4b:s0+s1] =	stream.linear.scatter [tilespmem:s28], [sflag:$0x4], $0x7800, $0x38;
	[tilespmem:$0x18C00] =	vst v63  }
0x7c3: {  	v11 =	vshll.u32 v10, $0x7;
	_ =	swait.ge [sflag:s4], $0x4800  }
0x7c4: {  	v10 =	vshrl.u32 v10, $0x3;
	v12 =	vor.u32 v4, v11;
	[sflag:s4] =	ssyncset.done $0x0  }
0x7c5: {  	v10 =	vmul.u32 $0xC00, v10;
	[sflag:s4] =	ssyncadd.s32 $0xFFFFB800  }
0x7c6: {  	v13 =	vand.u32 $0x380, v11;
	_ =	swait.ge [sflag:s4], $0x2400  }
0x7c7: {  	v10 =	vor.u32 v13, v10;
	[sflag:s4] =	ssyncset.done $0x0  }
0x7c8: {  	v10 =	vadd.s32 $0x800, v10;
	[sflag:s4] =	ssyncadd.s32 $0xFFFFDC00  }
0x7c9: {  	v13 =	vor.u32 v0, v10;
	v12 =	vld.idx.msk [tilespmem:v12+s11+$0x0], $0xffff  }
0x7ca: {  	v14 =	vor.u32 v5, v11;
	_ =	sdelay $0x3  }
0x7cb: {  	[tilespmem:v13+s19+$0x0] =	vst.idx.msk $0xffff, v12  }
0x7cc: {  	v13 =	vor.u32 v6, v10;
	v12 =	vld.idx.msk [tilespmem:v14+s11+$0x0], $0xffff  }
0x7cd: {  	v11 =	vor.u32 v7, v11;
	_ =	sdelay $0x3  }
0x7ce: {  	s1 =	simm.s32 $0x1;
	[tilespmem:v13+s19+$0x0] =	vst.idx.msk $0xffff, v12  }
0x7cf: {  	s0 =	simm.s32 $0x2;
	v12 =	vmov s1;
	v11 =	vld.idx.msk [tilespmem:v11+s11+$0x0], $0xffff  }
.LBB2_47:
0x7d0: {  	p0 =	sne.s32 s0, $0x45;
	v13 =	vshll.u32 v12, $0x7;
	v10 =	vor.u32 v8, v10  }
0x7d1: {  	v14 =	vor.u32 v4, v13  }
0x7d2: {  	v12 =	vshrl.u32 v12, $0x3  }
0x7d3: {  	v12 =	vmul.u32 $0xC00, v12  }
0x7d4: {  	v15 =	vand.u32 $0x380, v13  }
0x7d5: {  	v12 =	vor.u32 v15, v12;
	[tilespmem:v10+s19+$0x0] =	vst.idx.msk $0xffff, v11  }
0x7d6: {  	v10 =	vadd.s32 $0x800, v12;
	v11 =	vld.idx.msk [tilespmem:v14+s11+$0x0], $0xffff  }
0x7d7: {  	v12 =	vor.u32 v0, v10  }
0x7d8: {  	v14 =	vor.u32 v5, v13;
	_ =	sdelay $0x3  }
0x7d9: {  	[tilespmem:v12+s19+$0x0] =	vst.idx.msk $0xffff, v11  }
0x7da: {  	v11 =	vld.idx.msk [tilespmem:v14+s11+$0x0], $0xffff  }
0x7db: {  	v12 =	vor.u32 v6, v10  }
0x7dc: {  	v13 =	vor.u32 v7, v13  }
.Ltmp22:
0x7dd: {  	(pc) =	sbr.rel @p0 .LBB2_47-.Ltmp22, $3  }
0x7de: {  	_ =	sdelay $0x1  }
0x7df: {  	[tilespmem:v12+s19+$0x0] =	vst.idx.msk $0xffff, v11  }
0x7e0: {  	v12 =	vmov s0;
	s0 =	sadd.s32 $0x1, s0;
	v11 =	vld.idx.msk [tilespmem:v13+s11+$0x0], $0xffff  }
0x7e1: {  	v13 =	vshll.u32 v12, $0x7;
	v10 =	vor.u32 v8, v10  }
0x7e2: {  	v61 =	vshrl.u32 v12, $0x3;
	v14 =	vor.u32 v4, v13  }
0x7e3: {  	v12 =	vmul.u32 $0xC00, v61  }
0x7e4: {  	v15 =	vand.u32 $0x380, v13  }
0x7e5: {  	v12 =	vor.u32 v15, v12  }
0x7e6: {  	[tilespmem:v10+s19+$0x0] =	vst.idx.msk $0xffff, v11;
	v10 =	vadd.s32 $0x800, v12  }
0x7e7: {  	v11 =	vld.idx.msk [tilespmem:v14+s11+$0x0], $0xffff;
	v12 =	vor.u32 v0, v10  }
0x7e8: {  	v62 =	vor.u32 v5, v13;
	_ =	sdelay $0x3  }
0x7e9: {  	[tilespmem:v12+s19+$0x0] =	vst.idx.msk $0xffff, v11  }
0x7ea: {  	v63 =	vor.u32 v6, v10;
	v11 =	vld.idx.msk [tilespmem:v62+s11+$0x0], $0xffff  }
0x7eb: {  	v13 =	vor.u32 v7, v13;
	_ =	sdelay $0x3  }
0x7ec: {  	[tilespmem:v63+s19+$0x0] =	vst.idx.msk $0xffff, v11  }
0x7ed: {  	v10 =	vor.u32 v8, v10;
	v11 =	vld.idx.msk [tilespmem:v13+s11+$0x0], $0xffff;
	_ =	sdelay $0x4  }
0x7ee: {  	[tilespmem:v10+s19+$0x0] =	vst.idx.msk $0xffff, v11  }
0x7ef: {  	[tilespmem:$0x11700] =	vst v9  }
0x7f0: {  	[tilespmem:$0x11710] =	vst v9  }
0x7f1: {  	[tilespmem:$0x11720] =	vst v9  }
0x7f2: {  	[tilespmem:$0x11730] =	vst v9  }
0x7f3: {  	[tilespmem:$0x11740] =	vst v9  }
0x7f4: {  	[tilespmem:$0x11750] =	vst v9  }
0x7f5: {  	[tilespmem:$0x11760] =	vst v9  }
0x7f6: {  	[tilespmem:$0x11770] =	vst v9  }
0x7f7: {  	[tilespmem:$0x11B00] =	vst v9  }
0x7f8: {  	[tilespmem:$0x11B10] =	vst v9  }
0x7f9: {  	[tilespmem:$0x11B20] =	vst v9  }
0x7fa: {  	[tilespmem:$0x11B30] =	vst v9  }
0x7fb: {  	[tilespmem:$0x11B40] =	vst v9  }
0x7fc: {  	[tilespmem:$0x11B50] =	vst v9  }
0x7fd: {  	[tilespmem:$0x11B60] =	vst v9  }
0x7fe: {  	[tilespmem:$0x11B70] =	vst v9  }
0x7ff: {  	[tilespmem:$0x11F00] =	vst v9  }
0x800: {  	[tilespmem:$0x11F10] =	vst v9  }
0x801: {  	[tilespmem:$0x11780] =	vst v9  }
0x802: {  	[tilespmem:$0x11790] =	vst v9  }
0x803: {  	[tilespmem:$0x117A0] =	vst v9  }
0x804: {  	[tilespmem:$0x117B0] =	vst v9  }
0x805: {  	[tilespmem:$0x117C0] =	vst v9  }
0x806: {  	[tilespmem:$0x117D0] =	vst v9  }
0x807: {  	[tilespmem:$0x117E0] =	vst v9  }
0x808: {  	[tilespmem:$0x117F0] =	vst v9  }
0x809: {  	[tilespmem:$0x11B80] =	vst v9  }
0x80a: {  	[tilespmem:$0x11B90] =	vst v9  }
0x80b: {  	[tilespmem:$0x11BA0] =	vst v9  }
0x80c: {  	[tilespmem:$0x11BB0] =	vst v9  }
0x80d: {  	[tilespmem:$0x11BC0] =	vst v9  }
0x80e: {  	[tilespmem:$0x11BD0] =	vst v9  }
0x80f: {  	s30 =	sadd.s32 $0x1, s30;
	[tilespmem:$0x11BE0] =	vst v9  }
0x810: {  	p0 =	sne.s32 s30, $0x10;
	[tilespmem:$0x11BF0] =	vst v9  }
.Ltmp23:
0x811: {  	[tilespmem:$0x11F80] =	vst v9;
	(pc) =	sbr.rel @p0 .LBB2_44-.Ltmp23, $4  }
0x812: {  	[tilespmem:$0x11F90] =	vst v9  }
0x813: {  	[tilespmem:$0x11F1C] =	vst v9  }
0x814: {  	[tilespmem:$0x11F9C] =	vst v9  }
0x815: {  	[hbm4b:s31+s3] =	stream.linear.scatter [tilespmem:s19], [sflag:$0x5], $0xB400, $0x38;
	[tilespmem:$0x18C00] =	vst v63  }
0x816: {  	_ =	swait.ge [sflag:s13], $0x7800  }
0x817: {  	[sflag:s13] =	ssyncset.done $0x0  }
0x818: {  	[sflag:s13] =	ssyncadd.s32 $0xFFFF8800  }
0x819: {  	_ =	swait.ge [sflag:s14], $0xB400  }
0x81a: {  	s1 =	rddreg [dreg:$0x15]  }
0x81b: {  	s0 =	rddreg [dreg:$0x14];
	s1 =	sadd.s32 $0x1, s1  }
0x81c: {  	p0 =	sne.s32 s1, s0  }
.Ltmp24:
0x81d: {  	_ = 	snop;
	(pc) =	sbr.rel @p0 .LBB2_1-.Ltmp24, $3  }
0x81e: {  	_ =	sdelay $0x1  }
0x81f: {  	[sflag:s14] =	ssyncset.done $0x0  }
0x820: {  	s31 =	rddreg [dreg:$0x3];
	[sflag:s14] =	ssyncadd.s32 $0xFFFF4C00  }
0x821: {  	_ =	sfence.sel $0x180000  }
0x822: {  	[bflag:$0x0] =	sbarrier.arrive $0xFFFF  }
0x823: {  	_ =	strace $0x90000047  }
0x824: {  	s0 =	stileid.u32;
	[bflag:$0x2] =	sbarrier.arrive $0xFFFF  }
0x825: {  	p0 =	sne.s32 s0, $0x0;
	s0 =	rddreg [dreg:$0x2]  }
0x826: {  	s0 =	sadd.s32 @!p0 $0x100000, s0  }
0x827: {  	[sflag:s0] =	ssyncadd.tile.s32 @!p0 $0x1;
	_ =	shalt  }
.Lfunc_end2:
_tile_overlayer_lowered:
.L_overlay_start_2:
0x828: {  	(tag) =	ssettag $0x2  }
0x829: {  	s0 =	rddreg [dreg:$0x0];
	s2 =	stileid.u32  }
0x82a: {  	s1 =	rddreg [dreg:$0x1];
	p0 =	sne.s32 s2, $0x0  }
0x82b: {  	s3 =	rddreg [dreg:$0x2];
	[bflag:$0x3] =	sbarrier.arrive $0xFFFF;
	s2 =	simm.s32 @!p0 $0x1C06  }
0x82c: {  	[timem:s3], [sflag:s2] =	dma.local @!p0 [hbm:s0], s1  }
0x82d: {  	s0 =	simm.s32 @!p0 $0x6  }
0x82e: {  	_ =	swait.ge @!p0 [sflag:s0], s1  }
0x82f: {  	s1 =	ssub.s32 @!p0 $0x0, s1;
	[sflag:s0] =	ssyncset.done @!p0 $0x0  }
0x830: {  	[sflag:s0] =	ssyncadd.s32 @!p0 s1  }
0x831: {  	[bflag:$0x3] =	sbarrier.arrive $0xFFFF  }
0x832: {  	_ =	shalt  }

</sc_bundles>
